<compile_context>
chip_gen: v7x
topology: tpu7x:2x2x1
jax: 0.10.2.dev20260603
libtpu: 0.0.44.dev20260713+nightly
codegen_flags: <defaults>
</compile_context>

<pallas_src>
import functools

import jax
import jax.numpy as jnp
from jax import lax
from jax.experimental import pallas as pl
from jax.experimental.pallas import tpu as pltpu
from jax.experimental.pallas import tpu_sc as plsc

B = 4096
C = 256
CP = 257
T = 512
DEPTH = 8
N_INT = 2**DEPTH - 1
N_LEAF = 2**DEPTH
NC = 2
NS = 16
NW = NC * NS
BPW = B // NW
LANES = 16
NV = BPW // LANES
TCHUNK = 16
NCHUNK = T // TCHUNK


def _forest_body(x_hbm, th_hbm, or_hbm, w_hbm, out_hbm,
                 x_v, th_a, or_a, w_a, th_b, or_b, w_b, out_v,
                 sem_a, sem_b):
    wid = lax.axis_index("s") * NC + lax.axis_index("c")
    b0 = wid * BPW
    pltpu.sync_copy(x_hbm.at[pl.ds(b0 * CP, BPW * CP)], x_v)

    lane_iota = lax.iota(jnp.int32, LANES)
    zeros = jnp.zeros((LANES,), jnp.int32)
    xbases = [(lane_iota + (i * LANES)) * CP for i in range(NV)]

    def fetch(c, th_v, or_v, w_v, sem):
        off = c * (TCHUNK * N_LEAF)
        pltpu.async_copy(th_hbm.at[pl.ds(off, TCHUNK * N_LEAF)], th_v, sem)
        pltpu.async_copy(or_hbm.at[pl.ds(off, TCHUNK * N_LEAF)], or_v, sem)
        pltpu.async_copy(w_hbm.at[pl.ds(off, TCHUNK * N_LEAF)], w_v, sem)

    def drain(th_v, or_v, w_v, sem):
        pltpu.make_async_copy(
            th_hbm.at[pl.ds(0, TCHUNK * N_LEAF)], th_v, sem).wait()
        pltpu.make_async_copy(
            or_hbm.at[pl.ds(0, TCHUNK * N_LEAF)], or_v, sem).wait()
        pltpu.make_async_copy(
            w_hbm.at[pl.ds(0, TCHUNK * N_LEAF)], w_v, sem).wait()

    def compute_chunk(c, th_v, or_v, w_v):
        t0 = c * TCHUNK

        def one_tree(tc):
            tb = tc * N_LEAF
            obase = lane_iota + (t0 + tc) * BPW
            cv0 = zeros + (1 - tb)
            cv1 = cv0 + 1
            cw0 = cv0 - N_INT
            cw1 = cw0 + 1
            k1 = zeros + (tb + 1)
            k2 = k1 + 1
            th0 = plsc.load_gather(th_v, [zeros + tb])
            od0 = plsc.load_gather(or_v, [zeros + tb])
            fts = [plsc.load_gather(x_v, [xbases[i] + od0])
                   for i in range(NV)]
            ms = [fts[i] - th0 for i in range(NV)]
            mabs = [jnp.abs(ms[i]) for i in range(NV)]
            nas = [jnp.where(ms[i] > 0, k2, k1) for i in range(NV)]
            for _ in range(DEPTH - 2):
                ths = [plsc.load_gather(th_v, [nas[i]]) for i in range(NV)]
                ods = [plsc.load_gather(or_v, [nas[i]]) for i in range(NV)]
                fts = [plsc.load_gather(x_v, [xbases[i] + ods[i]])
                       for i in range(NV)]
                for i in range(NV):
                    m = fts[i] - ths[i]
                    mabs[i] = jnp.minimum(mabs[i], jnp.abs(m))
                    nas[i] = (nas[i] + nas[i]) + jnp.where(m > 0, cv1, cv0)
            ths = [plsc.load_gather(th_v, [nas[i]]) for i in range(NV)]
            ods = [plsc.load_gather(or_v, [nas[i]]) for i in range(NV)]
            fts = [plsc.load_gather(x_v, [xbases[i] + ods[i]])
                   for i in range(NV)]
            for i in range(NV):
                m = fts[i] - ths[i]
                mabs[i] = jnp.minimum(mabs[i], jnp.abs(m))
                nas[i] = (nas[i] + nas[i]) + jnp.where(m > 0, cw1, cw0)
            ws = [plsc.load_gather(w_v, [nas[i]]) for i in range(NV)]
            for i in range(NV):
                plsc.store_scatter(out_v, [obase + (i * LANES)],
                                   ws[i] * mabs[i])

        def tree_body(p, carry2):
            one_tree(2 * p)
            one_tree(2 * p + 1)
            return carry2

        lax.fori_loop(0, TCHUNK // 2, tree_body, 0)

    fetch(0, th_a, or_a, w_a, sem_a)
    fetch(1, th_b, or_b, w_b, sem_b)

    def pair_body(i, carry):
        c = 2 * i
        drain(th_a, or_a, w_a, sem_a)
        compute_chunk(c, th_a, or_a, w_a)
        fetch(jnp.minimum(c + 2, NCHUNK - 1), th_a, or_a, w_a, sem_a)
        drain(th_b, or_b, w_b, sem_b)
        compute_chunk(c + 1, th_b, or_b, w_b)
        fetch(jnp.minimum(c + 3, NCHUNK - 1), th_b, or_b, w_b, sem_b)
        return carry

    lax.fori_loop(0, NCHUNK // 2, pair_body, 0)
    drain(th_a, or_a, w_a, sem_a)
    drain(th_b, or_b, w_b, sem_b)
    pltpu.sync_copy(out_v, out_hbm.at[pl.ds(b0 * T, BPW * T)])


@jax.jit
def _forest(x, th_pad, or_pad, weights):
    mesh = plsc.VectorSubcoreMesh(core_axis_name="c", subcore_axis_name="s")
    fwd = functools.partial(
        pl.kernel,
        mesh=mesh,
        compiler_params=pltpu.CompilerParams(
            use_tc_tiling_on_sc=False, needs_layout_passes=False),
        out_type=jax.ShapeDtypeStruct((B * T,), jnp.float32),
        scratch_types=[
            pltpu.VMEM((BPW * CP,), jnp.float32),
            pltpu.VMEM((TCHUNK * N_LEAF,), jnp.float32),
            pltpu.VMEM((TCHUNK * N_LEAF,), jnp.int32),
            pltpu.VMEM((TCHUNK * N_LEAF,), jnp.float32),
            pltpu.VMEM((TCHUNK * N_LEAF,), jnp.float32),
            pltpu.VMEM((TCHUNK * N_LEAF,), jnp.int32),
            pltpu.VMEM((TCHUNK * N_LEAF,), jnp.float32),
            pltpu.VMEM((BPW * T,), jnp.float32),
            pltpu.SemaphoreType.DMA,
            pltpu.SemaphoreType.DMA,
        ],
    )(_forest_body)
    out = fwd(x.reshape(-1), th_pad.reshape(-1), or_pad.reshape(-1),
              weights.reshape(-1))
    return out.reshape(NW, T, BPW).transpose(0, 2, 1).reshape(B, T)


def kernel(x, thresholds, weights, ordinals):
    th_pad = jnp.pad(thresholds, ((0, 0), (0, 1)))
    or_pad = jnp.pad(ordinals, ((0, 0), (0, 1)))
    x_pad = jnp.pad(x, ((0, 0), (0, CP - C)))
    return _forest(x_pad, th_pad, or_pad, weights)

# --- scband reference (transcript-rebuilt; emitter-appended) ---
"""Pipeline reference for scband-random-hinge-forest-20057497272597 (READ-ONLY COPY).

The authoritative reference and input builder live on the scoring server;
editing this copy changes nothing except your own understanding.
"""

import jax, jax.numpy as jnp
import numpy as np

B = 4096
IN_CHANNELS = 256
OUT_CHANNELS = 512
DEPTH = 8


def setup_inputs(seed: int = 0) -> dict:
    key = jax.random.key(seed)
    k1, k2, k3, k4 = jax.random.split(key, 4)
    n_int = 2 ** DEPTH - 1
    x = jax.random.normal(k1, (B, IN_CHANNELS), dtype=jnp.float32)
    # thresholds ~ U(-3, 3), matching 6.0*rand - 3.0 in the torch module
    thresholds = 6.0 * jax.random.uniform(k2, (OUT_CHANNELS, n_int), dtype=jnp.float32) - 3.0
    # ordinals: random feature indices per decision node (init_type='random')
    ordinals = jax.random.randint(k3, (OUT_CHANNELS, n_int), 0, IN_CHANNELS, dtype=jnp.int32)
    # leaf weights: [out_channels, 2**depth] (extra_outputs == 1)
    weights = jax.random.normal(k4, (OUT_CHANNELS, 2 ** DEPTH), dtype=jnp.float32)
    return {"x": x, "thresholds": thresholds, "weights": weights, "ordinals": ordinals}


def reference(x, thresholds, weights, ordinals):
    """Deterministic hinge tree forest forward.

    For each sample b and tree t, traverse from the root: at internal node v
    compute margin = x[b, ordinal[t, v]] - threshold[t, v]; go right if
    margin > 0 else left. The tree output is
        weights[t, leaf] * min_{v on path} |margin_v|
    which is the DeterministicHingeTree forward of RandomHingeForest.
    Output shape: [B, out_channels].
    """
    Bn, C = x.shape
    T, n_int = thresholds.shape
    depth = int(np.log2(n_int + 1))
    b_idx = jnp.arange(Bn)[:, None]   # [B, 1]
    t_idx = jnp.arange(T)[None, :]    # [1, T]
    node = jnp.zeros((Bn, T), dtype=jnp.int32)
    min_abs = jnp.full((Bn, T), jnp.inf, dtype=x.dtype)
    for _ in range(depth):
        th = thresholds[t_idx, node]          # gather [B, T]
        feat_ord = ordinals[t_idx, node]      # gather [B, T] (int)
        feat = x[b_idx, feat_ord]             # gather [B, T]
        margin = feat - th
        min_abs = jnp.minimum(min_abs, jnp.abs(margin))
        node = 2 * node + 1 + (margin > 0).astype(jnp.int32)
    leaf = node - n_int                        # [B, T] in [0, 2**depth)
    out = weights[t_idx, leaf] * min_abs       # [B, T]
    return out

if __name__ == "__main__":
    import jax
    _d = setup_inputs()
    print(jax.jit(kernel)(*tuple(_d.values())))

</pallas_src>

<mosaic_0001>
#map = affine_map<(d0, d1) -> (0)>
module attributes {stable_mosaic.version = 14 : i64} {
  func.func @_forest_body(%arg0: i32, %arg1: i32, %arg2: memref<1052672xf32, #tpu.memory_space<hbm>>, %arg3: memref<131072xf32, #tpu.memory_space<hbm>>, %arg4: memref<131072xi32, #tpu.memory_space<hbm>>, %arg5: memref<131072xf32, #tpu.memory_space<hbm>>, %arg6: memref<2097152xf32, #tpu.memory_space<hbm>>, %arg7: memref<32896xf32, #tpu.memory_space<vmem>>, %arg8: memref<4096xf32, #tpu.memory_space<vmem>>, %arg9: memref<4096xi32, #tpu.memory_space<vmem>>, %arg10: memref<4096xf32, #tpu.memory_space<vmem>>, %arg11: memref<4096xf32, #tpu.memory_space<vmem>>, %arg12: memref<4096xi32, #tpu.memory_space<vmem>>, %arg13: memref<4096xf32, #tpu.memory_space<vmem>>, %arg14: memref<65536xf32, #tpu.memory_space<vmem>>, %arg15: memref<!tpu.dma_semaphore, #tpu.memory_space<semaphore_mem>>, %arg16: memref<!tpu.dma_semaphore, #tpu.memory_space<semaphore_mem>>) attributes {dimension_semantics = [#tpu.dimension_semantics<core_parallel>, #tpu.dimension_semantics<subcore_parallel>], iteration_bounds = array<i64: 2, 16>, scalar_prefetch = 0 : i64, scratch_operands = 10 : i64, tpu.core_type = #tpu.core_type<sc_vector_subcore>, window_params = [{transform_indices = #map}, {transform_indices = #map}, {transform_indices = #map}, {transform_indices = #map}, {transform_indices = #map}]} {
    %mul3A = arith.constant 2 : i32
    %mul3A_0 = arith.muli %arg1, %mul3A : i32
    %add3A = arith.addi %mul3A_0, %arg0 : i32
    %mul3A_1 = arith.constant 128 : i32
    %mul3A_2 = arith.muli %add3A, %mul3A_1 : i32
    %mul3A_3 = arith.constant 257 : i32
    %mul3A_4 = arith.muli %mul3A_2, %mul3A_3 : i32
    "tpu.region"() ({
      %run_scoped3A = tpu.sem_alloc : memref<!tpu.dma_semaphore, #tpu.memory_space<semaphore_mem>>
      %dma_start3A_107 = tpu.memref_slice %arg2[%mul3A_4] : memref<1052672xf32, #tpu.memory_space<hbm>> -> memref<32896xf32, #tpu.memory_space<hbm>>
      %dma_start3A_108 = tpu.memref_slice %arg2[%mul3A_4] : memref<1052672xf32, #tpu.memory_space<hbm>> -> memref<32896xf32, #tpu.memory_space<hbm>>
      tpu.enqueue_dma source(%dma_start3A_108 : memref<32896xf32, #tpu.memory_space<hbm>>) target(%arg7 : memref<32896xf32, #tpu.memory_space<vmem>>) target_semaphore(%run_scoped3A : memref<!tpu.dma_semaphore, #tpu.memory_space<semaphore_mem>>)
      %dma_wait3A_109 = tpu.memref_slice %arg2[%mul3A_4] : memref<1052672xf32, #tpu.memory_space<hbm>> -> memref<32896xf32, #tpu.memory_space<hbm>>
      %dma_wait3A_110 = tpu.memref_slice %arg2[%mul3A_4] : memref<1052672xf32, #tpu.memory_space<hbm>> -> memref<32896xf32, #tpu.memory_space<hbm>>
      tpu.wait_dma2 semaphore(%run_scoped3A : memref<!tpu.dma_semaphore, #tpu.memory_space<semaphore_mem>>) src(%dma_wait3A_110 : memref<32896xf32, #tpu.memory_space<hbm>>) dst(%arg7 : memref<32896xf32, #tpu.memory_space<vmem>>)
      tpu.yield
    }) : () -> ()
    %iota3A = tpu.iota {dimensions = array<i32: 0>} : vector<16xi32>
    %broadcast_in_dim3A = arith.constant 0 : i32
    %broadcast_in_dim3A_5 = vector.broadcast %broadcast_in_dim3A : i32 to vector<16xi32>
    %add3A_6 = arith.constant 0 : i32
    %add3A_7 = vector.broadcast %add3A_6 : i32 to vector<16xi32>
    %add3A_8 = arith.addi %iota3A, %add3A_7 : vector<16xi32>
    %mul3A_9 = arith.constant 257 : i32
    %mul3A_10 = vector.broadcast %mul3A_9 : i32 to vector<16xi32>
    %mul3A_11 = arith.muli %add3A_8, %mul3A_10 : vector<16xi32>
    %add3A_12 = arith.constant 16 : i32
    %add3A_13 = vector.broadcast %add3A_12 : i32 to vector<16xi32>
    %add3A_14 = arith.addi %iota3A, %add3A_13 : vector<16xi32>
    %mul3A_15 = arith.constant 257 : i32
    %mul3A_16 = vector.broadcast %mul3A_15 : i32 to vector<16xi32>
    %mul3A_17 = arith.muli %add3A_14, %mul3A_16 : vector<16xi32>
    %add3A_18 = arith.constant 32 : i32
    %add3A_19 = vector.broadcast %add3A_18 : i32 to vector<16xi32>
    %add3A_20 = arith.addi %iota3A, %add3A_19 : vector<16xi32>
    %mul3A_21 = arith.constant 257 : i32
    %mul3A_22 = vector.broadcast %mul3A_21 : i32 to vector<16xi32>
    %mul3A_23 = arith.muli %add3A_20, %mul3A_22 : vector<16xi32>
    %add3A_24 = arith.constant 48 : i32
    %add3A_25 = vector.broadcast %add3A_24 : i32 to vector<16xi32>
    %add3A_26 = arith.addi %iota3A, %add3A_25 : vector<16xi32>
    %mul3A_27 = arith.constant 257 : i32
    %mul3A_28 = vector.broadcast %mul3A_27 : i32 to vector<16xi32>
    %mul3A_29 = arith.muli %add3A_26, %mul3A_28 : vector<16xi32>
    %add3A_30 = arith.constant 64 : i32
    %add3A_31 = vector.broadcast %add3A_30 : i32 to vector<16xi32>
    %add3A_32 = arith.addi %iota3A, %add3A_31 : vector<16xi32>
    %mul3A_33 = arith.constant 257 : i32
    %mul3A_34 = vector.broadcast %mul3A_33 : i32 to vector<16xi32>
    %mul3A_35 = arith.muli %add3A_32, %mul3A_34 : vector<16xi32>
    %add3A_36 = arith.constant 80 : i32
    %add3A_37 = vector.broadcast %add3A_36 : i32 to vector<16xi32>
    %add3A_38 = arith.addi %iota3A, %add3A_37 : vector<16xi32>
    %mul3A_39 = arith.constant 257 : i32
    %mul3A_40 = vector.broadcast %mul3A_39 : i32 to vector<16xi32>
    %mul3A_41 = arith.muli %add3A_38, %mul3A_40 : vector<16xi32>
    %add3A_42 = arith.constant 96 : i32
    %add3A_43 = vector.broadcast %add3A_42 : i32 to vector<16xi32>
    %add3A_44 = arith.addi %iota3A, %add3A_43 : vector<16xi32>
    %mul3A_45 = arith.constant 257 : i32
    %mul3A_46 = vector.broadcast %mul3A_45 : i32 to vector<16xi32>
    %mul3A_47 = arith.muli %add3A_44, %mul3A_46 : vector<16xi32>
    %add3A_48 = arith.constant 112 : i32
    %add3A_49 = vector.broadcast %add3A_48 : i32 to vector<16xi32>
    %add3A_50 = arith.addi %iota3A, %add3A_49 : vector<16xi32>
    %mul3A_51 = arith.constant 257 : i32
    %mul3A_52 = vector.broadcast %mul3A_51 : i32 to vector<16xi32>
    %mul3A_53 = arith.muli %add3A_50, %mul3A_52 : vector<16xi32>
    %dma_start3A = arith.constant 0 : i32
    %dma_start3A_54 = tpu.memref_slice %arg3[%dma_start3A] : memref<131072xf32, #tpu.memory_space<hbm>> -> memref<4096xf32, #tpu.memory_space<hbm>>
    %dma_start3A_55 = arith.constant 0 : i32
    %dma_start3A_56 = tpu.memref_slice %arg3[%dma_start3A_55] : memref<131072xf32, #tpu.memory_space<hbm>> -> memref<4096xf32, #tpu.memory_space<hbm>>
    tpu.enqueue_dma source(%dma_start3A_56 : memref<4096xf32, #tpu.memory_space<hbm>>) target(%arg8 : memref<4096xf32, #tpu.memory_space<vmem>>) target_semaphore(%arg15 : memref<!tpu.dma_semaphore, #tpu.memory_space<semaphore_mem>>)
    %dma_start3A_57 = arith.constant 0 : i32
    %dma_start3A_58 = tpu.memref_slice %arg4[%dma_start3A_57] : memref<131072xi32, #tpu.memory_space<hbm>> -> memref<4096xi32, #tpu.memory_space<hbm>>
    %dma_start3A_59 = arith.constant 0 : i32
    %dma_start3A_60 = tpu.memref_slice %arg4[%dma_start3A_59] : memref<131072xi32, #tpu.memory_space<hbm>> -> memref<4096xi32, #tpu.memory_space<hbm>>
    tpu.enqueue_dma source(%dma_start3A_60 : memref<4096xi32, #tpu.memory_space<hbm>>) target(%arg9 : memref<4096xi32, #tpu.memory_space<vmem>>) target_semaphore(%arg15 : memref<!tpu.dma_semaphore, #tpu.memory_space<semaphore_mem>>)
    %dma_start3A_61 = arith.constant 0 : i32
    %dma_start3A_62 = tpu.memref_slice %arg5[%dma_start3A_61] : memref<131072xf32, #tpu.memory_space<hbm>> -> memref<4096xf32, #tpu.memory_space<hbm>>
    %dma_start3A_63 = arith.constant 0 : i32
    %dma_start3A_64 = tpu.memref_slice %arg5[%dma_start3A_63] : memref<131072xf32, #tpu.memory_space<hbm>> -> memref<4096xf32, #tpu.memory_space<hbm>>
    tpu.enqueue_dma source(%dma_start3A_64 : memref<4096xf32, #tpu.memory_space<hbm>>) target(%arg10 : memref<4096xf32, #tpu.memory_space<vmem>>) target_semaphore(%arg15 : memref<!tpu.dma_semaphore, #tpu.memory_space<semaphore_mem>>)
    %dma_start3A_65 = arith.constant 4096 : i32
    %dma_start3A_66 = tpu.memref_slice %arg3[%dma_start3A_65] : memref<131072xf32, #tpu.memory_space<hbm>> -> memref<4096xf32, #tpu.memory_space<hbm>>
    %dma_start3A_67 = arith.constant 4096 : i32
    %dma_start3A_68 = tpu.memref_slice %arg3[%dma_start3A_67] : memref<131072xf32, #tpu.memory_space<hbm>> -> memref<4096xf32, #tpu.memory_space<hbm>>
    tpu.enqueue_dma source(%dma_start3A_68 : memref<4096xf32, #tpu.memory_space<hbm>>) target(%arg11 : memref<4096xf32, #tpu.memory_space<vmem>>) target_semaphore(%arg16 : memref<!tpu.dma_semaphore, #tpu.memory_space<semaphore_mem>>)
    %dma_start3A_69 = arith.constant 4096 : i32
    %dma_start3A_70 = tpu.memref_slice %arg4[%dma_start3A_69] : memref<131072xi32, #tpu.memory_space<hbm>> -> memref<4096xi32, #tpu.memory_space<hbm>>
    %dma_start3A_71 = arith.constant 4096 : i32
    %dma_start3A_72 = tpu.memref_slice %arg4[%dma_start3A_71] : memref<131072xi32, #tpu.memory_space<hbm>> -> memref<4096xi32, #tpu.memory_space<hbm>>
    tpu.enqueue_dma source(%dma_start3A_72 : memref<4096xi32, #tpu.memory_space<hbm>>) target(%arg12 : memref<4096xi32, #tpu.memory_space<vmem>>) target_semaphore(%arg16 : memref<!tpu.dma_semaphore, #tpu.memory_space<semaphore_mem>>)
    %dma_start3A_73 = arith.constant 4096 : i32
    %dma_start3A_74 = tpu.memref_slice %arg5[%dma_start3A_73] : memref<131072xf32, #tpu.memory_space<hbm>> -> memref<4096xf32, #tpu.memory_space<hbm>>
    %dma_start3A_75 = arith.constant 4096 : i32
    %dma_start3A_76 = tpu.memref_slice %arg5[%dma_start3A_75] : memref<131072xf32, #tpu.memory_space<hbm>> -> memref<4096xf32, #tpu.memory_space<hbm>>
    tpu.enqueue_dma source(%dma_start3A_76 : memref<4096xf32, #tpu.memory_space<hbm>>) target(%arg13 : memref<4096xf32, #tpu.memory_space<vmem>>) target_semaphore(%arg16 : memref<!tpu.dma_semaphore, #tpu.memory_space<semaphore_mem>>)
    %scan3A = arith.constant 0 : i32
    %scan3A_77 = arith.constant 0 : i32
    %scan3A_78 = arith.constant 16 : i32
    %scan3A_79 = arith.addi %scan3A_77, %scan3A_78 : i32
    %scan3A_80 = arith.constant 1 : i32
    scf.for %scan3A_107 = %scan3A_77 to %scan3A_79 step %scan3A_80  : i32 {
      %mul3A_108 = arith.constant 2 : i32
      %mul3A_109 = arith.muli %mul3A_108, %scan3A_107 : i32
      %dma_wait3A_110 = arith.constant 0 : i32
      %dma_wait3A_111 = tpu.memref_slice %arg3[%dma_wait3A_110] : memref<131072xf32, #tpu.memory_space<hbm>> -> memref<4096xf32, #tpu.memory_space<hbm>>
      %dma_wait3A_112 = arith.constant 0 : i32
      %dma_wait3A_113 = tpu.memref_slice %arg3[%dma_wait3A_112] : memref<131072xf32, #tpu.memory_space<hbm>> -> memref<4096xf32, #tpu.memory_space<hbm>>
      tpu.wait_dma2 semaphore(%arg15 : memref<!tpu.dma_semaphore, #tpu.memory_space<semaphore_mem>>) src(%dma_wait3A_113 : memref<4096xf32, #tpu.memory_space<hbm>>) dst(%arg8 : memref<4096xf32, #tpu.memory_space<vmem>>)
      %dma_wait3A_114 = arith.constant 0 : i32
      %dma_wait3A_115 = tpu.memref_slice %arg4[%dma_wait3A_114] : memref<131072xi32, #tpu.memory_space<hbm>> -> memref<4096xi32, #tpu.memory_space<hbm>>
      %dma_wait3A_116 = arith.constant 0 : i32
      %dma_wait3A_117 = tpu.memref_slice %arg4[%dma_wait3A_116] : memref<131072xi32, #tpu.memory_space<hbm>> -> memref<4096xi32, #tpu.memory_space<hbm>>
      tpu.wait_dma2 semaphore(%arg15 : memref<!tpu.dma_semaphore, #tpu.memory_space<semaphore_mem>>) src(%dma_wait3A_117 : memref<4096xi32, #tpu.memory_space<hbm>>) dst(%arg9 : memref<4096xi32, #tpu.memory_space<vmem>>)
      %dma_wait3A_118 = arith.constant 0 : i32
      %dma_wait3A_119 = tpu.memref_slice %arg5[%dma_wait3A_118] : memref<131072xf32, #tpu.memory_space<hbm>> -> memref<4096xf32, #tpu.memory_space<hbm>>
      %dma_wait3A_120 = arith.constant 0 : i32
      %dma_wait3A_121 = tpu.memref_slice %arg5[%dma_wait3A_120] : memref<131072xf32, #tpu.memory_space<hbm>> -> memref<4096xf32, #tpu.memory_space<hbm>>
      tpu.wait_dma2 semaphore(%arg15 : memref<!tpu.dma_semaphore, #tpu.memory_space<semaphore_mem>>) src(%dma_wait3A_121 : memref<4096xf32, #tpu.memory_space<hbm>>) dst(%arg10 : memref<4096xf32, #tpu.memory_space<vmem>>)
      %mul3A_122 = arith.constant 16 : i32
      %mul3A_123 = arith.muli %mul3A_109, %mul3A_122 : i32
      %scan3A_124 = arith.constant 0 : i32
      %scan3A_125 = arith.constant 0 : i32
      %scan3A_126 = arith.constant 8 : i32
      %scan3A_127 = arith.addi %scan3A_125, %scan3A_126 : i32
      %scan3A_128 = arith.constant 1 : i32
      scf.for %scan3A_175 = %scan3A_125 to %scan3A_127 step %scan3A_128  : i32 {
        %mul3A_176 = arith.constant 2 : i32
        %mul3A_177 = arith.muli %mul3A_176, %scan3A_175 : i32
        %mul3A_178 = arith.constant 256 : i32
        %mul3A_179 = arith.muli %mul3A_177, %mul3A_178 : i32
        %add3A_180 = arith.addi %mul3A_123, %mul3A_177 : i32
        %mul3A_181 = arith.constant 128 : i32
        %mul3A_182 = arith.muli %add3A_180, %mul3A_181 : i32
        %add3A_183 = vector.broadcast %mul3A_182 : i32 to vector<16xi32>
        %add3A_184 = arith.addi %iota3A, %add3A_183 : vector<16xi32>
        %sub3A = arith.constant 1 : i32
        %sub3A_185 = arith.subi %sub3A, %mul3A_179 : i32
        %add3A_186 = vector.broadcast %sub3A_185 : i32 to vector<16xi32>
        %add3A_187 = arith.addi %broadcast_in_dim3A_5, %add3A_186 : vector<16xi32>
        %add3A_188 = arith.constant 1 : i32
        %add3A_189 = vector.broadcast %add3A_188 : i32 to vector<16xi32>
        %add3A_190 = arith.addi %add3A_187, %add3A_189 : vector<16xi32>
        %sub3A_191 = arith.constant 255 : i32
        %sub3A_192 = vector.broadcast %sub3A_191 : i32 to vector<16xi32>
        %sub3A_193 = arith.subi %add3A_187, %sub3A_192 : vector<16xi32>
        %add3A_194 = arith.constant 1 : i32
        %add3A_195 = vector.broadcast %add3A_194 : i32 to vector<16xi32>
        %add3A_196 = arith.addi %sub3A_193, %add3A_195 : vector<16xi32>
        %add3A_197 = arith.constant 1 : i32
        %add3A_198 = arith.addi %mul3A_179, %add3A_197 : i32
        %add3A_199 = vector.broadcast %add3A_198 : i32 to vector<16xi32>
        %add3A_200 = arith.addi %broadcast_in_dim3A_5, %add3A_199 : vector<16xi32>
        %add3A_201 = arith.constant 1 : i32
        %add3A_202 = vector.broadcast %add3A_201 : i32 to vector<16xi32>
        %add3A_203 = arith.addi %add3A_200, %add3A_202 : vector<16xi32>
        %add3A_204 = vector.broadcast %mul3A_179 : i32 to vector<16xi32>
        %add3A_205 = arith.addi %broadcast_in_dim3A_5, %add3A_204 : vector<16xi32>
        %gather3A = tpu.vector_load_idx %arg8[%add3A_205] : memref<4096xf32, #tpu.memory_space<vmem>>[vector<16xi32>], vector<16xf32>,
        %add3A_206 = vector.broadcast %mul3A_179 : i32 to vector<16xi32>
        %add3A_207 = arith.addi %broadcast_in_dim3A_5, %add3A_206 : vector<16xi32>
        %gather3A_208 = tpu.vector_load_idx %arg9[%add3A_207] : memref<4096xi32, #tpu.memory_space<vmem>>[vector<16xi32>], vector<16xi32>,
        %add3A_209 = arith.addi %mul3A_11, %gather3A_208 : vector<16xi32>
        %gather3A_210 = tpu.vector_load_idx %arg7[%add3A_209] : memref<32896xf32, #tpu.memory_space<vmem>>[vector<16xi32>], vector<16xf32>,
        %add3A_211 = arith.addi %mul3A_17, %gather3A_208 : vector<16xi32>
        %gather3A_212 = tpu.vector_load_idx %arg7[%add3A_211] : memref<32896xf32, #tpu.memory_space<vmem>>[vector<16xi32>], vector<16xf32>,
        %add3A_213 = arith.addi %mul3A_23, %gather3A_208 : vector<16xi32>
        %gather3A_214 = tpu.vector_load_idx %arg7[%add3A_213] : memref<32896xf32, #tpu.memory_space<vmem>>[vector<16xi32>], vector<16xf32>,
        %add3A_215 = arith.addi %mul3A_29, %gather3A_208 : vector<16xi32>
        %gather3A_216 = tpu.vector_load_idx %arg7[%add3A_215] : memref<32896xf32, #tpu.memory_space<vmem>>[vector<16xi32>], vector<16xf32>,
        %add3A_217 = arith.addi %mul3A_35, %gather3A_208 : vector<16xi32>
        %gather3A_218 = tpu.vector_load_idx %arg7[%add3A_217] : memref<32896xf32, #tpu.memory_space<vmem>>[vector<16xi32>], vector<16xf32>,
        %add3A_219 = arith.addi %mul3A_41, %gather3A_208 : vector<16xi32>
        %gather3A_220 = tpu.vector_load_idx %arg7[%add3A_219] : memref<32896xf32, #tpu.memory_space<vmem>>[vector<16xi32>], vector<16xf32>,
        %add3A_221 = arith.addi %mul3A_47, %gather3A_208 : vector<16xi32>
        %gather3A_222 = tpu.vector_load_idx %arg7[%add3A_221] : memref<32896xf32, #tpu.memory_space<vmem>>[vector<16xi32>], vector<16xf32>,
        %add3A_223 = arith.addi %mul3A_53, %gather3A_208 : vector<16xi32>
        %gather3A_224 = tpu.vector_load_idx %arg7[%add3A_223] : memref<32896xf32, #tpu.memory_space<vmem>>[vector<16xi32>], vector<16xf32>,
        %sub3A_225 = arith.subf %gather3A_210, %gather3A : vector<16xf32>
        %sub3A_226 = arith.subf %gather3A_212, %gather3A : vector<16xf32>
        %sub3A_227 = arith.subf %gather3A_214, %gather3A : vector<16xf32>
        %sub3A_228 = arith.subf %gather3A_216, %gather3A : vector<16xf32>
        %sub3A_229 = arith.subf %gather3A_218, %gather3A : vector<16xf32>
        %sub3A_230 = arith.subf %gather3A_220, %gather3A : vector<16xf32>
        %sub3A_231 = arith.subf %gather3A_222, %gather3A : vector<16xf32>
        %sub3A_232 = arith.subf %gather3A_224, %gather3A : vector<16xf32>
        %abs3A = math.absf %sub3A_225 : vector<16xf32>
        %abs3A_233 = math.absf %sub3A_226 : vector<16xf32>
        %abs3A_234 = math.absf %sub3A_227 : vector<16xf32>
        %abs3A_235 = math.absf %sub3A_228 : vector<16xf32>
        %abs3A_236 = math.absf %sub3A_229 : vector<16xf32>
        %abs3A_237 = math.absf %sub3A_230 : vector<16xf32>
        %abs3A_238 = math.absf %sub3A_231 : vector<16xf32>
        %abs3A_239 = math.absf %sub3A_232 : vector<16xf32>
        %gt3A = arith.constant 0.000000e+00 : f32
        %gt3A_240 = vector.broadcast %gt3A : f32 to vector<16xf32>
        %gt3A_241 = arith.cmpf ogt, %sub3A_225, %gt3A_240 : vector<16xf32>
        %select_n3A = arith.select %gt3A_241, %add3A_203, %add3A_200 : vector<16xi1>, vector<16xi32>
        %gt3A_242 = arith.constant 0.000000e+00 : f32
        %gt3A_243 = vector.broadcast %gt3A_242 : f32 to vector<16xf32>
        %gt3A_244 = arith.cmpf ogt, %sub3A_226, %gt3A_243 : vector<16xf32>
        %select_n3A_245 = arith.select %gt3A_244, %add3A_203, %add3A_200 : vector<16xi1>, vector<16xi32>
        %gt3A_246 = arith.constant 0.000000e+00 : f32
        %gt3A_247 = vector.broadcast %gt3A_246 : f32 to vector<16xf32>
        %gt3A_248 = arith.cmpf ogt, %sub3A_227, %gt3A_247 : vector<16xf32>
        %select_n3A_249 = arith.select %gt3A_248, %add3A_203, %add3A_200 : vector<16xi1>, vector<16xi32>
        %gt3A_250 = arith.constant 0.000000e+00 : f32
        %gt3A_251 = vector.broadcast %gt3A_250 : f32 to vector<16xf32>
        %gt3A_252 = arith.cmpf ogt, %sub3A_228, %gt3A_251 : vector<16xf32>
        %select_n3A_253 = arith.select %gt3A_252, %add3A_203, %add3A_200 : vector<16xi1>, vector<16xi32>
        %gt3A_254 = arith.constant 0.000000e+00 : f32
        %gt3A_255 = vector.broadcast %gt3A_254 : f32 to vector<16xf32>
        %gt3A_256 = arith.cmpf ogt, %sub3A_229, %gt3A_255 : vector<16xf32>
        %select_n3A_257 = arith.select %gt3A_256, %add3A_203, %add3A_200 : vector<16xi1>, vector<16xi32>
        %gt3A_258 = arith.constant 0.000000e+00 : f32
        %gt3A_259 = vector.broadcast %gt3A_258 : f32 to vector<16xf32>
        %gt3A_260 = arith.cmpf ogt, %sub3A_230, %gt3A_259 : vector<16xf32>
        %select_n3A_261 = arith.select %gt3A_260, %add3A_203, %add3A_200 : vector<16xi1>, vector<16xi32>
        %gt3A_262 = arith.constant 0.000000e+00 : f32
        %gt3A_263 = vector.broadcast %gt3A_262 : f32 to vector<16xf32>
        %gt3A_264 = arith.cmpf ogt, %sub3A_231, %gt3A_263 : vector<16xf32>
        %select_n3A_265 = arith.select %gt3A_264, %add3A_203, %add3A_200 : vector<16xi1>, vector<16xi32>
        %gt3A_266 = arith.constant 0.000000e+00 : f32
        %gt3A_267 = vector.broadcast %gt3A_266 : f32 to vector<16xf32>
        %gt3A_268 = arith.cmpf ogt, %sub3A_232, %gt3A_267 : vector<16xf32>
        %select_n3A_269 = arith.select %gt3A_268, %add3A_203, %add3A_200 : vector<16xi1>, vector<16xi32>
        %gather3A_270 = tpu.vector_load_idx %arg8[%select_n3A] : memref<4096xf32, #tpu.memory_space<vmem>>[vector<16xi32>], vector<16xf32>,
        %gather3A_271 = tpu.vector_load_idx %arg8[%select_n3A_245] : memref<4096xf32, #tpu.memory_space<vmem>>[vector<16xi32>], vector<16xf32>,
        %gather3A_272 = tpu.vector_load_idx %arg8[%select_n3A_249] : memref<4096xf32, #tpu.memory_space<vmem>>[vector<16xi32>], vector<16xf32>,
        %gather3A_273 = tpu.vector_load_idx %arg8[%select_n3A_253] : memref<4096xf32, #tpu.memory_space<vmem>>[vector<16xi32>], vector<16xf32>,
        %gather3A_274 = tpu.vector_load_idx %arg8[%select_n3A_257] : memref<4096xf32, #tpu.memory_space<vmem>>[vector<16xi32>], vector<16xf32>,
        %gather3A_275 = tpu.vector_load_idx %arg8[%select_n3A_261] : memref<4096xf32, #tpu.memory_space<vmem>>[vector<16xi32>], vector<16xf32>,
        %gather3A_276 = tpu.vector_load_idx %arg8[%select_n3A_265] : memref<4096xf32, #tpu.memory_space<vmem>>[vector<16xi32>], vector<16xf32>,
        %gather3A_277 = tpu.vector_load_idx %arg8[%select_n3A_269] : memref<4096xf32, #tpu.memory_space<vmem>>[vector<16xi32>], vector<16xf32>,
        %gather3A_278 = tpu.vector_load_idx %arg9[%select_n3A] : memref<4096xi32, #tpu.memory_space<vmem>>[vector<16xi32>], vector<16xi32>,
        %gather3A_279 = tpu.vector_load_idx %arg9[%select_n3A_245] : memref<4096xi32, #tpu.memory_space<vmem>>[vector<16xi32>], vector<16xi32>,
        %gather3A_280 = tpu.vector_load_idx %arg9[%select_n3A_249] : memref<4096xi32, #tpu.memory_space<vmem>>[vector<16xi32>], vector<16xi32>,
        %gather3A_281 = tpu.vector_load_idx %arg9[%select_n3A_253] : memref<4096xi32, #tpu.memory_space<vmem>>[vector<16xi32>], vector<16xi32>,
        %gather3A_282 = tpu.vector_load_idx %arg9[%select_n3A_257] : memref<4096xi32, #tpu.memory_space<vmem>>[vector<16xi32>], vector<16xi32>,
        %gather3A_283 = tpu.vector_load_idx %arg9[%select_n3A_261] : memref<4096xi32, #tpu.memory_space<vmem>>[vector<16xi32>], vector<16xi32>,
        %gather3A_284 = tpu.vector_load_idx %arg9[%select_n3A_265] : memref<4096xi32, #tpu.memory_space<vmem>>[vector<16xi32>], vector<16xi32>,
        %gather3A_285 = tpu.vector_load_idx %arg9[%select_n3A_269] : memref<4096xi32, #tpu.memory_space<vmem>>[vector<16xi32>], vector<16xi32>,
        %add3A_286 = arith.addi %mul3A_11, %gather3A_278 : vector<16xi32>
        %gather3A_287 = tpu.vector_load_idx %arg7[%add3A_286] : memref<32896xf32, #tpu.memory_space<vmem>>[vector<16xi32>], vector<16xf32>,
        %add3A_288 = arith.addi %mul3A_17, %gather3A_279 : vector<16xi32>
        %gather3A_289 = tpu.vector_load_idx %arg7[%add3A_288] : memref<32896xf32, #tpu.memory_space<vmem>>[vector<16xi32>], vector<16xf32>,
        %add3A_290 = arith.addi %mul3A_23, %gather3A_280 : vector<16xi32>
        %gather3A_291 = tpu.vector_load_idx %arg7[%add3A_290] : memref<32896xf32, #tpu.memory_space<vmem>>[vector<16xi32>], vector<16xf32>,
        %add3A_292 = arith.addi %mul3A_29, %gather3A_281 : vector<16xi32>
        %gather3A_293 = tpu.vector_load_idx %arg7[%add3A_292] : memref<32896xf32, #tpu.memory_space<vmem>>[vector<16xi32>], vector<16xf32>,
        %add3A_294 = arith.addi %mul3A_35, %gather3A_282 : vector<16xi32>
        %gather3A_295 = tpu.vector_load_idx %arg7[%add3A_294] : memref<32896xf32, #tpu.memory_space<vmem>>[vector<16xi32>], vector<16xf32>,
        %add3A_296 = arith.addi %mul3A_41, %gather3A_283 : vector<16xi32>
        %gather3A_297 = tpu.vector_load_idx %arg7[%add3A_296] : memref<32896xf32, #tpu.memory_space<vmem>>[vector<16xi32>], vector<16xf32>,
        %add3A_298 = arith.addi %mul3A_47, %gather3A_284 : vector<16xi32>
        %gather3A_299 = tpu.vector_load_idx %arg7[%add3A_298] : memref<32896xf32, #tpu.memory_space<vmem>>[vector<16xi32>], vector<16xf32>,
        %add3A_300 = arith.addi %mul3A_53, %gather3A_285 : vector<16xi32>
        %gather3A_301 = tpu.vector_load_idx %arg7[%add3A_300] : memref<32896xf32, #tpu.memory_space<vmem>>[vector<16xi32>], vector<16xf32>,
        %sub3A_302 = arith.subf %gather3A_287, %gather3A_270 : vector<16xf32>
        %abs3A_303 = math.absf %sub3A_302 : vector<16xf32>
        %min3A_304 = arith.minimumf %abs3A, %abs3A_303 : vector<16xf32>
        %add3A_305 = arith.addi %select_n3A, %select_n3A : vector<16xi32>
        %gt3A_306 = arith.constant 0.000000e+00 : f32
        %gt3A_307 = vector.broadcast %gt3A_306 : f32 to vector<16xf32>
        %gt3A_308 = arith.cmpf ogt, %sub3A_302, %gt3A_307 : vector<16xf32>
        %select_n3A_309 = arith.select %gt3A_308, %add3A_190, %add3A_187 : vector<16xi1>, vector<16xi32>
        %add3A_310 = arith.addi %add3A_305, %select_n3A_309 : vector<16xi32>
        %sub3A_311 = arith.subf %gather3A_289, %gather3A_271 : vector<16xf32>
        %abs3A_312 = math.absf %sub3A_311 : vector<16xf32>
        %min3A_313 = arith.minimumf %abs3A_233, %abs3A_312 : vector<16xf32>
        %add3A_314 = arith.addi %select_n3A_245, %select_n3A_245 : vector<16xi32>
        %gt3A_315 = arith.constant 0.000000e+00 : f32
        %gt3A_316 = vector.broadcast %gt3A_315 : f32 to vector<16xf32>
        %gt3A_317 = arith.cmpf ogt, %sub3A_311, %gt3A_316 : vector<16xf32>
        %select_n3A_318 = arith.select %gt3A_317, %add3A_190, %add3A_187 : vector<16xi1>, vector<16xi32>
        %add3A_319 = arith.addi %add3A_314, %select_n3A_318 : vector<16xi32>
        %sub3A_320 = arith.subf %gather3A_291, %gather3A_272 : vector<16xf32>
        %abs3A_321 = math.absf %sub3A_320 : vector<16xf32>
        %min3A_322 = arith.minimumf %abs3A_234, %abs3A_321 : vector<16xf32>
        %add3A_323 = arith.addi %select_n3A_249, %select_n3A_249 : vector<16xi32>
        %gt3A_324 = arith.constant 0.000000e+00 : f32
        %gt3A_325 = vector.broadcast %gt3A_324 : f32 to vector<16xf32>
        %gt3A_326 = arith.cmpf ogt, %sub3A_320, %gt3A_325 : vector<16xf32>
        %select_n3A_327 = arith.select %gt3A_326, %add3A_190, %add3A_187 : vector<16xi1>, vector<16xi32>
        %add3A_328 = arith.addi %add3A_323, %select_n3A_327 : vector<16xi32>
        %sub3A_329 = arith.subf %gather3A_293, %gather3A_273 : vector<16xf32>
        %abs3A_330 = math.absf %sub3A_329 : vector<16xf32>
        %min3A_331 = arith.minimumf %abs3A_235, %abs3A_330 : vector<16xf32>
        %add3A_332 = arith.addi %select_n3A_253, %select_n3A_253 : vector<16xi32>
        %gt3A_333 = arith.constant 0.000000e+00 : f32
        %gt3A_334 = vector.broadcast %gt3A_333 : f32 to vector<16xf32>
        %gt3A_335 = arith.cmpf ogt, %sub3A_329, %gt3A_334 : vector<16xf32>
        %select_n3A_336 = arith.select %gt3A_335, %add3A_190, %add3A_187 : vector<16xi1>, vector<16xi32>
        %add3A_337 = arith.addi %add3A_332, %select_n3A_336 : vector<16xi32>
        %sub3A_338 = arith.subf %gather3A_295, %gather3A_274 : vector<16xf32>
        %abs3A_339 = math.absf %sub3A_338 : vector<16xf32>
        %min3A_340 = arith.minimumf %abs3A_236, %abs3A_339 : vector<16xf32>
        %add3A_341 = arith.addi %select_n3A_257, %select_n3A_257 : vector<16xi32>
        %gt3A_342 = arith.constant 0.000000e+00 : f32
        %gt3A_343 = vector.broadcast %gt3A_342 : f32 to vector<16xf32>
        %gt3A_344 = arith.cmpf ogt, %sub3A_338, %gt3A_343 : vector<16xf32>
        %select_n3A_345 = arith.select %gt3A_344, %add3A_190, %add3A_187 : vector<16xi1>, vector<16xi32>
        %add3A_346 = arith.addi %add3A_341, %select_n3A_345 : vector<16xi32>
        %sub3A_347 = arith.subf %gather3A_297, %gather3A_275 : vector<16xf32>
        %abs3A_348 = math.absf %sub3A_347 : vector<16xf32>
        %min3A_349 = arith.minimumf %abs3A_237, %abs3A_348 : vector<16xf32>
        %add3A_350 = arith.addi %select_n3A_261, %select_n3A_261 : vector<16xi32>
        %gt3A_351 = arith.constant 0.000000e+00 : f32
        %gt3A_352 = vector.broadcast %gt3A_351 : f32 to vector<16xf32>
        %gt3A_353 = arith.cmpf ogt, %sub3A_347, %gt3A_352 : vector<16xf32>
        %select_n3A_354 = arith.select %gt3A_353, %add3A_190, %add3A_187 : vector<16xi1>, vector<16xi32>
        %add3A_355 = arith.addi %add3A_350, %select_n3A_354 : vector<16xi32>
        %sub3A_356 = arith.subf %gather3A_299, %gather3A_276 : vector<16xf32>
        %abs3A_357 = math.absf %sub3A_356 : vector<16xf32>
        %min3A_358 = arith.minimumf %abs3A_238, %abs3A_357 : vector<16xf32>
        %add3A_359 = arith.addi %select_n3A_265, %select_n3A_265 : vector<16xi32>
        %gt3A_360 = arith.constant 0.000000e+00 : f32
        %gt3A_361 = vector.broadcast %gt3A_360 : f32 to vector<16xf32>
        %gt3A_362 = arith.cmpf ogt, %sub3A_356, %gt3A_361 : vector<16xf32>
        %select_n3A_363 = arith.select %gt3A_362, %add3A_190, %add3A_187 : vector<16xi1>, vector<16xi32>
        %add3A_364 = arith.addi %add3A_359, %select_n3A_363 : vector<16xi32>
        %sub3A_365 = arith.subf %gather3A_301, %gather3A_277 : vector<16xf32>
        %abs3A_366 = math.absf %sub3A_365 : vector<16xf32>
        %min3A_367 = arith.minimumf %abs3A_239, %abs3A_366 : vector<16xf32>
        %add3A_368 = arith.addi %select_n3A_269, %select_n3A_269 : vector<16xi32>
        %gt3A_369 = arith.constant 0.000000e+00 : f32
        %gt3A_370 = vector.broadcast %gt3A_369 : f32 to vector<16xf32>
        %gt3A_371 = arith.cmpf ogt, %sub3A_365, %gt3A_370 : vector<16xf32>
        %select_n3A_372 = arith.select %gt3A_371, %add3A_190, %add3A_187 : vector<16xi1>, vector<16xi32>
        %add3A_373 = arith.addi %add3A_368, %select_n3A_372 : vector<16xi32>
        %gather3A_374 = tpu.vector_load_idx %arg8[%add3A_310] : memref<4096xf32, #tpu.memory_space<vmem>>[vector<16xi32>], vector<16xf32>,
        %gather3A_375 = tpu.vector_load_idx %arg8[%add3A_319] : memref<4096xf32, #tpu.memory_space<vmem>>[vector<16xi32>], vector<16xf32>,
        %gather3A_376 = tpu.vector_load_idx %arg8[%add3A_328] : memref<4096xf32, #tpu.memory_space<vmem>>[vector<16xi32>], vector<16xf32>,
        %gather3A_377 = tpu.vector_load_idx %arg8[%add3A_337] : memref<4096xf32, #tpu.memory_space<vmem>>[vector<16xi32>], vector<16xf32>,
        %gather3A_378 = tpu.vector_load_idx %arg8[%add3A_346] : memref<4096xf32, #tpu.memory_space<vmem>>[vector<16xi32>], vector<16xf32>,
        %gather3A_379 = tpu.vector_load_idx %arg8[%add3A_355] : memref<4096xf32, #tpu.memory_space<vmem>>[vector<16xi32>], vector<16xf32>,
        %gather3A_380 = tpu.vector_load_idx %arg8[%add3A_364] : memref<4096xf32, #tpu.memory_space<vmem>>[vector<16xi32>], vector<16xf32>,
        %gather3A_381 = tpu.vector_load_idx %arg8[%add3A_373] : memref<4096xf32, #tpu.memory_space<vmem>>[vector<16xi32>], vector<16xf32>,
        %gather3A_382 = tpu.vector_load_idx %arg9[%add3A_310] : memref<4096xi32, #tpu.memory_space<vmem>>[vector<16xi32>], vector<16xi32>,
        %gather3A_383 = tpu.vector_load_idx %arg9[%add3A_319] : memref<4096xi32, #tpu.memory_space<vmem>>[vector<16xi32>], vector<16xi32>,
        %gather3A_384 = tpu.vector_load_idx %arg9[%add3A_328] : memref<4096xi32, #tpu.memory_space<vmem>>[vector<16xi32>], vector<16xi32>,
        %gather3A_385 = tpu.vector_load_idx %arg9[%add3A_337] : memref<4096xi32, #tpu.memory_space<vmem>>[vector<16xi32>], vector<16xi32>,
        %gather3A_386 = tpu.vector_load_idx %arg9[%add3A_346] : memref<4096xi32, #tpu.memory_space<vmem>>[vector<16xi32>], vector<16xi32>,
        %gather3A_387 = tpu.vector_load_idx %arg9[%add3A_355] : memref<4096xi32, #tpu.memory_space<vmem>>[vector<16xi32>], vector<16xi32>,
        %gather3A_388 = tpu.vector_load_idx %arg9[%add3A_364] : memref<4096xi32, #tpu.memory_space<vmem>>[vector<16xi32>], vector<16xi32>,
        %gather3A_389 = tpu.vector_load_idx %arg9[%add3A_373] : memref<4096xi32, #tpu.memory_space<vmem>>[vector<16xi32>], vector<16xi32>,
        %add3A_390 = arith.addi %mul3A_11, %gather3A_382 : vector<16xi32>
        %gather3A_391 = tpu.vector_load_idx %arg7[%add3A_390] : memref<32896xf32, #tpu.memory_space<vmem>>[vector<16xi32>], vector<16xf32>,
        %add3A_392 = arith.addi %mul3A_17, %gather3A_383 : vector<16xi32>
        %gather3A_393 = tpu.vector_load_idx %arg7[%add3A_392] : memref<32896xf32, #tpu.memory_space<vmem>>[vector<16xi32>], vector<16xf32>,
        %add3A_394 = arith.addi %mul3A_23, %gather3A_384 : vector<16xi32>
        %gather3A_395 = tpu.vector_load_idx %arg7[%add3A_394] : memref<32896xf32, #tpu.memory_space<vmem>>[vector<16xi32>], vector<16xf32>,
        %add3A_396 = arith.addi %mul3A_29, %gather3A_385 : vector<16xi32>
        %gather3A_397 = tpu.vector_load_idx %arg7[%add3A_396] : memref<32896xf32, #tpu.memory_space<vmem>>[vector<16xi32>], vector<16xf32>,
        %add3A_398 = arith.addi %mul3A_35, %gather3A_386 : vector<16xi32>
        %gather3A_399 = tpu.vector_load_idx %arg7[%add3A_398] : memref<32896xf32, #tpu.memory_space<vmem>>[vector<16xi32>], vector<16xf32>,
        %add3A_400 = arith.addi %mul3A_41, %gather3A_387 : vector<16xi32>
        %gather3A_401 = tpu.vector_load_idx %arg7[%add3A_400] : memref<32896xf32, #tpu.memory_space<vmem>>[vector<16xi32>], vector<16xf32>,
        %add3A_402 = arith.addi %mul3A_47, %gather3A_388 : vector<16xi32>
        %gather3A_403 = tpu.vector_load_idx %arg7[%add3A_402] : memref<32896xf32, #tpu.memory_space<vmem>>[vector<16xi32>], vector<16xf32>,
        %add3A_404 = arith.addi %mul3A_53, %gather3A_389 : vector<16xi32>
        %gather3A_405 = tpu.vector_load_idx %arg7[%add3A_404] : memref<32896xf32, #tpu.memory_space<vmem>>[vector<16xi32>], vector<16xf32>,
        %sub3A_406 = arith.subf %gather3A_391, %gather3A_374 : vector<16xf32>
        %abs3A_407 = math.absf %sub3A_406 : vector<16xf32>
        %min3A_408 = arith.minimumf %min3A_304, %abs3A_407 : vector<16xf32>
        %add3A_409 = arith.addi %add3A_310, %add3A_310 : vector<16xi32>
        %gt3A_410 = arith.constant 0.000000e+00 : f32
        %gt3A_411 = vector.broadcast %gt3A_410 : f32 to vector<16xf32>
        %gt3A_412 = arith.cmpf ogt, %sub3A_406, %gt3A_411 : vector<16xf32>
        %select_n3A_413 = arith.select %gt3A_412, %add3A_190, %add3A_187 : vector<16xi1>, vector<16xi32>
        %add3A_414 = arith.addi %add3A_409, %select_n3A_413 : vector<16xi32>
        %sub3A_415 = arith.subf %gather3A_393, %gather3A_375 : vector<16xf32>
        %abs3A_416 = math.absf %sub3A_415 : vector<16xf32>
        %min3A_417 = arith.minimumf %min3A_313, %abs3A_416 : vector<16xf32>
        %add3A_418 = arith.addi %add3A_319, %add3A_319 : vector<16xi32>
        %gt3A_419 = arith.constant 0.000000e+00 : f32
        %gt3A_420 = vector.broadcast %gt3A_419 : f32 to vector<16xf32>
        %gt3A_421 = arith.cmpf ogt, %sub3A_415, %gt3A_420 : vector<16xf32>
        %select_n3A_422 = arith.select %gt3A_421, %add3A_190, %add3A_187 : vector<16xi1>, vector<16xi32>
        %add3A_423 = arith.addi %add3A_418, %select_n3A_422 : vector<16xi32>
        %sub3A_424 = arith.subf %gather3A_395, %gather3A_376 : vector<16xf32>
        %abs3A_425 = math.absf %sub3A_424 : vector<16xf32>
        %min3A_426 = arith.minimumf %min3A_322, %abs3A_425 : vector<16xf32>
        %add3A_427 = arith.addi %add3A_328, %add3A_328 : vector<16xi32>
        %gt3A_428 = arith.constant 0.000000e+00 : f32
        %gt3A_429 = vector.broadcast %gt3A_428 : f32 to vector<16xf32>
        %gt3A_430 = arith.cmpf ogt, %sub3A_424, %gt3A_429 : vector<16xf32>
        %select_n3A_431 = arith.select %gt3A_430, %add3A_190, %add3A_187 : vector<16xi1>, vector<16xi32>
        %add3A_432 = arith.addi %add3A_427, %select_n3A_431 : vector<16xi32>
        %sub3A_433 = arith.subf %gather3A_397, %gather3A_377 : vector<16xf32>
        %abs3A_434 = math.absf %sub3A_433 : vector<16xf32>
        %min3A_435 = arith.minimumf %min3A_331, %abs3A_434 : vector<16xf32>
        %add3A_436 = arith.addi %add3A_337, %add3A_337 : vector<16xi32>
        %gt3A_437 = arith.constant 0.000000e+00 : f32
        %gt3A_438 = vector.broadcast %gt3A_437 : f32 to vector<16xf32>
        %gt3A_439 = arith.cmpf ogt, %sub3A_433, %gt3A_438 : vector<16xf32>
        %select_n3A_440 = arith.select %gt3A_439, %add3A_190, %add3A_187 : vector<16xi1>, vector<16xi32>
        %add3A_441 = arith.addi %add3A_436, %select_n3A_440 : vector<16xi32>
        %sub3A_442 = arith.subf %gather3A_399, %gather3A_378 : vector<16xf32>
        %abs3A_443 = math.absf %sub3A_442 : vector<16xf32>
        %min3A_444 = arith.minimumf %min3A_340, %abs3A_443 : vector<16xf32>
        %add3A_445 = arith.addi %add3A_346, %add3A_346 : vector<16xi32>
        %gt3A_446 = arith.constant 0.000000e+00 : f32
        %gt3A_447 = vector.broadcast %gt3A_446 : f32 to vector<16xf32>
        %gt3A_448 = arith.cmpf ogt, %sub3A_442, %gt3A_447 : vector<16xf32>
        %select_n3A_449 = arith.select %gt3A_448, %add3A_190, %add3A_187 : vector<16xi1>, vector<16xi32>
        %add3A_450 = arith.addi %add3A_445, %select_n3A_449 : vector<16xi32>
        %sub3A_451 = arith.subf %gather3A_401, %gather3A_379 : vector<16xf32>
        %abs3A_452 = math.absf %sub3A_451 : vector<16xf32>
        %min3A_453 = arith.minimumf %min3A_349, %abs3A_452 : vector<16xf32>
        %add3A_454 = arith.addi %add3A_355, %add3A_355 : vector<16xi32>
        %gt3A_455 = arith.constant 0.000000e+00 : f32
        %gt3A_456 = vector.broadcast %gt3A_455 : f32 to vector<16xf32>
        %gt3A_457 = arith.cmpf ogt, %sub3A_451, %gt3A_456 : vector<16xf32>
        %select_n3A_458 = arith.select %gt3A_457, %add3A_190, %add3A_187 : vector<16xi1>, vector<16xi32>
        %add3A_459 = arith.addi %add3A_454, %select_n3A_458 : vector<16xi32>
        %sub3A_460 = arith.subf %gather3A_403, %gather3A_380 : vector<16xf32>
        %abs3A_461 = math.absf %sub3A_460 : vector<16xf32>
        %min3A_462 = arith.minimumf %min3A_358, %abs3A_461 : vector<16xf32>
        %add3A_463 = arith.addi %add3A_364, %add3A_364 : vector<16xi32>
        %gt3A_464 = arith.constant 0.000000e+00 : f32
        %gt3A_465 = vector.broadcast %gt3A_464 : f32 to vector<16xf32>
        %gt3A_466 = arith.cmpf ogt, %sub3A_460, %gt3A_465 : vector<16xf32>
        %select_n3A_467 = arith.select %gt3A_466, %add3A_190, %add3A_187 : vector<16xi1>, vector<16xi32>
        %add3A_468 = arith.addi %add3A_463, %select_n3A_467 : vector<16xi32>
        %sub3A_469 = arith.subf %gather3A_405, %gather3A_381 : vector<16xf32>
        %abs3A_470 = math.absf %sub3A_469 : vector<16xf32>
        %min3A_471 = arith.minimumf %min3A_367, %abs3A_470 : vector<16xf32>
        %add3A_472 = arith.addi %add3A_373, %add3A_373 : vector<16xi32>
        %gt3A_473 = arith.constant 0.000000e+00 : f32
        %gt3A_474 = vector.broadcast %gt3A_473 : f32 to vector<16xf32>
        %gt3A_475 = arith.cmpf ogt, %sub3A_469, %gt3A_474 : vector<16xf32>
        %select_n3A_476 = arith.select %gt3A_475, %add3A_190, %add3A_187 : vector<16xi1>, vector<16xi32>
        %add3A_477 = arith.addi %add3A_472, %select_n3A_476 : vector<16xi32>
        %gather3A_478 = tpu.vector_load_idx %arg8[%add3A_414] : memref<4096xf32, #tpu.memory_space<vmem>>[vector<16xi32>], vector<16xf32>,
        %gather3A_479 = tpu.vector_load_idx %arg8[%add3A_423] : memref<4096xf32, #tpu.memory_space<vmem>>[vector<16xi32>], vector<16xf32>,
        %gather3A_480 = tpu.vector_load_idx %arg8[%add3A_432] : memref<4096xf32, #tpu.memory_space<vmem>>[vector<16xi32>], vector<16xf32>,
        %gather3A_481 = tpu.vector_load_idx %arg8[%add3A_441] : memref<4096xf32, #tpu.memory_space<vmem>>[vector<16xi32>], vector<16xf32>,
        %gather3A_482 = tpu.vector_load_idx %arg8[%add3A_450] : memref<4096xf32, #tpu.memory_space<vmem>>[vector<16xi32>], vector<16xf32>,
        %gather3A_483 = tpu.vector_load_idx %arg8[%add3A_459] : memref<4096xf32, #tpu.memory_space<vmem>>[vector<16xi32>], vector<16xf32>,
        %gather3A_484 = tpu.vector_load_idx %arg8[%add3A_468] : memref<4096xf32, #tpu.memory_space<vmem>>[vector<16xi32>], vector<16xf32>,
        %gather3A_485 = tpu.vector_load_idx %arg8[%add3A_477] : memref<4096xf32, #tpu.memory_space<vmem>>[vector<16xi32>], vector<16xf32>,
        %gather3A_486 = tpu.vector_load_idx %arg9[%add3A_414] : memref<4096xi32, #tpu.memory_space<vmem>>[vector<16xi32>], vector<16xi32>,
        %gather3A_487 = tpu.vector_load_idx %arg9[%add3A_423] : memref<4096xi32, #tpu.memory_space<vmem>>[vector<16xi32>], vector<16xi32>,
        %gather3A_488 = tpu.vector_load_idx %arg9[%add3A_432] : memref<4096xi32, #tpu.memory_space<vmem>>[vector<16xi32>], vector<16xi32>,
        %gather3A_489 = tpu.vector_load_idx %arg9[%add3A_441] : memref<4096xi32, #tpu.memory_space<vmem>>[vector<16xi32>], vector<16xi32>,
        %gather3A_490 = tpu.vector_load_idx %arg9[%add3A_450] : memref<4096xi32, #tpu.memory_space<vmem>>[vector<16xi32>], vector<16xi32>,
        %gather3A_491 = tpu.vector_load_idx %arg9[%add3A_459] : memref<4096xi32, #tpu.memory_space<vmem>>[vector<16xi32>], vector<16xi32>,
        %gather3A_492 = tpu.vector_load_idx %arg9[%add3A_468] : memref<4096xi32, #tpu.memory_space<vmem>>[vector<16xi32>], vector<16xi32>,
        %gather3A_493 = tpu.vector_load_idx %arg9[%add3A_477] : memref<4096xi32, #tpu.memory_space<vmem>>[vector<16xi32>], vector<16xi32>,
        %add3A_494 = arith.addi %mul3A_11, %gather3A_486 : vector<16xi32>
        %gather3A_495 = tpu.vector_load_idx %arg7[%add3A_494] : memref<32896xf32, #tpu.memory_space<vmem>>[vector<16xi32>], vector<16xf32>,
        %add3A_496 = arith.addi %mul3A_17, %gather3A_487 : vector<16xi32>
        %gather3A_497 = tpu.vector_load_idx %arg7[%add3A_496] : memref<32896xf32, #tpu.memory_space<vmem>>[vector<16xi32>], vector<16xf32>,
        %add3A_498 = arith.addi %mul3A_23, %gather3A_488 : vector<16xi32>
        %gather3A_499 = tpu.vector_load_idx %arg7[%add3A_498] : memref<32896xf32, #tpu.memory_space<vmem>>[vector<16xi32>], vector<16xf32>,
        %add3A_500 = arith.addi %mul3A_29, %gather3A_489 : vector<16xi32>
        %gather3A_501 = tpu.vector_load_idx %arg7[%add3A_500] : memref<32896xf32, #tpu.memory_space<vmem>>[vector<16xi32>], vector<16xf32>,
        %add3A_502 = arith.addi %mul3A_35, %gather3A_490 : vector<16xi32>
        %gather3A_503 = tpu.vector_load_idx %arg7[%add3A_502] : memref<32896xf32, #tpu.memory_space<vmem>>[vector<16xi32>], vector<16xf32>,
        %add3A_504 = arith.addi %mul3A_41, %gather3A_491 : vector<16xi32>
        %gather3A_505 = tpu.vector_load_idx %arg7[%add3A_504] : memref<32896xf32, #tpu.memory_space<vmem>>[vector<16xi32>], vector<16xf32>,
        %add3A_506 = arith.addi %mul3A_47, %gather3A_492 : vector<16xi32>
        %gather3A_507 = tpu.vector_load_idx %arg7[%add3A_506] : memref<32896xf32, #tpu.memory_space<vmem>>[vector<16xi32>], vector<16xf32>,
        %add3A_508 = arith.addi %mul3A_53, %gather3A_493 : vector<16xi32>
        %gather3A_509 = tpu.vector_load_idx %arg7[%add3A_508] : memref<32896xf32, #tpu.memory_space<vmem>>[vector<16xi32>], vector<16xf32>,
        %sub3A_510 = arith.subf %gather3A_495, %gather3A_478 : vector<16xf32>
        %abs3A_511 = math.absf %sub3A_510 : vector<16xf32>
        %min3A_512 = arith.minimumf %min3A_408, %abs3A_511 : vector<16xf32>
        %add3A_513 = arith.addi %add3A_414, %add3A_414 : vector<16xi32>
        %gt3A_514 = arith.constant 0.000000e+00 : f32
        %gt3A_515 = vector.broadcast %gt3A_514 : f32 to vector<16xf32>
        %gt3A_516 = arith.cmpf ogt, %sub3A_510, %gt3A_515 : vector<16xf32>
        %select_n3A_517 = arith.select %gt3A_516, %add3A_190, %add3A_187 : vector<16xi1>, vector<16xi32>
        %add3A_518 = arith.addi %add3A_513, %select_n3A_517 : vector<16xi32>
        %sub3A_519 = arith.subf %gather3A_497, %gather3A_479 : vector<16xf32>
        %abs3A_520 = math.absf %sub3A_519 : vector<16xf32>
        %min3A_521 = arith.minimumf %min3A_417, %abs3A_520 : vector<16xf32>
        %add3A_522 = arith.addi %add3A_423, %add3A_423 : vector<16xi32>
        %gt3A_523 = arith.constant 0.000000e+00 : f32
        %gt3A_524 = vector.broadcast %gt3A_523 : f32 to vector<16xf32>
        %gt3A_525 = arith.cmpf ogt, %sub3A_519, %gt3A_524 : vector<16xf32>
        %select_n3A_526 = arith.select %gt3A_525, %add3A_190, %add3A_187 : vector<16xi1>, vector<16xi32>
        %add3A_527 = arith.addi %add3A_522, %select_n3A_526 : vector<16xi32>
        %sub3A_528 = arith.subf %gather3A_499, %gather3A_480 : vector<16xf32>
        %abs3A_529 = math.absf %sub3A_528 : vector<16xf32>
        %min3A_530 = arith.minimumf %min3A_426, %abs3A_529 : vector<16xf32>
        %add3A_531 = arith.addi %add3A_432, %add3A_432 : vector<16xi32>
        %gt3A_532 = arith.constant 0.000000e+00 : f32
        %gt3A_533 = vector.broadcast %gt3A_532 : f32 to vector<16xf32>
        %gt3A_534 = arith.cmpf ogt, %sub3A_528, %gt3A_533 : vector<16xf32>
        %select_n3A_535 = arith.select %gt3A_534, %add3A_190, %add3A_187 : vector<16xi1>, vector<16xi32>
        %add3A_536 = arith.addi %add3A_531, %select_n3A_535 : vector<16xi32>
        %sub3A_537 = arith.subf %gather3A_501, %gather3A_481 : vector<16xf32>
        %abs3A_538 = math.absf %sub3A_537 : vector<16xf32>
        %min3A_539 = arith.minimumf %min3A_435, %abs3A_538 : vector<16xf32>
        %add3A_540 = arith.addi %add3A_441, %add3A_441 : vector<16xi32>
        %gt3A_541 = arith.constant 0.000000e+00 : f32
        %gt3A_542 = vector.broadcast %gt3A_541 : f32 to vector<16xf32>
        %gt3A_543 = arith.cmpf ogt, %sub3A_537, %gt3A_542 : vector<16xf32>
        %select_n3A_544 = arith.select %gt3A_543, %add3A_190, %add3A_187 : vector<16xi1>, vector<16xi32>
        %add3A_545 = arith.addi %add3A_540, %select_n3A_544 : vector<16xi32>
        %sub3A_546 = arith.subf %gather3A_503, %gather3A_482 : vector<16xf32>
        %abs3A_547 = math.absf %sub3A_546 : vector<16xf32>
        %min3A_548 = arith.minimumf %min3A_444, %abs3A_547 : vector<16xf32>
        %add3A_549 = arith.addi %add3A_450, %add3A_450 : vector<16xi32>
        %gt3A_550 = arith.constant 0.000000e+00 : f32
        %gt3A_551 = vector.broadcast %gt3A_550 : f32 to vector<16xf32>
        %gt3A_552 = arith.cmpf ogt, %sub3A_546, %gt3A_551 : vector<16xf32>
        %select_n3A_553 = arith.select %gt3A_552, %add3A_190, %add3A_187 : vector<16xi1>, vector<16xi32>
        %add3A_554 = arith.addi %add3A_549, %select_n3A_553 : vector<16xi32>
        %sub3A_555 = arith.subf %gather3A_505, %gather3A_483 : vector<16xf32>
        %abs3A_556 = math.absf %sub3A_555 : vector<16xf32>
        %min3A_557 = arith.minimumf %min3A_453, %abs3A_556 : vector<16xf32>
        %add3A_558 = arith.addi %add3A_459, %add3A_459 : vector<16xi32>
        %gt3A_559 = arith.constant 0.000000e+00 : f32
        %gt3A_560 = vector.broadcast %gt3A_559 : f32 to vector<16xf32>
        %gt3A_561 = arith.cmpf ogt, %sub3A_555, %gt3A_560 : vector<16xf32>
        %select_n3A_562 = arith.select %gt3A_561, %add3A_190, %add3A_187 : vector<16xi1>, vector<16xi32>
        %add3A_563 = arith.addi %add3A_558, %select_n3A_562 : vector<16xi32>
        %sub3A_564 = arith.subf %gather3A_507, %gather3A_484 : vector<16xf32>
        %abs3A_565 = math.absf %sub3A_564 : vector<16xf32>
        %min3A_566 = arith.minimumf %min3A_462, %abs3A_565 : vector<16xf32>
        %add3A_567 = arith.addi %add3A_468, %add3A_468 : vector<16xi32>
        %gt3A_568 = arith.constant 0.000000e+00 : f32
        %gt3A_569 = vector.broadcast %gt3A_568 : f32 to vector<16xf32>
        %gt3A_570 = arith.cmpf ogt, %sub3A_564, %gt3A_569 : vector<16xf32>
        %select_n3A_571 = arith.select %gt3A_570, %add3A_190, %add3A_187 : vector<16xi1>, vector<16xi32>
        %add3A_572 = arith.addi %add3A_567, %select_n3A_571 : vector<16xi32>
        %sub3A_573 = arith.subf %gather3A_509, %gather3A_485 : vector<16xf32>
        %abs3A_574 = math.absf %sub3A_573 : vector<16xf32>
        %min3A_575 = arith.minimumf %min3A_471, %abs3A_574 : vector<16xf32>
        %add3A_576 = arith.addi %add3A_477, %add3A_477 : vector<16xi32>
        %gt3A_577 = arith.constant 0.000000e+00 : f32
        %gt3A_578 = vector.broadcast %gt3A_577 : f32 to vector<16xf32>
        %gt3A_579 = arith.cmpf ogt, %sub3A_573, %gt3A_578 : vector<16xf32>
        %select_n3A_580 = arith.select %gt3A_579, %add3A_190, %add3A_187 : vector<16xi1>, vector<16xi32>
        %add3A_581 = arith.addi %add3A_576, %select_n3A_580 : vector<16xi32>
        %gather3A_582 = tpu.vector_load_idx %arg8[%add3A_518] : memref<4096xf32, #tpu.memory_space<vmem>>[vector<16xi32>], vector<16xf32>,
        %gather3A_583 = tpu.vector_load_idx %arg8[%add3A_527] : memref<4096xf32, #tpu.memory_space<vmem>>[vector<16xi32>], vector<16xf32>,
        %gather3A_584 = tpu.vector_load_idx %arg8[%add3A_536] : memref<4096xf32, #tpu.memory_space<vmem>>[vector<16xi32>], vector<16xf32>,
        %gather3A_585 = tpu.vector_load_idx %arg8[%add3A_545] : memref<4096xf32, #tpu.memory_space<vmem>>[vector<16xi32>], vector<16xf32>,
        %gather3A_586 = tpu.vector_load_idx %arg8[%add3A_554] : memref<4096xf32, #tpu.memory_space<vmem>>[vector<16xi32>], vector<16xf32>,
        %gather3A_587 = tpu.vector_load_idx %arg8[%add3A_563] : memref<4096xf32, #tpu.memory_space<vmem>>[vector<16xi32>], vector<16xf32>,
        %gather3A_588 = tpu.vector_load_idx %arg8[%add3A_572] : memref<4096xf32, #tpu.memory_space<vmem>>[vector<16xi32>], vector<16xf32>,
        %gather3A_589 = tpu.vector_load_idx %arg8[%add3A_581] : memref<4096xf32, #tpu.memory_space<vmem>>[vector<16xi32>], vector<16xf32>,
        %gather3A_590 = tpu.vector_load_idx %arg9[%add3A_518] : memref<4096xi32, #tpu.memory_space<vmem>>[vector<16xi32>], vector<16xi32>,
        %gather3A_591 = tpu.vector_load_idx %arg9[%add3A_527] : memref<4096xi32, #tpu.memory_space<vmem>>[vector<16xi32>], vector<16xi32>,
        %gather3A_592 = tpu.vector_load_idx %arg9[%add3A_536] : memref<4096xi32, #tpu.memory_space<vmem>>[vector<16xi32>], vector<16xi32>,
        %gather3A_593 = tpu.vector_load_idx %arg9[%add3A_545] : memref<4096xi32, #tpu.memory_space<vmem>>[vector<16xi32>], vector<16xi32>,
        %gather3A_594 = tpu.vector_load_idx %arg9[%add3A_554] : memref<4096xi32, #tpu.memory_space<vmem>>[vector<16xi32>], vector<16xi32>,
        %gather3A_595 = tpu.vector_load_idx %arg9[%add3A_563] : memref<4096xi32, #tpu.memory_space<vmem>>[vector<16xi32>], vector<16xi32>,
        %gather3A_596 = tpu.vector_load_idx %arg9[%add3A_572] : memref<4096xi32, #tpu.memory_space<vmem>>[vector<16xi32>], vector<16xi32>,
        %gather3A_597 = tpu.vector_load_idx %arg9[%add3A_581] : memref<4096xi32, #tpu.memory_space<vmem>>[vector<16xi32>], vector<16xi32>,
        %add3A_598 = arith.addi %mul3A_11, %gather3A_590 : vector<16xi32>
        %gather3A_599 = tpu.vector_load_idx %arg7[%add3A_598] : memref<32896xf32, #tpu.memory_space<vmem>>[vector<16xi32>], vector<16xf32>,
        %add3A_600 = arith.addi %mul3A_17, %gather3A_591 : vector<16xi32>
        %gather3A_601 = tpu.vector_load_idx %arg7[%add3A_600] : memref<32896xf32, #tpu.memory_space<vmem>>[vector<16xi32>], vector<16xf32>,
        %add3A_602 = arith.addi %mul3A_23, %gather3A_592 : vector<16xi32>
        %gather3A_603 = tpu.vector_load_idx %arg7[%add3A_602] : memref<32896xf32, #tpu.memory_space<vmem>>[vector<16xi32>], vector<16xf32>,
        %add3A_604 = arith.addi %mul3A_29, %gather3A_593 : vector<16xi32>
        %gather3A_605 = tpu.vector_load_idx %arg7[%add3A_604] : memref<32896xf32, #tpu.memory_space<vmem>>[vector<16xi32>], vector<16xf32>,
        %add3A_606 = arith.addi %mul3A_35, %gather3A_594 : vector<16xi32>
        %gather3A_607 = tpu.vector_load_idx %arg7[%add3A_606] : memref<32896xf32, #tpu.memory_space<vmem>>[vector<16xi32>], vector<16xf32>,
        %add3A_608 = arith.addi %mul3A_41, %gather3A_595 : vector<16xi32>
        %gather3A_609 = tpu.vector_load_idx %arg7[%add3A_608] : memref<32896xf32, #tpu.memory_space<vmem>>[vector<16xi32>], vector<16xf32>,
        %add3A_610 = arith.addi %mul3A_47, %gather3A_596 : vector<16xi32>
        %gather3A_611 = tpu.vector_load_idx %arg7[%add3A_610] : memref<32896xf32, #tpu.memory_space<vmem>>[vector<16xi32>], vector<16xf32>,
        %add3A_612 = arith.addi %mul3A_53, %gather3A_597 : vector<16xi32>
        %gather3A_613 = tpu.vector_load_idx %arg7[%add3A_612] : memref<32896xf32, #tpu.memory_space<vmem>>[vector<16xi32>], vector<16xf32>,
        %sub3A_614 = arith.subf %gather3A_599, %gather3A_582 : vector<16xf32>
        %abs3A_615 = math.absf %sub3A_614 : vector<16xf32>
        %min3A_616 = arith.minimumf %min3A_512, %abs3A_615 : vector<16xf32>
        %add3A_617 = arith.addi %add3A_518, %add3A_518 : vector<16xi32>
        %gt3A_618 = arith.constant 0.000000e+00 : f32
        %gt3A_619 = vector.broadcast %gt3A_618 : f32 to vector<16xf32>
        %gt3A_620 = arith.cmpf ogt, %sub3A_614, %gt3A_619 : vector<16xf32>
        %select_n3A_621 = arith.select %gt3A_620, %add3A_190, %add3A_187 : vector<16xi1>, vector<16xi32>
        %add3A_622 = arith.addi %add3A_617, %select_n3A_621 : vector<16xi32>
        %sub3A_623 = arith.subf %gather3A_601, %gather3A_583 : vector<16xf32>
        %abs3A_624 = math.absf %sub3A_623 : vector<16xf32>
        %min3A_625 = arith.minimumf %min3A_521, %abs3A_624 : vector<16xf32>
        %add3A_626 = arith.addi %add3A_527, %add3A_527 : vector<16xi32>
        %gt3A_627 = arith.constant 0.000000e+00 : f32
        %gt3A_628 = vector.broadcast %gt3A_627 : f32 to vector<16xf32>
        %gt3A_629 = arith.cmpf ogt, %sub3A_623, %gt3A_628 : vector<16xf32>
        %select_n3A_630 = arith.select %gt3A_629, %add3A_190, %add3A_187 : vector<16xi1>, vector<16xi32>
        %add3A_631 = arith.addi %add3A_626, %select_n3A_630 : vector<16xi32>
        %sub3A_632 = arith.subf %gather3A_603, %gather3A_584 : vector<16xf32>
        %abs3A_633 = math.absf %sub3A_632 : vector<16xf32>
        %min3A_634 = arith.minimumf %min3A_530, %abs3A_633 : vector<16xf32>
        %add3A_635 = arith.addi %add3A_536, %add3A_536 : vector<16xi32>
        %gt3A_636 = arith.constant 0.000000e+00 : f32
        %gt3A_637 = vector.broadcast %gt3A_636 : f32 to vector<16xf32>
        %gt3A_638 = arith.cmpf ogt, %sub3A_632, %gt3A_637 : vector<16xf32>
        %select_n3A_639 = arith.select %gt3A_638, %add3A_190, %add3A_187 : vector<16xi1>, vector<16xi32>
        %add3A_640 = arith.addi %add3A_635, %select_n3A_639 : vector<16xi32>
        %sub3A_641 = arith.subf %gather3A_605, %gather3A_585 : vector<16xf32>
        %abs3A_642 = math.absf %sub3A_641 : vector<16xf32>
        %min3A_643 = arith.minimumf %min3A_539, %abs3A_642 : vector<16xf32>
        %add3A_644 = arith.addi %add3A_545, %add3A_545 : vector<16xi32>
        %gt3A_645 = arith.constant 0.000000e+00 : f32
        %gt3A_646 = vector.broadcast %gt3A_645 : f32 to vector<16xf32>
        %gt3A_647 = arith.cmpf ogt, %sub3A_641, %gt3A_646 : vector<16xf32>
        %select_n3A_648 = arith.select %gt3A_647, %add3A_190, %add3A_187 : vector<16xi1>, vector<16xi32>
        %add3A_649 = arith.addi %add3A_644, %select_n3A_648 : vector<16xi32>
        %sub3A_650 = arith.subf %gather3A_607, %gather3A_586 : vector<16xf32>
        %abs3A_651 = math.absf %sub3A_650 : vector<16xf32>
        %min3A_652 = arith.minimumf %min3A_548, %abs3A_651 : vector<16xf32>
        %add3A_653 = arith.addi %add3A_554, %add3A_554 : vector<16xi32>
        %gt3A_654 = arith.constant 0.000000e+00 : f32
        %gt3A_655 = vector.broadcast %gt3A_654 : f32 to vector<16xf32>
        %gt3A_656 = arith.cmpf ogt, %sub3A_650, %gt3A_655 : vector<16xf32>
        %select_n3A_657 = arith.select %gt3A_656, %add3A_190, %add3A_187 : vector<16xi1>, vector<16xi32>
        %add3A_658 = arith.addi %add3A_653, %select_n3A_657 : vector<16xi32>
        %sub3A_659 = arith.subf %gather3A_609, %gather3A_587 : vector<16xf32>
        %abs3A_660 = math.absf %sub3A_659 : vector<16xf32>
        %min3A_661 = arith.minimumf %min3A_557, %abs3A_660 : vector<16xf32>
        %add3A_662 = arith.addi %add3A_563, %add3A_563 : vector<16xi32>
        %gt3A_663 = arith.constant 0.000000e+00 : f32
        %gt3A_664 = vector.broadcast %gt3A_663 : f32 to vector<16xf32>
        %gt3A_665 = arith.cmpf ogt, %sub3A_659, %gt3A_664 : vector<16xf32>
        %select_n3A_666 = arith.select %gt3A_665, %add3A_190, %add3A_187 : vector<16xi1>, vector<16xi32>
        %add3A_667 = arith.addi %add3A_662, %select_n3A_666 : vector<16xi32>
        %sub3A_668 = arith.subf %gather3A_611, %gather3A_588 : vector<16xf32>
        %abs3A_669 = math.absf %sub3A_668 : vector<16xf32>
        %min3A_670 = arith.minimumf %min3A_566, %abs3A_669 : vector<16xf32>
        %add3A_671 = arith.addi %add3A_572, %add3A_572 : vector<16xi32>
        %gt3A_672 = arith.constant 0.000000e+00 : f32
        %gt3A_673 = vector.broadcast %gt3A_672 : f32 to vector<16xf32>
        %gt3A_674 = arith.cmpf ogt, %sub3A_668, %gt3A_673 : vector<16xf32>
        %select_n3A_675 = arith.select %gt3A_674, %add3A_190, %add3A_187 : vector<16xi1>, vector<16xi32>
        %add3A_676 = arith.addi %add3A_671, %select_n3A_675 : vector<16xi32>
        %sub3A_677 = arith.subf %gather3A_613, %gather3A_589 : vector<16xf32>
        %abs3A_678 = math.absf %sub3A_677 : vector<16xf32>
        %min3A_679 = arith.minimumf %min3A_575, %abs3A_678 : vector<16xf32>
        %add3A_680 = arith.addi %add3A_581, %add3A_581 : vector<16xi32>
        %gt3A_681 = arith.constant 0.000000e+00 : f32
        %gt3A_682 = vector.broadcast %gt3A_681 : f32 to vector<16xf32>
        %gt3A_683 = arith.cmpf ogt, %sub3A_677, %gt3A_682 : vector<16xf32>
        %select_n3A_684 = arith.select %gt3A_683, %add3A_190, %add3A_187 : vector<16xi1>, vector<16xi32>
        %add3A_685 = arith.addi %add3A_680, %select_n3A_684 : vector<16xi32>
        %gather3A_686 = tpu.vector_load_idx %arg8[%add3A_622] : memref<4096xf32, #tpu.memory_space<vmem>>[vector<16xi32>], vector<16xf32>,
        %gather3A_687 = tpu.vector_load_idx %arg8[%add3A_631] : memref<4096xf32, #tpu.memory_space<vmem>>[vector<16xi32>], vector<16xf32>,
        %gather3A_688 = tpu.vector_load_idx %arg8[%add3A_640] : memref<4096xf32, #tpu.memory_space<vmem>>[vector<16xi32>], vector<16xf32>,
        %gather3A_689 = tpu.vector_load_idx %arg8[%add3A_649] : memref<4096xf32, #tpu.memory_space<vmem>>[vector<16xi32>], vector<16xf32>,
        %gather3A_690 = tpu.vector_load_idx %arg8[%add3A_658] : memref<4096xf32, #tpu.memory_space<vmem>>[vector<16xi32>], vector<16xf32>,
        %gather3A_691 = tpu.vector_load_idx %arg8[%add3A_667] : memref<4096xf32, #tpu.memory_space<vmem>>[vector<16xi32>], vector<16xf32>,
        %gather3A_692 = tpu.vector_load_idx %arg8[%add3A_676] : memref<4096xf32, #tpu.memory_space<vmem>>[vector<16xi32>], vector<16xf32>,
        %gather3A_693 = tpu.vector_load_idx %arg8[%add3A_685] : memref<4096xf32, #tpu.memory_space<vmem>>[vector<16xi32>], vector<16xf32>,
        %gather3A_694 = tpu.vector_load_idx %arg9[%add3A_622] : memref<4096xi32, #tpu.memory_space<vmem>>[vector<16xi32>], vector<16xi32>,
        %gather3A_695 = tpu.vector_load_idx %arg9[%add3A_631] : memref<4096xi32, #tpu.memory_space<vmem>>[vector<16xi32>], vector<16xi32>,
        %gather3A_696 = tpu.vector_load_idx %arg9[%add3A_640] : memref<4096xi32, #tpu.memory_space<vmem>>[vector<16xi32>], vector<16xi32>,
        %gather3A_697 = tpu.vector_load_idx %arg9[%add3A_649] : memref<4096xi32, #tpu.memory_space<vmem>>[vector<16xi32>], vector<16xi32>,
        %gather3A_698 = tpu.vector_load_idx %arg9[%add3A_658] : memref<4096xi32, #tpu.memory_space<vmem>>[vector<16xi32>], vector<16xi32>,
        %gather3A_699 = tpu.vector_load_idx %arg9[%add3A_667] : memref<4096xi32, #tpu.memory_space<vmem>>[vector<16xi32>], vector<16xi32>,
        %gather3A_700 = tpu.vector_load_idx %arg9[%add3A_676] : memref<4096xi32, #tpu.memory_space<vmem>>[vector<16xi32>], vector<16xi32>,
        %gather3A_701 = tpu.vector_load_idx %arg9[%add3A_685] : memref<4096xi32, #tpu.memory_space<vmem>>[vector<16xi32>], vector<16xi32>,
        %add3A_702 = arith.addi %mul3A_11, %gather3A_694 : vector<16xi32>
        %gather3A_703 = tpu.vector_load_idx %arg7[%add3A_702] : memref<32896xf32, #tpu.memory_space<vmem>>[vector<16xi32>], vector<16xf32>,
        %add3A_704 = arith.addi %mul3A_17, %gather3A_695 : vector<16xi32>
        %gather3A_705 = tpu.vector_load_idx %arg7[%add3A_704] : memref<32896xf32, #tpu.memory_space<vmem>>[vector<16xi32>], vector<16xf32>,
        %add3A_706 = arith.addi %mul3A_23, %gather3A_696 : vector<16xi32>
        %gather3A_707 = tpu.vector_load_idx %arg7[%add3A_706] : memref<32896xf32, #tpu.memory_space<vmem>>[vector<16xi32>], vector<16xf32>,
        %add3A_708 = arith.addi %mul3A_29, %gather3A_697 : vector<16xi32>
        %gather3A_709 = tpu.vector_load_idx %arg7[%add3A_708] : memref<32896xf32, #tpu.memory_space<vmem>>[vector<16xi32>], vector<16xf32>,
        %add3A_710 = arith.addi %mul3A_35, %gather3A_698 : vector<16xi32>
        %gather3A_711 = tpu.vector_load_idx %arg7[%add3A_710] : memref<32896xf32, #tpu.memory_space<vmem>>[vector<16xi32>], vector<16xf32>,
        %add3A_712 = arith.addi %mul3A_41, %gather3A_699 : vector<16xi32>
        %gather3A_713 = tpu.vector_load_idx %arg7[%add3A_712] : memref<32896xf32, #tpu.memory_space<vmem>>[vector<16xi32>], vector<16xf32>,
        %add3A_714 = arith.addi %mul3A_47, %gather3A_700 : vector<16xi32>
        %gather3A_715 = tpu.vector_load_idx %arg7[%add3A_714] : memref<32896xf32, #tpu.memory_space<vmem>>[vector<16xi32>], vector<16xf32>,
        %add3A_716 = arith.addi %mul3A_53, %gather3A_701 : vector<16xi32>
        %gather3A_717 = tpu.vector_load_idx %arg7[%add3A_716] : memref<32896xf32, #tpu.memory_space<vmem>>[vector<16xi32>], vector<16xf32>,
        %sub3A_718 = arith.subf %gather3A_703, %gather3A_686 : vector<16xf32>
        %abs3A_719 = math.absf %sub3A_718 : vector<16xf32>
        %min3A_720 = arith.minimumf %min3A_616, %abs3A_719 : vector<16xf32>
        %add3A_721 = arith.addi %add3A_622, %add3A_622 : vector<16xi32>
        %gt3A_722 = arith.constant 0.000000e+00 : f32
        %gt3A_723 = vector.broadcast %gt3A_722 : f32 to vector<16xf32>
        %gt3A_724 = arith.cmpf ogt, %sub3A_718, %gt3A_723 : vector<16xf32>
        %select_n3A_725 = arith.select %gt3A_724, %add3A_190, %add3A_187 : vector<16xi1>, vector<16xi32>
        %add3A_726 = arith.addi %add3A_721, %select_n3A_725 : vector<16xi32>
        %sub3A_727 = arith.subf %gather3A_705, %gather3A_687 : vector<16xf32>
        %abs3A_728 = math.absf %sub3A_727 : vector<16xf32>
        %min3A_729 = arith.minimumf %min3A_625, %abs3A_728 : vector<16xf32>
        %add3A_730 = arith.addi %add3A_631, %add3A_631 : vector<16xi32>
        %gt3A_731 = arith.constant 0.000000e+00 : f32
        %gt3A_732 = vector.broadcast %gt3A_731 : f32 to vector<16xf32>
        %gt3A_733 = arith.cmpf ogt, %sub3A_727, %gt3A_732 : vector<16xf32>
        %select_n3A_734 = arith.select %gt3A_733, %add3A_190, %add3A_187 : vector<16xi1>, vector<16xi32>
        %add3A_735 = arith.addi %add3A_730, %select_n3A_734 : vector<16xi32>
        %sub3A_736 = arith.subf %gather3A_707, %gather3A_688 : vector<16xf32>
        %abs3A_737 = math.absf %sub3A_736 : vector<16xf32>
        %min3A_738 = arith.minimumf %min3A_634, %abs3A_737 : vector<16xf32>
        %add3A_739 = arith.addi %add3A_640, %add3A_640 : vector<16xi32>
        %gt3A_740 = arith.constant 0.000000e+00 : f32
        %gt3A_741 = vector.broadcast %gt3A_740 : f32 to vector<16xf32>
        %gt3A_742 = arith.cmpf ogt, %sub3A_736, %gt3A_741 : vector<16xf32>
        %select_n3A_743 = arith.select %gt3A_742, %add3A_190, %add3A_187 : vector<16xi1>, vector<16xi32>
        %add3A_744 = arith.addi %add3A_739, %select_n3A_743 : vector<16xi32>
        %sub3A_745 = arith.subf %gather3A_709, %gather3A_689 : vector<16xf32>
        %abs3A_746 = math.absf %sub3A_745 : vector<16xf32>
        %min3A_747 = arith.minimumf %min3A_643, %abs3A_746 : vector<16xf32>
        %add3A_748 = arith.addi %add3A_649, %add3A_649 : vector<16xi32>
        %gt3A_749 = arith.constant 0.000000e+00 : f32
        %gt3A_750 = vector.broadcast %gt3A_749 : f32 to vector<16xf32>
        %gt3A_751 = arith.cmpf ogt, %sub3A_745, %gt3A_750 : vector<16xf32>
        %select_n3A_752 = arith.select %gt3A_751, %add3A_190, %add3A_187 : vector<16xi1>, vector<16xi32>
        %add3A_753 = arith.addi %add3A_748, %select_n3A_752 : vector<16xi32>
        %sub3A_754 = arith.subf %gather3A_711, %gather3A_690 : vector<16xf32>
        %abs3A_755 = math.absf %sub3A_754 : vector<16xf32>
        %min3A_756 = arith.minimumf %min3A_652, %abs3A_755 : vector<16xf32>
        %add3A_757 = arith.addi %add3A_658, %add3A_658 : vector<16xi32>
        %gt3A_758 = arith.constant 0.000000e+00 : f32
        %gt3A_759 = vector.broadcast %gt3A_758 : f32 to vector<16xf32>
        %gt3A_760 = arith.cmpf ogt, %sub3A_754, %gt3A_759 : vector<16xf32>
        %select_n3A_761 = arith.select %gt3A_760, %add3A_190, %add3A_187 : vector<16xi1>, vector<16xi32>
        %add3A_762 = arith.addi %add3A_757, %select_n3A_761 : vector<16xi32>
        %sub3A_763 = arith.subf %gather3A_713, %gather3A_691 : vector<16xf32>
        %abs3A_764 = math.absf %sub3A_763 : vector<16xf32>
        %min3A_765 = arith.minimumf %min3A_661, %abs3A_764 : vector<16xf32>
        %add3A_766 = arith.addi %add3A_667, %add3A_667 : vector<16xi32>
        %gt3A_767 = arith.constant 0.000000e+00 : f32
        %gt3A_768 = vector.broadcast %gt3A_767 : f32 to vector<16xf32>
        %gt3A_769 = arith.cmpf ogt, %sub3A_763, %gt3A_768 : vector<16xf32>
        %select_n3A_770 = arith.select %gt3A_769, %add3A_190, %add3A_187 : vector<16xi1>, vector<16xi32>
        %add3A_771 = arith.addi %add3A_766, %select_n3A_770 : vector<16xi32>
        %sub3A_772 = arith.subf %gather3A_715, %gather3A_692 : vector<16xf32>
        %abs3A_773 = math.absf %sub3A_772 : vector<16xf32>
        %min3A_774 = arith.minimumf %min3A_670, %abs3A_773 : vector<16xf32>
        %add3A_775 = arith.addi %add3A_676, %add3A_676 : vector<16xi32>
        %gt3A_776 = arith.constant 0.000000e+00 : f32
        %gt3A_777 = vector.broadcast %gt3A_776 : f32 to vector<16xf32>
        %gt3A_778 = arith.cmpf ogt, %sub3A_772, %gt3A_777 : vector<16xf32>
        %select_n3A_779 = arith.select %gt3A_778, %add3A_190, %add3A_187 : vector<16xi1>, vector<16xi32>
        %add3A_780 = arith.addi %add3A_775, %select_n3A_779 : vector<16xi32>
        %sub3A_781 = arith.subf %gather3A_717, %gather3A_693 : vector<16xf32>
        %abs3A_782 = math.absf %sub3A_781 : vector<16xf32>
        %min3A_783 = arith.minimumf %min3A_679, %abs3A_782 : vector<16xf32>
        %add3A_784 = arith.addi %add3A_685, %add3A_685 : vector<16xi32>
        %gt3A_785 = arith.constant 0.000000e+00 : f32
        %gt3A_786 = vector.broadcast %gt3A_785 : f32 to vector<16xf32>
        %gt3A_787 = arith.cmpf ogt, %sub3A_781, %gt3A_786 : vector<16xf32>
        %select_n3A_788 = arith.select %gt3A_787, %add3A_190, %add3A_187 : vector<16xi1>, vector<16xi32>
        %add3A_789 = arith.addi %add3A_784, %select_n3A_788 : vector<16xi32>
        %gather3A_790 = tpu.vector_load_idx %arg8[%add3A_726] : memref<4096xf32, #tpu.memory_space<vmem>>[vector<16xi32>], vector<16xf32>,
        %gather3A_791 = tpu.vector_load_idx %arg8[%add3A_735] : memref<4096xf32, #tpu.memory_space<vmem>>[vector<16xi32>], vector<16xf32>,
        %gather3A_792 = tpu.vector_load_idx %arg8[%add3A_744] : memref<4096xf32, #tpu.memory_space<vmem>>[vector<16xi32>], vector<16xf32>,
        %gather3A_793 = tpu.vector_load_idx %arg8[%add3A_753] : memref<4096xf32, #tpu.memory_space<vmem>>[vector<16xi32>], vector<16xf32>,
        %gather3A_794 = tpu.vector_load_idx %arg8[%add3A_762] : memref<4096xf32, #tpu.memory_space<vmem>>[vector<16xi32>], vector<16xf32>,
        %gather3A_795 = tpu.vector_load_idx %arg8[%add3A_771] : memref<4096xf32, #tpu.memory_space<vmem>>[vector<16xi32>], vector<16xf32>,
        %gather3A_796 = tpu.vector_load_idx %arg8[%add3A_780] : memref<4096xf32, #tpu.memory_space<vmem>>[vector<16xi32>], vector<16xf32>,
        %gather3A_797 = tpu.vector_load_idx %arg8[%add3A_789] : memref<4096xf32, #tpu.memory_space<vmem>>[vector<16xi32>], vector<16xf32>,
        %gather3A_798 = tpu.vector_load_idx %arg9[%add3A_726] : memref<4096xi32, #tpu.memory_space<vmem>>[vector<16xi32>], vector<16xi32>,
        %gather3A_799 = tpu.vector_load_idx %arg9[%add3A_735] : memref<4096xi32, #tpu.memory_space<vmem>>[vector<16xi32>], vector<16xi32>,
        %gather3A_800 = tpu.vector_load_idx %arg9[%add3A_744] : memref<4096xi32, #tpu.memory_space<vmem>>[vector<16xi32>], vector<16xi32>,
        %gather3A_801 = tpu.vector_load_idx %arg9[%add3A_753] : memref<4096xi32, #tpu.memory_space<vmem>>[vector<16xi32>], vector<16xi32>,
        %gather3A_802 = tpu.vector_load_idx %arg9[%add3A_762] : memref<4096xi32, #tpu.memory_space<vmem>>[vector<16xi32>], vector<16xi32>,
        %gather3A_803 = tpu.vector_load_idx %arg9[%add3A_771] : memref<4096xi32, #tpu.memory_space<vmem>>[vector<16xi32>], vector<16xi32>,
        %gather3A_804 = tpu.vector_load_idx %arg9[%add3A_780] : memref<4096xi32, #tpu.memory_space<vmem>>[vector<16xi32>], vector<16xi32>,
        %gather3A_805 = tpu.vector_load_idx %arg9[%add3A_789] : memref<4096xi32, #tpu.memory_space<vmem>>[vector<16xi32>], vector<16xi32>,
        %add3A_806 = arith.addi %mul3A_11, %gather3A_798 : vector<16xi32>
        %gather3A_807 = tpu.vector_load_idx %arg7[%add3A_806] : memref<32896xf32, #tpu.memory_space<vmem>>[vector<16xi32>], vector<16xf32>,
        %add3A_808 = arith.addi %mul3A_17, %gather3A_799 : vector<16xi32>
        %gather3A_809 = tpu.vector_load_idx %arg7[%add3A_808] : memref<32896xf32, #tpu.memory_space<vmem>>[vector<16xi32>], vector<16xf32>,
        %add3A_810 = arith.addi %mul3A_23, %gather3A_800 : vector<16xi32>
        %gather3A_811 = tpu.vector_load_idx %arg7[%add3A_810] : memref<32896xf32, #tpu.memory_space<vmem>>[vector<16xi32>], vector<16xf32>,
        %add3A_812 = arith.addi %mul3A_29, %gather3A_801 : vector<16xi32>
        %gather3A_813 = tpu.vector_load_idx %arg7[%add3A_812] : memref<32896xf32, #tpu.memory_space<vmem>>[vector<16xi32>], vector<16xf32>,
        %add3A_814 = arith.addi %mul3A_35, %gather3A_802 : vector<16xi32>
        %gather3A_815 = tpu.vector_load_idx %arg7[%add3A_814] : memref<32896xf32, #tpu.memory_space<vmem>>[vector<16xi32>], vector<16xf32>,
        %add3A_816 = arith.addi %mul3A_41, %gather3A_803 : vector<16xi32>
        %gather3A_817 = tpu.vector_load_idx %arg7[%add3A_816] : memref<32896xf32, #tpu.memory_space<vmem>>[vector<16xi32>], vector<16xf32>,
        %add3A_818 = arith.addi %mul3A_47, %gather3A_804 : vector<16xi32>
        %gather3A_819 = tpu.vector_load_idx %arg7[%add3A_818] : memref<32896xf32, #tpu.memory_space<vmem>>[vector<16xi32>], vector<16xf32>,
        %add3A_820 = arith.addi %mul3A_53, %gather3A_805 : vector<16xi32>
        %gather3A_821 = tpu.vector_load_idx %arg7[%add3A_820] : memref<32896xf32, #tpu.memory_space<vmem>>[vector<16xi32>], vector<16xf32>,
        %sub3A_822 = arith.subf %gather3A_807, %gather3A_790 : vector<16xf32>
        %abs3A_823 = math.absf %sub3A_822 : vector<16xf32>
        %min3A_824 = arith.minimumf %min3A_720, %abs3A_823 : vector<16xf32>
        %add3A_825 = arith.addi %add3A_726, %add3A_726 : vector<16xi32>
        %gt3A_826 = arith.constant 0.000000e+00 : f32
        %gt3A_827 = vector.broadcast %gt3A_826 : f32 to vector<16xf32>
        %gt3A_828 = arith.cmpf ogt, %sub3A_822, %gt3A_827 : vector<16xf32>
        %select_n3A_829 = arith.select %gt3A_828, %add3A_190, %add3A_187 : vector<16xi1>, vector<16xi32>
        %add3A_830 = arith.addi %add3A_825, %select_n3A_829 : vector<16xi32>
        %sub3A_831 = arith.subf %gather3A_809, %gather3A_791 : vector<16xf32>
        %abs3A_832 = math.absf %sub3A_831 : vector<16xf32>
        %min3A_833 = arith.minimumf %min3A_729, %abs3A_832 : vector<16xf32>
        %add3A_834 = arith.addi %add3A_735, %add3A_735 : vector<16xi32>
        %gt3A_835 = arith.constant 0.000000e+00 : f32
        %gt3A_836 = vector.broadcast %gt3A_835 : f32 to vector<16xf32>
        %gt3A_837 = arith.cmpf ogt, %sub3A_831, %gt3A_836 : vector<16xf32>
        %select_n3A_838 = arith.select %gt3A_837, %add3A_190, %add3A_187 : vector<16xi1>, vector<16xi32>
        %add3A_839 = arith.addi %add3A_834, %select_n3A_838 : vector<16xi32>
        %sub3A_840 = arith.subf %gather3A_811, %gather3A_792 : vector<16xf32>
        %abs3A_841 = math.absf %sub3A_840 : vector<16xf32>
        %min3A_842 = arith.minimumf %min3A_738, %abs3A_841 : vector<16xf32>
        %add3A_843 = arith.addi %add3A_744, %add3A_744 : vector<16xi32>
        %gt3A_844 = arith.constant 0.000000e+00 : f32
        %gt3A_845 = vector.broadcast %gt3A_844 : f32 to vector<16xf32>
        %gt3A_846 = arith.cmpf ogt, %sub3A_840, %gt3A_845 : vector<16xf32>
        %select_n3A_847 = arith.select %gt3A_846, %add3A_190, %add3A_187 : vector<16xi1>, vector<16xi32>
        %add3A_848 = arith.addi %add3A_843, %select_n3A_847 : vector<16xi32>
        %sub3A_849 = arith.subf %gather3A_813, %gather3A_793 : vector<16xf32>
        %abs3A_850 = math.absf %sub3A_849 : vector<16xf32>
        %min3A_851 = arith.minimumf %min3A_747, %abs3A_850 : vector<16xf32>
        %add3A_852 = arith.addi %add3A_753, %add3A_753 : vector<16xi32>
        %gt3A_853 = arith.constant 0.000000e+00 : f32
        %gt3A_854 = vector.broadcast %gt3A_853 : f32 to vector<16xf32>
        %gt3A_855 = arith.cmpf ogt, %sub3A_849, %gt3A_854 : vector<16xf32>
        %select_n3A_856 = arith.select %gt3A_855, %add3A_190, %add3A_187 : vector<16xi1>, vector<16xi32>
        %add3A_857 = arith.addi %add3A_852, %select_n3A_856 : vector<16xi32>
        %sub3A_858 = arith.subf %gather3A_815, %gather3A_794 : vector<16xf32>
        %abs3A_859 = math.absf %sub3A_858 : vector<16xf32>
        %min3A_860 = arith.minimumf %min3A_756, %abs3A_859 : vector<16xf32>
        %add3A_861 = arith.addi %add3A_762, %add3A_762 : vector<16xi32>
        %gt3A_862 = arith.constant 0.000000e+00 : f32
        %gt3A_863 = vector.broadcast %gt3A_862 : f32 to vector<16xf32>
        %gt3A_864 = arith.cmpf ogt, %sub3A_858, %gt3A_863 : vector<16xf32>
        %select_n3A_865 = arith.select %gt3A_864, %add3A_190, %add3A_187 : vector<16xi1>, vector<16xi32>
        %add3A_866 = arith.addi %add3A_861, %select_n3A_865 : vector<16xi32>
        %sub3A_867 = arith.subf %gather3A_817, %gather3A_795 : vector<16xf32>
        %abs3A_868 = math.absf %sub3A_867 : vector<16xf32>
        %min3A_869 = arith.minimumf %min3A_765, %abs3A_868 : vector<16xf32>
        %add3A_870 = arith.addi %add3A_771, %add3A_771 : vector<16xi32>
        %gt3A_871 = arith.constant 0.000000e+00 : f32
        %gt3A_872 = vector.broadcast %gt3A_871 : f32 to vector<16xf32>
        %gt3A_873 = arith.cmpf ogt, %sub3A_867, %gt3A_872 : vector<16xf32>
        %select_n3A_874 = arith.select %gt3A_873, %add3A_190, %add3A_187 : vector<16xi1>, vector<16xi32>
        %add3A_875 = arith.addi %add3A_870, %select_n3A_874 : vector<16xi32>
        %sub3A_876 = arith.subf %gather3A_819, %gather3A_796 : vector<16xf32>
        %abs3A_877 = math.absf %sub3A_876 : vector<16xf32>
        %min3A_878 = arith.minimumf %min3A_774, %abs3A_877 : vector<16xf32>
        %add3A_879 = arith.addi %add3A_780, %add3A_780 : vector<16xi32>
        %gt3A_880 = arith.constant 0.000000e+00 : f32
        %gt3A_881 = vector.broadcast %gt3A_880 : f32 to vector<16xf32>
        %gt3A_882 = arith.cmpf ogt, %sub3A_876, %gt3A_881 : vector<16xf32>
        %select_n3A_883 = arith.select %gt3A_882, %add3A_190, %add3A_187 : vector<16xi1>, vector<16xi32>
        %add3A_884 = arith.addi %add3A_879, %select_n3A_883 : vector<16xi32>
        %sub3A_885 = arith.subf %gather3A_821, %gather3A_797 : vector<16xf32>
        %abs3A_886 = math.absf %sub3A_885 : vector<16xf32>
        %min3A_887 = arith.minimumf %min3A_783, %abs3A_886 : vector<16xf32>
        %add3A_888 = arith.addi %add3A_789, %add3A_789 : vector<16xi32>
        %gt3A_889 = arith.constant 0.000000e+00 : f32
        %gt3A_890 = vector.broadcast %gt3A_889 : f32 to vector<16xf32>
        %gt3A_891 = arith.cmpf ogt, %sub3A_885, %gt3A_890 : vector<16xf32>
        %select_n3A_892 = arith.select %gt3A_891, %add3A_190, %add3A_187 : vector<16xi1>, vector<16xi32>
        %add3A_893 = arith.addi %add3A_888, %select_n3A_892 : vector<16xi32>
        %gather3A_894 = tpu.vector_load_idx %arg8[%add3A_830] : memref<4096xf32, #tpu.memory_space<vmem>>[vector<16xi32>], vector<16xf32>,
        %gather3A_895 = tpu.vector_load_idx %arg8[%add3A_839] : memref<4096xf32, #tpu.memory_space<vmem>>[vector<16xi32>], vector<16xf32>,
        %gather3A_896 = tpu.vector_load_idx %arg8[%add3A_848] : memref<4096xf32, #tpu.memory_space<vmem>>[vector<16xi32>], vector<16xf32>,
        %gather3A_897 = tpu.vector_load_idx %arg8[%add3A_857] : memref<4096xf32, #tpu.memory_space<vmem>>[vector<16xi32>], vector<16xf32>,
        %gather3A_898 = tpu.vector_load_idx %arg8[%add3A_866] : memref<4096xf32, #tpu.memory_space<vmem>>[vector<16xi32>], vector<16xf32>,
        %gather3A_899 = tpu.vector_load_idx %arg8[%add3A_875] : memref<4096xf32, #tpu.memory_space<vmem>>[vector<16xi32>], vector<16xf32>,
        %gather3A_900 = tpu.vector_load_idx %arg8[%add3A_884] : memref<4096xf32, #tpu.memory_space<vmem>>[vector<16xi32>], vector<16xf32>,
        %gather3A_901 = tpu.vector_load_idx %arg8[%add3A_893] : memref<4096xf32, #tpu.memory_space<vmem>>[vector<16xi32>], vector<16xf32>,
        %gather3A_902 = tpu.vector_load_idx %arg9[%add3A_830] : memref<4096xi32, #tpu.memory_space<vmem>>[vector<16xi32>], vector<16xi32>,
        %gather3A_903 = tpu.vector_load_idx %arg9[%add3A_839] : memref<4096xi32, #tpu.memory_space<vmem>>[vector<16xi32>], vector<16xi32>,
        %gather3A_904 = tpu.vector_load_idx %arg9[%add3A_848] : memref<4096xi32, #tpu.memory_space<vmem>>[vector<16xi32>], vector<16xi32>,
        %gather3A_905 = tpu.vector_load_idx %arg9[%add3A_857] : memref<4096xi32, #tpu.memory_space<vmem>>[vector<16xi32>], vector<16xi32>,
        %gather3A_906 = tpu.vector_load_idx %arg9[%add3A_866] : memref<4096xi32, #tpu.memory_space<vmem>>[vector<16xi32>], vector<16xi32>,
        %gather3A_907 = tpu.vector_load_idx %arg9[%add3A_875] : memref<4096xi32, #tpu.memory_space<vmem>>[vector<16xi32>], vector<16xi32>,
        %gather3A_908 = tpu.vector_load_idx %arg9[%add3A_884] : memref<4096xi32, #tpu.memory_space<vmem>>[vector<16xi32>], vector<16xi32>,
        %gather3A_909 = tpu.vector_load_idx %arg9[%add3A_893] : memref<4096xi32, #tpu.memory_space<vmem>>[vector<16xi32>], vector<16xi32>,
        %add3A_910 = arith.addi %mul3A_11, %gather3A_902 : vector<16xi32>
        %gather3A_911 = tpu.vector_load_idx %arg7[%add3A_910] : memref<32896xf32, #tpu.memory_space<vmem>>[vector<16xi32>], vector<16xf32>,
        %add3A_912 = arith.addi %mul3A_17, %gather3A_903 : vector<16xi32>
        %gather3A_913 = tpu.vector_load_idx %arg7[%add3A_912] : memref<32896xf32, #tpu.memory_space<vmem>>[vector<16xi32>], vector<16xf32>,
        %add3A_914 = arith.addi %mul3A_23, %gather3A_904 : vector<16xi32>
        %gather3A_915 = tpu.vector_load_idx %arg7[%add3A_914] : memref<32896xf32, #tpu.memory_space<vmem>>[vector<16xi32>], vector<16xf32>,
        %add3A_916 = arith.addi %mul3A_29, %gather3A_905 : vector<16xi32>
        %gather3A_917 = tpu.vector_load_idx %arg7[%add3A_916] : memref<32896xf32, #tpu.memory_space<vmem>>[vector<16xi32>], vector<16xf32>,
        %add3A_918 = arith.addi %mul3A_35, %gather3A_906 : vector<16xi32>
        %gather3A_919 = tpu.vector_load_idx %arg7[%add3A_918] : memref<32896xf32, #tpu.memory_space<vmem>>[vector<16xi32>], vector<16xf32>,
        %add3A_920 = arith.addi %mul3A_41, %gather3A_907 : vector<16xi32>
        %gather3A_921 = tpu.vector_load_idx %arg7[%add3A_920] : memref<32896xf32, #tpu.memory_space<vmem>>[vector<16xi32>], vector<16xf32>,
        %add3A_922 = arith.addi %mul3A_47, %gather3A_908 : vector<16xi32>
        %gather3A_923 = tpu.vector_load_idx %arg7[%add3A_922] : memref<32896xf32, #tpu.memory_space<vmem>>[vector<16xi32>], vector<16xf32>,
        %add3A_924 = arith.addi %mul3A_53, %gather3A_909 : vector<16xi32>
        %gather3A_925 = tpu.vector_load_idx %arg7[%add3A_924] : memref<32896xf32, #tpu.memory_space<vmem>>[vector<16xi32>], vector<16xf32>,
        %sub3A_926 = arith.subf %gather3A_911, %gather3A_894 : vector<16xf32>
        %abs3A_927 = math.absf %sub3A_926 : vector<16xf32>
        %min3A_928 = arith.minimumf %min3A_824, %abs3A_927 : vector<16xf32>
        %add3A_929 = arith.addi %add3A_830, %add3A_830 : vector<16xi32>
        %gt3A_930 = arith.constant 0.000000e+00 : f32
        %gt3A_931 = vector.broadcast %gt3A_930 : f32 to vector<16xf32>
        %gt3A_932 = arith.cmpf ogt, %sub3A_926, %gt3A_931 : vector<16xf32>
        %select_n3A_933 = arith.select %gt3A_932, %add3A_196, %sub3A_193 : vector<16xi1>, vector<16xi32>
        %add3A_934 = arith.addi %add3A_929, %select_n3A_933 : vector<16xi32>
        %sub3A_935 = arith.subf %gather3A_913, %gather3A_895 : vector<16xf32>
        %abs3A_936 = math.absf %sub3A_935 : vector<16xf32>
        %min3A_937 = arith.minimumf %min3A_833, %abs3A_936 : vector<16xf32>
        %add3A_938 = arith.addi %add3A_839, %add3A_839 : vector<16xi32>
        %gt3A_939 = arith.constant 0.000000e+00 : f32
        %gt3A_940 = vector.broadcast %gt3A_939 : f32 to vector<16xf32>
        %gt3A_941 = arith.cmpf ogt, %sub3A_935, %gt3A_940 : vector<16xf32>
        %select_n3A_942 = arith.select %gt3A_941, %add3A_196, %sub3A_193 : vector<16xi1>, vector<16xi32>
        %add3A_943 = arith.addi %add3A_938, %select_n3A_942 : vector<16xi32>
        %sub3A_944 = arith.subf %gather3A_915, %gather3A_896 : vector<16xf32>
        %abs3A_945 = math.absf %sub3A_944 : vector<16xf32>
        %min3A_946 = arith.minimumf %min3A_842, %abs3A_945 : vector<16xf32>
        %add3A_947 = arith.addi %add3A_848, %add3A_848 : vector<16xi32>
        %gt3A_948 = arith.constant 0.000000e+00 : f32
        %gt3A_949 = vector.broadcast %gt3A_948 : f32 to vector<16xf32>
        %gt3A_950 = arith.cmpf ogt, %sub3A_944, %gt3A_949 : vector<16xf32>
        %select_n3A_951 = arith.select %gt3A_950, %add3A_196, %sub3A_193 : vector<16xi1>, vector<16xi32>
        %add3A_952 = arith.addi %add3A_947, %select_n3A_951 : vector<16xi32>
        %sub3A_953 = arith.subf %gather3A_917, %gather3A_897 : vector<16xf32>
        %abs3A_954 = math.absf %sub3A_953 : vector<16xf32>
        %min3A_955 = arith.minimumf %min3A_851, %abs3A_954 : vector<16xf32>
        %add3A_956 = arith.addi %add3A_857, %add3A_857 : vector<16xi32>
        %gt3A_957 = arith.constant 0.000000e+00 : f32
        %gt3A_958 = vector.broadcast %gt3A_957 : f32 to vector<16xf32>
        %gt3A_959 = arith.cmpf ogt, %sub3A_953, %gt3A_958 : vector<16xf32>
        %select_n3A_960 = arith.select %gt3A_959, %add3A_196, %sub3A_193 : vector<16xi1>, vector<16xi32>
        %add3A_961 = arith.addi %add3A_956, %select_n3A_960 : vector<16xi32>
        %sub3A_962 = arith.subf %gather3A_919, %gather3A_898 : vector<16xf32>
        %abs3A_963 = math.absf %sub3A_962 : vector<16xf32>
        %min3A_964 = arith.minimumf %min3A_860, %abs3A_963 : vector<16xf32>
        %add3A_965 = arith.addi %add3A_866, %add3A_866 : vector<16xi32>
        %gt3A_966 = arith.constant 0.000000e+00 : f32
        %gt3A_967 = vector.broadcast %gt3A_966 : f32 to vector<16xf32>
        %gt3A_968 = arith.cmpf ogt, %sub3A_962, %gt3A_967 : vector<16xf32>
        %select_n3A_969 = arith.select %gt3A_968, %add3A_196, %sub3A_193 : vector<16xi1>, vector<16xi32>
        %add3A_970 = arith.addi %add3A_965, %select_n3A_969 : vector<16xi32>
        %sub3A_971 = arith.subf %gather3A_921, %gather3A_899 : vector<16xf32>
        %abs3A_972 = math.absf %sub3A_971 : vector<16xf32>
        %min3A_973 = arith.minimumf %min3A_869, %abs3A_972 : vector<16xf32>
        %add3A_974 = arith.addi %add3A_875, %add3A_875 : vector<16xi32>
        %gt3A_975 = arith.constant 0.000000e+00 : f32
        %gt3A_976 = vector.broadcast %gt3A_975 : f32 to vector<16xf32>
        %gt3A_977 = arith.cmpf ogt, %sub3A_971, %gt3A_976 : vector<16xf32>
        %select_n3A_978 = arith.select %gt3A_977, %add3A_196, %sub3A_193 : vector<16xi1>, vector<16xi32>
        %add3A_979 = arith.addi %add3A_974, %select_n3A_978 : vector<16xi32>
        %sub3A_980 = arith.subf %gather3A_923, %gather3A_900 : vector<16xf32>
        %abs3A_981 = math.absf %sub3A_980 : vector<16xf32>
        %min3A_982 = arith.minimumf %min3A_878, %abs3A_981 : vector<16xf32>
        %add3A_983 = arith.addi %add3A_884, %add3A_884 : vector<16xi32>
        %gt3A_984 = arith.constant 0.000000e+00 : f32
        %gt3A_985 = vector.broadcast %gt3A_984 : f32 to vector<16xf32>
        %gt3A_986 = arith.cmpf ogt, %sub3A_980, %gt3A_985 : vector<16xf32>
        %select_n3A_987 = arith.select %gt3A_986, %add3A_196, %sub3A_193 : vector<16xi1>, vector<16xi32>
        %add3A_988 = arith.addi %add3A_983, %select_n3A_987 : vector<16xi32>
        %sub3A_989 = arith.subf %gather3A_925, %gather3A_901 : vector<16xf32>
        %abs3A_990 = math.absf %sub3A_989 : vector<16xf32>
        %min3A_991 = arith.minimumf %min3A_887, %abs3A_990 : vector<16xf32>
        %add3A_992 = arith.addi %add3A_893, %add3A_893 : vector<16xi32>
        %gt3A_993 = arith.constant 0.000000e+00 : f32
        %gt3A_994 = vector.broadcast %gt3A_993 : f32 to vector<16xf32>
        %gt3A_995 = arith.cmpf ogt, %sub3A_989, %gt3A_994 : vector<16xf32>
        %select_n3A_996 = arith.select %gt3A_995, %add3A_196, %sub3A_193 : vector<16xi1>, vector<16xi32>
        %add3A_997 = arith.addi %add3A_992, %select_n3A_996 : vector<16xi32>
        %gather3A_998 = tpu.vector_load_idx %arg10[%add3A_934] : memref<4096xf32, #tpu.memory_space<vmem>>[vector<16xi32>], vector<16xf32>,
        %gather3A_999 = tpu.vector_load_idx %arg10[%add3A_943] : memref<4096xf32, #tpu.memory_space<vmem>>[vector<16xi32>], vector<16xf32>,
        %gather3A_1000 = tpu.vector_load_idx %arg10[%add3A_952] : memref<4096xf32, #tpu.memory_space<vmem>>[vector<16xi32>], vector<16xf32>,
        %gather3A_1001 = tpu.vector_load_idx %arg10[%add3A_961] : memref<4096xf32, #tpu.memory_space<vmem>>[vector<16xi32>], vector<16xf32>,
        %gather3A_1002 = tpu.vector_load_idx %arg10[%add3A_970] : memref<4096xf32, #tpu.memory_space<vmem>>[vector<16xi32>], vector<16xf32>,
        %gather3A_1003 = tpu.vector_load_idx %arg10[%add3A_979] : memref<4096xf32, #tpu.memory_space<vmem>>[vector<16xi32>], vector<16xf32>,
        %gather3A_1004 = tpu.vector_load_idx %arg10[%add3A_988] : memref<4096xf32, #tpu.memory_space<vmem>>[vector<16xi32>], vector<16xf32>,
        %gather3A_1005 = tpu.vector_load_idx %arg10[%add3A_997] : memref<4096xf32, #tpu.memory_space<vmem>>[vector<16xi32>], vector<16xf32>,
        %add3A_1006 = arith.constant 0 : i32
        %add3A_1007 = vector.broadcast %add3A_1006 : i32 to vector<16xi32>
        %add3A_1008 = arith.addi %add3A_184, %add3A_1007 : vector<16xi32>
        %mul3A_1009 = arith.mulf %gather3A_998, %min3A_928 : vector<16xf32>
        tpu.vector_store_idx %arg14[%add3A_1008], %mul3A_1009 : memref<65536xf32, #tpu.memory_space<vmem>>[vector<16xi32>], vector<16xf32>,
        %add3A_1010 = arith.constant 16 : i32
        %add3A_1011 = vector.broadcast %add3A_1010 : i32 to vector<16xi32>
        %add3A_1012 = arith.addi %add3A_184, %add3A_1011 : vector<16xi32>
        %mul3A_1013 = arith.mulf %gather3A_999, %min3A_937 : vector<16xf32>
        tpu.vector_store_idx %arg14[%add3A_1012], %mul3A_1013 : memref<65536xf32, #tpu.memory_space<vmem>>[vector<16xi32>], vector<16xf32>,
        %add3A_1014 = arith.constant 32 : i32
        %add3A_1015 = vector.broadcast %add3A_1014 : i32 to vector<16xi32>
        %add3A_1016 = arith.addi %add3A_184, %add3A_1015 : vector<16xi32>
        %mul3A_1017 = arith.mulf %gather3A_1000, %min3A_946 : vector<16xf32>
        tpu.vector_store_idx %arg14[%add3A_1016], %mul3A_1017 : memref<65536xf32, #tpu.memory_space<vmem>>[vector<16xi32>], vector<16xf32>,
        %add3A_1018 = arith.constant 48 : i32
        %add3A_1019 = vector.broadcast %add3A_1018 : i32 to vector<16xi32>
        %add3A_1020 = arith.addi %add3A_184, %add3A_1019 : vector<16xi32>
        %mul3A_1021 = arith.mulf %gather3A_1001, %min3A_955 : vector<16xf32>
        tpu.vector_store_idx %arg14[%add3A_1020], %mul3A_1021 : memref<65536xf32, #tpu.memory_space<vmem>>[vector<16xi32>], vector<16xf32>,
        %add3A_1022 = arith.constant 64 : i32
        %add3A_1023 = vector.broadcast %add3A_1022 : i32 to vector<16xi32>
        %add3A_1024 = arith.addi %add3A_184, %add3A_1023 : vector<16xi32>
        %mul3A_1025 = arith.mulf %gather3A_1002, %min3A_964 : vector<16xf32>
        tpu.vector_store_idx %arg14[%add3A_1024], %mul3A_1025 : memref<65536xf32, #tpu.memory_space<vmem>>[vector<16xi32>], vector<16xf32>,
        %add3A_1026 = arith.constant 80 : i32
        %add3A_1027 = vector.broadcast %add3A_1026 : i32 to vector<16xi32>
        %add3A_1028 = arith.addi %add3A_184, %add3A_1027 : vector<16xi32>
        %mul3A_1029 = arith.mulf %gather3A_1003, %min3A_973 : vector<16xf32>
        tpu.vector_store_idx %arg14[%add3A_1028], %mul3A_1029 : memref<65536xf32, #tpu.memory_space<vmem>>[vector<16xi32>], vector<16xf32>,
        %add3A_1030 = arith.constant 96 : i32
        %add3A_1031 = vector.broadcast %add3A_1030 : i32 to vector<16xi32>
        %add3A_1032 = arith.addi %add3A_184, %add3A_1031 : vector<16xi32>
        %mul3A_1033 = arith.mulf %gather3A_1004, %min3A_982 : vector<16xf32>
        tpu.vector_store_idx %arg14[%add3A_1032], %mul3A_1033 : memref<65536xf32, #tpu.memory_space<vmem>>[vector<16xi32>], vector<16xf32>,
        %add3A_1034 = arith.constant 112 : i32
        %add3A_1035 = vector.broadcast %add3A_1034 : i32 to vector<16xi32>
        %add3A_1036 = arith.addi %add3A_184, %add3A_1035 : vector<16xi32>
        %mul3A_1037 = arith.mulf %gather3A_1005, %min3A_991 : vector<16xf32>
        tpu.vector_store_idx %arg14[%add3A_1036], %mul3A_1037 : memref<65536xf32, #tpu.memory_space<vmem>>[vector<16xi32>], vector<16xf32>,
        %mul3A_1038 = arith.constant 2 : i32
        %mul3A_1039 = arith.muli %mul3A_1038, %scan3A_175 : i32
        %add3A_1040 = arith.constant 1 : i32
        %add3A_1041 = arith.addi %mul3A_1039, %add3A_1040 : i32
        %mul3A_1042 = arith.constant 256 : i32
        %mul3A_1043 = arith.muli %add3A_1041, %mul3A_1042 : i32
        %add3A_1044 = arith.addi %mul3A_123, %add3A_1041 : i32
        %mul3A_1045 = arith.constant 128 : i32
        %mul3A_1046 = arith.muli %add3A_1044, %mul3A_1045 : i32
        %add3A_1047 = vector.broadcast %mul3A_1046 : i32 to vector<16xi32>
        %add3A_1048 = arith.addi %iota3A, %add3A_1047 : vector<16xi32>
        %sub3A_1049 = arith.constant 1 : i32
        %sub3A_1050 = arith.subi %sub3A_1049, %mul3A_1043 : i32
        %add3A_1051 = vector.broadcast %sub3A_1050 : i32 to vector<16xi32>
        %add3A_1052 = arith.addi %broadcast_in_dim3A_5, %add3A_1051 : vector<16xi32>
        %add3A_1053 = arith.constant 1 : i32
        %add3A_1054 = vector.broadcast %add3A_1053 : i32 to vector<16xi32>
        %add3A_1055 = arith.addi %add3A_1052, %add3A_1054 : vector<16xi32>
        %sub3A_1056 = arith.constant 255 : i32
        %sub3A_1057 = vector.broadcast %sub3A_1056 : i32 to vector<16xi32>
        %sub3A_1058 = arith.subi %add3A_1052, %sub3A_1057 : vector<16xi32>
        %add3A_1059 = arith.constant 1 : i32
        %add3A_1060 = vector.broadcast %add3A_1059 : i32 to vector<16xi32>
        %add3A_1061 = arith.addi %sub3A_1058, %add3A_1060 : vector<16xi32>
        %add3A_1062 = arith.constant 1 : i32
        %add3A_1063 = arith.addi %mul3A_1043, %add3A_1062 : i32
        %add3A_1064 = vector.broadcast %add3A_1063 : i32 to vector<16xi32>
        %add3A_1065 = arith.addi %broadcast_in_dim3A_5, %add3A_1064 : vector<16xi32>
        %add3A_1066 = arith.constant 1 : i32
        %add3A_1067 = vector.broadcast %add3A_1066 : i32 to vector<16xi32>
        %add3A_1068 = arith.addi %add3A_1065, %add3A_1067 : vector<16xi32>
        %add3A_1069 = vector.broadcast %mul3A_1043 : i32 to vector<16xi32>
        %add3A_1070 = arith.addi %broadcast_in_dim3A_5, %add3A_1069 : vector<16xi32>
        %gather3A_1071 = tpu.vector_load_idx %arg8[%add3A_1070] : memref<4096xf32, #tpu.memory_space<vmem>>[vector<16xi32>], vector<16xf32>,
        %add3A_1072 = vector.broadcast %mul3A_1043 : i32 to vector<16xi32>
        %add3A_1073 = arith.addi %broadcast_in_dim3A_5, %add3A_1072 : vector<16xi32>
        %gather3A_1074 = tpu.vector_load_idx %arg9[%add3A_1073] : memref<4096xi32, #tpu.memory_space<vmem>>[vector<16xi32>], vector<16xi32>,
        %add3A_1075 = arith.addi %mul3A_11, %gather3A_1074 : vector<16xi32>
        %gather3A_1076 = tpu.vector_load_idx %arg7[%add3A_1075] : memref<32896xf32, #tpu.memory_space<vmem>>[vector<16xi32>], vector<16xf32>,
        %add3A_1077 = arith.addi %mul3A_17, %gather3A_1074 : vector<16xi32>
        %gather3A_1078 = tpu.vector_load_idx %arg7[%add3A_1077] : memref<32896xf32, #tpu.memory_space<vmem>>[vector<16xi32>], vector<16xf32>,
        %add3A_1079 = arith.addi %mul3A_23, %gather3A_1074 : vector<16xi32>
        %gather3A_1080 = tpu.vector_load_idx %arg7[%add3A_1079] : memref<32896xf32, #tpu.memory_space<vmem>>[vector<16xi32>], vector<16xf32>,
        %add3A_1081 = arith.addi %mul3A_29, %gather3A_1074 : vector<16xi32>
        %gather3A_1082 = tpu.vector_load_idx %arg7[%add3A_1081] : memref<32896xf32, #tpu.memory_space<vmem>>[vector<16xi32>], vector<16xf32>,
        %add3A_1083 = arith.addi %mul3A_35, %gather3A_1074 : vector<16xi32>
        %gather3A_1084 = tpu.vector_load_idx %arg7[%add3A_1083] : memref<32896xf32, #tpu.memory_space<vmem>>[vector<16xi32>], vector<16xf32>,
        %add3A_1085 = arith.addi %mul3A_41, %gather3A_1074 : vector<16xi32>
        %gather3A_1086 = tpu.vector_load_idx %arg7[%add3A_1085] : memref<32896xf32, #tpu.memory_space<vmem>>[vector<16xi32>], vector<16xf32>,
        %add3A_1087 = arith.addi %mul3A_47, %gather3A_1074 : vector<16xi32>
        %gather3A_1088 = tpu.vector_load_idx %arg7[%add3A_1087] : memref<32896xf32, #tpu.memory_space<vmem>>[vector<16xi32>], vector<16xf32>,
        %add3A_1089 = arith.addi %mul3A_53, %gather3A_1074 : vector<16xi32>
        %gather3A_1090 = tpu.vector_load_idx %arg7[%add3A_1089] : memref<32896xf32, #tpu.memory_space<vmem>>[vector<16xi32>], vector<16xf32>,
        %sub3A_1091 = arith.subf %gather3A_1076, %gather3A_1071 : vector<16xf32>
        %sub3A_1092 = arith.subf %gather3A_1078, %gather3A_1071 : vector<16xf32>
        %sub3A_1093 = arith.subf %gather3A_1080, %gather3A_1071 : vector<16xf32>
        %sub3A_1094 = arith.subf %gather3A_1082, %gather3A_1071 : vector<16xf32>
        %sub3A_1095 = arith.subf %gather3A_1084, %gather3A_1071 : vector<16xf32>
        %sub3A_1096 = arith.subf %gather3A_1086, %gather3A_1071 : vector<16xf32>
        %sub3A_1097 = arith.subf %gather3A_1088, %gather3A_1071 : vector<16xf32>
        %sub3A_1098 = arith.subf %gather3A_1090, %gather3A_1071 : vector<16xf32>
        %abs3A_1099 = math.absf %sub3A_1091 : vector<16xf32>
        %abs3A_1100 = math.absf %sub3A_1092 : vector<16xf32>
        %abs3A_1101 = math.absf %sub3A_1093 : vector<16xf32>
        %abs3A_1102 = math.absf %sub3A_1094 : vector<16xf32>
        %abs3A_1103 = math.absf %sub3A_1095 : vector<16xf32>
        %abs3A_1104 = math.absf %sub3A_1096 : vector<16xf32>
        %abs3A_1105 = math.absf %sub3A_1097 : vector<16xf32>
        %abs3A_1106 = math.absf %sub3A_1098 : vector<16xf32>
        %gt3A_1107 = arith.constant 0.000000e+00 : f32
        %gt3A_1108 = vector.broadcast %gt3A_1107 : f32 to vector<16xf32>
        %gt3A_1109 = arith.cmpf ogt, %sub3A_1091, %gt3A_1108 : vector<16xf32>
        %select_n3A_1110 = arith.select %gt3A_1109, %add3A_1068, %add3A_1065 : vector<16xi1>, vector<16xi32>
        %gt3A_1111 = arith.constant 0.000000e+00 : f32
        %gt3A_1112 = vector.broadcast %gt3A_1111 : f32 to vector<16xf32>
        %gt3A_1113 = arith.cmpf ogt, %sub3A_1092, %gt3A_1112 : vector<16xf32>
        %select_n3A_1114 = arith.select %gt3A_1113, %add3A_1068, %add3A_1065 : vector<16xi1>, vector<16xi32>
        %gt3A_1115 = arith.constant 0.000000e+00 : f32
        %gt3A_1116 = vector.broadcast %gt3A_1115 : f32 to vector<16xf32>
        %gt3A_1117 = arith.cmpf ogt, %sub3A_1093, %gt3A_1116 : vector<16xf32>
        %select_n3A_1118 = arith.select %gt3A_1117, %add3A_1068, %add3A_1065 : vector<16xi1>, vector<16xi32>
        %gt3A_1119 = arith.constant 0.000000e+00 : f32
        %gt3A_1120 = vector.broadcast %gt3A_1119 : f32 to vector<16xf32>
        %gt3A_1121 = arith.cmpf ogt, %sub3A_1094, %gt3A_1120 : vector<16xf32>
        %select_n3A_1122 = arith.select %gt3A_1121, %add3A_1068, %add3A_1065 : vector<16xi1>, vector<16xi32>
        %gt3A_1123 = arith.constant 0.000000e+00 : f32
        %gt3A_1124 = vector.broadcast %gt3A_1123 : f32 to vector<16xf32>
        %gt3A_1125 = arith.cmpf ogt, %sub3A_1095, %gt3A_1124 : vector<16xf32>
        %select_n3A_1126 = arith.select %gt3A_1125, %add3A_1068, %add3A_1065 : vector<16xi1>, vector<16xi32>
        %gt3A_1127 = arith.constant 0.000000e+00 : f32
        %gt3A_1128 = vector.broadcast %gt3A_1127 : f32 to vector<16xf32>
        %gt3A_1129 = arith.cmpf ogt, %sub3A_1096, %gt3A_1128 : vector<16xf32>
        %select_n3A_1130 = arith.select %gt3A_1129, %add3A_1068, %add3A_1065 : vector<16xi1>, vector<16xi32>
        %gt3A_1131 = arith.constant 0.000000e+00 : f32
        %gt3A_1132 = vector.broadcast %gt3A_1131 : f32 to vector<16xf32>
        %gt3A_1133 = arith.cmpf ogt, %sub3A_1097, %gt3A_1132 : vector<16xf32>
        %select_n3A_1134 = arith.select %gt3A_1133, %add3A_1068, %add3A_1065 : vector<16xi1>, vector<16xi32>
        %gt3A_1135 = arith.constant 0.000000e+00 : f32
        %gt3A_1136 = vector.broadcast %gt3A_1135 : f32 to vector<16xf32>
        %gt3A_1137 = arith.cmpf ogt, %sub3A_1098, %gt3A_1136 : vector<16xf32>
        %select_n3A_1138 = arith.select %gt3A_1137, %add3A_1068, %add3A_1065 : vector<16xi1>, vector<16xi32>
        %gather3A_1139 = tpu.vector_load_idx %arg8[%select_n3A_1110] : memref<4096xf32, #tpu.memory_space<vmem>>[vector<16xi32>], vector<16xf32>,
        %gather3A_1140 = tpu.vector_load_idx %arg8[%select_n3A_1114] : memref<4096xf32, #tpu.memory_space<vmem>>[vector<16xi32>], vector<16xf32>,
        %gather3A_1141 = tpu.vector_load_idx %arg8[%select_n3A_1118] : memref<4096xf32, #tpu.memory_space<vmem>>[vector<16xi32>], vector<16xf32>,
        %gather3A_1142 = tpu.vector_load_idx %arg8[%select_n3A_1122] : memref<4096xf32, #tpu.memory_space<vmem>>[vector<16xi32>], vector<16xf32>,
        %gather3A_1143 = tpu.vector_load_idx %arg8[%select_n3A_1126] : memref<4096xf32, #tpu.memory_space<vmem>>[vector<16xi32>], vector<16xf32>,
        %gather3A_1144 = tpu.vector_load_idx %arg8[%select_n3A_1130] : memref<4096xf32, #tpu.memory_space<vmem>>[vector<16xi32>], vector<16xf32>,
        %gather3A_1145 = tpu.vector_load_idx %arg8[%select_n3A_1134] : memref<4096xf32, #tpu.memory_space<vmem>>[vector<16xi32>], vector<16xf32>,
        %gather3A_1146 = tpu.vector_load_idx %arg8[%select_n3A_1138] : memref<4096xf32, #tpu.memory_space<vmem>>[vector<16xi32>], vector<16xf32>,
        %gather3A_1147 = tpu.vector_load_idx %arg9[%select_n3A_1110] : memref<4096xi32, #tpu.memory_space<vmem>>[vector<16xi32>], vector<16xi32>,
        %gather3A_1148 = tpu.vector_load_idx %arg9[%select_n3A_1114] : memref<4096xi32, #tpu.memory_space<vmem>>[vector<16xi32>], vector<16xi32>,
        %gather3A_1149 = tpu.vector_load_idx %arg9[%select_n3A_1118] : memref<4096xi32, #tpu.memory_space<vmem>>[vector<16xi32>], vector<16xi32>,
        %gather3A_1150 = tpu.vector_load_idx %arg9[%select_n3A_1122] : memref<4096xi32, #tpu.memory_space<vmem>>[vector<16xi32>], vector<16xi32>,
        %gather3A_1151 = tpu.vector_load_idx %arg9[%select_n3A_1126] : memref<4096xi32, #tpu.memory_space<vmem>>[vector<16xi32>], vector<16xi32>,
        %gather3A_1152 = tpu.vector_load_idx %arg9[%select_n3A_1130] : memref<4096xi32, #tpu.memory_space<vmem>>[vector<16xi32>], vector<16xi32>,
        %gather3A_1153 = tpu.vector_load_idx %arg9[%select_n3A_1134] : memref<4096xi32, #tpu.memory_space<vmem>>[vector<16xi32>], vector<16xi32>,
        %gather3A_1154 = tpu.vector_load_idx %arg9[%select_n3A_1138] : memref<4096xi32, #tpu.memory_space<vmem>>[vector<16xi32>], vector<16xi32>,
        %add3A_1155 = arith.addi %mul3A_11, %gather3A_1147 : vector<16xi32>
        %gather3A_1156 = tpu.vector_load_idx %arg7[%add3A_1155] : memref<32896xf32, #tpu.memory_space<vmem>>[vector<16xi32>], vector<16xf32>,
        %add3A_1157 = arith.addi %mul3A_17, %gather3A_1148 : vector<16xi32>
        %gather3A_1158 = tpu.vector_load_idx %arg7[%add3A_1157] : memref<32896xf32, #tpu.memory_space<vmem>>[vector<16xi32>], vector<16xf32>,
        %add3A_1159 = arith.addi %mul3A_23, %gather3A_1149 : vector<16xi32>
        %gather3A_1160 = tpu.vector_load_idx %arg7[%add3A_1159] : memref<32896xf32, #tpu.memory_space<vmem>>[vector<16xi32>], vector<16xf32>,
        %add3A_1161 = arith.addi %mul3A_29, %gather3A_1150 : vector<16xi32>
        %gather3A_1162 = tpu.vector_load_idx %arg7[%add3A_1161] : memref<32896xf32, #tpu.memory_space<vmem>>[vector<16xi32>], vector<16xf32>,
        %add3A_1163 = arith.addi %mul3A_35, %gather3A_1151 : vector<16xi32>
        %gather3A_1164 = tpu.vector_load_idx %arg7[%add3A_1163] : memref<32896xf32, #tpu.memory_space<vmem>>[vector<16xi32>], vector<16xf32>,
        %add3A_1165 = arith.addi %mul3A_41, %gather3A_1152 : vector<16xi32>
        %gather3A_1166 = tpu.vector_load_idx %arg7[%add3A_1165] : memref<32896xf32, #tpu.memory_space<vmem>>[vector<16xi32>], vector<16xf32>,
        %add3A_1167 = arith.addi %mul3A_47, %gather3A_1153 : vector<16xi32>
        %gather3A_1168 = tpu.vector_load_idx %arg7[%add3A_1167] : memref<32896xf32, #tpu.memory_space<vmem>>[vector<16xi32>], vector<16xf32>,
        %add3A_1169 = arith.addi %mul3A_53, %gather3A_1154 : vector<16xi32>
        %gather3A_1170 = tpu.vector_load_idx %arg7[%add3A_1169] : memref<32896xf32, #tpu.memory_space<vmem>>[vector<16xi32>], vector<16xf32>,
        %sub3A_1171 = arith.subf %gather3A_1156, %gather3A_1139 : vector<16xf32>
        %abs3A_1172 = math.absf %sub3A_1171 : vector<16xf32>
        %min3A_1173 = arith.minimumf %abs3A_1099, %abs3A_1172 : vector<16xf32>
        %add3A_1174 = arith.addi %select_n3A_1110, %select_n3A_1110 : vector<16xi32>
        %gt3A_1175 = arith.constant 0.000000e+00 : f32
        %gt3A_1176 = vector.broadcast %gt3A_1175 : f32 to vector<16xf32>
        %gt3A_1177 = arith.cmpf ogt, %sub3A_1171, %gt3A_1176 : vector<16xf32>
        %select_n3A_1178 = arith.select %gt3A_1177, %add3A_1055, %add3A_1052 : vector<16xi1>, vector<16xi32>
        %add3A_1179 = arith.addi %add3A_1174, %select_n3A_1178 : vector<16xi32>
        %sub3A_1180 = arith.subf %gather3A_1158, %gather3A_1140 : vector<16xf32>
        %abs3A_1181 = math.absf %sub3A_1180 : vector<16xf32>
        %min3A_1182 = arith.minimumf %abs3A_1100, %abs3A_1181 : vector<16xf32>
        %add3A_1183 = arith.addi %select_n3A_1114, %select_n3A_1114 : vector<16xi32>
        %gt3A_1184 = arith.constant 0.000000e+00 : f32
        %gt3A_1185 = vector.broadcast %gt3A_1184 : f32 to vector<16xf32>
        %gt3A_1186 = arith.cmpf ogt, %sub3A_1180, %gt3A_1185 : vector<16xf32>
        %select_n3A_1187 = arith.select %gt3A_1186, %add3A_1055, %add3A_1052 : vector<16xi1>, vector<16xi32>
        %add3A_1188 = arith.addi %add3A_1183, %select_n3A_1187 : vector<16xi32>
        %sub3A_1189 = arith.subf %gather3A_1160, %gather3A_1141 : vector<16xf32>
        %abs3A_1190 = math.absf %sub3A_1189 : vector<16xf32>
        %min3A_1191 = arith.minimumf %abs3A_1101, %abs3A_1190 : vector<16xf32>
        %add3A_1192 = arith.addi %select_n3A_1118, %select_n3A_1118 : vector<16xi32>
        %gt3A_1193 = arith.constant 0.000000e+00 : f32
        %gt3A_1194 = vector.broadcast %gt3A_1193 : f32 to vector<16xf32>
        %gt3A_1195 = arith.cmpf ogt, %sub3A_1189, %gt3A_1194 : vector<16xf32>
        %select_n3A_1196 = arith.select %gt3A_1195, %add3A_1055, %add3A_1052 : vector<16xi1>, vector<16xi32>
        %add3A_1197 = arith.addi %add3A_1192, %select_n3A_1196 : vector<16xi32>
        %sub3A_1198 = arith.subf %gather3A_1162, %gather3A_1142 : vector<16xf32>
        %abs3A_1199 = math.absf %sub3A_1198 : vector<16xf32>
        %min3A_1200 = arith.minimumf %abs3A_1102, %abs3A_1199 : vector<16xf32>
        %add3A_1201 = arith.addi %select_n3A_1122, %select_n3A_1122 : vector<16xi32>
        %gt3A_1202 = arith.constant 0.000000e+00 : f32
        %gt3A_1203 = vector.broadcast %gt3A_1202 : f32 to vector<16xf32>
        %gt3A_1204 = arith.cmpf ogt, %sub3A_1198, %gt3A_1203 : vector<16xf32>
        %select_n3A_1205 = arith.select %gt3A_1204, %add3A_1055, %add3A_1052 : vector<16xi1>, vector<16xi32>
        %add3A_1206 = arith.addi %add3A_1201, %select_n3A_1205 : vector<16xi32>
        %sub3A_1207 = arith.subf %gather3A_1164, %gather3A_1143 : vector<16xf32>
        %abs3A_1208 = math.absf %sub3A_1207 : vector<16xf32>
        %min3A_1209 = arith.minimumf %abs3A_1103, %abs3A_1208 : vector<16xf32>
        %add3A_1210 = arith.addi %select_n3A_1126, %select_n3A_1126 : vector<16xi32>
        %gt3A_1211 = arith.constant 0.000000e+00 : f32
        %gt3A_1212 = vector.broadcast %gt3A_1211 : f32 to vector<16xf32>
        %gt3A_1213 = arith.cmpf ogt, %sub3A_1207, %gt3A_1212 : vector<16xf32>
        %select_n3A_1214 = arith.select %gt3A_1213, %add3A_1055, %add3A_1052 : vector<16xi1>, vector<16xi32>
        %add3A_1215 = arith.addi %add3A_1210, %select_n3A_1214 : vector<16xi32>
        %sub3A_1216 = arith.subf %gather3A_1166, %gather3A_1144 : vector<16xf32>
        %abs3A_1217 = math.absf %sub3A_1216 : vector<16xf32>
        %min3A_1218 = arith.minimumf %abs3A_1104, %abs3A_1217 : vector<16xf32>
        %add3A_1219 = arith.addi %select_n3A_1130, %select_n3A_1130 : vector<16xi32>
        %gt3A_1220 = arith.constant 0.000000e+00 : f32
        %gt3A_1221 = vector.broadcast %gt3A_1220 : f32 to vector<16xf32>
        %gt3A_1222 = arith.cmpf ogt, %sub3A_1216, %gt3A_1221 : vector<16xf32>
        %select_n3A_1223 = arith.select %gt3A_1222, %add3A_1055, %add3A_1052 : vector<16xi1>, vector<16xi32>
        %add3A_1224 = arith.addi %add3A_1219, %select_n3A_1223 : vector<16xi32>
        %sub3A_1225 = arith.subf %gather3A_1168, %gather3A_1145 : vector<16xf32>
        %abs3A_1226 = math.absf %sub3A_1225 : vector<16xf32>
        %min3A_1227 = arith.minimumf %abs3A_1105, %abs3A_1226 : vector<16xf32>
        %add3A_1228 = arith.addi %select_n3A_1134, %select_n3A_1134 : vector<16xi32>
        %gt3A_1229 = arith.constant 0.000000e+00 : f32
        %gt3A_1230 = vector.broadcast %gt3A_1229 : f32 to vector<16xf32>
        %gt3A_1231 = arith.cmpf ogt, %sub3A_1225, %gt3A_1230 : vector<16xf32>
        %select_n3A_1232 = arith.select %gt3A_1231, %add3A_1055, %add3A_1052 : vector<16xi1>, vector<16xi32>
        %add3A_1233 = arith.addi %add3A_1228, %select_n3A_1232 : vector<16xi32>
        %sub3A_1234 = arith.subf %gather3A_1170, %gather3A_1146 : vector<16xf32>
        %abs3A_1235 = math.absf %sub3A_1234 : vector<16xf32>
        %min3A_1236 = arith.minimumf %abs3A_1106, %abs3A_1235 : vector<16xf32>
        %add3A_1237 = arith.addi %select_n3A_1138, %select_n3A_1138 : vector<16xi32>
        %gt3A_1238 = arith.constant 0.000000e+00 : f32
        %gt3A_1239 = vector.broadcast %gt3A_1238 : f32 to vector<16xf32>
        %gt3A_1240 = arith.cmpf ogt, %sub3A_1234, %gt3A_1239 : vector<16xf32>
        %select_n3A_1241 = arith.select %gt3A_1240, %add3A_1055, %add3A_1052 : vector<16xi1>, vector<16xi32>
        %add3A_1242 = arith.addi %add3A_1237, %select_n3A_1241 : vector<16xi32>
        %gather3A_1243 = tpu.vector_load_idx %arg8[%add3A_1179] : memref<4096xf32, #tpu.memory_space<vmem>>[vector<16xi32>], vector<16xf32>,
        %gather3A_1244 = tpu.vector_load_idx %arg8[%add3A_1188] : memref<4096xf32, #tpu.memory_space<vmem>>[vector<16xi32>], vector<16xf32>,
        %gather3A_1245 = tpu.vector_load_idx %arg8[%add3A_1197] : memref<4096xf32, #tpu.memory_space<vmem>>[vector<16xi32>], vector<16xf32>,
        %gather3A_1246 = tpu.vector_load_idx %arg8[%add3A_1206] : memref<4096xf32, #tpu.memory_space<vmem>>[vector<16xi32>], vector<16xf32>,
        %gather3A_1247 = tpu.vector_load_idx %arg8[%add3A_1215] : memref<4096xf32, #tpu.memory_space<vmem>>[vector<16xi32>], vector<16xf32>,
        %gather3A_1248 = tpu.vector_load_idx %arg8[%add3A_1224] : memref<4096xf32, #tpu.memory_space<vmem>>[vector<16xi32>], vector<16xf32>,
        %gather3A_1249 = tpu.vector_load_idx %arg8[%add3A_1233] : memref<4096xf32, #tpu.memory_space<vmem>>[vector<16xi32>], vector<16xf32>,
        %gather3A_1250 = tpu.vector_load_idx %arg8[%add3A_1242] : memref<4096xf32, #tpu.memory_space<vmem>>[vector<16xi32>], vector<16xf32>,
        %gather3A_1251 = tpu.vector_load_idx %arg9[%add3A_1179] : memref<4096xi32, #tpu.memory_space<vmem>>[vector<16xi32>], vector<16xi32>,
        %gather3A_1252 = tpu.vector_load_idx %arg9[%add3A_1188] : memref<4096xi32, #tpu.memory_space<vmem>>[vector<16xi32>], vector<16xi32>,
        %gather3A_1253 = tpu.vector_load_idx %arg9[%add3A_1197] : memref<4096xi32, #tpu.memory_space<vmem>>[vector<16xi32>], vector<16xi32>,
        %gather3A_1254 = tpu.vector_load_idx %arg9[%add3A_1206] : memref<4096xi32, #tpu.memory_space<vmem>>[vector<16xi32>], vector<16xi32>,
        %gather3A_1255 = tpu.vector_load_idx %arg9[%add3A_1215] : memref<4096xi32, #tpu.memory_space<vmem>>[vector<16xi32>], vector<16xi32>,
        %gather3A_1256 = tpu.vector_load_idx %arg9[%add3A_1224] : memref<4096xi32, #tpu.memory_space<vmem>>[vector<16xi32>], vector<16xi32>,
        %gather3A_1257 = tpu.vector_load_idx %arg9[%add3A_1233] : memref<4096xi32, #tpu.memory_space<vmem>>[vector<16xi32>], vector<16xi32>,
        %gather3A_1258 = tpu.vector_load_idx %arg9[%add3A_1242] : memref<4096xi32, #tpu.memory_space<vmem>>[vector<16xi32>], vector<16xi32>,
        %add3A_1259 = arith.addi %mul3A_11, %gather3A_1251 : vector<16xi32>
        %gather3A_1260 = tpu.vector_load_idx %arg7[%add3A_1259] : memref<32896xf32, #tpu.memory_space<vmem>>[vector<16xi32>], vector<16xf32>,
        %add3A_1261 = arith.addi %mul3A_17, %gather3A_1252 : vector<16xi32>
        %gather3A_1262 = tpu.vector_load_idx %arg7[%add3A_1261] : memref<32896xf32, #tpu.memory_space<vmem>>[vector<16xi32>], vector<16xf32>,
        %add3A_1263 = arith.addi %mul3A_23, %gather3A_1253 : vector<16xi32>
        %gather3A_1264 = tpu.vector_load_idx %arg7[%add3A_1263] : memref<32896xf32, #tpu.memory_space<vmem>>[vector<16xi32>], vector<16xf32>,
        %add3A_1265 = arith.addi %mul3A_29, %gather3A_1254 : vector<16xi32>
        %gather3A_1266 = tpu.vector_load_idx %arg7[%add3A_1265] : memref<32896xf32, #tpu.memory_space<vmem>>[vector<16xi32>], vector<16xf32>,
        %add3A_1267 = arith.addi %mul3A_35, %gather3A_1255 : vector<16xi32>
        %gather3A_1268 = tpu.vector_load_idx %arg7[%add3A_1267] : memref<32896xf32, #tpu.memory_space<vmem>>[vector<16xi32>], vector<16xf32>,
        %add3A_1269 = arith.addi %mul3A_41, %gather3A_1256 : vector<16xi32>
        %gather3A_1270 = tpu.vector_load_idx %arg7[%add3A_1269] : memref<32896xf32, #tpu.memory_space<vmem>>[vector<16xi32>], vector<16xf32>,
        %add3A_1271 = arith.addi %mul3A_47, %gather3A_1257 : vector<16xi32>
        %gather3A_1272 = tpu.vector_load_idx %arg7[%add3A_1271] : memref<32896xf32, #tpu.memory_space<vmem>>[vector<16xi32>], vector<16xf32>,
        %add3A_1273 = arith.addi %mul3A_53, %gather3A_1258 : vector<16xi32>
        %gather3A_1274 = tpu.vector_load_idx %arg7[%add3A_1273] : memref<32896xf32, #tpu.memory_space<vmem>>[vector<16xi32>], vector<16xf32>,
        %sub3A_1275 = arith.subf %gather3A_1260, %gather3A_1243 : vector<16xf32>
        %abs3A_1276 = math.absf %sub3A_1275 : vector<16xf32>
        %min3A_1277 = arith.minimumf %min3A_1173, %abs3A_1276 : vector<16xf32>
        %add3A_1278 = arith.addi %add3A_1179, %add3A_1179 : vector<16xi32>
        %gt3A_1279 = arith.constant 0.000000e+00 : f32
        %gt3A_1280 = vector.broadcast %gt3A_1279 : f32 to vector<16xf32>
        %gt3A_1281 = arith.cmpf ogt, %sub3A_1275, %gt3A_1280 : vector<16xf32>
        %select_n3A_1282 = arith.select %gt3A_1281, %add3A_1055, %add3A_1052 : vector<16xi1>, vector<16xi32>
        %add3A_1283 = arith.addi %add3A_1278, %select_n3A_1282 : vector<16xi32>
        %sub3A_1284 = arith.subf %gather3A_1262, %gather3A_1244 : vector<16xf32>
        %abs3A_1285 = math.absf %sub3A_1284 : vector<16xf32>
        %min3A_1286 = arith.minimumf %min3A_1182, %abs3A_1285 : vector<16xf32>
        %add3A_1287 = arith.addi %add3A_1188, %add3A_1188 : vector<16xi32>
        %gt3A_1288 = arith.constant 0.000000e+00 : f32
        %gt3A_1289 = vector.broadcast %gt3A_1288 : f32 to vector<16xf32>
        %gt3A_1290 = arith.cmpf ogt, %sub3A_1284, %gt3A_1289 : vector<16xf32>
        %select_n3A_1291 = arith.select %gt3A_1290, %add3A_1055, %add3A_1052 : vector<16xi1>, vector<16xi32>
        %add3A_1292 = arith.addi %add3A_1287, %select_n3A_1291 : vector<16xi32>
        %sub3A_1293 = arith.subf %gather3A_1264, %gather3A_1245 : vector<16xf32>
        %abs3A_1294 = math.absf %sub3A_1293 : vector<16xf32>
        %min3A_1295 = arith.minimumf %min3A_1191, %abs3A_1294 : vector<16xf32>
        %add3A_1296 = arith.addi %add3A_1197, %add3A_1197 : vector<16xi32>
        %gt3A_1297 = arith.constant 0.000000e+00 : f32
        %gt3A_1298 = vector.broadcast %gt3A_1297 : f32 to vector<16xf32>
        %gt3A_1299 = arith.cmpf ogt, %sub3A_1293, %gt3A_1298 : vector<16xf32>
        %select_n3A_1300 = arith.select %gt3A_1299, %add3A_1055, %add3A_1052 : vector<16xi1>, vector<16xi32>
        %add3A_1301 = arith.addi %add3A_1296, %select_n3A_1300 : vector<16xi32>
        %sub3A_1302 = arith.subf %gather3A_1266, %gather3A_1246 : vector<16xf32>
        %abs3A_1303 = math.absf %sub3A_1302 : vector<16xf32>
        %min3A_1304 = arith.minimumf %min3A_1200, %abs3A_1303 : vector<16xf32>
        %add3A_1305 = arith.addi %add3A_1206, %add3A_1206 : vector<16xi32>
        %gt3A_1306 = arith.constant 0.000000e+00 : f32
        %gt3A_1307 = vector.broadcast %gt3A_1306 : f32 to vector<16xf32>
        %gt3A_1308 = arith.cmpf ogt, %sub3A_1302, %gt3A_1307 : vector<16xf32>
        %select_n3A_1309 = arith.select %gt3A_1308, %add3A_1055, %add3A_1052 : vector<16xi1>, vector<16xi32>
        %add3A_1310 = arith.addi %add3A_1305, %select_n3A_1309 : vector<16xi32>
        %sub3A_1311 = arith.subf %gather3A_1268, %gather3A_1247 : vector<16xf32>
        %abs3A_1312 = math.absf %sub3A_1311 : vector<16xf32>
        %min3A_1313 = arith.minimumf %min3A_1209, %abs3A_1312 : vector<16xf32>
        %add3A_1314 = arith.addi %add3A_1215, %add3A_1215 : vector<16xi32>
        %gt3A_1315 = arith.constant 0.000000e+00 : f32
        %gt3A_1316 = vector.broadcast %gt3A_1315 : f32 to vector<16xf32>
        %gt3A_1317 = arith.cmpf ogt, %sub3A_1311, %gt3A_1316 : vector<16xf32>
        %select_n3A_1318 = arith.select %gt3A_1317, %add3A_1055, %add3A_1052 : vector<16xi1>, vector<16xi32>
        %add3A_1319 = arith.addi %add3A_1314, %select_n3A_1318 : vector<16xi32>
        %sub3A_1320 = arith.subf %gather3A_1270, %gather3A_1248 : vector<16xf32>
        %abs3A_1321 = math.absf %sub3A_1320 : vector<16xf32>
        %min3A_1322 = arith.minimumf %min3A_1218, %abs3A_1321 : vector<16xf32>
        %add3A_1323 = arith.addi %add3A_1224, %add3A_1224 : vector<16xi32>
        %gt3A_1324 = arith.constant 0.000000e+00 : f32
        %gt3A_1325 = vector.broadcast %gt3A_1324 : f32 to vector<16xf32>
        %gt3A_1326 = arith.cmpf ogt, %sub3A_1320, %gt3A_1325 : vector<16xf32>
        %select_n3A_1327 = arith.select %gt3A_1326, %add3A_1055, %add3A_1052 : vector<16xi1>, vector<16xi32>
        %add3A_1328 = arith.addi %add3A_1323, %select_n3A_1327 : vector<16xi32>
        %sub3A_1329 = arith.subf %gather3A_1272, %gather3A_1249 : vector<16xf32>
        %abs3A_1330 = math.absf %sub3A_1329 : vector<16xf32>
        %min3A_1331 = arith.minimumf %min3A_1227, %abs3A_1330 : vector<16xf32>
        %add3A_1332 = arith.addi %add3A_1233, %add3A_1233 : vector<16xi32>
        %gt3A_1333 = arith.constant 0.000000e+00 : f32
        %gt3A_1334 = vector.broadcast %gt3A_1333 : f32 to vector<16xf32>
        %gt3A_1335 = arith.cmpf ogt, %sub3A_1329, %gt3A_1334 : vector<16xf32>
        %select_n3A_1336 = arith.select %gt3A_1335, %add3A_1055, %add3A_1052 : vector<16xi1>, vector<16xi32>
        %add3A_1337 = arith.addi %add3A_1332, %select_n3A_1336 : vector<16xi32>
        %sub3A_1338 = arith.subf %gather3A_1274, %gather3A_1250 : vector<16xf32>
        %abs3A_1339 = math.absf %sub3A_1338 : vector<16xf32>
        %min3A_1340 = arith.minimumf %min3A_1236, %abs3A_1339 : vector<16xf32>
        %add3A_1341 = arith.addi %add3A_1242, %add3A_1242 : vector<16xi32>
        %gt3A_1342 = arith.constant 0.000000e+00 : f32
        %gt3A_1343 = vector.broadcast %gt3A_1342 : f32 to vector<16xf32>
        %gt3A_1344 = arith.cmpf ogt, %sub3A_1338, %gt3A_1343 : vector<16xf32>
        %select_n3A_1345 = arith.select %gt3A_1344, %add3A_1055, %add3A_1052 : vector<16xi1>, vector<16xi32>
        %add3A_1346 = arith.addi %add3A_1341, %select_n3A_1345 : vector<16xi32>
        %gather3A_1347 = tpu.vector_load_idx %arg8[%add3A_1283] : memref<4096xf32, #tpu.memory_space<vmem>>[vector<16xi32>], vector<16xf32>,
        %gather3A_1348 = tpu.vector_load_idx %arg8[%add3A_1292] : memref<4096xf32, #tpu.memory_space<vmem>>[vector<16xi32>], vector<16xf32>,
        %gather3A_1349 = tpu.vector_load_idx %arg8[%add3A_1301] : memref<4096xf32, #tpu.memory_space<vmem>>[vector<16xi32>], vector<16xf32>,
        %gather3A_1350 = tpu.vector_load_idx %arg8[%add3A_1310] : memref<4096xf32, #tpu.memory_space<vmem>>[vector<16xi32>], vector<16xf32>,
        %gather3A_1351 = tpu.vector_load_idx %arg8[%add3A_1319] : memref<4096xf32, #tpu.memory_space<vmem>>[vector<16xi32>], vector<16xf32>,
        %gather3A_1352 = tpu.vector_load_idx %arg8[%add3A_1328] : memref<4096xf32, #tpu.memory_space<vmem>>[vector<16xi32>], vector<16xf32>,
        %gather3A_1353 = tpu.vector_load_idx %arg8[%add3A_1337] : memref<4096xf32, #tpu.memory_space<vmem>>[vector<16xi32>], vector<16xf32>,
        %gather3A_1354 = tpu.vector_load_idx %arg8[%add3A_1346] : memref<4096xf32, #tpu.memory_space<vmem>>[vector<16xi32>], vector<16xf32>,
        %gather3A_1355 = tpu.vector_load_idx %arg9[%add3A_1283] : memref<4096xi32, #tpu.memory_space<vmem>>[vector<16xi32>], vector<16xi32>,
        %gather3A_1356 = tpu.vector_load_idx %arg9[%add3A_1292] : memref<4096xi32, #tpu.memory_space<vmem>>[vector<16xi32>], vector<16xi32>,
        %gather3A_1357 = tpu.vector_load_idx %arg9[%add3A_1301] : memref<4096xi32, #tpu.memory_space<vmem>>[vector<16xi32>], vector<16xi32>,
        %gather3A_1358 = tpu.vector_load_idx %arg9[%add3A_1310] : memref<4096xi32, #tpu.memory_space<vmem>>[vector<16xi32>], vector<16xi32>,
        %gather3A_1359 = tpu.vector_load_idx %arg9[%add3A_1319] : memref<4096xi32, #tpu.memory_space<vmem>>[vector<16xi32>], vector<16xi32>,
        %gather3A_1360 = tpu.vector_load_idx %arg9[%add3A_1328] : memref<4096xi32, #tpu.memory_space<vmem>>[vector<16xi32>], vector<16xi32>,
        %gather3A_1361 = tpu.vector_load_idx %arg9[%add3A_1337] : memref<4096xi32, #tpu.memory_space<vmem>>[vector<16xi32>], vector<16xi32>,
        %gather3A_1362 = tpu.vector_load_idx %arg9[%add3A_1346] : memref<4096xi32, #tpu.memory_space<vmem>>[vector<16xi32>], vector<16xi32>,
        %add3A_1363 = arith.addi %mul3A_11, %gather3A_1355 : vector<16xi32>
        %gather3A_1364 = tpu.vector_load_idx %arg7[%add3A_1363] : memref<32896xf32, #tpu.memory_space<vmem>>[vector<16xi32>], vector<16xf32>,
        %add3A_1365 = arith.addi %mul3A_17, %gather3A_1356 : vector<16xi32>
        %gather3A_1366 = tpu.vector_load_idx %arg7[%add3A_1365] : memref<32896xf32, #tpu.memory_space<vmem>>[vector<16xi32>], vector<16xf32>,
        %add3A_1367 = arith.addi %mul3A_23, %gather3A_1357 : vector<16xi32>
        %gather3A_1368 = tpu.vector_load_idx %arg7[%add3A_1367] : memref<32896xf32, #tpu.memory_space<vmem>>[vector<16xi32>], vector<16xf32>,
        %add3A_1369 = arith.addi %mul3A_29, %gather3A_1358 : vector<16xi32>
        %gather3A_1370 = tpu.vector_load_idx %arg7[%add3A_1369] : memref<32896xf32, #tpu.memory_space<vmem>>[vector<16xi32>], vector<16xf32>,
        %add3A_1371 = arith.addi %mul3A_35, %gather3A_1359 : vector<16xi32>
        %gather3A_1372 = tpu.vector_load_idx %arg7[%add3A_1371] : memref<32896xf32, #tpu.memory_space<vmem>>[vector<16xi32>], vector<16xf32>,
        %add3A_1373 = arith.addi %mul3A_41, %gather3A_1360 : vector<16xi32>
        %gather3A_1374 = tpu.vector_load_idx %arg7[%add3A_1373] : memref<32896xf32, #tpu.memory_space<vmem>>[vector<16xi32>], vector<16xf32>,
        %add3A_1375 = arith.addi %mul3A_47, %gather3A_1361 : vector<16xi32>
        %gather3A_1376 = tpu.vector_load_idx %arg7[%add3A_1375] : memref<32896xf32, #tpu.memory_space<vmem>>[vector<16xi32>], vector<16xf32>,
        %add3A_1377 = arith.addi %mul3A_53, %gather3A_1362 : vector<16xi32>
        %gather3A_1378 = tpu.vector_load_idx %arg7[%add3A_1377] : memref<32896xf32, #tpu.memory_space<vmem>>[vector<16xi32>], vector<16xf32>,
        %sub3A_1379 = arith.subf %gather3A_1364, %gather3A_1347 : vector<16xf32>
        %abs3A_1380 = math.absf %sub3A_1379 : vector<16xf32>
        %min3A_1381 = arith.minimumf %min3A_1277, %abs3A_1380 : vector<16xf32>
        %add3A_1382 = arith.addi %add3A_1283, %add3A_1283 : vector<16xi32>
        %gt3A_1383 = arith.constant 0.000000e+00 : f32
        %gt3A_1384 = vector.broadcast %gt3A_1383 : f32 to vector<16xf32>
        %gt3A_1385 = arith.cmpf ogt, %sub3A_1379, %gt3A_1384 : vector<16xf32>
        %select_n3A_1386 = arith.select %gt3A_1385, %add3A_1055, %add3A_1052 : vector<16xi1>, vector<16xi32>
        %add3A_1387 = arith.addi %add3A_1382, %select_n3A_1386 : vector<16xi32>
        %sub3A_1388 = arith.subf %gather3A_1366, %gather3A_1348 : vector<16xf32>
        %abs3A_1389 = math.absf %sub3A_1388 : vector<16xf32>
        %min3A_1390 = arith.minimumf %min3A_1286, %abs3A_1389 : vector<16xf32>
        %add3A_1391 = arith.addi %add3A_1292, %add3A_1292 : vector<16xi32>
        %gt3A_1392 = arith.constant 0.000000e+00 : f32
        %gt3A_1393 = vector.broadcast %gt3A_1392 : f32 to vector<16xf32>
        %gt3A_1394 = arith.cmpf ogt, %sub3A_1388, %gt3A_1393 : vector<16xf32>
        %select_n3A_1395 = arith.select %gt3A_1394, %add3A_1055, %add3A_1052 : vector<16xi1>, vector<16xi32>
        %add3A_1396 = arith.addi %add3A_1391, %select_n3A_1395 : vector<16xi32>
        %sub3A_1397 = arith.subf %gather3A_1368, %gather3A_1349 : vector<16xf32>
        %abs3A_1398 = math.absf %sub3A_1397 : vector<16xf32>
        %min3A_1399 = arith.minimumf %min3A_1295, %abs3A_1398 : vector<16xf32>
        %add3A_1400 = arith.addi %add3A_1301, %add3A_1301 : vector<16xi32>
        %gt3A_1401 = arith.constant 0.000000e+00 : f32
        %gt3A_1402 = vector.broadcast %gt3A_1401 : f32 to vector<16xf32>
        %gt3A_1403 = arith.cmpf ogt, %sub3A_1397, %gt3A_1402 : vector<16xf32>
        %select_n3A_1404 = arith.select %gt3A_1403, %add3A_1055, %add3A_1052 : vector<16xi1>, vector<16xi32>
        %add3A_1405 = arith.addi %add3A_1400, %select_n3A_1404 : vector<16xi32>
        %sub3A_1406 = arith.subf %gather3A_1370, %gather3A_1350 : vector<16xf32>
        %abs3A_1407 = math.absf %sub3A_1406 : vector<16xf32>
        %min3A_1408 = arith.minimumf %min3A_1304, %abs3A_1407 : vector<16xf32>
        %add3A_1409 = arith.addi %add3A_1310, %add3A_1310 : vector<16xi32>
        %gt3A_1410 = arith.constant 0.000000e+00 : f32
        %gt3A_1411 = vector.broadcast %gt3A_1410 : f32 to vector<16xf32>
        %gt3A_1412 = arith.cmpf ogt, %sub3A_1406, %gt3A_1411 : vector<16xf32>
        %select_n3A_1413 = arith.select %gt3A_1412, %add3A_1055, %add3A_1052 : vector<16xi1>, vector<16xi32>
        %add3A_1414 = arith.addi %add3A_1409, %select_n3A_1413 : vector<16xi32>
        %sub3A_1415 = arith.subf %gather3A_1372, %gather3A_1351 : vector<16xf32>
        %abs3A_1416 = math.absf %sub3A_1415 : vector<16xf32>
        %min3A_1417 = arith.minimumf %min3A_1313, %abs3A_1416 : vector<16xf32>
        %add3A_1418 = arith.addi %add3A_1319, %add3A_1319 : vector<16xi32>
        %gt3A_1419 = arith.constant 0.000000e+00 : f32
        %gt3A_1420 = vector.broadcast %gt3A_1419 : f32 to vector<16xf32>
        %gt3A_1421 = arith.cmpf ogt, %sub3A_1415, %gt3A_1420 : vector<16xf32>
        %select_n3A_1422 = arith.select %gt3A_1421, %add3A_1055, %add3A_1052 : vector<16xi1>, vector<16xi32>
        %add3A_1423 = arith.addi %add3A_1418, %select_n3A_1422 : vector<16xi32>
        %sub3A_1424 = arith.subf %gather3A_1374, %gather3A_1352 : vector<16xf32>
        %abs3A_1425 = math.absf %sub3A_1424 : vector<16xf32>
        %min3A_1426 = arith.minimumf %min3A_1322, %abs3A_1425 : vector<16xf32>
        %add3A_1427 = arith.addi %add3A_1328, %add3A_1328 : vector<16xi32>
        %gt3A_1428 = arith.constant 0.000000e+00 : f32
        %gt3A_1429 = vector.broadcast %gt3A_1428 : f32 to vector<16xf32>
        %gt3A_1430 = arith.cmpf ogt, %sub3A_1424, %gt3A_1429 : vector<16xf32>
        %select_n3A_1431 = arith.select %gt3A_1430, %add3A_1055, %add3A_1052 : vector<16xi1>, vector<16xi32>
        %add3A_1432 = arith.addi %add3A_1427, %select_n3A_1431 : vector<16xi32>
        %sub3A_1433 = arith.subf %gather3A_1376, %gather3A_1353 : vector<16xf32>
        %abs3A_1434 = math.absf %sub3A_1433 : vector<16xf32>
        %min3A_1435 = arith.minimumf %min3A_1331, %abs3A_1434 : vector<16xf32>
        %add3A_1436 = arith.addi %add3A_1337, %add3A_1337 : vector<16xi32>
        %gt3A_1437 = arith.constant 0.000000e+00 : f32
        %gt3A_1438 = vector.broadcast %gt3A_1437 : f32 to vector<16xf32>
        %gt3A_1439 = arith.cmpf ogt, %sub3A_1433, %gt3A_1438 : vector<16xf32>
        %select_n3A_1440 = arith.select %gt3A_1439, %add3A_1055, %add3A_1052 : vector<16xi1>, vector<16xi32>
        %add3A_1441 = arith.addi %add3A_1436, %select_n3A_1440 : vector<16xi32>
        %sub3A_1442 = arith.subf %gather3A_1378, %gather3A_1354 : vector<16xf32>
        %abs3A_1443 = math.absf %sub3A_1442 : vector<16xf32>
        %min3A_1444 = arith.minimumf %min3A_1340, %abs3A_1443 : vector<16xf32>
        %add3A_1445 = arith.addi %add3A_1346, %add3A_1346 : vector<16xi32>
        %gt3A_1446 = arith.constant 0.000000e+00 : f32
        %gt3A_1447 = vector.broadcast %gt3A_1446 : f32 to vector<16xf32>
        %gt3A_1448 = arith.cmpf ogt, %sub3A_1442, %gt3A_1447 : vector<16xf32>
        %select_n3A_1449 = arith.select %gt3A_1448, %add3A_1055, %add3A_1052 : vector<16xi1>, vector<16xi32>
        %add3A_1450 = arith.addi %add3A_1445, %select_n3A_1449 : vector<16xi32>
        %gather3A_1451 = tpu.vector_load_idx %arg8[%add3A_1387] : memref<4096xf32, #tpu.memory_space<vmem>>[vector<16xi32>], vector<16xf32>,
        %gather3A_1452 = tpu.vector_load_idx %arg8[%add3A_1396] : memref<4096xf32, #tpu.memory_space<vmem>>[vector<16xi32>], vector<16xf32>,
        %gather3A_1453 = tpu.vector_load_idx %arg8[%add3A_1405] : memref<4096xf32, #tpu.memory_space<vmem>>[vector<16xi32>], vector<16xf32>,
        %gather3A_1454 = tpu.vector_load_idx %arg8[%add3A_1414] : memref<4096xf32, #tpu.memory_space<vmem>>[vector<16xi32>], vector<16xf32>,
        %gather3A_1455 = tpu.vector_load_idx %arg8[%add3A_1423] : memref<4096xf32, #tpu.memory_space<vmem>>[vector<16xi32>], vector<16xf32>,
        %gather3A_1456 = tpu.vector_load_idx %arg8[%add3A_1432] : memref<4096xf32, #tpu.memory_space<vmem>>[vector<16xi32>], vector<16xf32>,
        %gather3A_1457 = tpu.vector_load_idx %arg8[%add3A_1441] : memref<4096xf32, #tpu.memory_space<vmem>>[vector<16xi32>], vector<16xf32>,
        %gather3A_1458 = tpu.vector_load_idx %arg8[%add3A_1450] : memref<4096xf32, #tpu.memory_space<vmem>>[vector<16xi32>], vector<16xf32>,
        %gather3A_1459 = tpu.vector_load_idx %arg9[%add3A_1387] : memref<4096xi32, #tpu.memory_space<vmem>>[vector<16xi32>], vector<16xi32>,
        %gather3A_1460 = tpu.vector_load_idx %arg9[%add3A_1396] : memref<4096xi32, #tpu.memory_space<vmem>>[vector<16xi32>], vector<16xi32>,
        %gather3A_1461 = tpu.vector_load_idx %arg9[%add3A_1405] : memref<4096xi32, #tpu.memory_space<vmem>>[vector<16xi32>], vector<16xi32>,
        %gather3A_1462 = tpu.vector_load_idx %arg9[%add3A_1414] : memref<4096xi32, #tpu.memory_space<vmem>>[vector<16xi32>], vector<16xi32>,
        %gather3A_1463 = tpu.vector_load_idx %arg9[%add3A_1423] : memref<4096xi32, #tpu.memory_space<vmem>>[vector<16xi32>], vector<16xi32>,
        %gather3A_1464 = tpu.vector_load_idx %arg9[%add3A_1432] : memref<4096xi32, #tpu.memory_space<vmem>>[vector<16xi32>], vector<16xi32>,
        %gather3A_1465 = tpu.vector_load_idx %arg9[%add3A_1441] : memref<4096xi32, #tpu.memory_space<vmem>>[vector<16xi32>], vector<16xi32>,
        %gather3A_1466 = tpu.vector_load_idx %arg9[%add3A_1450] : memref<4096xi32, #tpu.memory_space<vmem>>[vector<16xi32>], vector<16xi32>,
        %add3A_1467 = arith.addi %mul3A_11, %gather3A_1459 : vector<16xi32>
        %gather3A_1468 = tpu.vector_load_idx %arg7[%add3A_1467] : memref<32896xf32, #tpu.memory_space<vmem>>[vector<16xi32>], vector<16xf32>,
        %add3A_1469 = arith.addi %mul3A_17, %gather3A_1460 : vector<16xi32>
        %gather3A_1470 = tpu.vector_load_idx %arg7[%add3A_1469] : memref<32896xf32, #tpu.memory_space<vmem>>[vector<16xi32>], vector<16xf32>,
        %add3A_1471 = arith.addi %mul3A_23, %gather3A_1461 : vector<16xi32>
        %gather3A_1472 = tpu.vector_load_idx %arg7[%add3A_1471] : memref<32896xf32, #tpu.memory_space<vmem>>[vector<16xi32>], vector<16xf32>,
        %add3A_1473 = arith.addi %mul3A_29, %gather3A_1462 : vector<16xi32>
        %gather3A_1474 = tpu.vector_load_idx %arg7[%add3A_1473] : memref<32896xf32, #tpu.memory_space<vmem>>[vector<16xi32>], vector<16xf32>,
        %add3A_1475 = arith.addi %mul3A_35, %gather3A_1463 : vector<16xi32>
        %gather3A_1476 = tpu.vector_load_idx %arg7[%add3A_1475] : memref<32896xf32, #tpu.memory_space<vmem>>[vector<16xi32>], vector<16xf32>,
        %add3A_1477 = arith.addi %mul3A_41, %gather3A_1464 : vector<16xi32>
        %gather3A_1478 = tpu.vector_load_idx %arg7[%add3A_1477] : memref<32896xf32, #tpu.memory_space<vmem>>[vector<16xi32>], vector<16xf32>,
        %add3A_1479 = arith.addi %mul3A_47, %gather3A_1465 : vector<16xi32>
        %gather3A_1480 = tpu.vector_load_idx %arg7[%add3A_1479] : memref<32896xf32, #tpu.memory_space<vmem>>[vector<16xi32>], vector<16xf32>,
        %add3A_1481 = arith.addi %mul3A_53, %gather3A_1466 : vector<16xi32>
        %gather3A_1482 = tpu.vector_load_idx %arg7[%add3A_1481] : memref<32896xf32, #tpu.memory_space<vmem>>[vector<16xi32>], vector<16xf32>,
        %sub3A_1483 = arith.subf %gather3A_1468, %gather3A_1451 : vector<16xf32>
        %abs3A_1484 = math.absf %sub3A_1483 : vector<16xf32>
        %min3A_1485 = arith.minimumf %min3A_1381, %abs3A_1484 : vector<16xf32>
        %add3A_1486 = arith.addi %add3A_1387, %add3A_1387 : vector<16xi32>
        %gt3A_1487 = arith.constant 0.000000e+00 : f32
        %gt3A_1488 = vector.broadcast %gt3A_1487 : f32 to vector<16xf32>
        %gt3A_1489 = arith.cmpf ogt, %sub3A_1483, %gt3A_1488 : vector<16xf32>
        %select_n3A_1490 = arith.select %gt3A_1489, %add3A_1055, %add3A_1052 : vector<16xi1>, vector<16xi32>
        %add3A_1491 = arith.addi %add3A_1486, %select_n3A_1490 : vector<16xi32>
        %sub3A_1492 = arith.subf %gather3A_1470, %gather3A_1452 : vector<16xf32>
        %abs3A_1493 = math.absf %sub3A_1492 : vector<16xf32>
        %min3A_1494 = arith.minimumf %min3A_1390, %abs3A_1493 : vector<16xf32>
        %add3A_1495 = arith.addi %add3A_1396, %add3A_1396 : vector<16xi32>
        %gt3A_1496 = arith.constant 0.000000e+00 : f32
        %gt3A_1497 = vector.broadcast %gt3A_1496 : f32 to vector<16xf32>
        %gt3A_1498 = arith.cmpf ogt, %sub3A_1492, %gt3A_1497 : vector<16xf32>
        %select_n3A_1499 = arith.select %gt3A_1498, %add3A_1055, %add3A_1052 : vector<16xi1>, vector<16xi32>
        %add3A_1500 = arith.addi %add3A_1495, %select_n3A_1499 : vector<16xi32>
        %sub3A_1501 = arith.subf %gather3A_1472, %gather3A_1453 : vector<16xf32>
        %abs3A_1502 = math.absf %sub3A_1501 : vector<16xf32>
        %min3A_1503 = arith.minimumf %min3A_1399, %abs3A_1502 : vector<16xf32>
        %add3A_1504 = arith.addi %add3A_1405, %add3A_1405 : vector<16xi32>
        %gt3A_1505 = arith.constant 0.000000e+00 : f32
        %gt3A_1506 = vector.broadcast %gt3A_1505 : f32 to vector<16xf32>
        %gt3A_1507 = arith.cmpf ogt, %sub3A_1501, %gt3A_1506 : vector<16xf32>
        %select_n3A_1508 = arith.select %gt3A_1507, %add3A_1055, %add3A_1052 : vector<16xi1>, vector<16xi32>
        %add3A_1509 = arith.addi %add3A_1504, %select_n3A_1508 : vector<16xi32>
        %sub3A_1510 = arith.subf %gather3A_1474, %gather3A_1454 : vector<16xf32>
        %abs3A_1511 = math.absf %sub3A_1510 : vector<16xf32>
        %min3A_1512 = arith.minimumf %min3A_1408, %abs3A_1511 : vector<16xf32>
        %add3A_1513 = arith.addi %add3A_1414, %add3A_1414 : vector<16xi32>
        %gt3A_1514 = arith.constant 0.000000e+00 : f32
        %gt3A_1515 = vector.broadcast %gt3A_1514 : f32 to vector<16xf32>
        %gt3A_1516 = arith.cmpf ogt, %sub3A_1510, %gt3A_1515 : vector<16xf32>
        %select_n3A_1517 = arith.select %gt3A_1516, %add3A_1055, %add3A_1052 : vector<16xi1>, vector<16xi32>
        %add3A_1518 = arith.addi %add3A_1513, %select_n3A_1517 : vector<16xi32>
        %sub3A_1519 = arith.subf %gather3A_1476, %gather3A_1455 : vector<16xf32>
        %abs3A_1520 = math.absf %sub3A_1519 : vector<16xf32>
        %min3A_1521 = arith.minimumf %min3A_1417, %abs3A_1520 : vector<16xf32>
        %add3A_1522 = arith.addi %add3A_1423, %add3A_1423 : vector<16xi32>
        %gt3A_1523 = arith.constant 0.000000e+00 : f32
        %gt3A_1524 = vector.broadcast %gt3A_1523 : f32 to vector<16xf32>
        %gt3A_1525 = arith.cmpf ogt, %sub3A_1519, %gt3A_1524 : vector<16xf32>
        %select_n3A_1526 = arith.select %gt3A_1525, %add3A_1055, %add3A_1052 : vector<16xi1>, vector<16xi32>
        %add3A_1527 = arith.addi %add3A_1522, %select_n3A_1526 : vector<16xi32>
        %sub3A_1528 = arith.subf %gather3A_1478, %gather3A_1456 : vector<16xf32>
        %abs3A_1529 = math.absf %sub3A_1528 : vector<16xf32>
        %min3A_1530 = arith.minimumf %min3A_1426, %abs3A_1529 : vector<16xf32>
        %add3A_1531 = arith.addi %add3A_1432, %add3A_1432 : vector<16xi32>
        %gt3A_1532 = arith.constant 0.000000e+00 : f32
        %gt3A_1533 = vector.broadcast %gt3A_1532 : f32 to vector<16xf32>
        %gt3A_1534 = arith.cmpf ogt, %sub3A_1528, %gt3A_1533 : vector<16xf32>
        %select_n3A_1535 = arith.select %gt3A_1534, %add3A_1055, %add3A_1052 : vector<16xi1>, vector<16xi32>
        %add3A_1536 = arith.addi %add3A_1531, %select_n3A_1535 : vector<16xi32>
        %sub3A_1537 = arith.subf %gather3A_1480, %gather3A_1457 : vector<16xf32>
        %abs3A_1538 = math.absf %sub3A_1537 : vector<16xf32>
        %min3A_1539 = arith.minimumf %min3A_1435, %abs3A_1538 : vector<16xf32>
        %add3A_1540 = arith.addi %add3A_1441, %add3A_1441 : vector<16xi32>
        %gt3A_1541 = arith.constant 0.000000e+00 : f32
        %gt3A_1542 = vector.broadcast %gt3A_1541 : f32 to vector<16xf32>
        %gt3A_1543 = arith.cmpf ogt, %sub3A_1537, %gt3A_1542 : vector<16xf32>
        %select_n3A_1544 = arith.select %gt3A_1543, %add3A_1055, %add3A_1052 : vector<16xi1>, vector<16xi32>
        %add3A_1545 = arith.addi %add3A_1540, %select_n3A_1544 : vector<16xi32>
        %sub3A_1546 = arith.subf %gather3A_1482, %gather3A_1458 : vector<16xf32>
        %abs3A_1547 = math.absf %sub3A_1546 : vector<16xf32>
        %min3A_1548 = arith.minimumf %min3A_1444, %abs3A_1547 : vector<16xf32>
        %add3A_1549 = arith.addi %add3A_1450, %add3A_1450 : vector<16xi32>
        %gt3A_1550 = arith.constant 0.000000e+00 : f32
        %gt3A_1551 = vector.broadcast %gt3A_1550 : f32 to vector<16xf32>
        %gt3A_1552 = arith.cmpf ogt, %sub3A_1546, %gt3A_1551 : vector<16xf32>
        %select_n3A_1553 = arith.select %gt3A_1552, %add3A_1055, %add3A_1052 : vector<16xi1>, vector<16xi32>
        %add3A_1554 = arith.addi %add3A_1549, %select_n3A_1553 : vector<16xi32>
        %gather3A_1555 = tpu.vector_load_idx %arg8[%add3A_1491] : memref<4096xf32, #tpu.memory_space<vmem>>[vector<16xi32>], vector<16xf32>,
        %gather3A_1556 = tpu.vector_load_idx %arg8[%add3A_1500] : memref<4096xf32, #tpu.memory_space<vmem>>[vector<16xi32>], vector<16xf32>,
        %gather3A_1557 = tpu.vector_load_idx %arg8[%add3A_1509] : memref<4096xf32, #tpu.memory_space<vmem>>[vector<16xi32>], vector<16xf32>,
        %gather3A_1558 = tpu.vector_load_idx %arg8[%add3A_1518] : memref<4096xf32, #tpu.memory_space<vmem>>[vector<16xi32>], vector<16xf32>,
        %gather3A_1559 = tpu.vector_load_idx %arg8[%add3A_1527] : memref<4096xf32, #tpu.memory_space<vmem>>[vector<16xi32>], vector<16xf32>,
        %gather3A_1560 = tpu.vector_load_idx %arg8[%add3A_1536] : memref<4096xf32, #tpu.memory_space<vmem>>[vector<16xi32>], vector<16xf32>,
        %gather3A_1561 = tpu.vector_load_idx %arg8[%add3A_1545] : memref<4096xf32, #tpu.memory_space<vmem>>[vector<16xi32>], vector<16xf32>,
        %gather3A_1562 = tpu.vector_load_idx %arg8[%add3A_1554] : memref<4096xf32, #tpu.memory_space<vmem>>[vector<16xi32>], vector<16xf32>,
        %gather3A_1563 = tpu.vector_load_idx %arg9[%add3A_1491] : memref<4096xi32, #tpu.memory_space<vmem>>[vector<16xi32>], vector<16xi32>,
        %gather3A_1564 = tpu.vector_load_idx %arg9[%add3A_1500] : memref<4096xi32, #tpu.memory_space<vmem>>[vector<16xi32>], vector<16xi32>,
        %gather3A_1565 = tpu.vector_load_idx %arg9[%add3A_1509] : memref<4096xi32, #tpu.memory_space<vmem>>[vector<16xi32>], vector<16xi32>,
        %gather3A_1566 = tpu.vector_load_idx %arg9[%add3A_1518] : memref<4096xi32, #tpu.memory_space<vmem>>[vector<16xi32>], vector<16xi32>,
        %gather3A_1567 = tpu.vector_load_idx %arg9[%add3A_1527] : memref<4096xi32, #tpu.memory_space<vmem>>[vector<16xi32>], vector<16xi32>,
        %gather3A_1568 = tpu.vector_load_idx %arg9[%add3A_1536] : memref<4096xi32, #tpu.memory_space<vmem>>[vector<16xi32>], vector<16xi32>,
        %gather3A_1569 = tpu.vector_load_idx %arg9[%add3A_1545] : memref<4096xi32, #tpu.memory_space<vmem>>[vector<16xi32>], vector<16xi32>,
        %gather3A_1570 = tpu.vector_load_idx %arg9[%add3A_1554] : memref<4096xi32, #tpu.memory_space<vmem>>[vector<16xi32>], vector<16xi32>,
        %add3A_1571 = arith.addi %mul3A_11, %gather3A_1563 : vector<16xi32>
        %gather3A_1572 = tpu.vector_load_idx %arg7[%add3A_1571] : memref<32896xf32, #tpu.memory_space<vmem>>[vector<16xi32>], vector<16xf32>,
        %add3A_1573 = arith.addi %mul3A_17, %gather3A_1564 : vector<16xi32>
        %gather3A_1574 = tpu.vector_load_idx %arg7[%add3A_1573] : memref<32896xf32, #tpu.memory_space<vmem>>[vector<16xi32>], vector<16xf32>,
        %add3A_1575 = arith.addi %mul3A_23, %gather3A_1565 : vector<16xi32>
        %gather3A_1576 = tpu.vector_load_idx %arg7[%add3A_1575] : memref<32896xf32, #tpu.memory_space<vmem>>[vector<16xi32>], vector<16xf32>,
        %add3A_1577 = arith.addi %mul3A_29, %gather3A_1566 : vector<16xi32>
        %gather3A_1578 = tpu.vector_load_idx %arg7[%add3A_1577] : memref<32896xf32, #tpu.memory_space<vmem>>[vector<16xi32>], vector<16xf32>,
        %add3A_1579 = arith.addi %mul3A_35, %gather3A_1567 : vector<16xi32>
        %gather3A_1580 = tpu.vector_load_idx %arg7[%add3A_1579] : memref<32896xf32, #tpu.memory_space<vmem>>[vector<16xi32>], vector<16xf32>,
        %add3A_1581 = arith.addi %mul3A_41, %gather3A_1568 : vector<16xi32>
        %gather3A_1582 = tpu.vector_load_idx %arg7[%add3A_1581] : memref<32896xf32, #tpu.memory_space<vmem>>[vector<16xi32>], vector<16xf32>,
        %add3A_1583 = arith.addi %mul3A_47, %gather3A_1569 : vector<16xi32>
        %gather3A_1584 = tpu.vector_load_idx %arg7[%add3A_1583] : memref<32896xf32, #tpu.memory_space<vmem>>[vector<16xi32>], vector<16xf32>,
        %add3A_1585 = arith.addi %mul3A_53, %gather3A_1570 : vector<16xi32>
        %gather3A_1586 = tpu.vector_load_idx %arg7[%add3A_1585] : memref<32896xf32, #tpu.memory_space<vmem>>[vector<16xi32>], vector<16xf32>,
        %sub3A_1587 = arith.subf %gather3A_1572, %gather3A_1555 : vector<16xf32>
        %abs3A_1588 = math.absf %sub3A_1587 : vector<16xf32>
        %min3A_1589 = arith.minimumf %min3A_1485, %abs3A_1588 : vector<16xf32>
        %add3A_1590 = arith.addi %add3A_1491, %add3A_1491 : vector<16xi32>
        %gt3A_1591 = arith.constant 0.000000e+00 : f32
        %gt3A_1592 = vector.broadcast %gt3A_1591 : f32 to vector<16xf32>
        %gt3A_1593 = arith.cmpf ogt, %sub3A_1587, %gt3A_1592 : vector<16xf32>
        %select_n3A_1594 = arith.select %gt3A_1593, %add3A_1055, %add3A_1052 : vector<16xi1>, vector<16xi32>
        %add3A_1595 = arith.addi %add3A_1590, %select_n3A_1594 : vector<16xi32>
        %sub3A_1596 = arith.subf %gather3A_1574, %gather3A_1556 : vector<16xf32>
        %abs3A_1597 = math.absf %sub3A_1596 : vector<16xf32>
        %min3A_1598 = arith.minimumf %min3A_1494, %abs3A_1597 : vector<16xf32>
        %add3A_1599 = arith.addi %add3A_1500, %add3A_1500 : vector<16xi32>
        %gt3A_1600 = arith.constant 0.000000e+00 : f32
        %gt3A_1601 = vector.broadcast %gt3A_1600 : f32 to vector<16xf32>
        %gt3A_1602 = arith.cmpf ogt, %sub3A_1596, %gt3A_1601 : vector<16xf32>
        %select_n3A_1603 = arith.select %gt3A_1602, %add3A_1055, %add3A_1052 : vector<16xi1>, vector<16xi32>
        %add3A_1604 = arith.addi %add3A_1599, %select_n3A_1603 : vector<16xi32>
        %sub3A_1605 = arith.subf %gather3A_1576, %gather3A_1557 : vector<16xf32>
        %abs3A_1606 = math.absf %sub3A_1605 : vector<16xf32>
        %min3A_1607 = arith.minimumf %min3A_1503, %abs3A_1606 : vector<16xf32>
        %add3A_1608 = arith.addi %add3A_1509, %add3A_1509 : vector<16xi32>
        %gt3A_1609 = arith.constant 0.000000e+00 : f32
        %gt3A_1610 = vector.broadcast %gt3A_1609 : f32 to vector<16xf32>
        %gt3A_1611 = arith.cmpf ogt, %sub3A_1605, %gt3A_1610 : vector<16xf32>
        %select_n3A_1612 = arith.select %gt3A_1611, %add3A_1055, %add3A_1052 : vector<16xi1>, vector<16xi32>
        %add3A_1613 = arith.addi %add3A_1608, %select_n3A_1612 : vector<16xi32>
        %sub3A_1614 = arith.subf %gather3A_1578, %gather3A_1558 : vector<16xf32>
        %abs3A_1615 = math.absf %sub3A_1614 : vector<16xf32>
        %min3A_1616 = arith.minimumf %min3A_1512, %abs3A_1615 : vector<16xf32>
        %add3A_1617 = arith.addi %add3A_1518, %add3A_1518 : vector<16xi32>
        %gt3A_1618 = arith.constant 0.000000e+00 : f32
        %gt3A_1619 = vector.broadcast %gt3A_1618 : f32 to vector<16xf32>
        %gt3A_1620 = arith.cmpf ogt, %sub3A_1614, %gt3A_1619 : vector<16xf32>
        %select_n3A_1621 = arith.select %gt3A_1620, %add3A_1055, %add3A_1052 : vector<16xi1>, vector<16xi32>
        %add3A_1622 = arith.addi %add3A_1617, %select_n3A_1621 : vector<16xi32>
        %sub3A_1623 = arith.subf %gather3A_1580, %gather3A_1559 : vector<16xf32>
        %abs3A_1624 = math.absf %sub3A_1623 : vector<16xf32>
        %min3A_1625 = arith.minimumf %min3A_1521, %abs3A_1624 : vector<16xf32>
        %add3A_1626 = arith.addi %add3A_1527, %add3A_1527 : vector<16xi32>
        %gt3A_1627 = arith.constant 0.000000e+00 : f32
        %gt3A_1628 = vector.broadcast %gt3A_1627 : f32 to vector<16xf32>
        %gt3A_1629 = arith.cmpf ogt, %sub3A_1623, %gt3A_1628 : vector<16xf32>
        %select_n3A_1630 = arith.select %gt3A_1629, %add3A_1055, %add3A_1052 : vector<16xi1>, vector<16xi32>
        %add3A_1631 = arith.addi %add3A_1626, %select_n3A_1630 : vector<16xi32>
        %sub3A_1632 = arith.subf %gather3A_1582, %gather3A_1560 : vector<16xf32>
        %abs3A_1633 = math.absf %sub3A_1632 : vector<16xf32>
        %min3A_1634 = arith.minimumf %min3A_1530, %abs3A_1633 : vector<16xf32>
        %add3A_1635 = arith.addi %add3A_1536, %add3A_1536 : vector<16xi32>
        %gt3A_1636 = arith.constant 0.000000e+00 : f32
        %gt3A_1637 = vector.broadcast %gt3A_1636 : f32 to vector<16xf32>
        %gt3A_1638 = arith.cmpf ogt, %sub3A_1632, %gt3A_1637 : vector<16xf32>
        %select_n3A_1639 = arith.select %gt3A_1638, %add3A_1055, %add3A_1052 : vector<16xi1>, vector<16xi32>
        %add3A_1640 = arith.addi %add3A_1635, %select_n3A_1639 : vector<16xi32>
        %sub3A_1641 = arith.subf %gather3A_1584, %gather3A_1561 : vector<16xf32>
        %abs3A_1642 = math.absf %sub3A_1641 : vector<16xf32>
        %min3A_1643 = arith.minimumf %min3A_1539, %abs3A_1642 : vector<16xf32>
        %add3A_1644 = arith.addi %add3A_1545, %add3A_1545 : vector<16xi32>
        %gt3A_1645 = arith.constant 0.000000e+00 : f32
        %gt3A_1646 = vector.broadcast %gt3A_1645 : f32 to vector<16xf32>
        %gt3A_1647 = arith.cmpf ogt, %sub3A_1641, %gt3A_1646 : vector<16xf32>
        %select_n3A_1648 = arith.select %gt3A_1647, %add3A_1055, %add3A_1052 : vector<16xi1>, vector<16xi32>
        %add3A_1649 = arith.addi %add3A_1644, %select_n3A_1648 : vector<16xi32>
        %sub3A_1650 = arith.subf %gather3A_1586, %gather3A_1562 : vector<16xf32>
        %abs3A_1651 = math.absf %sub3A_1650 : vector<16xf32>
        %min3A_1652 = arith.minimumf %min3A_1548, %abs3A_1651 : vector<16xf32>
        %add3A_1653 = arith.addi %add3A_1554, %add3A_1554 : vector<16xi32>
        %gt3A_1654 = arith.constant 0.000000e+00 : f32
        %gt3A_1655 = vector.broadcast %gt3A_1654 : f32 to vector<16xf32>
        %gt3A_1656 = arith.cmpf ogt, %sub3A_1650, %gt3A_1655 : vector<16xf32>
        %select_n3A_1657 = arith.select %gt3A_1656, %add3A_1055, %add3A_1052 : vector<16xi1>, vector<16xi32>
        %add3A_1658 = arith.addi %add3A_1653, %select_n3A_1657 : vector<16xi32>
        %gather3A_1659 = tpu.vector_load_idx %arg8[%add3A_1595] : memref<4096xf32, #tpu.memory_space<vmem>>[vector<16xi32>], vector<16xf32>,
        %gather3A_1660 = tpu.vector_load_idx %arg8[%add3A_1604] : memref<4096xf32, #tpu.memory_space<vmem>>[vector<16xi32>], vector<16xf32>,
        %gather3A_1661 = tpu.vector_load_idx %arg8[%add3A_1613] : memref<4096xf32, #tpu.memory_space<vmem>>[vector<16xi32>], vector<16xf32>,
        %gather3A_1662 = tpu.vector_load_idx %arg8[%add3A_1622] : memref<4096xf32, #tpu.memory_space<vmem>>[vector<16xi32>], vector<16xf32>,
        %gather3A_1663 = tpu.vector_load_idx %arg8[%add3A_1631] : memref<4096xf32, #tpu.memory_space<vmem>>[vector<16xi32>], vector<16xf32>,
        %gather3A_1664 = tpu.vector_load_idx %arg8[%add3A_1640] : memref<4096xf32, #tpu.memory_space<vmem>>[vector<16xi32>], vector<16xf32>,
        %gather3A_1665 = tpu.vector_load_idx %arg8[%add3A_1649] : memref<4096xf32, #tpu.memory_space<vmem>>[vector<16xi32>], vector<16xf32>,
        %gather3A_1666 = tpu.vector_load_idx %arg8[%add3A_1658] : memref<4096xf32, #tpu.memory_space<vmem>>[vector<16xi32>], vector<16xf32>,
        %gather3A_1667 = tpu.vector_load_idx %arg9[%add3A_1595] : memref<4096xi32, #tpu.memory_space<vmem>>[vector<16xi32>], vector<16xi32>,
        %gather3A_1668 = tpu.vector_load_idx %arg9[%add3A_1604] : memref<4096xi32, #tpu.memory_space<vmem>>[vector<16xi32>], vector<16xi32>,
        %gather3A_1669 = tpu.vector_load_idx %arg9[%add3A_1613] : memref<4096xi32, #tpu.memory_space<vmem>>[vector<16xi32>], vector<16xi32>,
        %gather3A_1670 = tpu.vector_load_idx %arg9[%add3A_1622] : memref<4096xi32, #tpu.memory_space<vmem>>[vector<16xi32>], vector<16xi32>,
        %gather3A_1671 = tpu.vector_load_idx %arg9[%add3A_1631] : memref<4096xi32, #tpu.memory_space<vmem>>[vector<16xi32>], vector<16xi32>,
        %gather3A_1672 = tpu.vector_load_idx %arg9[%add3A_1640] : memref<4096xi32, #tpu.memory_space<vmem>>[vector<16xi32>], vector<16xi32>,
        %gather3A_1673 = tpu.vector_load_idx %arg9[%add3A_1649] : memref<4096xi32, #tpu.memory_space<vmem>>[vector<16xi32>], vector<16xi32>,
        %gather3A_1674 = tpu.vector_load_idx %arg9[%add3A_1658] : memref<4096xi32, #tpu.memory_space<vmem>>[vector<16xi32>], vector<16xi32>,
        %add3A_1675 = arith.addi %mul3A_11, %gather3A_1667 : vector<16xi32>
        %gather3A_1676 = tpu.vector_load_idx %arg7[%add3A_1675] : memref<32896xf32, #tpu.memory_space<vmem>>[vector<16xi32>], vector<16xf32>,
        %add3A_1677 = arith.addi %mul3A_17, %gather3A_1668 : vector<16xi32>
        %gather3A_1678 = tpu.vector_load_idx %arg7[%add3A_1677] : memref<32896xf32, #tpu.memory_space<vmem>>[vector<16xi32>], vector<16xf32>,
        %add3A_1679 = arith.addi %mul3A_23, %gather3A_1669 : vector<16xi32>
        %gather3A_1680 = tpu.vector_load_idx %arg7[%add3A_1679] : memref<32896xf32, #tpu.memory_space<vmem>>[vector<16xi32>], vector<16xf32>,
        %add3A_1681 = arith.addi %mul3A_29, %gather3A_1670 : vector<16xi32>
        %gather3A_1682 = tpu.vector_load_idx %arg7[%add3A_1681] : memref<32896xf32, #tpu.memory_space<vmem>>[vector<16xi32>], vector<16xf32>,
        %add3A_1683 = arith.addi %mul3A_35, %gather3A_1671 : vector<16xi32>
        %gather3A_1684 = tpu.vector_load_idx %arg7[%add3A_1683] : memref<32896xf32, #tpu.memory_space<vmem>>[vector<16xi32>], vector<16xf32>,
        %add3A_1685 = arith.addi %mul3A_41, %gather3A_1672 : vector<16xi32>
        %gather3A_1686 = tpu.vector_load_idx %arg7[%add3A_1685] : memref<32896xf32, #tpu.memory_space<vmem>>[vector<16xi32>], vector<16xf32>,
        %add3A_1687 = arith.addi %mul3A_47, %gather3A_1673 : vector<16xi32>
        %gather3A_1688 = tpu.vector_load_idx %arg7[%add3A_1687] : memref<32896xf32, #tpu.memory_space<vmem>>[vector<16xi32>], vector<16xf32>,
        %add3A_1689 = arith.addi %mul3A_53, %gather3A_1674 : vector<16xi32>
        %gather3A_1690 = tpu.vector_load_idx %arg7[%add3A_1689] : memref<32896xf32, #tpu.memory_space<vmem>>[vector<16xi32>], vector<16xf32>,
        %sub3A_1691 = arith.subf %gather3A_1676, %gather3A_1659 : vector<16xf32>
        %abs3A_1692 = math.absf %sub3A_1691 : vector<16xf32>
        %min3A_1693 = arith.minimumf %min3A_1589, %abs3A_1692 : vector<16xf32>
        %add3A_1694 = arith.addi %add3A_1595, %add3A_1595 : vector<16xi32>
        %gt3A_1695 = arith.constant 0.000000e+00 : f32
        %gt3A_1696 = vector.broadcast %gt3A_1695 : f32 to vector<16xf32>
        %gt3A_1697 = arith.cmpf ogt, %sub3A_1691, %gt3A_1696 : vector<16xf32>
        %select_n3A_1698 = arith.select %gt3A_1697, %add3A_1055, %add3A_1052 : vector<16xi1>, vector<16xi32>
        %add3A_1699 = arith.addi %add3A_1694, %select_n3A_1698 : vector<16xi32>
        %sub3A_1700 = arith.subf %gather3A_1678, %gather3A_1660 : vector<16xf32>
        %abs3A_1701 = math.absf %sub3A_1700 : vector<16xf32>
        %min3A_1702 = arith.minimumf %min3A_1598, %abs3A_1701 : vector<16xf32>
        %add3A_1703 = arith.addi %add3A_1604, %add3A_1604 : vector<16xi32>
        %gt3A_1704 = arith.constant 0.000000e+00 : f32
        %gt3A_1705 = vector.broadcast %gt3A_1704 : f32 to vector<16xf32>
        %gt3A_1706 = arith.cmpf ogt, %sub3A_1700, %gt3A_1705 : vector<16xf32>
        %select_n3A_1707 = arith.select %gt3A_1706, %add3A_1055, %add3A_1052 : vector<16xi1>, vector<16xi32>
        %add3A_1708 = arith.addi %add3A_1703, %select_n3A_1707 : vector<16xi32>
        %sub3A_1709 = arith.subf %gather3A_1680, %gather3A_1661 : vector<16xf32>
        %abs3A_1710 = math.absf %sub3A_1709 : vector<16xf32>
        %min3A_1711 = arith.minimumf %min3A_1607, %abs3A_1710 : vector<16xf32>
        %add3A_1712 = arith.addi %add3A_1613, %add3A_1613 : vector<16xi32>
        %gt3A_1713 = arith.constant 0.000000e+00 : f32
        %gt3A_1714 = vector.broadcast %gt3A_1713 : f32 to vector<16xf32>
        %gt3A_1715 = arith.cmpf ogt, %sub3A_1709, %gt3A_1714 : vector<16xf32>
        %select_n3A_1716 = arith.select %gt3A_1715, %add3A_1055, %add3A_1052 : vector<16xi1>, vector<16xi32>
        %add3A_1717 = arith.addi %add3A_1712, %select_n3A_1716 : vector<16xi32>
        %sub3A_1718 = arith.subf %gather3A_1682, %gather3A_1662 : vector<16xf32>
        %abs3A_1719 = math.absf %sub3A_1718 : vector<16xf32>
        %min3A_1720 = arith.minimumf %min3A_1616, %abs3A_1719 : vector<16xf32>
        %add3A_1721 = arith.addi %add3A_1622, %add3A_1622 : vector<16xi32>
        %gt3A_1722 = arith.constant 0.000000e+00 : f32
        %gt3A_1723 = vector.broadcast %gt3A_1722 : f32 to vector<16xf32>
        %gt3A_1724 = arith.cmpf ogt, %sub3A_1718, %gt3A_1723 : vector<16xf32>
        %select_n3A_1725 = arith.select %gt3A_1724, %add3A_1055, %add3A_1052 : vector<16xi1>, vector<16xi32>
        %add3A_1726 = arith.addi %add3A_1721, %select_n3A_1725 : vector<16xi32>
        %sub3A_1727 = arith.subf %gather3A_1684, %gather3A_1663 : vector<16xf32>
        %abs3A_1728 = math.absf %sub3A_1727 : vector<16xf32>
        %min3A_1729 = arith.minimumf %min3A_1625, %abs3A_1728 : vector<16xf32>
        %add3A_1730 = arith.addi %add3A_1631, %add3A_1631 : vector<16xi32>
        %gt3A_1731 = arith.constant 0.000000e+00 : f32
        %gt3A_1732 = vector.broadcast %gt3A_1731 : f32 to vector<16xf32>
        %gt3A_1733 = arith.cmpf ogt, %sub3A_1727, %gt3A_1732 : vector<16xf32>
        %select_n3A_1734 = arith.select %gt3A_1733, %add3A_1055, %add3A_1052 : vector<16xi1>, vector<16xi32>
        %add3A_1735 = arith.addi %add3A_1730, %select_n3A_1734 : vector<16xi32>
        %sub3A_1736 = arith.subf %gather3A_1686, %gather3A_1664 : vector<16xf32>
        %abs3A_1737 = math.absf %sub3A_1736 : vector<16xf32>
        %min3A_1738 = arith.minimumf %min3A_1634, %abs3A_1737 : vector<16xf32>
        %add3A_1739 = arith.addi %add3A_1640, %add3A_1640 : vector<16xi32>
        %gt3A_1740 = arith.constant 0.000000e+00 : f32
        %gt3A_1741 = vector.broadcast %gt3A_1740 : f32 to vector<16xf32>
        %gt3A_1742 = arith.cmpf ogt, %sub3A_1736, %gt3A_1741 : vector<16xf32>
        %select_n3A_1743 = arith.select %gt3A_1742, %add3A_1055, %add3A_1052 : vector<16xi1>, vector<16xi32>
        %add3A_1744 = arith.addi %add3A_1739, %select_n3A_1743 : vector<16xi32>
        %sub3A_1745 = arith.subf %gather3A_1688, %gather3A_1665 : vector<16xf32>
        %abs3A_1746 = math.absf %sub3A_1745 : vector<16xf32>
        %min3A_1747 = arith.minimumf %min3A_1643, %abs3A_1746 : vector<16xf32>
        %add3A_1748 = arith.addi %add3A_1649, %add3A_1649 : vector<16xi32>
        %gt3A_1749 = arith.constant 0.000000e+00 : f32
        %gt3A_1750 = vector.broadcast %gt3A_1749 : f32 to vector<16xf32>
        %gt3A_1751 = arith.cmpf ogt, %sub3A_1745, %gt3A_1750 : vector<16xf32>
        %select_n3A_1752 = arith.select %gt3A_1751, %add3A_1055, %add3A_1052 : vector<16xi1>, vector<16xi32>
        %add3A_1753 = arith.addi %add3A_1748, %select_n3A_1752 : vector<16xi32>
        %sub3A_1754 = arith.subf %gather3A_1690, %gather3A_1666 : vector<16xf32>
        %abs3A_1755 = math.absf %sub3A_1754 : vector<16xf32>
        %min3A_1756 = arith.minimumf %min3A_1652, %abs3A_1755 : vector<16xf32>
        %add3A_1757 = arith.addi %add3A_1658, %add3A_1658 : vector<16xi32>
        %gt3A_1758 = arith.constant 0.000000e+00 : f32
        %gt3A_1759 = vector.broadcast %gt3A_1758 : f32 to vector<16xf32>
        %gt3A_1760 = arith.cmpf ogt, %sub3A_1754, %gt3A_1759 : vector<16xf32>
        %select_n3A_1761 = arith.select %gt3A_1760, %add3A_1055, %add3A_1052 : vector<16xi1>, vector<16xi32>
        %add3A_1762 = arith.addi %add3A_1757, %select_n3A_1761 : vector<16xi32>
        %gather3A_1763 = tpu.vector_load_idx %arg8[%add3A_1699] : memref<4096xf32, #tpu.memory_space<vmem>>[vector<16xi32>], vector<16xf32>,
        %gather3A_1764 = tpu.vector_load_idx %arg8[%add3A_1708] : memref<4096xf32, #tpu.memory_space<vmem>>[vector<16xi32>], vector<16xf32>,
        %gather3A_1765 = tpu.vector_load_idx %arg8[%add3A_1717] : memref<4096xf32, #tpu.memory_space<vmem>>[vector<16xi32>], vector<16xf32>,
        %gather3A_1766 = tpu.vector_load_idx %arg8[%add3A_1726] : memref<4096xf32, #tpu.memory_space<vmem>>[vector<16xi32>], vector<16xf32>,
        %gather3A_1767 = tpu.vector_load_idx %arg8[%add3A_1735] : memref<4096xf32, #tpu.memory_space<vmem>>[vector<16xi32>], vector<16xf32>,
        %gather3A_1768 = tpu.vector_load_idx %arg8[%add3A_1744] : memref<4096xf32, #tpu.memory_space<vmem>>[vector<16xi32>], vector<16xf32>,
        %gather3A_1769 = tpu.vector_load_idx %arg8[%add3A_1753] : memref<4096xf32, #tpu.memory_space<vmem>>[vector<16xi32>], vector<16xf32>,
        %gather3A_1770 = tpu.vector_load_idx %arg8[%add3A_1762] : memref<4096xf32, #tpu.memory_space<vmem>>[vector<16xi32>], vector<16xf32>,
        %gather3A_1771 = tpu.vector_load_idx %arg9[%add3A_1699] : memref<4096xi32, #tpu.memory_space<vmem>>[vector<16xi32>], vector<16xi32>,
        %gather3A_1772 = tpu.vector_load_idx %arg9[%add3A_1708] : memref<4096xi32, #tpu.memory_space<vmem>>[vector<16xi32>], vector<16xi32>,
        %gather3A_1773 = tpu.vector_load_idx %arg9[%add3A_1717] : memref<4096xi32, #tpu.memory_space<vmem>>[vector<16xi32>], vector<16xi32>,
        %gather3A_1774 = tpu.vector_load_idx %arg9[%add3A_1726] : memref<4096xi32, #tpu.memory_space<vmem>>[vector<16xi32>], vector<16xi32>,
        %gather3A_1775 = tpu.vector_load_idx %arg9[%add3A_1735] : memref<4096xi32, #tpu.memory_space<vmem>>[vector<16xi32>], vector<16xi32>,
        %gather3A_1776 = tpu.vector_load_idx %arg9[%add3A_1744] : memref<4096xi32, #tpu.memory_space<vmem>>[vector<16xi32>], vector<16xi32>,
        %gather3A_1777 = tpu.vector_load_idx %arg9[%add3A_1753] : memref<4096xi32, #tpu.memory_space<vmem>>[vector<16xi32>], vector<16xi32>,
        %gather3A_1778 = tpu.vector_load_idx %arg9[%add3A_1762] : memref<4096xi32, #tpu.memory_space<vmem>>[vector<16xi32>], vector<16xi32>,
        %add3A_1779 = arith.addi %mul3A_11, %gather3A_1771 : vector<16xi32>
        %gather3A_1780 = tpu.vector_load_idx %arg7[%add3A_1779] : memref<32896xf32, #tpu.memory_space<vmem>>[vector<16xi32>], vector<16xf32>,
        %add3A_1781 = arith.addi %mul3A_17, %gather3A_1772 : vector<16xi32>
        %gather3A_1782 = tpu.vector_load_idx %arg7[%add3A_1781] : memref<32896xf32, #tpu.memory_space<vmem>>[vector<16xi32>], vector<16xf32>,
        %add3A_1783 = arith.addi %mul3A_23, %gather3A_1773 : vector<16xi32>
        %gather3A_1784 = tpu.vector_load_idx %arg7[%add3A_1783] : memref<32896xf32, #tpu.memory_space<vmem>>[vector<16xi32>], vector<16xf32>,
        %add3A_1785 = arith.addi %mul3A_29, %gather3A_1774 : vector<16xi32>
        %gather3A_1786 = tpu.vector_load_idx %arg7[%add3A_1785] : memref<32896xf32, #tpu.memory_space<vmem>>[vector<16xi32>], vector<16xf32>,
        %add3A_1787 = arith.addi %mul3A_35, %gather3A_1775 : vector<16xi32>
        %gather3A_1788 = tpu.vector_load_idx %arg7[%add3A_1787] : memref<32896xf32, #tpu.memory_space<vmem>>[vector<16xi32>], vector<16xf32>,
        %add3A_1789 = arith.addi %mul3A_41, %gather3A_1776 : vector<16xi32>
        %gather3A_1790 = tpu.vector_load_idx %arg7[%add3A_1789] : memref<32896xf32, #tpu.memory_space<vmem>>[vector<16xi32>], vector<16xf32>,
        %add3A_1791 = arith.addi %mul3A_47, %gather3A_1777 : vector<16xi32>
        %gather3A_1792 = tpu.vector_load_idx %arg7[%add3A_1791] : memref<32896xf32, #tpu.memory_space<vmem>>[vector<16xi32>], vector<16xf32>,
        %add3A_1793 = arith.addi %mul3A_53, %gather3A_1778 : vector<16xi32>
        %gather3A_1794 = tpu.vector_load_idx %arg7[%add3A_1793] : memref<32896xf32, #tpu.memory_space<vmem>>[vector<16xi32>], vector<16xf32>,
        %sub3A_1795 = arith.subf %gather3A_1780, %gather3A_1763 : vector<16xf32>
        %abs3A_1796 = math.absf %sub3A_1795 : vector<16xf32>
        %min3A_1797 = arith.minimumf %min3A_1693, %abs3A_1796 : vector<16xf32>
        %add3A_1798 = arith.addi %add3A_1699, %add3A_1699 : vector<16xi32>
        %gt3A_1799 = arith.constant 0.000000e+00 : f32
        %gt3A_1800 = vector.broadcast %gt3A_1799 : f32 to vector<16xf32>
        %gt3A_1801 = arith.cmpf ogt, %sub3A_1795, %gt3A_1800 : vector<16xf32>
        %select_n3A_1802 = arith.select %gt3A_1801, %add3A_1061, %sub3A_1058 : vector<16xi1>, vector<16xi32>
        %add3A_1803 = arith.addi %add3A_1798, %select_n3A_1802 : vector<16xi32>
        %sub3A_1804 = arith.subf %gather3A_1782, %gather3A_1764 : vector<16xf32>
        %abs3A_1805 = math.absf %sub3A_1804 : vector<16xf32>
        %min3A_1806 = arith.minimumf %min3A_1702, %abs3A_1805 : vector<16xf32>
        %add3A_1807 = arith.addi %add3A_1708, %add3A_1708 : vector<16xi32>
        %gt3A_1808 = arith.constant 0.000000e+00 : f32
        %gt3A_1809 = vector.broadcast %gt3A_1808 : f32 to vector<16xf32>
        %gt3A_1810 = arith.cmpf ogt, %sub3A_1804, %gt3A_1809 : vector<16xf32>
        %select_n3A_1811 = arith.select %gt3A_1810, %add3A_1061, %sub3A_1058 : vector<16xi1>, vector<16xi32>
        %add3A_1812 = arith.addi %add3A_1807, %select_n3A_1811 : vector<16xi32>
        %sub3A_1813 = arith.subf %gather3A_1784, %gather3A_1765 : vector<16xf32>
        %abs3A_1814 = math.absf %sub3A_1813 : vector<16xf32>
        %min3A_1815 = arith.minimumf %min3A_1711, %abs3A_1814 : vector<16xf32>
        %add3A_1816 = arith.addi %add3A_1717, %add3A_1717 : vector<16xi32>
        %gt3A_1817 = arith.constant 0.000000e+00 : f32
        %gt3A_1818 = vector.broadcast %gt3A_1817 : f32 to vector<16xf32>
        %gt3A_1819 = arith.cmpf ogt, %sub3A_1813, %gt3A_1818 : vector<16xf32>
        %select_n3A_1820 = arith.select %gt3A_1819, %add3A_1061, %sub3A_1058 : vector<16xi1>, vector<16xi32>
        %add3A_1821 = arith.addi %add3A_1816, %select_n3A_1820 : vector<16xi32>
        %sub3A_1822 = arith.subf %gather3A_1786, %gather3A_1766 : vector<16xf32>
        %abs3A_1823 = math.absf %sub3A_1822 : vector<16xf32>
        %min3A_1824 = arith.minimumf %min3A_1720, %abs3A_1823 : vector<16xf32>
        %add3A_1825 = arith.addi %add3A_1726, %add3A_1726 : vector<16xi32>
        %gt3A_1826 = arith.constant 0.000000e+00 : f32
        %gt3A_1827 = vector.broadcast %gt3A_1826 : f32 to vector<16xf32>
        %gt3A_1828 = arith.cmpf ogt, %sub3A_1822, %gt3A_1827 : vector<16xf32>
        %select_n3A_1829 = arith.select %gt3A_1828, %add3A_1061, %sub3A_1058 : vector<16xi1>, vector<16xi32>
        %add3A_1830 = arith.addi %add3A_1825, %select_n3A_1829 : vector<16xi32>
        %sub3A_1831 = arith.subf %gather3A_1788, %gather3A_1767 : vector<16xf32>
        %abs3A_1832 = math.absf %sub3A_1831 : vector<16xf32>
        %min3A_1833 = arith.minimumf %min3A_1729, %abs3A_1832 : vector<16xf32>
        %add3A_1834 = arith.addi %add3A_1735, %add3A_1735 : vector<16xi32>
        %gt3A_1835 = arith.constant 0.000000e+00 : f32
        %gt3A_1836 = vector.broadcast %gt3A_1835 : f32 to vector<16xf32>
        %gt3A_1837 = arith.cmpf ogt, %sub3A_1831, %gt3A_1836 : vector<16xf32>
        %select_n3A_1838 = arith.select %gt3A_1837, %add3A_1061, %sub3A_1058 : vector<16xi1>, vector<16xi32>
        %add3A_1839 = arith.addi %add3A_1834, %select_n3A_1838 : vector<16xi32>
        %sub3A_1840 = arith.subf %gather3A_1790, %gather3A_1768 : vector<16xf32>
        %abs3A_1841 = math.absf %sub3A_1840 : vector<16xf32>
        %min3A_1842 = arith.minimumf %min3A_1738, %abs3A_1841 : vector<16xf32>
        %add3A_1843 = arith.addi %add3A_1744, %add3A_1744 : vector<16xi32>
        %gt3A_1844 = arith.constant 0.000000e+00 : f32
        %gt3A_1845 = vector.broadcast %gt3A_1844 : f32 to vector<16xf32>
        %gt3A_1846 = arith.cmpf ogt, %sub3A_1840, %gt3A_1845 : vector<16xf32>
        %select_n3A_1847 = arith.select %gt3A_1846, %add3A_1061, %sub3A_1058 : vector<16xi1>, vector<16xi32>
        %add3A_1848 = arith.addi %add3A_1843, %select_n3A_1847 : vector<16xi32>
        %sub3A_1849 = arith.subf %gather3A_1792, %gather3A_1769 : vector<16xf32>
        %abs3A_1850 = math.absf %sub3A_1849 : vector<16xf32>
        %min3A_1851 = arith.minimumf %min3A_1747, %abs3A_1850 : vector<16xf32>
        %add3A_1852 = arith.addi %add3A_1753, %add3A_1753 : vector<16xi32>
        %gt3A_1853 = arith.constant 0.000000e+00 : f32
        %gt3A_1854 = vector.broadcast %gt3A_1853 : f32 to vector<16xf32>
        %gt3A_1855 = arith.cmpf ogt, %sub3A_1849, %gt3A_1854 : vector<16xf32>
        %select_n3A_1856 = arith.select %gt3A_1855, %add3A_1061, %sub3A_1058 : vector<16xi1>, vector<16xi32>
        %add3A_1857 = arith.addi %add3A_1852, %select_n3A_1856 : vector<16xi32>
        %sub3A_1858 = arith.subf %gather3A_1794, %gather3A_1770 : vector<16xf32>
        %abs3A_1859 = math.absf %sub3A_1858 : vector<16xf32>
        %min3A_1860 = arith.minimumf %min3A_1756, %abs3A_1859 : vector<16xf32>
        %add3A_1861 = arith.addi %add3A_1762, %add3A_1762 : vector<16xi32>
        %gt3A_1862 = arith.constant 0.000000e+00 : f32
        %gt3A_1863 = vector.broadcast %gt3A_1862 : f32 to vector<16xf32>
        %gt3A_1864 = arith.cmpf ogt, %sub3A_1858, %gt3A_1863 : vector<16xf32>
        %select_n3A_1865 = arith.select %gt3A_1864, %add3A_1061, %sub3A_1058 : vector<16xi1>, vector<16xi32>
        %add3A_1866 = arith.addi %add3A_1861, %select_n3A_1865 : vector<16xi32>
        %gather3A_1867 = tpu.vector_load_idx %arg10[%add3A_1803] : memref<4096xf32, #tpu.memory_space<vmem>>[vector<16xi32>], vector<16xf32>,
        %gather3A_1868 = tpu.vector_load_idx %arg10[%add3A_1812] : memref<4096xf32, #tpu.memory_space<vmem>>[vector<16xi32>], vector<16xf32>,
        %gather3A_1869 = tpu.vector_load_idx %arg10[%add3A_1821] : memref<4096xf32, #tpu.memory_space<vmem>>[vector<16xi32>], vector<16xf32>,
        %gather3A_1870 = tpu.vector_load_idx %arg10[%add3A_1830] : memref<4096xf32, #tpu.memory_space<vmem>>[vector<16xi32>], vector<16xf32>,
        %gather3A_1871 = tpu.vector_load_idx %arg10[%add3A_1839] : memref<4096xf32, #tpu.memory_space<vmem>>[vector<16xi32>], vector<16xf32>,
        %gather3A_1872 = tpu.vector_load_idx %arg10[%add3A_1848] : memref<4096xf32, #tpu.memory_space<vmem>>[vector<16xi32>], vector<16xf32>,
        %gather3A_1873 = tpu.vector_load_idx %arg10[%add3A_1857] : memref<4096xf32, #tpu.memory_space<vmem>>[vector<16xi32>], vector<16xf32>,
        %gather3A_1874 = tpu.vector_load_idx %arg10[%add3A_1866] : memref<4096xf32, #tpu.memory_space<vmem>>[vector<16xi32>], vector<16xf32>,
        %add3A_1875 = arith.constant 0 : i32
        %add3A_1876 = vector.broadcast %add3A_1875 : i32 to vector<16xi32>
        %add3A_1877 = arith.addi %add3A_1048, %add3A_1876 : vector<16xi32>
        %mul3A_1878 = arith.mulf %gather3A_1867, %min3A_1797 : vector<16xf32>
        tpu.vector_store_idx %arg14[%add3A_1877], %mul3A_1878 : memref<65536xf32, #tpu.memory_space<vmem>>[vector<16xi32>], vector<16xf32>,
        %add3A_1879 = arith.constant 16 : i32
        %add3A_1880 = vector.broadcast %add3A_1879 : i32 to vector<16xi32>
        %add3A_1881 = arith.addi %add3A_1048, %add3A_1880 : vector<16xi32>
        %mul3A_1882 = arith.mulf %gather3A_1868, %min3A_1806 : vector<16xf32>
        tpu.vector_store_idx %arg14[%add3A_1881], %mul3A_1882 : memref<65536xf32, #tpu.memory_space<vmem>>[vector<16xi32>], vector<16xf32>,
        %add3A_1883 = arith.constant 32 : i32
        %add3A_1884 = vector.broadcast %add3A_1883 : i32 to vector<16xi32>
        %add3A_1885 = arith.addi %add3A_1048, %add3A_1884 : vector<16xi32>
        %mul3A_1886 = arith.mulf %gather3A_1869, %min3A_1815 : vector<16xf32>
        tpu.vector_store_idx %arg14[%add3A_1885], %mul3A_1886 : memref<65536xf32, #tpu.memory_space<vmem>>[vector<16xi32>], vector<16xf32>,
        %add3A_1887 = arith.constant 48 : i32
        %add3A_1888 = vector.broadcast %add3A_1887 : i32 to vector<16xi32>
        %add3A_1889 = arith.addi %add3A_1048, %add3A_1888 : vector<16xi32>
        %mul3A_1890 = arith.mulf %gather3A_1870, %min3A_1824 : vector<16xf32>
        tpu.vector_store_idx %arg14[%add3A_1889], %mul3A_1890 : memref<65536xf32, #tpu.memory_space<vmem>>[vector<16xi32>], vector<16xf32>,
        %add3A_1891 = arith.constant 64 : i32
        %add3A_1892 = vector.broadcast %add3A_1891 : i32 to vector<16xi32>
        %add3A_1893 = arith.addi %add3A_1048, %add3A_1892 : vector<16xi32>
        %mul3A_1894 = arith.mulf %gather3A_1871, %min3A_1833 : vector<16xf32>
        tpu.vector_store_idx %arg14[%add3A_1893], %mul3A_1894 : memref<65536xf32, #tpu.memory_space<vmem>>[vector<16xi32>], vector<16xf32>,
        %add3A_1895 = arith.constant 80 : i32
        %add3A_1896 = vector.broadcast %add3A_1895 : i32 to vector<16xi32>
        %add3A_1897 = arith.addi %add3A_1048, %add3A_1896 : vector<16xi32>
        %mul3A_1898 = arith.mulf %gather3A_1872, %min3A_1842 : vector<16xf32>
        tpu.vector_store_idx %arg14[%add3A_1897], %mul3A_1898 : memref<65536xf32, #tpu.memory_space<vmem>>[vector<16xi32>], vector<16xf32>,
        %add3A_1899 = arith.constant 96 : i32
        %add3A_1900 = vector.broadcast %add3A_1899 : i32 to vector<16xi32>
        %add3A_1901 = arith.addi %add3A_1048, %add3A_1900 : vector<16xi32>
        %mul3A_1902 = arith.mulf %gather3A_1873, %min3A_1851 : vector<16xf32>
        tpu.vector_store_idx %arg14[%add3A_1901], %mul3A_1902 : memref<65536xf32, #tpu.memory_space<vmem>>[vector<16xi32>], vector<16xf32>,
        %add3A_1903 = arith.constant 112 : i32
        %add3A_1904 = vector.broadcast %add3A_1903 : i32 to vector<16xi32>
        %add3A_1905 = arith.addi %add3A_1048, %add3A_1904 : vector<16xi32>
        %mul3A_1906 = arith.mulf %gather3A_1874, %min3A_1860 : vector<16xf32>
        tpu.vector_store_idx %arg14[%add3A_1905], %mul3A_1906 : memref<65536xf32, #tpu.memory_space<vmem>>[vector<16xi32>], vector<16xf32>,
      }
      %scan3A_129 = arith.constant 8 : i32
      %add3A_130 = arith.constant 2 : i32
      %add3A_131 = arith.addi %mul3A_109, %add3A_130 : i32
      %min3A = arith.constant 31 : i32
      %min3A_132 = arith.minsi %add3A_131, %min3A : i32
      %mul3A_133 = arith.constant 4096 : i32
      %mul3A_134 = arith.muli %min3A_132, %mul3A_133 : i32
      %dma_start3A_135 = tpu.memref_slice %arg3[%mul3A_134] : memref<131072xf32, #tpu.memory_space<hbm>> -> memref<4096xf32, #tpu.memory_space<hbm>>
      %dma_start3A_136 = tpu.memref_slice %arg3[%mul3A_134] : memref<131072xf32, #tpu.memory_space<hbm>> -> memref<4096xf32, #tpu.memory_space<hbm>>
      tpu.enqueue_dma source(%dma_start3A_136 : memref<4096xf32, #tpu.memory_space<hbm>>) target(%arg8 : memref<4096xf32, #tpu.memory_space<vmem>>) target_semaphore(%arg15 : memref<!tpu.dma_semaphore, #tpu.memory_space<semaphore_mem>>)
      %dma_start3A_137 = tpu.memref_slice %arg4[%mul3A_134] : memref<131072xi32, #tpu.memory_space<hbm>> -> memref<4096xi32, #tpu.memory_space<hbm>>
      %dma_start3A_138 = tpu.memref_slice %arg4[%mul3A_134] : memref<131072xi32, #tpu.memory_space<hbm>> -> memref<4096xi32, #tpu.memory_space<hbm>>
      tpu.enqueue_dma source(%dma_start3A_138 : memref<4096xi32, #tpu.memory_space<hbm>>) target(%arg9 : memref<4096xi32, #tpu.memory_space<vmem>>) target_semaphore(%arg15 : memref<!tpu.dma_semaphore, #tpu.memory_space<semaphore_mem>>)
      %dma_start3A_139 = tpu.memref_slice %arg5[%mul3A_134] : memref<131072xf32, #tpu.memory_space<hbm>> -> memref<4096xf32, #tpu.memory_space<hbm>>
      %dma_start3A_140 = tpu.memref_slice %arg5[%mul3A_134] : memref<131072xf32, #tpu.memory_space<hbm>> -> memref<4096xf32, #tpu.memory_space<hbm>>
      tpu.enqueue_dma source(%dma_start3A_140 : memref<4096xf32, #tpu.memory_space<hbm>>) target(%arg10 : memref<4096xf32, #tpu.memory_space<vmem>>) target_semaphore(%arg15 : memref<!tpu.dma_semaphore, #tpu.memory_space<semaphore_mem>>)
      %dma_wait3A_141 = arith.constant 0 : i32
      %dma_wait3A_142 = tpu.memref_slice %arg3[%dma_wait3A_141] : memref<131072xf32, #tpu.memory_space<hbm>> -> memref<4096xf32, #tpu.memory_space<hbm>>
      %dma_wait3A_143 = arith.constant 0 : i32
      %dma_wait3A_144 = tpu.memref_slice %arg3[%dma_wait3A_143] : memref<131072xf32, #tpu.memory_space<hbm>> -> memref<4096xf32, #tpu.memory_space<hbm>>
      tpu.wait_dma2 semaphore(%arg16 : memref<!tpu.dma_semaphore, #tpu.memory_space<semaphore_mem>>) src(%dma_wait3A_144 : memref<4096xf32, #tpu.memory_space<hbm>>) dst(%arg11 : memref<4096xf32, #tpu.memory_space<vmem>>)
      %dma_wait3A_145 = arith.constant 0 : i32
      %dma_wait3A_146 = tpu.memref_slice %arg4[%dma_wait3A_145] : memref<131072xi32, #tpu.memory_space<hbm>> -> memref<4096xi32, #tpu.memory_space<hbm>>
      %dma_wait3A_147 = arith.constant 0 : i32
      %dma_wait3A_148 = tpu.memref_slice %arg4[%dma_wait3A_147] : memref<131072xi32, #tpu.memory_space<hbm>> -> memref<4096xi32, #tpu.memory_space<hbm>>
      tpu.wait_dma2 semaphore(%arg16 : memref<!tpu.dma_semaphore, #tpu.memory_space<semaphore_mem>>) src(%dma_wait3A_148 : memref<4096xi32, #tpu.memory_space<hbm>>) dst(%arg12 : memref<4096xi32, #tpu.memory_space<vmem>>)
      %dma_wait3A_149 = arith.constant 0 : i32
      %dma_wait3A_150 = tpu.memref_slice %arg5[%dma_wait3A_149] : memref<131072xf32, #tpu.memory_space<hbm>> -> memref<4096xf32, #tpu.memory_space<hbm>>
      %dma_wait3A_151 = arith.constant 0 : i32
      %dma_wait3A_152 = tpu.memref_slice %arg5[%dma_wait3A_151] : memref<131072xf32, #tpu.memory_space<hbm>> -> memref<4096xf32, #tpu.memory_space<hbm>>
      tpu.wait_dma2 semaphore(%arg16 : memref<!tpu.dma_semaphore, #tpu.memory_space<semaphore_mem>>) src(%dma_wait3A_152 : memref<4096xf32, #tpu.memory_space<hbm>>) dst(%arg13 : memref<4096xf32, #tpu.memory_space<vmem>>)
      %add3A_153 = arith.constant 1 : i32
      %add3A_154 = arith.addi %mul3A_109, %add3A_153 : i32
      %mul3A_155 = arith.constant 16 : i32
      %mul3A_156 = arith.muli %add3A_154, %mul3A_155 : i32
      %scan3A_157 = arith.constant 0 : i32
      %scan3A_158 = arith.constant 0 : i32
      %scan3A_159 = arith.constant 8 : i32
      %scan3A_160 = arith.addi %scan3A_158, %scan3A_159 : i32
      %scan3A_161 = arith.constant 1 : i32
      scf.for %scan3A_175 = %scan3A_158 to %scan3A_160 step %scan3A_161  : i32 {
        %mul3A_176 = arith.constant 2 : i32
        %mul3A_177 = arith.muli %mul3A_176, %scan3A_175 : i32
        %mul3A_178 = arith.constant 256 : i32
        %mul3A_179 = arith.muli %mul3A_177, %mul3A_178 : i32
        %add3A_180 = arith.addi %mul3A_156, %mul3A_177 : i32
        %mul3A_181 = arith.constant 128 : i32
        %mul3A_182 = arith.muli %add3A_180, %mul3A_181 : i32
        %add3A_183 = vector.broadcast %mul3A_182 : i32 to vector<16xi32>
        %add3A_184 = arith.addi %iota3A, %add3A_183 : vector<16xi32>
        %sub3A = arith.constant 1 : i32
        %sub3A_185 = arith.subi %sub3A, %mul3A_179 : i32
        %add3A_186 = vector.broadcast %sub3A_185 : i32 to vector<16xi32>
        %add3A_187 = arith.addi %broadcast_in_dim3A_5, %add3A_186 : vector<16xi32>
        %add3A_188 = arith.constant 1 : i32
        %add3A_189 = vector.broadcast %add3A_188 : i32 to vector<16xi32>
        %add3A_190 = arith.addi %add3A_187, %add3A_189 : vector<16xi32>
        %sub3A_191 = arith.constant 255 : i32
        %sub3A_192 = vector.broadcast %sub3A_191 : i32 to vector<16xi32>
        %sub3A_193 = arith.subi %add3A_187, %sub3A_192 : vector<16xi32>
        %add3A_194 = arith.constant 1 : i32
        %add3A_195 = vector.broadcast %add3A_194 : i32 to vector<16xi32>
        %add3A_196 = arith.addi %sub3A_193, %add3A_195 : vector<16xi32>
        %add3A_197 = arith.constant 1 : i32
        %add3A_198 = arith.addi %mul3A_179, %add3A_197 : i32
        %add3A_199 = vector.broadcast %add3A_198 : i32 to vector<16xi32>
        %add3A_200 = arith.addi %broadcast_in_dim3A_5, %add3A_199 : vector<16xi32>
        %add3A_201 = arith.constant 1 : i32
        %add3A_202 = vector.broadcast %add3A_201 : i32 to vector<16xi32>
        %add3A_203 = arith.addi %add3A_200, %add3A_202 : vector<16xi32>
        %add3A_204 = vector.broadcast %mul3A_179 : i32 to vector<16xi32>
        %add3A_205 = arith.addi %broadcast_in_dim3A_5, %add3A_204 : vector<16xi32>
        %gather3A = tpu.vector_load_idx %arg11[%add3A_205] : memref<4096xf32, #tpu.memory_space<vmem>>[vector<16xi32>], vector<16xf32>,
        %add3A_206 = vector.broadcast %mul3A_179 : i32 to vector<16xi32>
        %add3A_207 = arith.addi %broadcast_in_dim3A_5, %add3A_206 : vector<16xi32>
        %gather3A_208 = tpu.vector_load_idx %arg12[%add3A_207] : memref<4096xi32, #tpu.memory_space<vmem>>[vector<16xi32>], vector<16xi32>,
        %add3A_209 = arith.addi %mul3A_11, %gather3A_208 : vector<16xi32>
        %gather3A_210 = tpu.vector_load_idx %arg7[%add3A_209] : memref<32896xf32, #tpu.memory_space<vmem>>[vector<16xi32>], vector<16xf32>,
        %add3A_211 = arith.addi %mul3A_17, %gather3A_208 : vector<16xi32>
        %gather3A_212 = tpu.vector_load_idx %arg7[%add3A_211] : memref<32896xf32, #tpu.memory_space<vmem>>[vector<16xi32>], vector<16xf32>,
        %add3A_213 = arith.addi %mul3A_23, %gather3A_208 : vector<16xi32>
        %gather3A_214 = tpu.vector_load_idx %arg7[%add3A_213] : memref<32896xf32, #tpu.memory_space<vmem>>[vector<16xi32>], vector<16xf32>,
        %add3A_215 = arith.addi %mul3A_29, %gather3A_208 : vector<16xi32>
        %gather3A_216 = tpu.vector_load_idx %arg7[%add3A_215] : memref<32896xf32, #tpu.memory_space<vmem>>[vector<16xi32>], vector<16xf32>,
        %add3A_217 = arith.addi %mul3A_35, %gather3A_208 : vector<16xi32>
        %gather3A_218 = tpu.vector_load_idx %arg7[%add3A_217] : memref<32896xf32, #tpu.memory_space<vmem>>[vector<16xi32>], vector<16xf32>,
        %add3A_219 = arith.addi %mul3A_41, %gather3A_208 : vector<16xi32>
        %gather3A_220 = tpu.vector_load_idx %arg7[%add3A_219] : memref<32896xf32, #tpu.memory_space<vmem>>[vector<16xi32>], vector<16xf32>,
        %add3A_221 = arith.addi %mul3A_47, %gather3A_208 : vector<16xi32>
        %gather3A_222 = tpu.vector_load_idx %arg7[%add3A_221] : memref<32896xf32, #tpu.memory_space<vmem>>[vector<16xi32>], vector<16xf32>,
        %add3A_223 = arith.addi %mul3A_53, %gather3A_208 : vector<16xi32>
        %gather3A_224 = tpu.vector_load_idx %arg7[%add3A_223] : memref<32896xf32, #tpu.memory_space<vmem>>[vector<16xi32>], vector<16xf32>,
        %sub3A_225 = arith.subf %gather3A_210, %gather3A : vector<16xf32>
        %sub3A_226 = arith.subf %gather3A_212, %gather3A : vector<16xf32>
        %sub3A_227 = arith.subf %gather3A_214, %gather3A : vector<16xf32>
        %sub3A_228 = arith.subf %gather3A_216, %gather3A : vector<16xf32>
        %sub3A_229 = arith.subf %gather3A_218, %gather3A : vector<16xf32>
        %sub3A_230 = arith.subf %gather3A_220, %gather3A : vector<16xf32>
        %sub3A_231 = arith.subf %gather3A_222, %gather3A : vector<16xf32>
        %sub3A_232 = arith.subf %gather3A_224, %gather3A : vector<16xf32>
        %abs3A = math.absf %sub3A_225 : vector<16xf32>
        %abs3A_233 = math.absf %sub3A_226 : vector<16xf32>
        %abs3A_234 = math.absf %sub3A_227 : vector<16xf32>
        %abs3A_235 = math.absf %sub3A_228 : vector<16xf32>
        %abs3A_236 = math.absf %sub3A_229 : vector<16xf32>
        %abs3A_237 = math.absf %sub3A_230 : vector<16xf32>
        %abs3A_238 = math.absf %sub3A_231 : vector<16xf32>
        %abs3A_239 = math.absf %sub3A_232 : vector<16xf32>
        %gt3A = arith.constant 0.000000e+00 : f32
        %gt3A_240 = vector.broadcast %gt3A : f32 to vector<16xf32>
        %gt3A_241 = arith.cmpf ogt, %sub3A_225, %gt3A_240 : vector<16xf32>
        %select_n3A = arith.select %gt3A_241, %add3A_203, %add3A_200 : vector<16xi1>, vector<16xi32>
        %gt3A_242 = arith.constant 0.000000e+00 : f32
        %gt3A_243 = vector.broadcast %gt3A_242 : f32 to vector<16xf32>
        %gt3A_244 = arith.cmpf ogt, %sub3A_226, %gt3A_243 : vector<16xf32>
        %select_n3A_245 = arith.select %gt3A_244, %add3A_203, %add3A_200 : vector<16xi1>, vector<16xi32>
        %gt3A_246 = arith.constant 0.000000e+00 : f32
        %gt3A_247 = vector.broadcast %gt3A_246 : f32 to vector<16xf32>
        %gt3A_248 = arith.cmpf ogt, %sub3A_227, %gt3A_247 : vector<16xf32>
        %select_n3A_249 = arith.select %gt3A_248, %add3A_203, %add3A_200 : vector<16xi1>, vector<16xi32>
        %gt3A_250 = arith.constant 0.000000e+00 : f32
        %gt3A_251 = vector.broadcast %gt3A_250 : f32 to vector<16xf32>
        %gt3A_252 = arith.cmpf ogt, %sub3A_228, %gt3A_251 : vector<16xf32>
        %select_n3A_253 = arith.select %gt3A_252, %add3A_203, %add3A_200 : vector<16xi1>, vector<16xi32>
        %gt3A_254 = arith.constant 0.000000e+00 : f32
        %gt3A_255 = vector.broadcast %gt3A_254 : f32 to vector<16xf32>
        %gt3A_256 = arith.cmpf ogt, %sub3A_229, %gt3A_255 : vector<16xf32>
        %select_n3A_257 = arith.select %gt3A_256, %add3A_203, %add3A_200 : vector<16xi1>, vector<16xi32>
        %gt3A_258 = arith.constant 0.000000e+00 : f32
        %gt3A_259 = vector.broadcast %gt3A_258 : f32 to vector<16xf32>
        %gt3A_260 = arith.cmpf ogt, %sub3A_230, %gt3A_259 : vector<16xf32>
        %select_n3A_261 = arith.select %gt3A_260, %add3A_203, %add3A_200 : vector<16xi1>, vector<16xi32>
        %gt3A_262 = arith.constant 0.000000e+00 : f32
        %gt3A_263 = vector.broadcast %gt3A_262 : f32 to vector<16xf32>
        %gt3A_264 = arith.cmpf ogt, %sub3A_231, %gt3A_263 : vector<16xf32>
        %select_n3A_265 = arith.select %gt3A_264, %add3A_203, %add3A_200 : vector<16xi1>, vector<16xi32>
        %gt3A_266 = arith.constant 0.000000e+00 : f32
        %gt3A_267 = vector.broadcast %gt3A_266 : f32 to vector<16xf32>
        %gt3A_268 = arith.cmpf ogt, %sub3A_232, %gt3A_267 : vector<16xf32>
        %select_n3A_269 = arith.select %gt3A_268, %add3A_203, %add3A_200 : vector<16xi1>, vector<16xi32>
        %gather3A_270 = tpu.vector_load_idx %arg11[%select_n3A] : memref<4096xf32, #tpu.memory_space<vmem>>[vector<16xi32>], vector<16xf32>,
        %gather3A_271 = tpu.vector_load_idx %arg11[%select_n3A_245] : memref<4096xf32, #tpu.memory_space<vmem>>[vector<16xi32>], vector<16xf32>,
        %gather3A_272 = tpu.vector_load_idx %arg11[%select_n3A_249] : memref<4096xf32, #tpu.memory_space<vmem>>[vector<16xi32>], vector<16xf32>,
        %gather3A_273 = tpu.vector_load_idx %arg11[%select_n3A_253] : memref<4096xf32, #tpu.memory_space<vmem>>[vector<16xi32>], vector<16xf32>,
        %gather3A_274 = tpu.vector_load_idx %arg11[%select_n3A_257] : memref<4096xf32, #tpu.memory_space<vmem>>[vector<16xi32>], vector<16xf32>,
        %gather3A_275 = tpu.vector_load_idx %arg11[%select_n3A_261] : memref<4096xf32, #tpu.memory_space<vmem>>[vector<16xi32>], vector<16xf32>,
        %gather3A_276 = tpu.vector_load_idx %arg11[%select_n3A_265] : memref<4096xf32, #tpu.memory_space<vmem>>[vector<16xi32>], vector<16xf32>,
        %gather3A_277 = tpu.vector_load_idx %arg11[%select_n3A_269] : memref<4096xf32, #tpu.memory_space<vmem>>[vector<16xi32>], vector<16xf32>,
        %gather3A_278 = tpu.vector_load_idx %arg12[%select_n3A] : memref<4096xi32, #tpu.memory_space<vmem>>[vector<16xi32>], vector<16xi32>,
        %gather3A_279 = tpu.vector_load_idx %arg12[%select_n3A_245] : memref<4096xi32, #tpu.memory_space<vmem>>[vector<16xi32>], vector<16xi32>,
        %gather3A_280 = tpu.vector_load_idx %arg12[%select_n3A_249] : memref<4096xi32, #tpu.memory_space<vmem>>[vector<16xi32>], vector<16xi32>,
        %gather3A_281 = tpu.vector_load_idx %arg12[%select_n3A_253] : memref<4096xi32, #tpu.memory_space<vmem>>[vector<16xi32>], vector<16xi32>,
        %gather3A_282 = tpu.vector_load_idx %arg12[%select_n3A_257] : memref<4096xi32, #tpu.memory_space<vmem>>[vector<16xi32>], vector<16xi32>,
        %gather3A_283 = tpu.vector_load_idx %arg12[%select_n3A_261] : memref<4096xi32, #tpu.memory_space<vmem>>[vector<16xi32>], vector<16xi32>,
        %gather3A_284 = tpu.vector_load_idx %arg12[%select_n3A_265] : memref<4096xi32, #tpu.memory_space<vmem>>[vector<16xi32>], vector<16xi32>,
        %gather3A_285 = tpu.vector_load_idx %arg12[%select_n3A_269] : memref<4096xi32, #tpu.memory_space<vmem>>[vector<16xi32>], vector<16xi32>,
        %add3A_286 = arith.addi %mul3A_11, %gather3A_278 : vector<16xi32>
        %gather3A_287 = tpu.vector_load_idx %arg7[%add3A_286] : memref<32896xf32, #tpu.memory_space<vmem>>[vector<16xi32>], vector<16xf32>,
        %add3A_288 = arith.addi %mul3A_17, %gather3A_279 : vector<16xi32>
        %gather3A_289 = tpu.vector_load_idx %arg7[%add3A_288] : memref<32896xf32, #tpu.memory_space<vmem>>[vector<16xi32>], vector<16xf32>,
        %add3A_290 = arith.addi %mul3A_23, %gather3A_280 : vector<16xi32>
        %gather3A_291 = tpu.vector_load_idx %arg7[%add3A_290] : memref<32896xf32, #tpu.memory_space<vmem>>[vector<16xi32>], vector<16xf32>,
        %add3A_292 = arith.addi %mul3A_29, %gather3A_281 : vector<16xi32>
        %gather3A_293 = tpu.vector_load_idx %arg7[%add3A_292] : memref<32896xf32, #tpu.memory_space<vmem>>[vector<16xi32>], vector<16xf32>,
        %add3A_294 = arith.addi %mul3A_35, %gather3A_282 : vector<16xi32>
        %gather3A_295 = tpu.vector_load_idx %arg7[%add3A_294] : memref<32896xf32, #tpu.memory_space<vmem>>[vector<16xi32>], vector<16xf32>,
        %add3A_296 = arith.addi %mul3A_41, %gather3A_283 : vector<16xi32>
        %gather3A_297 = tpu.vector_load_idx %arg7[%add3A_296] : memref<32896xf32, #tpu.memory_space<vmem>>[vector<16xi32>], vector<16xf32>,
        %add3A_298 = arith.addi %mul3A_47, %gather3A_284 : vector<16xi32>
        %gather3A_299 = tpu.vector_load_idx %arg7[%add3A_298] : memref<32896xf32, #tpu.memory_space<vmem>>[vector<16xi32>], vector<16xf32>,
        %add3A_300 = arith.addi %mul3A_53, %gather3A_285 : vector<16xi32>
        %gather3A_301 = tpu.vector_load_idx %arg7[%add3A_300] : memref<32896xf32, #tpu.memory_space<vmem>>[vector<16xi32>], vector<16xf32>,
        %sub3A_302 = arith.subf %gather3A_287, %gather3A_270 : vector<16xf32>
        %abs3A_303 = math.absf %sub3A_302 : vector<16xf32>
        %min3A_304 = arith.minimumf %abs3A, %abs3A_303 : vector<16xf32>
        %add3A_305 = arith.addi %select_n3A, %select_n3A : vector<16xi32>
        %gt3A_306 = arith.constant 0.000000e+00 : f32
        %gt3A_307 = vector.broadcast %gt3A_306 : f32 to vector<16xf32>
        %gt3A_308 = arith.cmpf ogt, %sub3A_302, %gt3A_307 : vector<16xf32>
        %select_n3A_309 = arith.select %gt3A_308, %add3A_190, %add3A_187 : vector<16xi1>, vector<16xi32>
        %add3A_310 = arith.addi %add3A_305, %select_n3A_309 : vector<16xi32>
        %sub3A_311 = arith.subf %gather3A_289, %gather3A_271 : vector<16xf32>
        %abs3A_312 = math.absf %sub3A_311 : vector<16xf32>
        %min3A_313 = arith.minimumf %abs3A_233, %abs3A_312 : vector<16xf32>
        %add3A_314 = arith.addi %select_n3A_245, %select_n3A_245 : vector<16xi32>
        %gt3A_315 = arith.constant 0.000000e+00 : f32
        %gt3A_316 = vector.broadcast %gt3A_315 : f32 to vector<16xf32>
        %gt3A_317 = arith.cmpf ogt, %sub3A_311, %gt3A_316 : vector<16xf32>
        %select_n3A_318 = arith.select %gt3A_317, %add3A_190, %add3A_187 : vector<16xi1>, vector<16xi32>
        %add3A_319 = arith.addi %add3A_314, %select_n3A_318 : vector<16xi32>
        %sub3A_320 = arith.subf %gather3A_291, %gather3A_272 : vector<16xf32>
        %abs3A_321 = math.absf %sub3A_320 : vector<16xf32>
        %min3A_322 = arith.minimumf %abs3A_234, %abs3A_321 : vector<16xf32>
        %add3A_323 = arith.addi %select_n3A_249, %select_n3A_249 : vector<16xi32>
        %gt3A_324 = arith.constant 0.000000e+00 : f32
        %gt3A_325 = vector.broadcast %gt3A_324 : f32 to vector<16xf32>
        %gt3A_326 = arith.cmpf ogt, %sub3A_320, %gt3A_325 : vector<16xf32>
        %select_n3A_327 = arith.select %gt3A_326, %add3A_190, %add3A_187 : vector<16xi1>, vector<16xi32>
        %add3A_328 = arith.addi %add3A_323, %select_n3A_327 : vector<16xi32>
        %sub3A_329 = arith.subf %gather3A_293, %gather3A_273 : vector<16xf32>
        %abs3A_330 = math.absf %sub3A_329 : vector<16xf32>
        %min3A_331 = arith.minimumf %abs3A_235, %abs3A_330 : vector<16xf32>
        %add3A_332 = arith.addi %select_n3A_253, %select_n3A_253 : vector<16xi32>
        %gt3A_333 = arith.constant 0.000000e+00 : f32
        %gt3A_334 = vector.broadcast %gt3A_333 : f32 to vector<16xf32>
        %gt3A_335 = arith.cmpf ogt, %sub3A_329, %gt3A_334 : vector<16xf32>
        %select_n3A_336 = arith.select %gt3A_335, %add3A_190, %add3A_187 : vector<16xi1>, vector<16xi32>
        %add3A_337 = arith.addi %add3A_332, %select_n3A_336 : vector<16xi32>
        %sub3A_338 = arith.subf %gather3A_295, %gather3A_274 : vector<16xf32>
        %abs3A_339 = math.absf %sub3A_338 : vector<16xf32>
        %min3A_340 = arith.minimumf %abs3A_236, %abs3A_339 : vector<16xf32>
        %add3A_341 = arith.addi %select_n3A_257, %select_n3A_257 : vector<16xi32>
        %gt3A_342 = arith.constant 0.000000e+00 : f32
        %gt3A_343 = vector.broadcast %gt3A_342 : f32 to vector<16xf32>
        %gt3A_344 = arith.cmpf ogt, %sub3A_338, %gt3A_343 : vector<16xf32>
        %select_n3A_345 = arith.select %gt3A_344, %add3A_190, %add3A_187 : vector<16xi1>, vector<16xi32>
        %add3A_346 = arith.addi %add3A_341, %select_n3A_345 : vector<16xi32>
        %sub3A_347 = arith.subf %gather3A_297, %gather3A_275 : vector<16xf32>
        %abs3A_348 = math.absf %sub3A_347 : vector<16xf32>
        %min3A_349 = arith.minimumf %abs3A_237, %abs3A_348 : vector<16xf32>
        %add3A_350 = arith.addi %select_n3A_261, %select_n3A_261 : vector<16xi32>
        %gt3A_351 = arith.constant 0.000000e+00 : f32
        %gt3A_352 = vector.broadcast %gt3A_351 : f32 to vector<16xf32>
        %gt3A_353 = arith.cmpf ogt, %sub3A_347, %gt3A_352 : vector<16xf32>
        %select_n3A_354 = arith.select %gt3A_353, %add3A_190, %add3A_187 : vector<16xi1>, vector<16xi32>
        %add3A_355 = arith.addi %add3A_350, %select_n3A_354 : vector<16xi32>
        %sub3A_356 = arith.subf %gather3A_299, %gather3A_276 : vector<16xf32>
        %abs3A_357 = math.absf %sub3A_356 : vector<16xf32>
        %min3A_358 = arith.minimumf %abs3A_238, %abs3A_357 : vector<16xf32>
        %add3A_359 = arith.addi %select_n3A_265, %select_n3A_265 : vector<16xi32>
        %gt3A_360 = arith.constant 0.000000e+00 : f32
        %gt3A_361 = vector.broadcast %gt3A_360 : f32 to vector<16xf32>
        %gt3A_362 = arith.cmpf ogt, %sub3A_356, %gt3A_361 : vector<16xf32>
        %select_n3A_363 = arith.select %gt3A_362, %add3A_190, %add3A_187 : vector<16xi1>, vector<16xi32>
        %add3A_364 = arith.addi %add3A_359, %select_n3A_363 : vector<16xi32>
        %sub3A_365 = arith.subf %gather3A_301, %gather3A_277 : vector<16xf32>
        %abs3A_366 = math.absf %sub3A_365 : vector<16xf32>
        %min3A_367 = arith.minimumf %abs3A_239, %abs3A_366 : vector<16xf32>
        %add3A_368 = arith.addi %select_n3A_269, %select_n3A_269 : vector<16xi32>
        %gt3A_369 = arith.constant 0.000000e+00 : f32
        %gt3A_370 = vector.broadcast %gt3A_369 : f32 to vector<16xf32>
        %gt3A_371 = arith.cmpf ogt, %sub3A_365, %gt3A_370 : vector<16xf32>
        %select_n3A_372 = arith.select %gt3A_371, %add3A_190, %add3A_187 : vector<16xi1>, vector<16xi32>
        %add3A_373 = arith.addi %add3A_368, %select_n3A_372 : vector<16xi32>
        %gather3A_374 = tpu.vector_load_idx %arg11[%add3A_310] : memref<4096xf32, #tpu.memory_space<vmem>>[vector<16xi32>], vector<16xf32>,
        %gather3A_375 = tpu.vector_load_idx %arg11[%add3A_319] : memref<4096xf32, #tpu.memory_space<vmem>>[vector<16xi32>], vector<16xf32>,
        %gather3A_376 = tpu.vector_load_idx %arg11[%add3A_328] : memref<4096xf32, #tpu.memory_space<vmem>>[vector<16xi32>], vector<16xf32>,
        %gather3A_377 = tpu.vector_load_idx %arg11[%add3A_337] : memref<4096xf32, #tpu.memory_space<vmem>>[vector<16xi32>], vector<16xf32>,
        %gather3A_378 = tpu.vector_load_idx %arg11[%add3A_346] : memref<4096xf32, #tpu.memory_space<vmem>>[vector<16xi32>], vector<16xf32>,
        %gather3A_379 = tpu.vector_load_idx %arg11[%add3A_355] : memref<4096xf32, #tpu.memory_space<vmem>>[vector<16xi32>], vector<16xf32>,
        %gather3A_380 = tpu.vector_load_idx %arg11[%add3A_364] : memref<4096xf32, #tpu.memory_space<vmem>>[vector<16xi32>], vector<16xf32>,
        %gather3A_381 = tpu.vector_load_idx %arg11[%add3A_373] : memref<4096xf32, #tpu.memory_space<vmem>>[vector<16xi32>], vector<16xf32>,
        %gather3A_382 = tpu.vector_load_idx %arg12[%add3A_310] : memref<4096xi32, #tpu.memory_space<vmem>>[vector<16xi32>], vector<16xi32>,
        %gather3A_383 = tpu.vector_load_idx %arg12[%add3A_319] : memref<4096xi32, #tpu.memory_space<vmem>>[vector<16xi32>], vector<16xi32>,
        %gather3A_384 = tpu.vector_load_idx %arg12[%add3A_328] : memref<4096xi32, #tpu.memory_space<vmem>>[vector<16xi32>], vector<16xi32>,
        %gather3A_385 = tpu.vector_load_idx %arg12[%add3A_337] : memref<4096xi32, #tpu.memory_space<vmem>>[vector<16xi32>], vector<16xi32>,
        %gather3A_386 = tpu.vector_load_idx %arg12[%add3A_346] : memref<4096xi32, #tpu.memory_space<vmem>>[vector<16xi32>], vector<16xi32>,
        %gather3A_387 = tpu.vector_load_idx %arg12[%add3A_355] : memref<4096xi32, #tpu.memory_space<vmem>>[vector<16xi32>], vector<16xi32>,
        %gather3A_388 = tpu.vector_load_idx %arg12[%add3A_364] : memref<4096xi32, #tpu.memory_space<vmem>>[vector<16xi32>], vector<16xi32>,
        %gather3A_389 = tpu.vector_load_idx %arg12[%add3A_373] : memref<4096xi32, #tpu.memory_space<vmem>>[vector<16xi32>], vector<16xi32>,
        %add3A_390 = arith.addi %mul3A_11, %gather3A_382 : vector<16xi32>
        %gather3A_391 = tpu.vector_load_idx %arg7[%add3A_390] : memref<32896xf32, #tpu.memory_space<vmem>>[vector<16xi32>], vector<16xf32>,
        %add3A_392 = arith.addi %mul3A_17, %gather3A_383 : vector<16xi32>
        %gather3A_393 = tpu.vector_load_idx %arg7[%add3A_392] : memref<32896xf32, #tpu.memory_space<vmem>>[vector<16xi32>], vector<16xf32>,
        %add3A_394 = arith.addi %mul3A_23, %gather3A_384 : vector<16xi32>
        %gather3A_395 = tpu.vector_load_idx %arg7[%add3A_394] : memref<32896xf32, #tpu.memory_space<vmem>>[vector<16xi32>], vector<16xf32>,
        %add3A_396 = arith.addi %mul3A_29, %gather3A_385 : vector<16xi32>
        %gather3A_397 = tpu.vector_load_idx %arg7[%add3A_396] : memref<32896xf32, #tpu.memory_space<vmem>>[vector<16xi32>], vector<16xf32>,
        %add3A_398 = arith.addi %mul3A_35, %gather3A_386 : vector<16xi32>
        %gather3A_399 = tpu.vector_load_idx %arg7[%add3A_398] : memref<32896xf32, #tpu.memory_space<vmem>>[vector<16xi32>], vector<16xf32>,
        %add3A_400 = arith.addi %mul3A_41, %gather3A_387 : vector<16xi32>
        %gather3A_401 = tpu.vector_load_idx %arg7[%add3A_400] : memref<32896xf32, #tpu.memory_space<vmem>>[vector<16xi32>], vector<16xf32>,
        %add3A_402 = arith.addi %mul3A_47, %gather3A_388 : vector<16xi32>
        %gather3A_403 = tpu.vector_load_idx %arg7[%add3A_402] : memref<32896xf32, #tpu.memory_space<vmem>>[vector<16xi32>], vector<16xf32>,
        %add3A_404 = arith.addi %mul3A_53, %gather3A_389 : vector<16xi32>
        %gather3A_405 = tpu.vector_load_idx %arg7[%add3A_404] : memref<32896xf32, #tpu.memory_space<vmem>>[vector<16xi32>], vector<16xf32>,
        %sub3A_406 = arith.subf %gather3A_391, %gather3A_374 : vector<16xf32>
        %abs3A_407 = math.absf %sub3A_406 : vector<16xf32>
        %min3A_408 = arith.minimumf %min3A_304, %abs3A_407 : vector<16xf32>
        %add3A_409 = arith.addi %add3A_310, %add3A_310 : vector<16xi32>
        %gt3A_410 = arith.constant 0.000000e+00 : f32
        %gt3A_411 = vector.broadcast %gt3A_410 : f32 to vector<16xf32>
        %gt3A_412 = arith.cmpf ogt, %sub3A_406, %gt3A_411 : vector<16xf32>
        %select_n3A_413 = arith.select %gt3A_412, %add3A_190, %add3A_187 : vector<16xi1>, vector<16xi32>
        %add3A_414 = arith.addi %add3A_409, %select_n3A_413 : vector<16xi32>
        %sub3A_415 = arith.subf %gather3A_393, %gather3A_375 : vector<16xf32>
        %abs3A_416 = math.absf %sub3A_415 : vector<16xf32>
        %min3A_417 = arith.minimumf %min3A_313, %abs3A_416 : vector<16xf32>
        %add3A_418 = arith.addi %add3A_319, %add3A_319 : vector<16xi32>
        %gt3A_419 = arith.constant 0.000000e+00 : f32
        %gt3A_420 = vector.broadcast %gt3A_419 : f32 to vector<16xf32>
        %gt3A_421 = arith.cmpf ogt, %sub3A_415, %gt3A_420 : vector<16xf32>
        %select_n3A_422 = arith.select %gt3A_421, %add3A_190, %add3A_187 : vector<16xi1>, vector<16xi32>
        %add3A_423 = arith.addi %add3A_418, %select_n3A_422 : vector<16xi32>
        %sub3A_424 = arith.subf %gather3A_395, %gather3A_376 : vector<16xf32>
        %abs3A_425 = math.absf %sub3A_424 : vector<16xf32>
        %min3A_426 = arith.minimumf %min3A_322, %abs3A_425 : vector<16xf32>
        %add3A_427 = arith.addi %add3A_328, %add3A_328 : vector<16xi32>
        %gt3A_428 = arith.constant 0.000000e+00 : f32
        %gt3A_429 = vector.broadcast %gt3A_428 : f32 to vector<16xf32>
        %gt3A_430 = arith.cmpf ogt, %sub3A_424, %gt3A_429 : vector<16xf32>
        %select_n3A_431 = arith.select %gt3A_430, %add3A_190, %add3A_187 : vector<16xi1>, vector<16xi32>
        %add3A_432 = arith.addi %add3A_427, %select_n3A_431 : vector<16xi32>
        %sub3A_433 = arith.subf %gather3A_397, %gather3A_377 : vector<16xf32>
        %abs3A_434 = math.absf %sub3A_433 : vector<16xf32>
        %min3A_435 = arith.minimumf %min3A_331, %abs3A_434 : vector<16xf32>
        %add3A_436 = arith.addi %add3A_337, %add3A_337 : vector<16xi32>
        %gt3A_437 = arith.constant 0.000000e+00 : f32
        %gt3A_438 = vector.broadcast %gt3A_437 : f32 to vector<16xf32>
        %gt3A_439 = arith.cmpf ogt, %sub3A_433, %gt3A_438 : vector<16xf32>
        %select_n3A_440 = arith.select %gt3A_439, %add3A_190, %add3A_187 : vector<16xi1>, vector<16xi32>
        %add3A_441 = arith.addi %add3A_436, %select_n3A_440 : vector<16xi32>
        %sub3A_442 = arith.subf %gather3A_399, %gather3A_378 : vector<16xf32>
        %abs3A_443 = math.absf %sub3A_442 : vector<16xf32>
        %min3A_444 = arith.minimumf %min3A_340, %abs3A_443 : vector<16xf32>
        %add3A_445 = arith.addi %add3A_346, %add3A_346 : vector<16xi32>
        %gt3A_446 = arith.constant 0.000000e+00 : f32
        %gt3A_447 = vector.broadcast %gt3A_446 : f32 to vector<16xf32>
        %gt3A_448 = arith.cmpf ogt, %sub3A_442, %gt3A_447 : vector<16xf32>
        %select_n3A_449 = arith.select %gt3A_448, %add3A_190, %add3A_187 : vector<16xi1>, vector<16xi32>
        %add3A_450 = arith.addi %add3A_445, %select_n3A_449 : vector<16xi32>
        %sub3A_451 = arith.subf %gather3A_401, %gather3A_379 : vector<16xf32>
        %abs3A_452 = math.absf %sub3A_451 : vector<16xf32>
        %min3A_453 = arith.minimumf %min3A_349, %abs3A_452 : vector<16xf32>
        %add3A_454 = arith.addi %add3A_355, %add3A_355 : vector<16xi32>
        %gt3A_455 = arith.constant 0.000000e+00 : f32
        %gt3A_456 = vector.broadcast %gt3A_455 : f32 to vector<16xf32>
        %gt3A_457 = arith.cmpf ogt, %sub3A_451, %gt3A_456 : vector<16xf32>
        %select_n3A_458 = arith.select %gt3A_457, %add3A_190, %add3A_187 : vector<16xi1>, vector<16xi32>
        %add3A_459 = arith.addi %add3A_454, %select_n3A_458 : vector<16xi32>
        %sub3A_460 = arith.subf %gather3A_403, %gather3A_380 : vector<16xf32>
        %abs3A_461 = math.absf %sub3A_460 : vector<16xf32>
        %min3A_462 = arith.minimumf %min3A_358, %abs3A_461 : vector<16xf32>
        %add3A_463 = arith.addi %add3A_364, %add3A_364 : vector<16xi32>
        %gt3A_464 = arith.constant 0.000000e+00 : f32
        %gt3A_465 = vector.broadcast %gt3A_464 : f32 to vector<16xf32>
        %gt3A_466 = arith.cmpf ogt, %sub3A_460, %gt3A_465 : vector<16xf32>
        %select_n3A_467 = arith.select %gt3A_466, %add3A_190, %add3A_187 : vector<16xi1>, vector<16xi32>
        %add3A_468 = arith.addi %add3A_463, %select_n3A_467 : vector<16xi32>
        %sub3A_469 = arith.subf %gather3A_405, %gather3A_381 : vector<16xf32>
        %abs3A_470 = math.absf %sub3A_469 : vector<16xf32>
        %min3A_471 = arith.minimumf %min3A_367, %abs3A_470 : vector<16xf32>
        %add3A_472 = arith.addi %add3A_373, %add3A_373 : vector<16xi32>
        %gt3A_473 = arith.constant 0.000000e+00 : f32
        %gt3A_474 = vector.broadcast %gt3A_473 : f32 to vector<16xf32>
        %gt3A_475 = arith.cmpf ogt, %sub3A_469, %gt3A_474 : vector<16xf32>
        %select_n3A_476 = arith.select %gt3A_475, %add3A_190, %add3A_187 : vector<16xi1>, vector<16xi32>
        %add3A_477 = arith.addi %add3A_472, %select_n3A_476 : vector<16xi32>
        %gather3A_478 = tpu.vector_load_idx %arg11[%add3A_414] : memref<4096xf32, #tpu.memory_space<vmem>>[vector<16xi32>], vector<16xf32>,
        %gather3A_479 = tpu.vector_load_idx %arg11[%add3A_423] : memref<4096xf32, #tpu.memory_space<vmem>>[vector<16xi32>], vector<16xf32>,
        %gather3A_480 = tpu.vector_load_idx %arg11[%add3A_432] : memref<4096xf32, #tpu.memory_space<vmem>>[vector<16xi32>], vector<16xf32>,
        %gather3A_481 = tpu.vector_load_idx %arg11[%add3A_441] : memref<4096xf32, #tpu.memory_space<vmem>>[vector<16xi32>], vector<16xf32>,
        %gather3A_482 = tpu.vector_load_idx %arg11[%add3A_450] : memref<4096xf32, #tpu.memory_space<vmem>>[vector<16xi32>], vector<16xf32>,
        %gather3A_483 = tpu.vector_load_idx %arg11[%add3A_459] : memref<4096xf32, #tpu.memory_space<vmem>>[vector<16xi32>], vector<16xf32>,
        %gather3A_484 = tpu.vector_load_idx %arg11[%add3A_468] : memref<4096xf32, #tpu.memory_space<vmem>>[vector<16xi32>], vector<16xf32>,
        %gather3A_485 = tpu.vector_load_idx %arg11[%add3A_477] : memref<4096xf32, #tpu.memory_space<vmem>>[vector<16xi32>], vector<16xf32>,
        %gather3A_486 = tpu.vector_load_idx %arg12[%add3A_414] : memref<4096xi32, #tpu.memory_space<vmem>>[vector<16xi32>], vector<16xi32>,
        %gather3A_487 = tpu.vector_load_idx %arg12[%add3A_423] : memref<4096xi32, #tpu.memory_space<vmem>>[vector<16xi32>], vector<16xi32>,
        %gather3A_488 = tpu.vector_load_idx %arg12[%add3A_432] : memref<4096xi32, #tpu.memory_space<vmem>>[vector<16xi32>], vector<16xi32>,
        %gather3A_489 = tpu.vector_load_idx %arg12[%add3A_441] : memref<4096xi32, #tpu.memory_space<vmem>>[vector<16xi32>], vector<16xi32>,
        %gather3A_490 = tpu.vector_load_idx %arg12[%add3A_450] : memref<4096xi32, #tpu.memory_space<vmem>>[vector<16xi32>], vector<16xi32>,
        %gather3A_491 = tpu.vector_load_idx %arg12[%add3A_459] : memref<4096xi32, #tpu.memory_space<vmem>>[vector<16xi32>], vector<16xi32>,
        %gather3A_492 = tpu.vector_load_idx %arg12[%add3A_468] : memref<4096xi32, #tpu.memory_space<vmem>>[vector<16xi32>], vector<16xi32>,
        %gather3A_493 = tpu.vector_load_idx %arg12[%add3A_477] : memref<4096xi32, #tpu.memory_space<vmem>>[vector<16xi32>], vector<16xi32>,
        %add3A_494 = arith.addi %mul3A_11, %gather3A_486 : vector<16xi32>
        %gather3A_495 = tpu.vector_load_idx %arg7[%add3A_494] : memref<32896xf32, #tpu.memory_space<vmem>>[vector<16xi32>], vector<16xf32>,
        %add3A_496 = arith.addi %mul3A_17, %gather3A_487 : vector<16xi32>
        %gather3A_497 = tpu.vector_load_idx %arg7[%add3A_496] : memref<32896xf32, #tpu.memory_space<vmem>>[vector<16xi32>], vector<16xf32>,
        %add3A_498 = arith.addi %mul3A_23, %gather3A_488 : vector<16xi32>
        %gather3A_499 = tpu.vector_load_idx %arg7[%add3A_498] : memref<32896xf32, #tpu.memory_space<vmem>>[vector<16xi32>], vector<16xf32>,
        %add3A_500 = arith.addi %mul3A_29, %gather3A_489 : vector<16xi32>
        %gather3A_501 = tpu.vector_load_idx %arg7[%add3A_500] : memref<32896xf32, #tpu.memory_space<vmem>>[vector<16xi32>], vector<16xf32>,
        %add3A_502 = arith.addi %mul3A_35, %gather3A_490 : vector<16xi32>
        %gather3A_503 = tpu.vector_load_idx %arg7[%add3A_502] : memref<32896xf32, #tpu.memory_space<vmem>>[vector<16xi32>], vector<16xf32>,
        %add3A_504 = arith.addi %mul3A_41, %gather3A_491 : vector<16xi32>
        %gather3A_505 = tpu.vector_load_idx %arg7[%add3A_504] : memref<32896xf32, #tpu.memory_space<vmem>>[vector<16xi32>], vector<16xf32>,
        %add3A_506 = arith.addi %mul3A_47, %gather3A_492 : vector<16xi32>
        %gather3A_507 = tpu.vector_load_idx %arg7[%add3A_506] : memref<32896xf32, #tpu.memory_space<vmem>>[vector<16xi32>], vector<16xf32>,
        %add3A_508 = arith.addi %mul3A_53, %gather3A_493 : vector<16xi32>
        %gather3A_509 = tpu.vector_load_idx %arg7[%add3A_508] : memref<32896xf32, #tpu.memory_space<vmem>>[vector<16xi32>], vector<16xf32>,
        %sub3A_510 = arith.subf %gather3A_495, %gather3A_478 : vector<16xf32>
        %abs3A_511 = math.absf %sub3A_510 : vector<16xf32>
        %min3A_512 = arith.minimumf %min3A_408, %abs3A_511 : vector<16xf32>
        %add3A_513 = arith.addi %add3A_414, %add3A_414 : vector<16xi32>
        %gt3A_514 = arith.constant 0.000000e+00 : f32
        %gt3A_515 = vector.broadcast %gt3A_514 : f32 to vector<16xf32>
        %gt3A_516 = arith.cmpf ogt, %sub3A_510, %gt3A_515 : vector<16xf32>
        %select_n3A_517 = arith.select %gt3A_516, %add3A_190, %add3A_187 : vector<16xi1>, vector<16xi32>
        %add3A_518 = arith.addi %add3A_513, %select_n3A_517 : vector<16xi32>
        %sub3A_519 = arith.subf %gather3A_497, %gather3A_479 : vector<16xf32>
        %abs3A_520 = math.absf %sub3A_519 : vector<16xf32>
        %min3A_521 = arith.minimumf %min3A_417, %abs3A_520 : vector<16xf32>
        %add3A_522 = arith.addi %add3A_423, %add3A_423 : vector<16xi32>
        %gt3A_523 = arith.constant 0.000000e+00 : f32
        %gt3A_524 = vector.broadcast %gt3A_523 : f32 to vector<16xf32>
        %gt3A_525 = arith.cmpf ogt, %sub3A_519, %gt3A_524 : vector<16xf32>
        %select_n3A_526 = arith.select %gt3A_525, %add3A_190, %add3A_187 : vector<16xi1>, vector<16xi32>
        %add3A_527 = arith.addi %add3A_522, %select_n3A_526 : vector<16xi32>
        %sub3A_528 = arith.subf %gather3A_499, %gather3A_480 : vector<16xf32>
        %abs3A_529 = math.absf %sub3A_528 : vector<16xf32>
        %min3A_530 = arith.minimumf %min3A_426, %abs3A_529 : vector<16xf32>
        %add3A_531 = arith.addi %add3A_432, %add3A_432 : vector<16xi32>
        %gt3A_532 = arith.constant 0.000000e+00 : f32
        %gt3A_533 = vector.broadcast %gt3A_532 : f32 to vector<16xf32>
        %gt3A_534 = arith.cmpf ogt, %sub3A_528, %gt3A_533 : vector<16xf32>
        %select_n3A_535 = arith.select %gt3A_534, %add3A_190, %add3A_187 : vector<16xi1>, vector<16xi32>
        %add3A_536 = arith.addi %add3A_531, %select_n3A_535 : vector<16xi32>
        %sub3A_537 = arith.subf %gather3A_501, %gather3A_481 : vector<16xf32>
        %abs3A_538 = math.absf %sub3A_537 : vector<16xf32>
        %min3A_539 = arith.minimumf %min3A_435, %abs3A_538 : vector<16xf32>
        %add3A_540 = arith.addi %add3A_441, %add3A_441 : vector<16xi32>
        %gt3A_541 = arith.constant 0.000000e+00 : f32
        %gt3A_542 = vector.broadcast %gt3A_541 : f32 to vector<16xf32>
        %gt3A_543 = arith.cmpf ogt, %sub3A_537, %gt3A_542 : vector<16xf32>
        %select_n3A_544 = arith.select %gt3A_543, %add3A_190, %add3A_187 : vector<16xi1>, vector<16xi32>
        %add3A_545 = arith.addi %add3A_540, %select_n3A_544 : vector<16xi32>
        %sub3A_546 = arith.subf %gather3A_503, %gather3A_482 : vector<16xf32>
        %abs3A_547 = math.absf %sub3A_546 : vector<16xf32>
        %min3A_548 = arith.minimumf %min3A_444, %abs3A_547 : vector<16xf32>
        %add3A_549 = arith.addi %add3A_450, %add3A_450 : vector<16xi32>
        %gt3A_550 = arith.constant 0.000000e+00 : f32
        %gt3A_551 = vector.broadcast %gt3A_550 : f32 to vector<16xf32>
        %gt3A_552 = arith.cmpf ogt, %sub3A_546, %gt3A_551 : vector<16xf32>
        %select_n3A_553 = arith.select %gt3A_552, %add3A_190, %add3A_187 : vector<16xi1>, vector<16xi32>
        %add3A_554 = arith.addi %add3A_549, %select_n3A_553 : vector<16xi32>
        %sub3A_555 = arith.subf %gather3A_505, %gather3A_483 : vector<16xf32>
        %abs3A_556 = math.absf %sub3A_555 : vector<16xf32>
        %min3A_557 = arith.minimumf %min3A_453, %abs3A_556 : vector<16xf32>
        %add3A_558 = arith.addi %add3A_459, %add3A_459 : vector<16xi32>
        %gt3A_559 = arith.constant 0.000000e+00 : f32
        %gt3A_560 = vector.broadcast %gt3A_559 : f32 to vector<16xf32>
        %gt3A_561 = arith.cmpf ogt, %sub3A_555, %gt3A_560 : vector<16xf32>
        %select_n3A_562 = arith.select %gt3A_561, %add3A_190, %add3A_187 : vector<16xi1>, vector<16xi32>
        %add3A_563 = arith.addi %add3A_558, %select_n3A_562 : vector<16xi32>
        %sub3A_564 = arith.subf %gather3A_507, %gather3A_484 : vector<16xf32>
        %abs3A_565 = math.absf %sub3A_564 : vector<16xf32>
        %min3A_566 = arith.minimumf %min3A_462, %abs3A_565 : vector<16xf32>
        %add3A_567 = arith.addi %add3A_468, %add3A_468 : vector<16xi32>
        %gt3A_568 = arith.constant 0.000000e+00 : f32
        %gt3A_569 = vector.broadcast %gt3A_568 : f32 to vector<16xf32>
        %gt3A_570 = arith.cmpf ogt, %sub3A_564, %gt3A_569 : vector<16xf32>
        %select_n3A_571 = arith.select %gt3A_570, %add3A_190, %add3A_187 : vector<16xi1>, vector<16xi32>
        %add3A_572 = arith.addi %add3A_567, %select_n3A_571 : vector<16xi32>
        %sub3A_573 = arith.subf %gather3A_509, %gather3A_485 : vector<16xf32>
        %abs3A_574 = math.absf %sub3A_573 : vector<16xf32>
        %min3A_575 = arith.minimumf %min3A_471, %abs3A_574 : vector<16xf32>
        %add3A_576 = arith.addi %add3A_477, %add3A_477 : vector<16xi32>
        %gt3A_577 = arith.constant 0.000000e+00 : f32
        %gt3A_578 = vector.broadcast %gt3A_577 : f32 to vector<16xf32>
        %gt3A_579 = arith.cmpf ogt, %sub3A_573, %gt3A_578 : vector<16xf32>
        %select_n3A_580 = arith.select %gt3A_579, %add3A_190, %add3A_187 : vector<16xi1>, vector<16xi32>
        %add3A_581 = arith.addi %add3A_576, %select_n3A_580 : vector<16xi32>
        %gather3A_582 = tpu.vector_load_idx %arg11[%add3A_518] : memref<4096xf32, #tpu.memory_space<vmem>>[vector<16xi32>], vector<16xf32>,
        %gather3A_583 = tpu.vector_load_idx %arg11[%add3A_527] : memref<4096xf32, #tpu.memory_space<vmem>>[vector<16xi32>], vector<16xf32>,
        %gather3A_584 = tpu.vector_load_idx %arg11[%add3A_536] : memref<4096xf32, #tpu.memory_space<vmem>>[vector<16xi32>], vector<16xf32>,
        %gather3A_585 = tpu.vector_load_idx %arg11[%add3A_545] : memref<4096xf32, #tpu.memory_space<vmem>>[vector<16xi32>], vector<16xf32>,
        %gather3A_586 = tpu.vector_load_idx %arg11[%add3A_554] : memref<4096xf32, #tpu.memory_space<vmem>>[vector<16xi32>], vector<16xf32>,
        %gather3A_587 = tpu.vector_load_idx %arg11[%add3A_563] : memref<4096xf32, #tpu.memory_space<vmem>>[vector<16xi32>], vector<16xf32>,
        %gather3A_588 = tpu.vector_load_idx %arg11[%add3A_572] : memref<4096xf32, #tpu.memory_space<vmem>>[vector<16xi32>], vector<16xf32>,
        %gather3A_589 = tpu.vector_load_idx %arg11[%add3A_581] : memref<4096xf32, #tpu.memory_space<vmem>>[vector<16xi32>], vector<16xf32>,
        %gather3A_590 = tpu.vector_load_idx %arg12[%add3A_518] : memref<4096xi32, #tpu.memory_space<vmem>>[vector<16xi32>], vector<16xi32>,
        %gather3A_591 = tpu.vector_load_idx %arg12[%add3A_527] : memref<4096xi32, #tpu.memory_space<vmem>>[vector<16xi32>], vector<16xi32>,
        %gather3A_592 = tpu.vector_load_idx %arg12[%add3A_536] : memref<4096xi32, #tpu.memory_space<vmem>>[vector<16xi32>], vector<16xi32>,
        %gather3A_593 = tpu.vector_load_idx %arg12[%add3A_545] : memref<4096xi32, #tpu.memory_space<vmem>>[vector<16xi32>], vector<16xi32>,
        %gather3A_594 = tpu.vector_load_idx %arg12[%add3A_554] : memref<4096xi32, #tpu.memory_space<vmem>>[vector<16xi32>], vector<16xi32>,
        %gather3A_595 = tpu.vector_load_idx %arg12[%add3A_563] : memref<4096xi32, #tpu.memory_space<vmem>>[vector<16xi32>], vector<16xi32>,
        %gather3A_596 = tpu.vector_load_idx %arg12[%add3A_572] : memref<4096xi32, #tpu.memory_space<vmem>>[vector<16xi32>], vector<16xi32>,
        %gather3A_597 = tpu.vector_load_idx %arg12[%add3A_581] : memref<4096xi32, #tpu.memory_space<vmem>>[vector<16xi32>], vector<16xi32>,
        %add3A_598 = arith.addi %mul3A_11, %gather3A_590 : vector<16xi32>
        %gather3A_599 = tpu.vector_load_idx %arg7[%add3A_598] : memref<32896xf32, #tpu.memory_space<vmem>>[vector<16xi32>], vector<16xf32>,
        %add3A_600 = arith.addi %mul3A_17, %gather3A_591 : vector<16xi32>
        %gather3A_601 = tpu.vector_load_idx %arg7[%add3A_600] : memref<32896xf32, #tpu.memory_space<vmem>>[vector<16xi32>], vector<16xf32>,
        %add3A_602 = arith.addi %mul3A_23, %gather3A_592 : vector<16xi32>
        %gather3A_603 = tpu.vector_load_idx %arg7[%add3A_602] : memref<32896xf32, #tpu.memory_space<vmem>>[vector<16xi32>], vector<16xf32>,
        %add3A_604 = arith.addi %mul3A_29, %gather3A_593 : vector<16xi32>
        %gather3A_605 = tpu.vector_load_idx %arg7[%add3A_604] : memref<32896xf32, #tpu.memory_space<vmem>>[vector<16xi32>], vector<16xf32>,
        %add3A_606 = arith.addi %mul3A_35, %gather3A_594 : vector<16xi32>
        %gather3A_607 = tpu.vector_load_idx %arg7[%add3A_606] : memref<32896xf32, #tpu.memory_space<vmem>>[vector<16xi32>], vector<16xf32>,
        %add3A_608 = arith.addi %mul3A_41, %gather3A_595 : vector<16xi32>
        %gather3A_609 = tpu.vector_load_idx %arg7[%add3A_608] : memref<32896xf32, #tpu.memory_space<vmem>>[vector<16xi32>], vector<16xf32>,
        %add3A_610 = arith.addi %mul3A_47, %gather3A_596 : vector<16xi32>
        %gather3A_611 = tpu.vector_load_idx %arg7[%add3A_610] : memref<32896xf32, #tpu.memory_space<vmem>>[vector<16xi32>], vector<16xf32>,
        %add3A_612 = arith.addi %mul3A_53, %gather3A_597 : vector<16xi32>
        %gather3A_613 = tpu.vector_load_idx %arg7[%add3A_612] : memref<32896xf32, #tpu.memory_space<vmem>>[vector<16xi32>], vector<16xf32>,
        %sub3A_614 = arith.subf %gather3A_599, %gather3A_582 : vector<16xf32>
        %abs3A_615 = math.absf %sub3A_614 : vector<16xf32>
        %min3A_616 = arith.minimumf %min3A_512, %abs3A_615 : vector<16xf32>
        %add3A_617 = arith.addi %add3A_518, %add3A_518 : vector<16xi32>
        %gt3A_618 = arith.constant 0.000000e+00 : f32
        %gt3A_619 = vector.broadcast %gt3A_618 : f32 to vector<16xf32>
        %gt3A_620 = arith.cmpf ogt, %sub3A_614, %gt3A_619 : vector<16xf32>
        %select_n3A_621 = arith.select %gt3A_620, %add3A_190, %add3A_187 : vector<16xi1>, vector<16xi32>
        %add3A_622 = arith.addi %add3A_617, %select_n3A_621 : vector<16xi32>
        %sub3A_623 = arith.subf %gather3A_601, %gather3A_583 : vector<16xf32>
        %abs3A_624 = math.absf %sub3A_623 : vector<16xf32>
        %min3A_625 = arith.minimumf %min3A_521, %abs3A_624 : vector<16xf32>
        %add3A_626 = arith.addi %add3A_527, %add3A_527 : vector<16xi32>
        %gt3A_627 = arith.constant 0.000000e+00 : f32
        %gt3A_628 = vector.broadcast %gt3A_627 : f32 to vector<16xf32>
        %gt3A_629 = arith.cmpf ogt, %sub3A_623, %gt3A_628 : vector<16xf32>
        %select_n3A_630 = arith.select %gt3A_629, %add3A_190, %add3A_187 : vector<16xi1>, vector<16xi32>
        %add3A_631 = arith.addi %add3A_626, %select_n3A_630 : vector<16xi32>
        %sub3A_632 = arith.subf %gather3A_603, %gather3A_584 : vector<16xf32>
        %abs3A_633 = math.absf %sub3A_632 : vector<16xf32>
        %min3A_634 = arith.minimumf %min3A_530, %abs3A_633 : vector<16xf32>
        %add3A_635 = arith.addi %add3A_536, %add3A_536 : vector<16xi32>
        %gt3A_636 = arith.constant 0.000000e+00 : f32
        %gt3A_637 = vector.broadcast %gt3A_636 : f32 to vector<16xf32>
        %gt3A_638 = arith.cmpf ogt, %sub3A_632, %gt3A_637 : vector<16xf32>
        %select_n3A_639 = arith.select %gt3A_638, %add3A_190, %add3A_187 : vector<16xi1>, vector<16xi32>
        %add3A_640 = arith.addi %add3A_635, %select_n3A_639 : vector<16xi32>
        %sub3A_641 = arith.subf %gather3A_605, %gather3A_585 : vector<16xf32>
        %abs3A_642 = math.absf %sub3A_641 : vector<16xf32>
        %min3A_643 = arith.minimumf %min3A_539, %abs3A_642 : vector<16xf32>
        %add3A_644 = arith.addi %add3A_545, %add3A_545 : vector<16xi32>
        %gt3A_645 = arith.constant 0.000000e+00 : f32
        %gt3A_646 = vector.broadcast %gt3A_645 : f32 to vector<16xf32>
        %gt3A_647 = arith.cmpf ogt, %sub3A_641, %gt3A_646 : vector<16xf32>
        %select_n3A_648 = arith.select %gt3A_647, %add3A_190, %add3A_187 : vector<16xi1>, vector<16xi32>
        %add3A_649 = arith.addi %add3A_644, %select_n3A_648 : vector<16xi32>
        %sub3A_650 = arith.subf %gather3A_607, %gather3A_586 : vector<16xf32>
        %abs3A_651 = math.absf %sub3A_650 : vector<16xf32>
        %min3A_652 = arith.minimumf %min3A_548, %abs3A_651 : vector<16xf32>
        %add3A_653 = arith.addi %add3A_554, %add3A_554 : vector<16xi32>
        %gt3A_654 = arith.constant 0.000000e+00 : f32
        %gt3A_655 = vector.broadcast %gt3A_654 : f32 to vector<16xf32>
        %gt3A_656 = arith.cmpf ogt, %sub3A_650, %gt3A_655 : vector<16xf32>
        %select_n3A_657 = arith.select %gt3A_656, %add3A_190, %add3A_187 : vector<16xi1>, vector<16xi32>
        %add3A_658 = arith.addi %add3A_653, %select_n3A_657 : vector<16xi32>
        %sub3A_659 = arith.subf %gather3A_609, %gather3A_587 : vector<16xf32>
        %abs3A_660 = math.absf %sub3A_659 : vector<16xf32>
        %min3A_661 = arith.minimumf %min3A_557, %abs3A_660 : vector<16xf32>
        %add3A_662 = arith.addi %add3A_563, %add3A_563 : vector<16xi32>
        %gt3A_663 = arith.constant 0.000000e+00 : f32
        %gt3A_664 = vector.broadcast %gt3A_663 : f32 to vector<16xf32>
        %gt3A_665 = arith.cmpf ogt, %sub3A_659, %gt3A_664 : vector<16xf32>
        %select_n3A_666 = arith.select %gt3A_665, %add3A_190, %add3A_187 : vector<16xi1>, vector<16xi32>
        %add3A_667 = arith.addi %add3A_662, %select_n3A_666 : vector<16xi32>
        %sub3A_668 = arith.subf %gather3A_611, %gather3A_588 : vector<16xf32>
        %abs3A_669 = math.absf %sub3A_668 : vector<16xf32>
        %min3A_670 = arith.minimumf %min3A_566, %abs3A_669 : vector<16xf32>
        %add3A_671 = arith.addi %add3A_572, %add3A_572 : vector<16xi32>
        %gt3A_672 = arith.constant 0.000000e+00 : f32
        %gt3A_673 = vector.broadcast %gt3A_672 : f32 to vector<16xf32>
        %gt3A_674 = arith.cmpf ogt, %sub3A_668, %gt3A_673 : vector<16xf32>
        %select_n3A_675 = arith.select %gt3A_674, %add3A_190, %add3A_187 : vector<16xi1>, vector<16xi32>
        %add3A_676 = arith.addi %add3A_671, %select_n3A_675 : vector<16xi32>
        %sub3A_677 = arith.subf %gather3A_613, %gather3A_589 : vector<16xf32>
        %abs3A_678 = math.absf %sub3A_677 : vector<16xf32>
        %min3A_679 = arith.minimumf %min3A_575, %abs3A_678 : vector<16xf32>
        %add3A_680 = arith.addi %add3A_581, %add3A_581 : vector<16xi32>
        %gt3A_681 = arith.constant 0.000000e+00 : f32
        %gt3A_682 = vector.broadcast %gt3A_681 : f32 to vector<16xf32>
        %gt3A_683 = arith.cmpf ogt, %sub3A_677, %gt3A_682 : vector<16xf32>
        %select_n3A_684 = arith.select %gt3A_683, %add3A_190, %add3A_187 : vector<16xi1>, vector<16xi32>
        %add3A_685 = arith.addi %add3A_680, %select_n3A_684 : vector<16xi32>
        %gather3A_686 = tpu.vector_load_idx %arg11[%add3A_622] : memref<4096xf32, #tpu.memory_space<vmem>>[vector<16xi32>], vector<16xf32>,
        %gather3A_687 = tpu.vector_load_idx %arg11[%add3A_631] : memref<4096xf32, #tpu.memory_space<vmem>>[vector<16xi32>], vector<16xf32>,
        %gather3A_688 = tpu.vector_load_idx %arg11[%add3A_640] : memref<4096xf32, #tpu.memory_space<vmem>>[vector<16xi32>], vector<16xf32>,
        %gather3A_689 = tpu.vector_load_idx %arg11[%add3A_649] : memref<4096xf32, #tpu.memory_space<vmem>>[vector<16xi32>], vector<16xf32>,
        %gather3A_690 = tpu.vector_load_idx %arg11[%add3A_658] : memref<4096xf32, #tpu.memory_space<vmem>>[vector<16xi32>], vector<16xf32>,
        %gather3A_691 = tpu.vector_load_idx %arg11[%add3A_667] : memref<4096xf32, #tpu.memory_space<vmem>>[vector<16xi32>], vector<16xf32>,
        %gather3A_692 = tpu.vector_load_idx %arg11[%add3A_676] : memref<4096xf32, #tpu.memory_space<vmem>>[vector<16xi32>], vector<16xf32>,
        %gather3A_693 = tpu.vector_load_idx %arg11[%add3A_685] : memref<4096xf32, #tpu.memory_space<vmem>>[vector<16xi32>], vector<16xf32>,
        %gather3A_694 = tpu.vector_load_idx %arg12[%add3A_622] : memref<4096xi32, #tpu.memory_space<vmem>>[vector<16xi32>], vector<16xi32>,
        %gather3A_695 = tpu.vector_load_idx %arg12[%add3A_631] : memref<4096xi32, #tpu.memory_space<vmem>>[vector<16xi32>], vector<16xi32>,
        %gather3A_696 = tpu.vector_load_idx %arg12[%add3A_640] : memref<4096xi32, #tpu.memory_space<vmem>>[vector<16xi32>], vector<16xi32>,
        %gather3A_697 = tpu.vector_load_idx %arg12[%add3A_649] : memref<4096xi32, #tpu.memory_space<vmem>>[vector<16xi32>], vector<16xi32>,
        %gather3A_698 = tpu.vector_load_idx %arg12[%add3A_658] : memref<4096xi32, #tpu.memory_space<vmem>>[vector<16xi32>], vector<16xi32>,
        %gather3A_699 = tpu.vector_load_idx %arg12[%add3A_667] : memref<4096xi32, #tpu.memory_space<vmem>>[vector<16xi32>], vector<16xi32>,
        %gather3A_700 = tpu.vector_load_idx %arg12[%add3A_676] : memref<4096xi32, #tpu.memory_space<vmem>>[vector<16xi32>], vector<16xi32>,
        %gather3A_701 = tpu.vector_load_idx %arg12[%add3A_685] : memref<4096xi32, #tpu.memory_space<vmem>>[vector<16xi32>], vector<16xi32>,
        %add3A_702 = arith.addi %mul3A_11, %gather3A_694 : vector<16xi32>
        %gather3A_703 = tpu.vector_load_idx %arg7[%add3A_702] : memref<32896xf32, #tpu.memory_space<vmem>>[vector<16xi32>], vector<16xf32>,
        %add3A_704 = arith.addi %mul3A_17, %gather3A_695 : vector<16xi32>
        %gather3A_705 = tpu.vector_load_idx %arg7[%add3A_704] : memref<32896xf32, #tpu.memory_space<vmem>>[vector<16xi32>], vector<16xf32>,
        %add3A_706 = arith.addi %mul3A_23, %gather3A_696 : vector<16xi32>
        %gather3A_707 = tpu.vector_load_idx %arg7[%add3A_706] : memref<32896xf32, #tpu.memory_space<vmem>>[vector<16xi32>], vector<16xf32>,
        %add3A_708 = arith.addi %mul3A_29, %gather3A_697 : vector<16xi32>
        %gather3A_709 = tpu.vector_load_idx %arg7[%add3A_708] : memref<32896xf32, #tpu.memory_space<vmem>>[vector<16xi32>], vector<16xf32>,
        %add3A_710 = arith.addi %mul3A_35, %gather3A_698 : vector<16xi32>
        %gather3A_711 = tpu.vector_load_idx %arg7[%add3A_710] : memref<32896xf32, #tpu.memory_space<vmem>>[vector<16xi32>], vector<16xf32>,
        %add3A_712 = arith.addi %mul3A_41, %gather3A_699 : vector<16xi32>
        %gather3A_713 = tpu.vector_load_idx %arg7[%add3A_712] : memref<32896xf32, #tpu.memory_space<vmem>>[vector<16xi32>], vector<16xf32>,
        %add3A_714 = arith.addi %mul3A_47, %gather3A_700 : vector<16xi32>
        %gather3A_715 = tpu.vector_load_idx %arg7[%add3A_714] : memref<32896xf32, #tpu.memory_space<vmem>>[vector<16xi32>], vector<16xf32>,
        %add3A_716 = arith.addi %mul3A_53, %gather3A_701 : vector<16xi32>
        %gather3A_717 = tpu.vector_load_idx %arg7[%add3A_716] : memref<32896xf32, #tpu.memory_space<vmem>>[vector<16xi32>], vector<16xf32>,
        %sub3A_718 = arith.subf %gather3A_703, %gather3A_686 : vector<16xf32>
        %abs3A_719 = math.absf %sub3A_718 : vector<16xf32>
        %min3A_720 = arith.minimumf %min3A_616, %abs3A_719 : vector<16xf32>
        %add3A_721 = arith.addi %add3A_622, %add3A_622 : vector<16xi32>
        %gt3A_722 = arith.constant 0.000000e+00 : f32
        %gt3A_723 = vector.broadcast %gt3A_722 : f32 to vector<16xf32>
        %gt3A_724 = arith.cmpf ogt, %sub3A_718, %gt3A_723 : vector<16xf32>
        %select_n3A_725 = arith.select %gt3A_724, %add3A_190, %add3A_187 : vector<16xi1>, vector<16xi32>
        %add3A_726 = arith.addi %add3A_721, %select_n3A_725 : vector<16xi32>
        %sub3A_727 = arith.subf %gather3A_705, %gather3A_687 : vector<16xf32>
        %abs3A_728 = math.absf %sub3A_727 : vector<16xf32>
        %min3A_729 = arith.minimumf %min3A_625, %abs3A_728 : vector<16xf32>
        %add3A_730 = arith.addi %add3A_631, %add3A_631 : vector<16xi32>
        %gt3A_731 = arith.constant 0.000000e+00 : f32
        %gt3A_732 = vector.broadcast %gt3A_731 : f32 to vector<16xf32>
        %gt3A_733 = arith.cmpf ogt, %sub3A_727, %gt3A_732 : vector<16xf32>
        %select_n3A_734 = arith.select %gt3A_733, %add3A_190, %add3A_187 : vector<16xi1>, vector<16xi32>
        %add3A_735 = arith.addi %add3A_730, %select_n3A_734 : vector<16xi32>
        %sub3A_736 = arith.subf %gather3A_707, %gather3A_688 : vector<16xf32>
        %abs3A_737 = math.absf %sub3A_736 : vector<16xf32>
        %min3A_738 = arith.minimumf %min3A_634, %abs3A_737 : vector<16xf32>
        %add3A_739 = arith.addi %add3A_640, %add3A_640 : vector<16xi32>
        %gt3A_740 = arith.constant 0.000000e+00 : f32
        %gt3A_741 = vector.broadcast %gt3A_740 : f32 to vector<16xf32>
        %gt3A_742 = arith.cmpf ogt, %sub3A_736, %gt3A_741 : vector<16xf32>
        %select_n3A_743 = arith.select %gt3A_742, %add3A_190, %add3A_187 : vector<16xi1>, vector<16xi32>
        %add3A_744 = arith.addi %add3A_739, %select_n3A_743 : vector<16xi32>
        %sub3A_745 = arith.subf %gather3A_709, %gather3A_689 : vector<16xf32>
        %abs3A_746 = math.absf %sub3A_745 : vector<16xf32>
        %min3A_747 = arith.minimumf %min3A_643, %abs3A_746 : vector<16xf32>
        %add3A_748 = arith.addi %add3A_649, %add3A_649 : vector<16xi32>
        %gt3A_749 = arith.constant 0.000000e+00 : f32
        %gt3A_750 = vector.broadcast %gt3A_749 : f32 to vector<16xf32>
        %gt3A_751 = arith.cmpf ogt, %sub3A_745, %gt3A_750 : vector<16xf32>
        %select_n3A_752 = arith.select %gt3A_751, %add3A_190, %add3A_187 : vector<16xi1>, vector<16xi32>
        %add3A_753 = arith.addi %add3A_748, %select_n3A_752 : vector<16xi32>
        %sub3A_754 = arith.subf %gather3A_711, %gather3A_690 : vector<16xf32>
        %abs3A_755 = math.absf %sub3A_754 : vector<16xf32>
        %min3A_756 = arith.minimumf %min3A_652, %abs3A_755 : vector<16xf32>
        %add3A_757 = arith.addi %add3A_658, %add3A_658 : vector<16xi32>
        %gt3A_758 = arith.constant 0.000000e+00 : f32
        %gt3A_759 = vector.broadcast %gt3A_758 : f32 to vector<16xf32>
        %gt3A_760 = arith.cmpf ogt, %sub3A_754, %gt3A_759 : vector<16xf32>
        %select_n3A_761 = arith.select %gt3A_760, %add3A_190, %add3A_187 : vector<16xi1>, vector<16xi32>
        %add3A_762 = arith.addi %add3A_757, %select_n3A_761 : vector<16xi32>
        %sub3A_763 = arith.subf %gather3A_713, %gather3A_691 : vector<16xf32>
        %abs3A_764 = math.absf %sub3A_763 : vector<16xf32>
        %min3A_765 = arith.minimumf %min3A_661, %abs3A_764 : vector<16xf32>
        %add3A_766 = arith.addi %add3A_667, %add3A_667 : vector<16xi32>
        %gt3A_767 = arith.constant 0.000000e+00 : f32
        %gt3A_768 = vector.broadcast %gt3A_767 : f32 to vector<16xf32>
        %gt3A_769 = arith.cmpf ogt, %sub3A_763, %gt3A_768 : vector<16xf32>
        %select_n3A_770 = arith.select %gt3A_769, %add3A_190, %add3A_187 : vector<16xi1>, vector<16xi32>
        %add3A_771 = arith.addi %add3A_766, %select_n3A_770 : vector<16xi32>
        %sub3A_772 = arith.subf %gather3A_715, %gather3A_692 : vector<16xf32>
        %abs3A_773 = math.absf %sub3A_772 : vector<16xf32>
        %min3A_774 = arith.minimumf %min3A_670, %abs3A_773 : vector<16xf32>
        %add3A_775 = arith.addi %add3A_676, %add3A_676 : vector<16xi32>
        %gt3A_776 = arith.constant 0.000000e+00 : f32
        %gt3A_777 = vector.broadcast %gt3A_776 : f32 to vector<16xf32>
        %gt3A_778 = arith.cmpf ogt, %sub3A_772, %gt3A_777 : vector<16xf32>
        %select_n3A_779 = arith.select %gt3A_778, %add3A_190, %add3A_187 : vector<16xi1>, vector<16xi32>
        %add3A_780 = arith.addi %add3A_775, %select_n3A_779 : vector<16xi32>
        %sub3A_781 = arith.subf %gather3A_717, %gather3A_693 : vector<16xf32>
        %abs3A_782 = math.absf %sub3A_781 : vector<16xf32>
        %min3A_783 = arith.minimumf %min3A_679, %abs3A_782 : vector<16xf32>
        %add3A_784 = arith.addi %add3A_685, %add3A_685 : vector<16xi32>
        %gt3A_785 = arith.constant 0.000000e+00 : f32
        %gt3A_786 = vector.broadcast %gt3A_785 : f32 to vector<16xf32>
        %gt3A_787 = arith.cmpf ogt, %sub3A_781, %gt3A_786 : vector<16xf32>
        %select_n3A_788 = arith.select %gt3A_787, %add3A_190, %add3A_187 : vector<16xi1>, vector<16xi32>
        %add3A_789 = arith.addi %add3A_784, %select_n3A_788 : vector<16xi32>
        %gather3A_790 = tpu.vector_load_idx %arg11[%add3A_726] : memref<4096xf32, #tpu.memory_space<vmem>>[vector<16xi32>], vector<16xf32>,
        %gather3A_791 = tpu.vector_load_idx %arg11[%add3A_735] : memref<4096xf32, #tpu.memory_space<vmem>>[vector<16xi32>], vector<16xf32>,
        %gather3A_792 = tpu.vector_load_idx %arg11[%add3A_744] : memref<4096xf32, #tpu.memory_space<vmem>>[vector<16xi32>], vector<16xf32>,
        %gather3A_793 = tpu.vector_load_idx %arg11[%add3A_753] : memref<4096xf32, #tpu.memory_space<vmem>>[vector<16xi32>], vector<16xf32>,
        %gather3A_794 = tpu.vector_load_idx %arg11[%add3A_762] : memref<4096xf32, #tpu.memory_space<vmem>>[vector<16xi32>], vector<16xf32>,
        %gather3A_795 = tpu.vector_load_idx %arg11[%add3A_771] : memref<4096xf32, #tpu.memory_space<vmem>>[vector<16xi32>], vector<16xf32>,
        %gather3A_796 = tpu.vector_load_idx %arg11[%add3A_780] : memref<4096xf32, #tpu.memory_space<vmem>>[vector<16xi32>], vector<16xf32>,
        %gather3A_797 = tpu.vector_load_idx %arg11[%add3A_789] : memref<4096xf32, #tpu.memory_space<vmem>>[vector<16xi32>], vector<16xf32>,
        %gather3A_798 = tpu.vector_load_idx %arg12[%add3A_726] : memref<4096xi32, #tpu.memory_space<vmem>>[vector<16xi32>], vector<16xi32>,
        %gather3A_799 = tpu.vector_load_idx %arg12[%add3A_735] : memref<4096xi32, #tpu.memory_space<vmem>>[vector<16xi32>], vector<16xi32>,
        %gather3A_800 = tpu.vector_load_idx %arg12[%add3A_744] : memref<4096xi32, #tpu.memory_space<vmem>>[vector<16xi32>], vector<16xi32>,
        %gather3A_801 = tpu.vector_load_idx %arg12[%add3A_753] : memref<4096xi32, #tpu.memory_space<vmem>>[vector<16xi32>], vector<16xi32>,
        %gather3A_802 = tpu.vector_load_idx %arg12[%add3A_762] : memref<4096xi32, #tpu.memory_space<vmem>>[vector<16xi32>], vector<16xi32>,
        %gather3A_803 = tpu.vector_load_idx %arg12[%add3A_771] : memref<4096xi32, #tpu.memory_space<vmem>>[vector<16xi32>], vector<16xi32>,
        %gather3A_804 = tpu.vector_load_idx %arg12[%add3A_780] : memref<4096xi32, #tpu.memory_space<vmem>>[vector<16xi32>], vector<16xi32>,
        %gather3A_805 = tpu.vector_load_idx %arg12[%add3A_789] : memref<4096xi32, #tpu.memory_space<vmem>>[vector<16xi32>], vector<16xi32>,
        %add3A_806 = arith.addi %mul3A_11, %gather3A_798 : vector<16xi32>
        %gather3A_807 = tpu.vector_load_idx %arg7[%add3A_806] : memref<32896xf32, #tpu.memory_space<vmem>>[vector<16xi32>], vector<16xf32>,
        %add3A_808 = arith.addi %mul3A_17, %gather3A_799 : vector<16xi32>
        %gather3A_809 = tpu.vector_load_idx %arg7[%add3A_808] : memref<32896xf32, #tpu.memory_space<vmem>>[vector<16xi32>], vector<16xf32>,
        %add3A_810 = arith.addi %mul3A_23, %gather3A_800 : vector<16xi32>
        %gather3A_811 = tpu.vector_load_idx %arg7[%add3A_810] : memref<32896xf32, #tpu.memory_space<vmem>>[vector<16xi32>], vector<16xf32>,
        %add3A_812 = arith.addi %mul3A_29, %gather3A_801 : vector<16xi32>
        %gather3A_813 = tpu.vector_load_idx %arg7[%add3A_812] : memref<32896xf32, #tpu.memory_space<vmem>>[vector<16xi32>], vector<16xf32>,
        %add3A_814 = arith.addi %mul3A_35, %gather3A_802 : vector<16xi32>
        %gather3A_815 = tpu.vector_load_idx %arg7[%add3A_814] : memref<32896xf32, #tpu.memory_space<vmem>>[vector<16xi32>], vector<16xf32>,
        %add3A_816 = arith.addi %mul3A_41, %gather3A_803 : vector<16xi32>
        %gather3A_817 = tpu.vector_load_idx %arg7[%add3A_816] : memref<32896xf32, #tpu.memory_space<vmem>>[vector<16xi32>], vector<16xf32>,
        %add3A_818 = arith.addi %mul3A_47, %gather3A_804 : vector<16xi32>
        %gather3A_819 = tpu.vector_load_idx %arg7[%add3A_818] : memref<32896xf32, #tpu.memory_space<vmem>>[vector<16xi32>], vector<16xf32>,
        %add3A_820 = arith.addi %mul3A_53, %gather3A_805 : vector<16xi32>
        %gather3A_821 = tpu.vector_load_idx %arg7[%add3A_820] : memref<32896xf32, #tpu.memory_space<vmem>>[vector<16xi32>], vector<16xf32>,
        %sub3A_822 = arith.subf %gather3A_807, %gather3A_790 : vector<16xf32>
        %abs3A_823 = math.absf %sub3A_822 : vector<16xf32>
        %min3A_824 = arith.minimumf %min3A_720, %abs3A_823 : vector<16xf32>
        %add3A_825 = arith.addi %add3A_726, %add3A_726 : vector<16xi32>
        %gt3A_826 = arith.constant 0.000000e+00 : f32
        %gt3A_827 = vector.broadcast %gt3A_826 : f32 to vector<16xf32>
        %gt3A_828 = arith.cmpf ogt, %sub3A_822, %gt3A_827 : vector<16xf32>
        %select_n3A_829 = arith.select %gt3A_828, %add3A_190, %add3A_187 : vector<16xi1>, vector<16xi32>
        %add3A_830 = arith.addi %add3A_825, %select_n3A_829 : vector<16xi32>
        %sub3A_831 = arith.subf %gather3A_809, %gather3A_791 : vector<16xf32>
        %abs3A_832 = math.absf %sub3A_831 : vector<16xf32>
        %min3A_833 = arith.minimumf %min3A_729, %abs3A_832 : vector<16xf32>
        %add3A_834 = arith.addi %add3A_735, %add3A_735 : vector<16xi32>
        %gt3A_835 = arith.constant 0.000000e+00 : f32
        %gt3A_836 = vector.broadcast %gt3A_835 : f32 to vector<16xf32>
        %gt3A_837 = arith.cmpf ogt, %sub3A_831, %gt3A_836 : vector<16xf32>
        %select_n3A_838 = arith.select %gt3A_837, %add3A_190, %add3A_187 : vector<16xi1>, vector<16xi32>
        %add3A_839 = arith.addi %add3A_834, %select_n3A_838 : vector<16xi32>
        %sub3A_840 = arith.subf %gather3A_811, %gather3A_792 : vector<16xf32>
        %abs3A_841 = math.absf %sub3A_840 : vector<16xf32>
        %min3A_842 = arith.minimumf %min3A_738, %abs3A_841 : vector<16xf32>
        %add3A_843 = arith.addi %add3A_744, %add3A_744 : vector<16xi32>
        %gt3A_844 = arith.constant 0.000000e+00 : f32
        %gt3A_845 = vector.broadcast %gt3A_844 : f32 to vector<16xf32>
        %gt3A_846 = arith.cmpf ogt, %sub3A_840, %gt3A_845 : vector<16xf32>
        %select_n3A_847 = arith.select %gt3A_846, %add3A_190, %add3A_187 : vector<16xi1>, vector<16xi32>
        %add3A_848 = arith.addi %add3A_843, %select_n3A_847 : vector<16xi32>
        %sub3A_849 = arith.subf %gather3A_813, %gather3A_793 : vector<16xf32>
        %abs3A_850 = math.absf %sub3A_849 : vector<16xf32>
        %min3A_851 = arith.minimumf %min3A_747, %abs3A_850 : vector<16xf32>
        %add3A_852 = arith.addi %add3A_753, %add3A_753 : vector<16xi32>
        %gt3A_853 = arith.constant 0.000000e+00 : f32
        %gt3A_854 = vector.broadcast %gt3A_853 : f32 to vector<16xf32>
        %gt3A_855 = arith.cmpf ogt, %sub3A_849, %gt3A_854 : vector<16xf32>
        %select_n3A_856 = arith.select %gt3A_855, %add3A_190, %add3A_187 : vector<16xi1>, vector<16xi32>
        %add3A_857 = arith.addi %add3A_852, %select_n3A_856 : vector<16xi32>
        %sub3A_858 = arith.subf %gather3A_815, %gather3A_794 : vector<16xf32>
        %abs3A_859 = math.absf %sub3A_858 : vector<16xf32>
        %min3A_860 = arith.minimumf %min3A_756, %abs3A_859 : vector<16xf32>
        %add3A_861 = arith.addi %add3A_762, %add3A_762 : vector<16xi32>
        %gt3A_862 = arith.constant 0.000000e+00 : f32
        %gt3A_863 = vector.broadcast %gt3A_862 : f32 to vector<16xf32>
        %gt3A_864 = arith.cmpf ogt, %sub3A_858, %gt3A_863 : vector<16xf32>
        %select_n3A_865 = arith.select %gt3A_864, %add3A_190, %add3A_187 : vector<16xi1>, vector<16xi32>
        %add3A_866 = arith.addi %add3A_861, %select_n3A_865 : vector<16xi32>
        %sub3A_867 = arith.subf %gather3A_817, %gather3A_795 : vector<16xf32>
        %abs3A_868 = math.absf %sub3A_867 : vector<16xf32>
        %min3A_869 = arith.minimumf %min3A_765, %abs3A_868 : vector<16xf32>
        %add3A_870 = arith.addi %add3A_771, %add3A_771 : vector<16xi32>
        %gt3A_871 = arith.constant 0.000000e+00 : f32
        %gt3A_872 = vector.broadcast %gt3A_871 : f32 to vector<16xf32>
        %gt3A_873 = arith.cmpf ogt, %sub3A_867, %gt3A_872 : vector<16xf32>
        %select_n3A_874 = arith.select %gt3A_873, %add3A_190, %add3A_187 : vector<16xi1>, vector<16xi32>
        %add3A_875 = arith.addi %add3A_870, %select_n3A_874 : vector<16xi32>
        %sub3A_876 = arith.subf %gather3A_819, %gather3A_796 : vector<16xf32>
        %abs3A_877 = math.absf %sub3A_876 : vector<16xf32>
        %min3A_878 = arith.minimumf %min3A_774, %abs3A_877 : vector<16xf32>
        %add3A_879 = arith.addi %add3A_780, %add3A_780 : vector<16xi32>
        %gt3A_880 = arith.constant 0.000000e+00 : f32
        %gt3A_881 = vector.broadcast %gt3A_880 : f32 to vector<16xf32>
        %gt3A_882 = arith.cmpf ogt, %sub3A_876, %gt3A_881 : vector<16xf32>
        %select_n3A_883 = arith.select %gt3A_882, %add3A_190, %add3A_187 : vector<16xi1>, vector<16xi32>
        %add3A_884 = arith.addi %add3A_879, %select_n3A_883 : vector<16xi32>
        %sub3A_885 = arith.subf %gather3A_821, %gather3A_797 : vector<16xf32>
        %abs3A_886 = math.absf %sub3A_885 : vector<16xf32>
        %min3A_887 = arith.minimumf %min3A_783, %abs3A_886 : vector<16xf32>
        %add3A_888 = arith.addi %add3A_789, %add3A_789 : vector<16xi32>
        %gt3A_889 = arith.constant 0.000000e+00 : f32
        %gt3A_890 = vector.broadcast %gt3A_889 : f32 to vector<16xf32>
        %gt3A_891 = arith.cmpf ogt, %sub3A_885, %gt3A_890 : vector<16xf32>
        %select_n3A_892 = arith.select %gt3A_891, %add3A_190, %add3A_187 : vector<16xi1>, vector<16xi32>
        %add3A_893 = arith.addi %add3A_888, %select_n3A_892 : vector<16xi32>
        %gather3A_894 = tpu.vector_load_idx %arg11[%add3A_830] : memref<4096xf32, #tpu.memory_space<vmem>>[vector<16xi32>], vector<16xf32>,
        %gather3A_895 = tpu.vector_load_idx %arg11[%add3A_839] : memref<4096xf32, #tpu.memory_space<vmem>>[vector<16xi32>], vector<16xf32>,
        %gather3A_896 = tpu.vector_load_idx %arg11[%add3A_848] : memref<4096xf32, #tpu.memory_space<vmem>>[vector<16xi32>], vector<16xf32>,
        %gather3A_897 = tpu.vector_load_idx %arg11[%add3A_857] : memref<4096xf32, #tpu.memory_space<vmem>>[vector<16xi32>], vector<16xf32>,
        %gather3A_898 = tpu.vector_load_idx %arg11[%add3A_866] : memref<4096xf32, #tpu.memory_space<vmem>>[vector<16xi32>], vector<16xf32>,
        %gather3A_899 = tpu.vector_load_idx %arg11[%add3A_875] : memref<4096xf32, #tpu.memory_space<vmem>>[vector<16xi32>], vector<16xf32>,
        %gather3A_900 = tpu.vector_load_idx %arg11[%add3A_884] : memref<4096xf32, #tpu.memory_space<vmem>>[vector<16xi32>], vector<16xf32>,
        %gather3A_901 = tpu.vector_load_idx %arg11[%add3A_893] : memref<4096xf32, #tpu.memory_space<vmem>>[vector<16xi32>], vector<16xf32>,
        %gather3A_902 = tpu.vector_load_idx %arg12[%add3A_830] : memref<4096xi32, #tpu.memory_space<vmem>>[vector<16xi32>], vector<16xi32>,
        %gather3A_903 = tpu.vector_load_idx %arg12[%add3A_839] : memref<4096xi32, #tpu.memory_space<vmem>>[vector<16xi32>], vector<16xi32>,
        %gather3A_904 = tpu.vector_load_idx %arg12[%add3A_848] : memref<4096xi32, #tpu.memory_space<vmem>>[vector<16xi32>], vector<16xi32>,
        %gather3A_905 = tpu.vector_load_idx %arg12[%add3A_857] : memref<4096xi32, #tpu.memory_space<vmem>>[vector<16xi32>], vector<16xi32>,
        %gather3A_906 = tpu.vector_load_idx %arg12[%add3A_866] : memref<4096xi32, #tpu.memory_space<vmem>>[vector<16xi32>], vector<16xi32>,
        %gather3A_907 = tpu.vector_load_idx %arg12[%add3A_875] : memref<4096xi32, #tpu.memory_space<vmem>>[vector<16xi32>], vector<16xi32>,
        %gather3A_908 = tpu.vector_load_idx %arg12[%add3A_884] : memref<4096xi32, #tpu.memory_space<vmem>>[vector<16xi32>], vector<16xi32>,
        %gather3A_909 = tpu.vector_load_idx %arg12[%add3A_893] : memref<4096xi32, #tpu.memory_space<vmem>>[vector<16xi32>], vector<16xi32>,
        %add3A_910 = arith.addi %mul3A_11, %gather3A_902 : vector<16xi32>
        %gather3A_911 = tpu.vector_load_idx %arg7[%add3A_910] : memref<32896xf32, #tpu.memory_space<vmem>>[vector<16xi32>], vector<16xf32>,
        %add3A_912 = arith.addi %mul3A_17, %gather3A_903 : vector<16xi32>
        %gather3A_913 = tpu.vector_load_idx %arg7[%add3A_912] : memref<32896xf32, #tpu.memory_space<vmem>>[vector<16xi32>], vector<16xf32>,
        %add3A_914 = arith.addi %mul3A_23, %gather3A_904 : vector<16xi32>
        %gather3A_915 = tpu.vector_load_idx %arg7[%add3A_914] : memref<32896xf32, #tpu.memory_space<vmem>>[vector<16xi32>], vector<16xf32>,
        %add3A_916 = arith.addi %mul3A_29, %gather3A_905 : vector<16xi32>
        %gather3A_917 = tpu.vector_load_idx %arg7[%add3A_916] : memref<32896xf32, #tpu.memory_space<vmem>>[vector<16xi32>], vector<16xf32>,
        %add3A_918 = arith.addi %mul3A_35, %gather3A_906 : vector<16xi32>
        %gather3A_919 = tpu.vector_load_idx %arg7[%add3A_918] : memref<32896xf32, #tpu.memory_space<vmem>>[vector<16xi32>], vector<16xf32>,
        %add3A_920 = arith.addi %mul3A_41, %gather3A_907 : vector<16xi32>
        %gather3A_921 = tpu.vector_load_idx %arg7[%add3A_920] : memref<32896xf32, #tpu.memory_space<vmem>>[vector<16xi32>], vector<16xf32>,
        %add3A_922 = arith.addi %mul3A_47, %gather3A_908 : vector<16xi32>
        %gather3A_923 = tpu.vector_load_idx %arg7[%add3A_922] : memref<32896xf32, #tpu.memory_space<vmem>>[vector<16xi32>], vector<16xf32>,
        %add3A_924 = arith.addi %mul3A_53, %gather3A_909 : vector<16xi32>
        %gather3A_925 = tpu.vector_load_idx %arg7[%add3A_924] : memref<32896xf32, #tpu.memory_space<vmem>>[vector<16xi32>], vector<16xf32>,
        %sub3A_926 = arith.subf %gather3A_911, %gather3A_894 : vector<16xf32>
        %abs3A_927 = math.absf %sub3A_926 : vector<16xf32>
        %min3A_928 = arith.minimumf %min3A_824, %abs3A_927 : vector<16xf32>
        %add3A_929 = arith.addi %add3A_830, %add3A_830 : vector<16xi32>
        %gt3A_930 = arith.constant 0.000000e+00 : f32
        %gt3A_931 = vector.broadcast %gt3A_930 : f32 to vector<16xf32>
        %gt3A_932 = arith.cmpf ogt, %sub3A_926, %gt3A_931 : vector<16xf32>
        %select_n3A_933 = arith.select %gt3A_932, %add3A_196, %sub3A_193 : vector<16xi1>, vector<16xi32>
        %add3A_934 = arith.addi %add3A_929, %select_n3A_933 : vector<16xi32>
        %sub3A_935 = arith.subf %gather3A_913, %gather3A_895 : vector<16xf32>
        %abs3A_936 = math.absf %sub3A_935 : vector<16xf32>
        %min3A_937 = arith.minimumf %min3A_833, %abs3A_936 : vector<16xf32>
        %add3A_938 = arith.addi %add3A_839, %add3A_839 : vector<16xi32>
        %gt3A_939 = arith.constant 0.000000e+00 : f32
        %gt3A_940 = vector.broadcast %gt3A_939 : f32 to vector<16xf32>
        %gt3A_941 = arith.cmpf ogt, %sub3A_935, %gt3A_940 : vector<16xf32>
        %select_n3A_942 = arith.select %gt3A_941, %add3A_196, %sub3A_193 : vector<16xi1>, vector<16xi32>
        %add3A_943 = arith.addi %add3A_938, %select_n3A_942 : vector<16xi32>
        %sub3A_944 = arith.subf %gather3A_915, %gather3A_896 : vector<16xf32>
        %abs3A_945 = math.absf %sub3A_944 : vector<16xf32>
        %min3A_946 = arith.minimumf %min3A_842, %abs3A_945 : vector<16xf32>
        %add3A_947 = arith.addi %add3A_848, %add3A_848 : vector<16xi32>
        %gt3A_948 = arith.constant 0.000000e+00 : f32
        %gt3A_949 = vector.broadcast %gt3A_948 : f32 to vector<16xf32>
        %gt3A_950 = arith.cmpf ogt, %sub3A_944, %gt3A_949 : vector<16xf32>
        %select_n3A_951 = arith.select %gt3A_950, %add3A_196, %sub3A_193 : vector<16xi1>, vector<16xi32>
        %add3A_952 = arith.addi %add3A_947, %select_n3A_951 : vector<16xi32>
        %sub3A_953 = arith.subf %gather3A_917, %gather3A_897 : vector<16xf32>
        %abs3A_954 = math.absf %sub3A_953 : vector<16xf32>
        %min3A_955 = arith.minimumf %min3A_851, %abs3A_954 : vector<16xf32>
        %add3A_956 = arith.addi %add3A_857, %add3A_857 : vector<16xi32>
        %gt3A_957 = arith.constant 0.000000e+00 : f32
        %gt3A_958 = vector.broadcast %gt3A_957 : f32 to vector<16xf32>
        %gt3A_959 = arith.cmpf ogt, %sub3A_953, %gt3A_958 : vector<16xf32>
        %select_n3A_960 = arith.select %gt3A_959, %add3A_196, %sub3A_193 : vector<16xi1>, vector<16xi32>
        %add3A_961 = arith.addi %add3A_956, %select_n3A_960 : vector<16xi32>
        %sub3A_962 = arith.subf %gather3A_919, %gather3A_898 : vector<16xf32>
        %abs3A_963 = math.absf %sub3A_962 : vector<16xf32>
        %min3A_964 = arith.minimumf %min3A_860, %abs3A_963 : vector<16xf32>
        %add3A_965 = arith.addi %add3A_866, %add3A_866 : vector<16xi32>
        %gt3A_966 = arith.constant 0.000000e+00 : f32
        %gt3A_967 = vector.broadcast %gt3A_966 : f32 to vector<16xf32>
        %gt3A_968 = arith.cmpf ogt, %sub3A_962, %gt3A_967 : vector<16xf32>
        %select_n3A_969 = arith.select %gt3A_968, %add3A_196, %sub3A_193 : vector<16xi1>, vector<16xi32>
        %add3A_970 = arith.addi %add3A_965, %select_n3A_969 : vector<16xi32>
        %sub3A_971 = arith.subf %gather3A_921, %gather3A_899 : vector<16xf32>
        %abs3A_972 = math.absf %sub3A_971 : vector<16xf32>
        %min3A_973 = arith.minimumf %min3A_869, %abs3A_972 : vector<16xf32>
        %add3A_974 = arith.addi %add3A_875, %add3A_875 : vector<16xi32>
        %gt3A_975 = arith.constant 0.000000e+00 : f32
        %gt3A_976 = vector.broadcast %gt3A_975 : f32 to vector<16xf32>
        %gt3A_977 = arith.cmpf ogt, %sub3A_971, %gt3A_976 : vector<16xf32>
        %select_n3A_978 = arith.select %gt3A_977, %add3A_196, %sub3A_193 : vector<16xi1>, vector<16xi32>
        %add3A_979 = arith.addi %add3A_974, %select_n3A_978 : vector<16xi32>
        %sub3A_980 = arith.subf %gather3A_923, %gather3A_900 : vector<16xf32>
        %abs3A_981 = math.absf %sub3A_980 : vector<16xf32>
        %min3A_982 = arith.minimumf %min3A_878, %abs3A_981 : vector<16xf32>
        %add3A_983 = arith.addi %add3A_884, %add3A_884 : vector<16xi32>
        %gt3A_984 = arith.constant 0.000000e+00 : f32
        %gt3A_985 = vector.broadcast %gt3A_984 : f32 to vector<16xf32>
        %gt3A_986 = arith.cmpf ogt, %sub3A_980, %gt3A_985 : vector<16xf32>
        %select_n3A_987 = arith.select %gt3A_986, %add3A_196, %sub3A_193 : vector<16xi1>, vector<16xi32>
        %add3A_988 = arith.addi %add3A_983, %select_n3A_987 : vector<16xi32>
        %sub3A_989 = arith.subf %gather3A_925, %gather3A_901 : vector<16xf32>
        %abs3A_990 = math.absf %sub3A_989 : vector<16xf32>
        %min3A_991 = arith.minimumf %min3A_887, %abs3A_990 : vector<16xf32>
        %add3A_992 = arith.addi %add3A_893, %add3A_893 : vector<16xi32>
        %gt3A_993 = arith.constant 0.000000e+00 : f32
        %gt3A_994 = vector.broadcast %gt3A_993 : f32 to vector<16xf32>
        %gt3A_995 = arith.cmpf ogt, %sub3A_989, %gt3A_994 : vector<16xf32>
        %select_n3A_996 = arith.select %gt3A_995, %add3A_196, %sub3A_193 : vector<16xi1>, vector<16xi32>
        %add3A_997 = arith.addi %add3A_992, %select_n3A_996 : vector<16xi32>
        %gather3A_998 = tpu.vector_load_idx %arg13[%add3A_934] : memref<4096xf32, #tpu.memory_space<vmem>>[vector<16xi32>], vector<16xf32>,
        %gather3A_999 = tpu.vector_load_idx %arg13[%add3A_943] : memref<4096xf32, #tpu.memory_space<vmem>>[vector<16xi32>], vector<16xf32>,
        %gather3A_1000 = tpu.vector_load_idx %arg13[%add3A_952] : memref<4096xf32, #tpu.memory_space<vmem>>[vector<16xi32>], vector<16xf32>,
        %gather3A_1001 = tpu.vector_load_idx %arg13[%add3A_961] : memref<4096xf32, #tpu.memory_space<vmem>>[vector<16xi32>], vector<16xf32>,
        %gather3A_1002 = tpu.vector_load_idx %arg13[%add3A_970] : memref<4096xf32, #tpu.memory_space<vmem>>[vector<16xi32>], vector<16xf32>,
        %gather3A_1003 = tpu.vector_load_idx %arg13[%add3A_979] : memref<4096xf32, #tpu.memory_space<vmem>>[vector<16xi32>], vector<16xf32>,
        %gather3A_1004 = tpu.vector_load_idx %arg13[%add3A_988] : memref<4096xf32, #tpu.memory_space<vmem>>[vector<16xi32>], vector<16xf32>,
        %gather3A_1005 = tpu.vector_load_idx %arg13[%add3A_997] : memref<4096xf32, #tpu.memory_space<vmem>>[vector<16xi32>], vector<16xf32>,
        %add3A_1006 = arith.constant 0 : i32
        %add3A_1007 = vector.broadcast %add3A_1006 : i32 to vector<16xi32>
        %add3A_1008 = arith.addi %add3A_184, %add3A_1007 : vector<16xi32>
        %mul3A_1009 = arith.mulf %gather3A_998, %min3A_928 : vector<16xf32>
        tpu.vector_store_idx %arg14[%add3A_1008], %mul3A_1009 : memref<65536xf32, #tpu.memory_space<vmem>>[vector<16xi32>], vector<16xf32>,
        %add3A_1010 = arith.constant 16 : i32
        %add3A_1011 = vector.broadcast %add3A_1010 : i32 to vector<16xi32>
        %add3A_1012 = arith.addi %add3A_184, %add3A_1011 : vector<16xi32>
        %mul3A_1013 = arith.mulf %gather3A_999, %min3A_937 : vector<16xf32>
        tpu.vector_store_idx %arg14[%add3A_1012], %mul3A_1013 : memref<65536xf32, #tpu.memory_space<vmem>>[vector<16xi32>], vector<16xf32>,
        %add3A_1014 = arith.constant 32 : i32
        %add3A_1015 = vector.broadcast %add3A_1014 : i32 to vector<16xi32>
        %add3A_1016 = arith.addi %add3A_184, %add3A_1015 : vector<16xi32>
        %mul3A_1017 = arith.mulf %gather3A_1000, %min3A_946 : vector<16xf32>
        tpu.vector_store_idx %arg14[%add3A_1016], %mul3A_1017 : memref<65536xf32, #tpu.memory_space<vmem>>[vector<16xi32>], vector<16xf32>,
        %add3A_1018 = arith.constant 48 : i32
        %add3A_1019 = vector.broadcast %add3A_1018 : i32 to vector<16xi32>
        %add3A_1020 = arith.addi %add3A_184, %add3A_1019 : vector<16xi32>
        %mul3A_1021 = arith.mulf %gather3A_1001, %min3A_955 : vector<16xf32>
        tpu.vector_store_idx %arg14[%add3A_1020], %mul3A_1021 : memref<65536xf32, #tpu.memory_space<vmem>>[vector<16xi32>], vector<16xf32>,
        %add3A_1022 = arith.constant 64 : i32
        %add3A_1023 = vector.broadcast %add3A_1022 : i32 to vector<16xi32>
        %add3A_1024 = arith.addi %add3A_184, %add3A_1023 : vector<16xi32>
        %mul3A_1025 = arith.mulf %gather3A_1002, %min3A_964 : vector<16xf32>
        tpu.vector_store_idx %arg14[%add3A_1024], %mul3A_1025 : memref<65536xf32, #tpu.memory_space<vmem>>[vector<16xi32>], vector<16xf32>,
        %add3A_1026 = arith.constant 80 : i32
        %add3A_1027 = vector.broadcast %add3A_1026 : i32 to vector<16xi32>
        %add3A_1028 = arith.addi %add3A_184, %add3A_1027 : vector<16xi32>
        %mul3A_1029 = arith.mulf %gather3A_1003, %min3A_973 : vector<16xf32>
        tpu.vector_store_idx %arg14[%add3A_1028], %mul3A_1029 : memref<65536xf32, #tpu.memory_space<vmem>>[vector<16xi32>], vector<16xf32>,
        %add3A_1030 = arith.constant 96 : i32
        %add3A_1031 = vector.broadcast %add3A_1030 : i32 to vector<16xi32>
        %add3A_1032 = arith.addi %add3A_184, %add3A_1031 : vector<16xi32>
        %mul3A_1033 = arith.mulf %gather3A_1004, %min3A_982 : vector<16xf32>
        tpu.vector_store_idx %arg14[%add3A_1032], %mul3A_1033 : memref<65536xf32, #tpu.memory_space<vmem>>[vector<16xi32>], vector<16xf32>,
        %add3A_1034 = arith.constant 112 : i32
        %add3A_1035 = vector.broadcast %add3A_1034 : i32 to vector<16xi32>
        %add3A_1036 = arith.addi %add3A_184, %add3A_1035 : vector<16xi32>
        %mul3A_1037 = arith.mulf %gather3A_1005, %min3A_991 : vector<16xf32>
        tpu.vector_store_idx %arg14[%add3A_1036], %mul3A_1037 : memref<65536xf32, #tpu.memory_space<vmem>>[vector<16xi32>], vector<16xf32>,
        %mul3A_1038 = arith.constant 2 : i32
        %mul3A_1039 = arith.muli %mul3A_1038, %scan3A_175 : i32
        %add3A_1040 = arith.constant 1 : i32
        %add3A_1041 = arith.addi %mul3A_1039, %add3A_1040 : i32
        %mul3A_1042 = arith.constant 256 : i32
        %mul3A_1043 = arith.muli %add3A_1041, %mul3A_1042 : i32
        %add3A_1044 = arith.addi %mul3A_156, %add3A_1041 : i32
        %mul3A_1045 = arith.constant 128 : i32
        %mul3A_1046 = arith.muli %add3A_1044, %mul3A_1045 : i32
        %add3A_1047 = vector.broadcast %mul3A_1046 : i32 to vector<16xi32>
        %add3A_1048 = arith.addi %iota3A, %add3A_1047 : vector<16xi32>
        %sub3A_1049 = arith.constant 1 : i32
        %sub3A_1050 = arith.subi %sub3A_1049, %mul3A_1043 : i32
        %add3A_1051 = vector.broadcast %sub3A_1050 : i32 to vector<16xi32>
        %add3A_1052 = arith.addi %broadcast_in_dim3A_5, %add3A_1051 : vector<16xi32>
        %add3A_1053 = arith.constant 1 : i32
        %add3A_1054 = vector.broadcast %add3A_1053 : i32 to vector<16xi32>
        %add3A_1055 = arith.addi %add3A_1052, %add3A_1054 : vector<16xi32>
        %sub3A_1056 = arith.constant 255 : i32
        %sub3A_1057 = vector.broadcast %sub3A_1056 : i32 to vector<16xi32>
        %sub3A_1058 = arith.subi %add3A_1052, %sub3A_1057 : vector<16xi32>
        %add3A_1059 = arith.constant 1 : i32
        %add3A_1060 = vector.broadcast %add3A_1059 : i32 to vector<16xi32>
        %add3A_1061 = arith.addi %sub3A_1058, %add3A_1060 : vector<16xi32>
        %add3A_1062 = arith.constant 1 : i32
        %add3A_1063 = arith.addi %mul3A_1043, %add3A_1062 : i32
        %add3A_1064 = vector.broadcast %add3A_1063 : i32 to vector<16xi32>
        %add3A_1065 = arith.addi %broadcast_in_dim3A_5, %add3A_1064 : vector<16xi32>
        %add3A_1066 = arith.constant 1 : i32
        %add3A_1067 = vector.broadcast %add3A_1066 : i32 to vector<16xi32>
        %add3A_1068 = arith.addi %add3A_1065, %add3A_1067 : vector<16xi32>
        %add3A_1069 = vector.broadcast %mul3A_1043 : i32 to vector<16xi32>
        %add3A_1070 = arith.addi %broadcast_in_dim3A_5, %add3A_1069 : vector<16xi32>
        %gather3A_1071 = tpu.vector_load_idx %arg11[%add3A_1070] : memref<4096xf32, #tpu.memory_space<vmem>>[vector<16xi32>], vector<16xf32>,
        %add3A_1072 = vector.broadcast %mul3A_1043 : i32 to vector<16xi32>
        %add3A_1073 = arith.addi %broadcast_in_dim3A_5, %add3A_1072 : vector<16xi32>
        %gather3A_1074 = tpu.vector_load_idx %arg12[%add3A_1073] : memref<4096xi32, #tpu.memory_space<vmem>>[vector<16xi32>], vector<16xi32>,
        %add3A_1075 = arith.addi %mul3A_11, %gather3A_1074 : vector<16xi32>
        %gather3A_1076 = tpu.vector_load_idx %arg7[%add3A_1075] : memref<32896xf32, #tpu.memory_space<vmem>>[vector<16xi32>], vector<16xf32>,
        %add3A_1077 = arith.addi %mul3A_17, %gather3A_1074 : vector<16xi32>
        %gather3A_1078 = tpu.vector_load_idx %arg7[%add3A_1077] : memref<32896xf32, #tpu.memory_space<vmem>>[vector<16xi32>], vector<16xf32>,
        %add3A_1079 = arith.addi %mul3A_23, %gather3A_1074 : vector<16xi32>
        %gather3A_1080 = tpu.vector_load_idx %arg7[%add3A_1079] : memref<32896xf32, #tpu.memory_space<vmem>>[vector<16xi32>], vector<16xf32>,
        %add3A_1081 = arith.addi %mul3A_29, %gather3A_1074 : vector<16xi32>
        %gather3A_1082 = tpu.vector_load_idx %arg7[%add3A_1081] : memref<32896xf32, #tpu.memory_space<vmem>>[vector<16xi32>], vector<16xf32>,
        %add3A_1083 = arith.addi %mul3A_35, %gather3A_1074 : vector<16xi32>
        %gather3A_1084 = tpu.vector_load_idx %arg7[%add3A_1083] : memref<32896xf32, #tpu.memory_space<vmem>>[vector<16xi32>], vector<16xf32>,
        %add3A_1085 = arith.addi %mul3A_41, %gather3A_1074 : vector<16xi32>
        %gather3A_1086 = tpu.vector_load_idx %arg7[%add3A_1085] : memref<32896xf32, #tpu.memory_space<vmem>>[vector<16xi32>], vector<16xf32>,
        %add3A_1087 = arith.addi %mul3A_47, %gather3A_1074 : vector<16xi32>
        %gather3A_1088 = tpu.vector_load_idx %arg7[%add3A_1087] : memref<32896xf32, #tpu.memory_space<vmem>>[vector<16xi32>], vector<16xf32>,
        %add3A_1089 = arith.addi %mul3A_53, %gather3A_1074 : vector<16xi32>
        %gather3A_1090 = tpu.vector_load_idx %arg7[%add3A_1089] : memref<32896xf32, #tpu.memory_space<vmem>>[vector<16xi32>], vector<16xf32>,
        %sub3A_1091 = arith.subf %gather3A_1076, %gather3A_1071 : vector<16xf32>
        %sub3A_1092 = arith.subf %gather3A_1078, %gather3A_1071 : vector<16xf32>
        %sub3A_1093 = arith.subf %gather3A_1080, %gather3A_1071 : vector<16xf32>
        %sub3A_1094 = arith.subf %gather3A_1082, %gather3A_1071 : vector<16xf32>
        %sub3A_1095 = arith.subf %gather3A_1084, %gather3A_1071 : vector<16xf32>
        %sub3A_1096 = arith.subf %gather3A_1086, %gather3A_1071 : vector<16xf32>
        %sub3A_1097 = arith.subf %gather3A_1088, %gather3A_1071 : vector<16xf32>
        %sub3A_1098 = arith.subf %gather3A_1090, %gather3A_1071 : vector<16xf32>
        %abs3A_1099 = math.absf %sub3A_1091 : vector<16xf32>
        %abs3A_1100 = math.absf %sub3A_1092 : vector<16xf32>
        %abs3A_1101 = math.absf %sub3A_1093 : vector<16xf32>
        %abs3A_1102 = math.absf %sub3A_1094 : vector<16xf32>
        %abs3A_1103 = math.absf %sub3A_1095 : vector<16xf32>
        %abs3A_1104 = math.absf %sub3A_1096 : vector<16xf32>
        %abs3A_1105 = math.absf %sub3A_1097 : vector<16xf32>
        %abs3A_1106 = math.absf %sub3A_1098 : vector<16xf32>
        %gt3A_1107 = arith.constant 0.000000e+00 : f32
        %gt3A_1108 = vector.broadcast %gt3A_1107 : f32 to vector<16xf32>
        %gt3A_1109 = arith.cmpf ogt, %sub3A_1091, %gt3A_1108 : vector<16xf32>
        %select_n3A_1110 = arith.select %gt3A_1109, %add3A_1068, %add3A_1065 : vector<16xi1>, vector<16xi32>
        %gt3A_1111 = arith.constant 0.000000e+00 : f32
        %gt3A_1112 = vector.broadcast %gt3A_1111 : f32 to vector<16xf32>
        %gt3A_1113 = arith.cmpf ogt, %sub3A_1092, %gt3A_1112 : vector<16xf32>
        %select_n3A_1114 = arith.select %gt3A_1113, %add3A_1068, %add3A_1065 : vector<16xi1>, vector<16xi32>
        %gt3A_1115 = arith.constant 0.000000e+00 : f32
        %gt3A_1116 = vector.broadcast %gt3A_1115 : f32 to vector<16xf32>
        %gt3A_1117 = arith.cmpf ogt, %sub3A_1093, %gt3A_1116 : vector<16xf32>
        %select_n3A_1118 = arith.select %gt3A_1117, %add3A_1068, %add3A_1065 : vector<16xi1>, vector<16xi32>
        %gt3A_1119 = arith.constant 0.000000e+00 : f32
        %gt3A_1120 = vector.broadcast %gt3A_1119 : f32 to vector<16xf32>
        %gt3A_1121 = arith.cmpf ogt, %sub3A_1094, %gt3A_1120 : vector<16xf32>
        %select_n3A_1122 = arith.select %gt3A_1121, %add3A_1068, %add3A_1065 : vector<16xi1>, vector<16xi32>
        %gt3A_1123 = arith.constant 0.000000e+00 : f32
        %gt3A_1124 = vector.broadcast %gt3A_1123 : f32 to vector<16xf32>
        %gt3A_1125 = arith.cmpf ogt, %sub3A_1095, %gt3A_1124 : vector<16xf32>
        %select_n3A_1126 = arith.select %gt3A_1125, %add3A_1068, %add3A_1065 : vector<16xi1>, vector<16xi32>
        %gt3A_1127 = arith.constant 0.000000e+00 : f32
        %gt3A_1128 = vector.broadcast %gt3A_1127 : f32 to vector<16xf32>
        %gt3A_1129 = arith.cmpf ogt, %sub3A_1096, %gt3A_1128 : vector<16xf32>
        %select_n3A_1130 = arith.select %gt3A_1129, %add3A_1068, %add3A_1065 : vector<16xi1>, vector<16xi32>
        %gt3A_1131 = arith.constant 0.000000e+00 : f32
        %gt3A_1132 = vector.broadcast %gt3A_1131 : f32 to vector<16xf32>
        %gt3A_1133 = arith.cmpf ogt, %sub3A_1097, %gt3A_1132 : vector<16xf32>
        %select_n3A_1134 = arith.select %gt3A_1133, %add3A_1068, %add3A_1065 : vector<16xi1>, vector<16xi32>
        %gt3A_1135 = arith.constant 0.000000e+00 : f32
        %gt3A_1136 = vector.broadcast %gt3A_1135 : f32 to vector<16xf32>
        %gt3A_1137 = arith.cmpf ogt, %sub3A_1098, %gt3A_1136 : vector<16xf32>
        %select_n3A_1138 = arith.select %gt3A_1137, %add3A_1068, %add3A_1065 : vector<16xi1>, vector<16xi32>
        %gather3A_1139 = tpu.vector_load_idx %arg11[%select_n3A_1110] : memref<4096xf32, #tpu.memory_space<vmem>>[vector<16xi32>], vector<16xf32>,
        %gather3A_1140 = tpu.vector_load_idx %arg11[%select_n3A_1114] : memref<4096xf32, #tpu.memory_space<vmem>>[vector<16xi32>], vector<16xf32>,
        %gather3A_1141 = tpu.vector_load_idx %arg11[%select_n3A_1118] : memref<4096xf32, #tpu.memory_space<vmem>>[vector<16xi32>], vector<16xf32>,
        %gather3A_1142 = tpu.vector_load_idx %arg11[%select_n3A_1122] : memref<4096xf32, #tpu.memory_space<vmem>>[vector<16xi32>], vector<16xf32>,
        %gather3A_1143 = tpu.vector_load_idx %arg11[%select_n3A_1126] : memref<4096xf32, #tpu.memory_space<vmem>>[vector<16xi32>], vector<16xf32>,
        %gather3A_1144 = tpu.vector_load_idx %arg11[%select_n3A_1130] : memref<4096xf32, #tpu.memory_space<vmem>>[vector<16xi32>], vector<16xf32>,
        %gather3A_1145 = tpu.vector_load_idx %arg11[%select_n3A_1134] : memref<4096xf32, #tpu.memory_space<vmem>>[vector<16xi32>], vector<16xf32>,
        %gather3A_1146 = tpu.vector_load_idx %arg11[%select_n3A_1138] : memref<4096xf32, #tpu.memory_space<vmem>>[vector<16xi32>], vector<16xf32>,
        %gather3A_1147 = tpu.vector_load_idx %arg12[%select_n3A_1110] : memref<4096xi32, #tpu.memory_space<vmem>>[vector<16xi32>], vector<16xi32>,
        %gather3A_1148 = tpu.vector_load_idx %arg12[%select_n3A_1114] : memref<4096xi32, #tpu.memory_space<vmem>>[vector<16xi32>], vector<16xi32>,
        %gather3A_1149 = tpu.vector_load_idx %arg12[%select_n3A_1118] : memref<4096xi32, #tpu.memory_space<vmem>>[vector<16xi32>], vector<16xi32>,
        %gather3A_1150 = tpu.vector_load_idx %arg12[%select_n3A_1122] : memref<4096xi32, #tpu.memory_space<vmem>>[vector<16xi32>], vector<16xi32>,
        %gather3A_1151 = tpu.vector_load_idx %arg12[%select_n3A_1126] : memref<4096xi32, #tpu.memory_space<vmem>>[vector<16xi32>], vector<16xi32>,
        %gather3A_1152 = tpu.vector_load_idx %arg12[%select_n3A_1130] : memref<4096xi32, #tpu.memory_space<vmem>>[vector<16xi32>], vector<16xi32>,
        %gather3A_1153 = tpu.vector_load_idx %arg12[%select_n3A_1134] : memref<4096xi32, #tpu.memory_space<vmem>>[vector<16xi32>], vector<16xi32>,
        %gather3A_1154 = tpu.vector_load_idx %arg12[%select_n3A_1138] : memref<4096xi32, #tpu.memory_space<vmem>>[vector<16xi32>], vector<16xi32>,
        %add3A_1155 = arith.addi %mul3A_11, %gather3A_1147 : vector<16xi32>
        %gather3A_1156 = tpu.vector_load_idx %arg7[%add3A_1155] : memref<32896xf32, #tpu.memory_space<vmem>>[vector<16xi32>], vector<16xf32>,
        %add3A_1157 = arith.addi %mul3A_17, %gather3A_1148 : vector<16xi32>
        %gather3A_1158 = tpu.vector_load_idx %arg7[%add3A_1157] : memref<32896xf32, #tpu.memory_space<vmem>>[vector<16xi32>], vector<16xf32>,
        %add3A_1159 = arith.addi %mul3A_23, %gather3A_1149 : vector<16xi32>
        %gather3A_1160 = tpu.vector_load_idx %arg7[%add3A_1159] : memref<32896xf32, #tpu.memory_space<vmem>>[vector<16xi32>], vector<16xf32>,
        %add3A_1161 = arith.addi %mul3A_29, %gather3A_1150 : vector<16xi32>
        %gather3A_1162 = tpu.vector_load_idx %arg7[%add3A_1161] : memref<32896xf32, #tpu.memory_space<vmem>>[vector<16xi32>], vector<16xf32>,
        %add3A_1163 = arith.addi %mul3A_35, %gather3A_1151 : vector<16xi32>
        %gather3A_1164 = tpu.vector_load_idx %arg7[%add3A_1163] : memref<32896xf32, #tpu.memory_space<vmem>>[vector<16xi32>], vector<16xf32>,
        %add3A_1165 = arith.addi %mul3A_41, %gather3A_1152 : vector<16xi32>
        %gather3A_1166 = tpu.vector_load_idx %arg7[%add3A_1165] : memref<32896xf32, #tpu.memory_space<vmem>>[vector<16xi32>], vector<16xf32>,
        %add3A_1167 = arith.addi %mul3A_47, %gather3A_1153 : vector<16xi32>
        %gather3A_1168 = tpu.vector_load_idx %arg7[%add3A_1167] : memref<32896xf32, #tpu.memory_space<vmem>>[vector<16xi32>], vector<16xf32>,
        %add3A_1169 = arith.addi %mul3A_53, %gather3A_1154 : vector<16xi32>
        %gather3A_1170 = tpu.vector_load_idx %arg7[%add3A_1169] : memref<32896xf32, #tpu.memory_space<vmem>>[vector<16xi32>], vector<16xf32>,
        %sub3A_1171 = arith.subf %gather3A_1156, %gather3A_1139 : vector<16xf32>
        %abs3A_1172 = math.absf %sub3A_1171 : vector<16xf32>
        %min3A_1173 = arith.minimumf %abs3A_1099, %abs3A_1172 : vector<16xf32>
        %add3A_1174 = arith.addi %select_n3A_1110, %select_n3A_1110 : vector<16xi32>
        %gt3A_1175 = arith.constant 0.000000e+00 : f32
        %gt3A_1176 = vector.broadcast %gt3A_1175 : f32 to vector<16xf32>
        %gt3A_1177 = arith.cmpf ogt, %sub3A_1171, %gt3A_1176 : vector<16xf32>
        %select_n3A_1178 = arith.select %gt3A_1177, %add3A_1055, %add3A_1052 : vector<16xi1>, vector<16xi32>
        %add3A_1179 = arith.addi %add3A_1174, %select_n3A_1178 : vector<16xi32>
        %sub3A_1180 = arith.subf %gather3A_1158, %gather3A_1140 : vector<16xf32>
        %abs3A_1181 = math.absf %sub3A_1180 : vector<16xf32>
        %min3A_1182 = arith.minimumf %abs3A_1100, %abs3A_1181 : vector<16xf32>
        %add3A_1183 = arith.addi %select_n3A_1114, %select_n3A_1114 : vector<16xi32>
        %gt3A_1184 = arith.constant 0.000000e+00 : f32
        %gt3A_1185 = vector.broadcast %gt3A_1184 : f32 to vector<16xf32>
        %gt3A_1186 = arith.cmpf ogt, %sub3A_1180, %gt3A_1185 : vector<16xf32>
        %select_n3A_1187 = arith.select %gt3A_1186, %add3A_1055, %add3A_1052 : vector<16xi1>, vector<16xi32>
        %add3A_1188 = arith.addi %add3A_1183, %select_n3A_1187 : vector<16xi32>
        %sub3A_1189 = arith.subf %gather3A_1160, %gather3A_1141 : vector<16xf32>
        %abs3A_1190 = math.absf %sub3A_1189 : vector<16xf32>
        %min3A_1191 = arith.minimumf %abs3A_1101, %abs3A_1190 : vector<16xf32>
        %add3A_1192 = arith.addi %select_n3A_1118, %select_n3A_1118 : vector<16xi32>
        %gt3A_1193 = arith.constant 0.000000e+00 : f32
        %gt3A_1194 = vector.broadcast %gt3A_1193 : f32 to vector<16xf32>
        %gt3A_1195 = arith.cmpf ogt, %sub3A_1189, %gt3A_1194 : vector<16xf32>
        %select_n3A_1196 = arith.select %gt3A_1195, %add3A_1055, %add3A_1052 : vector<16xi1>, vector<16xi32>
        %add3A_1197 = arith.addi %add3A_1192, %select_n3A_1196 : vector<16xi32>
        %sub3A_1198 = arith.subf %gather3A_1162, %gather3A_1142 : vector<16xf32>
        %abs3A_1199 = math.absf %sub3A_1198 : vector<16xf32>
        %min3A_1200 = arith.minimumf %abs3A_1102, %abs3A_1199 : vector<16xf32>
        %add3A_1201 = arith.addi %select_n3A_1122, %select_n3A_1122 : vector<16xi32>
        %gt3A_1202 = arith.constant 0.000000e+00 : f32
        %gt3A_1203 = vector.broadcast %gt3A_1202 : f32 to vector<16xf32>
        %gt3A_1204 = arith.cmpf ogt, %sub3A_1198, %gt3A_1203 : vector<16xf32>
        %select_n3A_1205 = arith.select %gt3A_1204, %add3A_1055, %add3A_1052 : vector<16xi1>, vector<16xi32>
        %add3A_1206 = arith.addi %add3A_1201, %select_n3A_1205 : vector<16xi32>
        %sub3A_1207 = arith.subf %gather3A_1164, %gather3A_1143 : vector<16xf32>
        %abs3A_1208 = math.absf %sub3A_1207 : vector<16xf32>
        %min3A_1209 = arith.minimumf %abs3A_1103, %abs3A_1208 : vector<16xf32>
        %add3A_1210 = arith.addi %select_n3A_1126, %select_n3A_1126 : vector<16xi32>
        %gt3A_1211 = arith.constant 0.000000e+00 : f32
        %gt3A_1212 = vector.broadcast %gt3A_1211 : f32 to vector<16xf32>
        %gt3A_1213 = arith.cmpf ogt, %sub3A_1207, %gt3A_1212 : vector<16xf32>
        %select_n3A_1214 = arith.select %gt3A_1213, %add3A_1055, %add3A_1052 : vector<16xi1>, vector<16xi32>
        %add3A_1215 = arith.addi %add3A_1210, %select_n3A_1214 : vector<16xi32>
        %sub3A_1216 = arith.subf %gather3A_1166, %gather3A_1144 : vector<16xf32>
        %abs3A_1217 = math.absf %sub3A_1216 : vector<16xf32>
        %min3A_1218 = arith.minimumf %abs3A_1104, %abs3A_1217 : vector<16xf32>
        %add3A_1219 = arith.addi %select_n3A_1130, %select_n3A_1130 : vector<16xi32>
        %gt3A_1220 = arith.constant 0.000000e+00 : f32
        %gt3A_1221 = vector.broadcast %gt3A_1220 : f32 to vector<16xf32>
        %gt3A_1222 = arith.cmpf ogt, %sub3A_1216, %gt3A_1221 : vector<16xf32>
        %select_n3A_1223 = arith.select %gt3A_1222, %add3A_1055, %add3A_1052 : vector<16xi1>, vector<16xi32>
        %add3A_1224 = arith.addi %add3A_1219, %select_n3A_1223 : vector<16xi32>
        %sub3A_1225 = arith.subf %gather3A_1168, %gather3A_1145 : vector<16xf32>
        %abs3A_1226 = math.absf %sub3A_1225 : vector<16xf32>
        %min3A_1227 = arith.minimumf %abs3A_1105, %abs3A_1226 : vector<16xf32>
        %add3A_1228 = arith.addi %select_n3A_1134, %select_n3A_1134 : vector<16xi32>
        %gt3A_1229 = arith.constant 0.000000e+00 : f32
        %gt3A_1230 = vector.broadcast %gt3A_1229 : f32 to vector<16xf32>
        %gt3A_1231 = arith.cmpf ogt, %sub3A_1225, %gt3A_1230 : vector<16xf32>
        %select_n3A_1232 = arith.select %gt3A_1231, %add3A_1055, %add3A_1052 : vector<16xi1>, vector<16xi32>
        %add3A_1233 = arith.addi %add3A_1228, %select_n3A_1232 : vector<16xi32>
        %sub3A_1234 = arith.subf %gather3A_1170, %gather3A_1146 : vector<16xf32>
        %abs3A_1235 = math.absf %sub3A_1234 : vector<16xf32>
        %min3A_1236 = arith.minimumf %abs3A_1106, %abs3A_1235 : vector<16xf32>
        %add3A_1237 = arith.addi %select_n3A_1138, %select_n3A_1138 : vector<16xi32>
        %gt3A_1238 = arith.constant 0.000000e+00 : f32
        %gt3A_1239 = vector.broadcast %gt3A_1238 : f32 to vector<16xf32>
        %gt3A_1240 = arith.cmpf ogt, %sub3A_1234, %gt3A_1239 : vector<16xf32>
        %select_n3A_1241 = arith.select %gt3A_1240, %add3A_1055, %add3A_1052 : vector<16xi1>, vector<16xi32>
        %add3A_1242 = arith.addi %add3A_1237, %select_n3A_1241 : vector<16xi32>
        %gather3A_1243 = tpu.vector_load_idx %arg11[%add3A_1179] : memref<4096xf32, #tpu.memory_space<vmem>>[vector<16xi32>], vector<16xf32>,
        %gather3A_1244 = tpu.vector_load_idx %arg11[%add3A_1188] : memref<4096xf32, #tpu.memory_space<vmem>>[vector<16xi32>], vector<16xf32>,
        %gather3A_1245 = tpu.vector_load_idx %arg11[%add3A_1197] : memref<4096xf32, #tpu.memory_space<vmem>>[vector<16xi32>], vector<16xf32>,
        %gather3A_1246 = tpu.vector_load_idx %arg11[%add3A_1206] : memref<4096xf32, #tpu.memory_space<vmem>>[vector<16xi32>], vector<16xf32>,
        %gather3A_1247 = tpu.vector_load_idx %arg11[%add3A_1215] : memref<4096xf32, #tpu.memory_space<vmem>>[vector<16xi32>], vector<16xf32>,
        %gather3A_1248 = tpu.vector_load_idx %arg11[%add3A_1224] : memref<4096xf32, #tpu.memory_space<vmem>>[vector<16xi32>], vector<16xf32>,
        %gather3A_1249 = tpu.vector_load_idx %arg11[%add3A_1233] : memref<4096xf32, #tpu.memory_space<vmem>>[vector<16xi32>], vector<16xf32>,
        %gather3A_1250 = tpu.vector_load_idx %arg11[%add3A_1242] : memref<4096xf32, #tpu.memory_space<vmem>>[vector<16xi32>], vector<16xf32>,
        %gather3A_1251 = tpu.vector_load_idx %arg12[%add3A_1179] : memref<4096xi32, #tpu.memory_space<vmem>>[vector<16xi32>], vector<16xi32>,
        %gather3A_1252 = tpu.vector_load_idx %arg12[%add3A_1188] : memref<4096xi32, #tpu.memory_space<vmem>>[vector<16xi32>], vector<16xi32>,
        %gather3A_1253 = tpu.vector_load_idx %arg12[%add3A_1197] : memref<4096xi32, #tpu.memory_space<vmem>>[vector<16xi32>], vector<16xi32>,
        %gather3A_1254 = tpu.vector_load_idx %arg12[%add3A_1206] : memref<4096xi32, #tpu.memory_space<vmem>>[vector<16xi32>], vector<16xi32>,
        %gather3A_1255 = tpu.vector_load_idx %arg12[%add3A_1215] : memref<4096xi32, #tpu.memory_space<vmem>>[vector<16xi32>], vector<16xi32>,
        %gather3A_1256 = tpu.vector_load_idx %arg12[%add3A_1224] : memref<4096xi32, #tpu.memory_space<vmem>>[vector<16xi32>], vector<16xi32>,
        %gather3A_1257 = tpu.vector_load_idx %arg12[%add3A_1233] : memref<4096xi32, #tpu.memory_space<vmem>>[vector<16xi32>], vector<16xi32>,
        %gather3A_1258 = tpu.vector_load_idx %arg12[%add3A_1242] : memref<4096xi32, #tpu.memory_space<vmem>>[vector<16xi32>], vector<16xi32>,
        %add3A_1259 = arith.addi %mul3A_11, %gather3A_1251 : vector<16xi32>
        %gather3A_1260 = tpu.vector_load_idx %arg7[%add3A_1259] : memref<32896xf32, #tpu.memory_space<vmem>>[vector<16xi32>], vector<16xf32>,
        %add3A_1261 = arith.addi %mul3A_17, %gather3A_1252 : vector<16xi32>
        %gather3A_1262 = tpu.vector_load_idx %arg7[%add3A_1261] : memref<32896xf32, #tpu.memory_space<vmem>>[vector<16xi32>], vector<16xf32>,
        %add3A_1263 = arith.addi %mul3A_23, %gather3A_1253 : vector<16xi32>
        %gather3A_1264 = tpu.vector_load_idx %arg7[%add3A_1263] : memref<32896xf32, #tpu.memory_space<vmem>>[vector<16xi32>], vector<16xf32>,
        %add3A_1265 = arith.addi %mul3A_29, %gather3A_1254 : vector<16xi32>
        %gather3A_1266 = tpu.vector_load_idx %arg7[%add3A_1265] : memref<32896xf32, #tpu.memory_space<vmem>>[vector<16xi32>], vector<16xf32>,
        %add3A_1267 = arith.addi %mul3A_35, %gather3A_1255 : vector<16xi32>
        %gather3A_1268 = tpu.vector_load_idx %arg7[%add3A_1267] : memref<32896xf32, #tpu.memory_space<vmem>>[vector<16xi32>], vector<16xf32>,
        %add3A_1269 = arith.addi %mul3A_41, %gather3A_1256 : vector<16xi32>
        %gather3A_1270 = tpu.vector_load_idx %arg7[%add3A_1269] : memref<32896xf32, #tpu.memory_space<vmem>>[vector<16xi32>], vector<16xf32>,
        %add3A_1271 = arith.addi %mul3A_47, %gather3A_1257 : vector<16xi32>
        %gather3A_1272 = tpu.vector_load_idx %arg7[%add3A_1271] : memref<32896xf32, #tpu.memory_space<vmem>>[vector<16xi32>], vector<16xf32>,
        %add3A_1273 = arith.addi %mul3A_53, %gather3A_1258 : vector<16xi32>
        %gather3A_1274 = tpu.vector_load_idx %arg7[%add3A_1273] : memref<32896xf32, #tpu.memory_space<vmem>>[vector<16xi32>], vector<16xf32>,
        %sub3A_1275 = arith.subf %gather3A_1260, %gather3A_1243 : vector<16xf32>
        %abs3A_1276 = math.absf %sub3A_1275 : vector<16xf32>
        %min3A_1277 = arith.minimumf %min3A_1173, %abs3A_1276 : vector<16xf32>
        %add3A_1278 = arith.addi %add3A_1179, %add3A_1179 : vector<16xi32>
        %gt3A_1279 = arith.constant 0.000000e+00 : f32
        %gt3A_1280 = vector.broadcast %gt3A_1279 : f32 to vector<16xf32>
        %gt3A_1281 = arith.cmpf ogt, %sub3A_1275, %gt3A_1280 : vector<16xf32>
        %select_n3A_1282 = arith.select %gt3A_1281, %add3A_1055, %add3A_1052 : vector<16xi1>, vector<16xi32>
        %add3A_1283 = arith.addi %add3A_1278, %select_n3A_1282 : vector<16xi32>
        %sub3A_1284 = arith.subf %gather3A_1262, %gather3A_1244 : vector<16xf32>
        %abs3A_1285 = math.absf %sub3A_1284 : vector<16xf32>
        %min3A_1286 = arith.minimumf %min3A_1182, %abs3A_1285 : vector<16xf32>
        %add3A_1287 = arith.addi %add3A_1188, %add3A_1188 : vector<16xi32>
        %gt3A_1288 = arith.constant 0.000000e+00 : f32
        %gt3A_1289 = vector.broadcast %gt3A_1288 : f32 to vector<16xf32>
        %gt3A_1290 = arith.cmpf ogt, %sub3A_1284, %gt3A_1289 : vector<16xf32>
        %select_n3A_1291 = arith.select %gt3A_1290, %add3A_1055, %add3A_1052 : vector<16xi1>, vector<16xi32>
        %add3A_1292 = arith.addi %add3A_1287, %select_n3A_1291 : vector<16xi32>
        %sub3A_1293 = arith.subf %gather3A_1264, %gather3A_1245 : vector<16xf32>
        %abs3A_1294 = math.absf %sub3A_1293 : vector<16xf32>
        %min3A_1295 = arith.minimumf %min3A_1191, %abs3A_1294 : vector<16xf32>
        %add3A_1296 = arith.addi %add3A_1197, %add3A_1197 : vector<16xi32>
        %gt3A_1297 = arith.constant 0.000000e+00 : f32
        %gt3A_1298 = vector.broadcast %gt3A_1297 : f32 to vector<16xf32>
        %gt3A_1299 = arith.cmpf ogt, %sub3A_1293, %gt3A_1298 : vector<16xf32>
        %select_n3A_1300 = arith.select %gt3A_1299, %add3A_1055, %add3A_1052 : vector<16xi1>, vector<16xi32>
        %add3A_1301 = arith.addi %add3A_1296, %select_n3A_1300 : vector<16xi32>
        %sub3A_1302 = arith.subf %gather3A_1266, %gather3A_1246 : vector<16xf32>
        %abs3A_1303 = math.absf %sub3A_1302 : vector<16xf32>
        %min3A_1304 = arith.minimumf %min3A_1200, %abs3A_1303 : vector<16xf32>
        %add3A_1305 = arith.addi %add3A_1206, %add3A_1206 : vector<16xi32>
        %gt3A_1306 = arith.constant 0.000000e+00 : f32
        %gt3A_1307 = vector.broadcast %gt3A_1306 : f32 to vector<16xf32>
        %gt3A_1308 = arith.cmpf ogt, %sub3A_1302, %gt3A_1307 : vector<16xf32>
        %select_n3A_1309 = arith.select %gt3A_1308, %add3A_1055, %add3A_1052 : vector<16xi1>, vector<16xi32>
        %add3A_1310 = arith.addi %add3A_1305, %select_n3A_1309 : vector<16xi32>
        %sub3A_1311 = arith.subf %gather3A_1268, %gather3A_1247 : vector<16xf32>
        %abs3A_1312 = math.absf %sub3A_1311 : vector<16xf32>
        %min3A_1313 = arith.minimumf %min3A_1209, %abs3A_1312 : vector<16xf32>
        %add3A_1314 = arith.addi %add3A_1215, %add3A_1215 : vector<16xi32>
        %gt3A_1315 = arith.constant 0.000000e+00 : f32
        %gt3A_1316 = vector.broadcast %gt3A_1315 : f32 to vector<16xf32>
        %gt3A_1317 = arith.cmpf ogt, %sub3A_1311, %gt3A_1316 : vector<16xf32>
        %select_n3A_1318 = arith.select %gt3A_1317, %add3A_1055, %add3A_1052 : vector<16xi1>, vector<16xi32>
        %add3A_1319 = arith.addi %add3A_1314, %select_n3A_1318 : vector<16xi32>
        %sub3A_1320 = arith.subf %gather3A_1270, %gather3A_1248 : vector<16xf32>
        %abs3A_1321 = math.absf %sub3A_1320 : vector<16xf32>
        %min3A_1322 = arith.minimumf %min3A_1218, %abs3A_1321 : vector<16xf32>
        %add3A_1323 = arith.addi %add3A_1224, %add3A_1224 : vector<16xi32>
        %gt3A_1324 = arith.constant 0.000000e+00 : f32
        %gt3A_1325 = vector.broadcast %gt3A_1324 : f32 to vector<16xf32>
        %gt3A_1326 = arith.cmpf ogt, %sub3A_1320, %gt3A_1325 : vector<16xf32>
        %select_n3A_1327 = arith.select %gt3A_1326, %add3A_1055, %add3A_1052 : vector<16xi1>, vector<16xi32>
        %add3A_1328 = arith.addi %add3A_1323, %select_n3A_1327 : vector<16xi32>
        %sub3A_1329 = arith.subf %gather3A_1272, %gather3A_1249 : vector<16xf32>
        %abs3A_1330 = math.absf %sub3A_1329 : vector<16xf32>
        %min3A_1331 = arith.minimumf %min3A_1227, %abs3A_1330 : vector<16xf32>
        %add3A_1332 = arith.addi %add3A_1233, %add3A_1233 : vector<16xi32>
        %gt3A_1333 = arith.constant 0.000000e+00 : f32
        %gt3A_1334 = vector.broadcast %gt3A_1333 : f32 to vector<16xf32>
        %gt3A_1335 = arith.cmpf ogt, %sub3A_1329, %gt3A_1334 : vector<16xf32>
        %select_n3A_1336 = arith.select %gt3A_1335, %add3A_1055, %add3A_1052 : vector<16xi1>, vector<16xi32>
        %add3A_1337 = arith.addi %add3A_1332, %select_n3A_1336 : vector<16xi32>
        %sub3A_1338 = arith.subf %gather3A_1274, %gather3A_1250 : vector<16xf32>
        %abs3A_1339 = math.absf %sub3A_1338 : vector<16xf32>
        %min3A_1340 = arith.minimumf %min3A_1236, %abs3A_1339 : vector<16xf32>
        %add3A_1341 = arith.addi %add3A_1242, %add3A_1242 : vector<16xi32>
        %gt3A_1342 = arith.constant 0.000000e+00 : f32
        %gt3A_1343 = vector.broadcast %gt3A_1342 : f32 to vector<16xf32>
        %gt3A_1344 = arith.cmpf ogt, %sub3A_1338, %gt3A_1343 : vector<16xf32>
        %select_n3A_1345 = arith.select %gt3A_1344, %add3A_1055, %add3A_1052 : vector<16xi1>, vector<16xi32>
        %add3A_1346 = arith.addi %add3A_1341, %select_n3A_1345 : vector<16xi32>
        %gather3A_1347 = tpu.vector_load_idx %arg11[%add3A_1283] : memref<4096xf32, #tpu.memory_space<vmem>>[vector<16xi32>], vector<16xf32>,
        %gather3A_1348 = tpu.vector_load_idx %arg11[%add3A_1292] : memref<4096xf32, #tpu.memory_space<vmem>>[vector<16xi32>], vector<16xf32>,
        %gather3A_1349 = tpu.vector_load_idx %arg11[%add3A_1301] : memref<4096xf32, #tpu.memory_space<vmem>>[vector<16xi32>], vector<16xf32>,
        %gather3A_1350 = tpu.vector_load_idx %arg11[%add3A_1310] : memref<4096xf32, #tpu.memory_space<vmem>>[vector<16xi32>], vector<16xf32>,
        %gather3A_1351 = tpu.vector_load_idx %arg11[%add3A_1319] : memref<4096xf32, #tpu.memory_space<vmem>>[vector<16xi32>], vector<16xf32>,
        %gather3A_1352 = tpu.vector_load_idx %arg11[%add3A_1328] : memref<4096xf32, #tpu.memory_space<vmem>>[vector<16xi32>], vector<16xf32>,
        %gather3A_1353 = tpu.vector_load_idx %arg11[%add3A_1337] : memref<4096xf32, #tpu.memory_space<vmem>>[vector<16xi32>], vector<16xf32>,
        %gather3A_1354 = tpu.vector_load_idx %arg11[%add3A_1346] : memref<4096xf32, #tpu.memory_space<vmem>>[vector<16xi32>], vector<16xf32>,
        %gather3A_1355 = tpu.vector_load_idx %arg12[%add3A_1283] : memref<4096xi32, #tpu.memory_space<vmem>>[vector<16xi32>], vector<16xi32>,
        %gather3A_1356 = tpu.vector_load_idx %arg12[%add3A_1292] : memref<4096xi32, #tpu.memory_space<vmem>>[vector<16xi32>], vector<16xi32>,
        %gather3A_1357 = tpu.vector_load_idx %arg12[%add3A_1301] : memref<4096xi32, #tpu.memory_space<vmem>>[vector<16xi32>], vector<16xi32>,
        %gather3A_1358 = tpu.vector_load_idx %arg12[%add3A_1310] : memref<4096xi32, #tpu.memory_space<vmem>>[vector<16xi32>], vector<16xi32>,
        %gather3A_1359 = tpu.vector_load_idx %arg12[%add3A_1319] : memref<4096xi32, #tpu.memory_space<vmem>>[vector<16xi32>], vector<16xi32>,
        %gather3A_1360 = tpu.vector_load_idx %arg12[%add3A_1328] : memref<4096xi32, #tpu.memory_space<vmem>>[vector<16xi32>], vector<16xi32>,
        %gather3A_1361 = tpu.vector_load_idx %arg12[%add3A_1337] : memref<4096xi32, #tpu.memory_space<vmem>>[vector<16xi32>], vector<16xi32>,
        %gather3A_1362 = tpu.vector_load_idx %arg12[%add3A_1346] : memref<4096xi32, #tpu.memory_space<vmem>>[vector<16xi32>], vector<16xi32>,
        %add3A_1363 = arith.addi %mul3A_11, %gather3A_1355 : vector<16xi32>
        %gather3A_1364 = tpu.vector_load_idx %arg7[%add3A_1363] : memref<32896xf32, #tpu.memory_space<vmem>>[vector<16xi32>], vector<16xf32>,
        %add3A_1365 = arith.addi %mul3A_17, %gather3A_1356 : vector<16xi32>
        %gather3A_1366 = tpu.vector_load_idx %arg7[%add3A_1365] : memref<32896xf32, #tpu.memory_space<vmem>>[vector<16xi32>], vector<16xf32>,
        %add3A_1367 = arith.addi %mul3A_23, %gather3A_1357 : vector<16xi32>
        %gather3A_1368 = tpu.vector_load_idx %arg7[%add3A_1367] : memref<32896xf32, #tpu.memory_space<vmem>>[vector<16xi32>], vector<16xf32>,
        %add3A_1369 = arith.addi %mul3A_29, %gather3A_1358 : vector<16xi32>
        %gather3A_1370 = tpu.vector_load_idx %arg7[%add3A_1369] : memref<32896xf32, #tpu.memory_space<vmem>>[vector<16xi32>], vector<16xf32>,
        %add3A_1371 = arith.addi %mul3A_35, %gather3A_1359 : vector<16xi32>
        %gather3A_1372 = tpu.vector_load_idx %arg7[%add3A_1371] : memref<32896xf32, #tpu.memory_space<vmem>>[vector<16xi32>], vector<16xf32>,
        %add3A_1373 = arith.addi %mul3A_41, %gather3A_1360 : vector<16xi32>
        %gather3A_1374 = tpu.vector_load_idx %arg7[%add3A_1373] : memref<32896xf32, #tpu.memory_space<vmem>>[vector<16xi32>], vector<16xf32>,
        %add3A_1375 = arith.addi %mul3A_47, %gather3A_1361 : vector<16xi32>
        %gather3A_1376 = tpu.vector_load_idx %arg7[%add3A_1375] : memref<32896xf32, #tpu.memory_space<vmem>>[vector<16xi32>], vector<16xf32>,
        %add3A_1377 = arith.addi %mul3A_53, %gather3A_1362 : vector<16xi32>
        %gather3A_1378 = tpu.vector_load_idx %arg7[%add3A_1377] : memref<32896xf32, #tpu.memory_space<vmem>>[vector<16xi32>], vector<16xf32>,
        %sub3A_1379 = arith.subf %gather3A_1364, %gather3A_1347 : vector<16xf32>
        %abs3A_1380 = math.absf %sub3A_1379 : vector<16xf32>
        %min3A_1381 = arith.minimumf %min3A_1277, %abs3A_1380 : vector<16xf32>
        %add3A_1382 = arith.addi %add3A_1283, %add3A_1283 : vector<16xi32>
        %gt3A_1383 = arith.constant 0.000000e+00 : f32
        %gt3A_1384 = vector.broadcast %gt3A_1383 : f32 to vector<16xf32>
        %gt3A_1385 = arith.cmpf ogt, %sub3A_1379, %gt3A_1384 : vector<16xf32>
        %select_n3A_1386 = arith.select %gt3A_1385, %add3A_1055, %add3A_1052 : vector<16xi1>, vector<16xi32>
        %add3A_1387 = arith.addi %add3A_1382, %select_n3A_1386 : vector<16xi32>
        %sub3A_1388 = arith.subf %gather3A_1366, %gather3A_1348 : vector<16xf32>
        %abs3A_1389 = math.absf %sub3A_1388 : vector<16xf32>
        %min3A_1390 = arith.minimumf %min3A_1286, %abs3A_1389 : vector<16xf32>
        %add3A_1391 = arith.addi %add3A_1292, %add3A_1292 : vector<16xi32>
        %gt3A_1392 = arith.constant 0.000000e+00 : f32
        %gt3A_1393 = vector.broadcast %gt3A_1392 : f32 to vector<16xf32>
        %gt3A_1394 = arith.cmpf ogt, %sub3A_1388, %gt3A_1393 : vector<16xf32>
        %select_n3A_1395 = arith.select %gt3A_1394, %add3A_1055, %add3A_1052 : vector<16xi1>, vector<16xi32>
        %add3A_1396 = arith.addi %add3A_1391, %select_n3A_1395 : vector<16xi32>
        %sub3A_1397 = arith.subf %gather3A_1368, %gather3A_1349 : vector<16xf32>
        %abs3A_1398 = math.absf %sub3A_1397 : vector<16xf32>
        %min3A_1399 = arith.minimumf %min3A_1295, %abs3A_1398 : vector<16xf32>
        %add3A_1400 = arith.addi %add3A_1301, %add3A_1301 : vector<16xi32>
        %gt3A_1401 = arith.constant 0.000000e+00 : f32
        %gt3A_1402 = vector.broadcast %gt3A_1401 : f32 to vector<16xf32>
        %gt3A_1403 = arith.cmpf ogt, %sub3A_1397, %gt3A_1402 : vector<16xf32>
        %select_n3A_1404 = arith.select %gt3A_1403, %add3A_1055, %add3A_1052 : vector<16xi1>, vector<16xi32>
        %add3A_1405 = arith.addi %add3A_1400, %select_n3A_1404 : vector<16xi32>
        %sub3A_1406 = arith.subf %gather3A_1370, %gather3A_1350 : vector<16xf32>
        %abs3A_1407 = math.absf %sub3A_1406 : vector<16xf32>
        %min3A_1408 = arith.minimumf %min3A_1304, %abs3A_1407 : vector<16xf32>
        %add3A_1409 = arith.addi %add3A_1310, %add3A_1310 : vector<16xi32>
        %gt3A_1410 = arith.constant 0.000000e+00 : f32
        %gt3A_1411 = vector.broadcast %gt3A_1410 : f32 to vector<16xf32>
        %gt3A_1412 = arith.cmpf ogt, %sub3A_1406, %gt3A_1411 : vector<16xf32>
        %select_n3A_1413 = arith.select %gt3A_1412, %add3A_1055, %add3A_1052 : vector<16xi1>, vector<16xi32>
        %add3A_1414 = arith.addi %add3A_1409, %select_n3A_1413 : vector<16xi32>
        %sub3A_1415 = arith.subf %gather3A_1372, %gather3A_1351 : vector<16xf32>
        %abs3A_1416 = math.absf %sub3A_1415 : vector<16xf32>
        %min3A_1417 = arith.minimumf %min3A_1313, %abs3A_1416 : vector<16xf32>
        %add3A_1418 = arith.addi %add3A_1319, %add3A_1319 : vector<16xi32>
        %gt3A_1419 = arith.constant 0.000000e+00 : f32
        %gt3A_1420 = vector.broadcast %gt3A_1419 : f32 to vector<16xf32>
        %gt3A_1421 = arith.cmpf ogt, %sub3A_1415, %gt3A_1420 : vector<16xf32>
        %select_n3A_1422 = arith.select %gt3A_1421, %add3A_1055, %add3A_1052 : vector<16xi1>, vector<16xi32>
        %add3A_1423 = arith.addi %add3A_1418, %select_n3A_1422 : vector<16xi32>
        %sub3A_1424 = arith.subf %gather3A_1374, %gather3A_1352 : vector<16xf32>
        %abs3A_1425 = math.absf %sub3A_1424 : vector<16xf32>
        %min3A_1426 = arith.minimumf %min3A_1322, %abs3A_1425 : vector<16xf32>
        %add3A_1427 = arith.addi %add3A_1328, %add3A_1328 : vector<16xi32>
        %gt3A_1428 = arith.constant 0.000000e+00 : f32
        %gt3A_1429 = vector.broadcast %gt3A_1428 : f32 to vector<16xf32>
        %gt3A_1430 = arith.cmpf ogt, %sub3A_1424, %gt3A_1429 : vector<16xf32>
        %select_n3A_1431 = arith.select %gt3A_1430, %add3A_1055, %add3A_1052 : vector<16xi1>, vector<16xi32>
        %add3A_1432 = arith.addi %add3A_1427, %select_n3A_1431 : vector<16xi32>
        %sub3A_1433 = arith.subf %gather3A_1376, %gather3A_1353 : vector<16xf32>
        %abs3A_1434 = math.absf %sub3A_1433 : vector<16xf32>
        %min3A_1435 = arith.minimumf %min3A_1331, %abs3A_1434 : vector<16xf32>
        %add3A_1436 = arith.addi %add3A_1337, %add3A_1337 : vector<16xi32>
        %gt3A_1437 = arith.constant 0.000000e+00 : f32
        %gt3A_1438 = vector.broadcast %gt3A_1437 : f32 to vector<16xf32>
        %gt3A_1439 = arith.cmpf ogt, %sub3A_1433, %gt3A_1438 : vector<16xf32>
        %select_n3A_1440 = arith.select %gt3A_1439, %add3A_1055, %add3A_1052 : vector<16xi1>, vector<16xi32>
        %add3A_1441 = arith.addi %add3A_1436, %select_n3A_1440 : vector<16xi32>
        %sub3A_1442 = arith.subf %gather3A_1378, %gather3A_1354 : vector<16xf32>
        %abs3A_1443 = math.absf %sub3A_1442 : vector<16xf32>
        %min3A_1444 = arith.minimumf %min3A_1340, %abs3A_1443 : vector<16xf32>
        %add3A_1445 = arith.addi %add3A_1346, %add3A_1346 : vector<16xi32>
        %gt3A_1446 = arith.constant 0.000000e+00 : f32
        %gt3A_1447 = vector.broadcast %gt3A_1446 : f32 to vector<16xf32>
        %gt3A_1448 = arith.cmpf ogt, %sub3A_1442, %gt3A_1447 : vector<16xf32>
        %select_n3A_1449 = arith.select %gt3A_1448, %add3A_1055, %add3A_1052 : vector<16xi1>, vector<16xi32>
        %add3A_1450 = arith.addi %add3A_1445, %select_n3A_1449 : vector<16xi32>
        %gather3A_1451 = tpu.vector_load_idx %arg11[%add3A_1387] : memref<4096xf32, #tpu.memory_space<vmem>>[vector<16xi32>], vector<16xf32>,
        %gather3A_1452 = tpu.vector_load_idx %arg11[%add3A_1396] : memref<4096xf32, #tpu.memory_space<vmem>>[vector<16xi32>], vector<16xf32>,
        %gather3A_1453 = tpu.vector_load_idx %arg11[%add3A_1405] : memref<4096xf32, #tpu.memory_space<vmem>>[vector<16xi32>], vector<16xf32>,
        %gather3A_1454 = tpu.vector_load_idx %arg11[%add3A_1414] : memref<4096xf32, #tpu.memory_space<vmem>>[vector<16xi32>], vector<16xf32>,
        %gather3A_1455 = tpu.vector_load_idx %arg11[%add3A_1423] : memref<4096xf32, #tpu.memory_space<vmem>>[vector<16xi32>], vector<16xf32>,
        %gather3A_1456 = tpu.vector_load_idx %arg11[%add3A_1432] : memref<4096xf32, #tpu.memory_space<vmem>>[vector<16xi32>], vector<16xf32>,
        %gather3A_1457 = tpu.vector_load_idx %arg11[%add3A_1441] : memref<4096xf32, #tpu.memory_space<vmem>>[vector<16xi32>], vector<16xf32>,
        %gather3A_1458 = tpu.vector_load_idx %arg11[%add3A_1450] : memref<4096xf32, #tpu.memory_space<vmem>>[vector<16xi32>], vector<16xf32>,
        %gather3A_1459 = tpu.vector_load_idx %arg12[%add3A_1387] : memref<4096xi32, #tpu.memory_space<vmem>>[vector<16xi32>], vector<16xi32>,
        %gather3A_1460 = tpu.vector_load_idx %arg12[%add3A_1396] : memref<4096xi32, #tpu.memory_space<vmem>>[vector<16xi32>], vector<16xi32>,
        %gather3A_1461 = tpu.vector_load_idx %arg12[%add3A_1405] : memref<4096xi32, #tpu.memory_space<vmem>>[vector<16xi32>], vector<16xi32>,
        %gather3A_1462 = tpu.vector_load_idx %arg12[%add3A_1414] : memref<4096xi32, #tpu.memory_space<vmem>>[vector<16xi32>], vector<16xi32>,
        %gather3A_1463 = tpu.vector_load_idx %arg12[%add3A_1423] : memref<4096xi32, #tpu.memory_space<vmem>>[vector<16xi32>], vector<16xi32>,
        %gather3A_1464 = tpu.vector_load_idx %arg12[%add3A_1432] : memref<4096xi32, #tpu.memory_space<vmem>>[vector<16xi32>], vector<16xi32>,
        %gather3A_1465 = tpu.vector_load_idx %arg12[%add3A_1441] : memref<4096xi32, #tpu.memory_space<vmem>>[vector<16xi32>], vector<16xi32>,
        %gather3A_1466 = tpu.vector_load_idx %arg12[%add3A_1450] : memref<4096xi32, #tpu.memory_space<vmem>>[vector<16xi32>], vector<16xi32>,
        %add3A_1467 = arith.addi %mul3A_11, %gather3A_1459 : vector<16xi32>
        %gather3A_1468 = tpu.vector_load_idx %arg7[%add3A_1467] : memref<32896xf32, #tpu.memory_space<vmem>>[vector<16xi32>], vector<16xf32>,
        %add3A_1469 = arith.addi %mul3A_17, %gather3A_1460 : vector<16xi32>
        %gather3A_1470 = tpu.vector_load_idx %arg7[%add3A_1469] : memref<32896xf32, #tpu.memory_space<vmem>>[vector<16xi32>], vector<16xf32>,
        %add3A_1471 = arith.addi %mul3A_23, %gather3A_1461 : vector<16xi32>
        %gather3A_1472 = tpu.vector_load_idx %arg7[%add3A_1471] : memref<32896xf32, #tpu.memory_space<vmem>>[vector<16xi32>], vector<16xf32>,
        %add3A_1473 = arith.addi %mul3A_29, %gather3A_1462 : vector<16xi32>
        %gather3A_1474 = tpu.vector_load_idx %arg7[%add3A_1473] : memref<32896xf32, #tpu.memory_space<vmem>>[vector<16xi32>], vector<16xf32>,
        %add3A_1475 = arith.addi %mul3A_35, %gather3A_1463 : vector<16xi32>
        %gather3A_1476 = tpu.vector_load_idx %arg7[%add3A_1475] : memref<32896xf32, #tpu.memory_space<vmem>>[vector<16xi32>], vector<16xf32>,
        %add3A_1477 = arith.addi %mul3A_41, %gather3A_1464 : vector<16xi32>
        %gather3A_1478 = tpu.vector_load_idx %arg7[%add3A_1477] : memref<32896xf32, #tpu.memory_space<vmem>>[vector<16xi32>], vector<16xf32>,
        %add3A_1479 = arith.addi %mul3A_47, %gather3A_1465 : vector<16xi32>
        %gather3A_1480 = tpu.vector_load_idx %arg7[%add3A_1479] : memref<32896xf32, #tpu.memory_space<vmem>>[vector<16xi32>], vector<16xf32>,
        %add3A_1481 = arith.addi %mul3A_53, %gather3A_1466 : vector<16xi32>
        %gather3A_1482 = tpu.vector_load_idx %arg7[%add3A_1481] : memref<32896xf32, #tpu.memory_space<vmem>>[vector<16xi32>], vector<16xf32>,
        %sub3A_1483 = arith.subf %gather3A_1468, %gather3A_1451 : vector<16xf32>
        %abs3A_1484 = math.absf %sub3A_1483 : vector<16xf32>
        %min3A_1485 = arith.minimumf %min3A_1381, %abs3A_1484 : vector<16xf32>
        %add3A_1486 = arith.addi %add3A_1387, %add3A_1387 : vector<16xi32>
        %gt3A_1487 = arith.constant 0.000000e+00 : f32
        %gt3A_1488 = vector.broadcast %gt3A_1487 : f32 to vector<16xf32>
        %gt3A_1489 = arith.cmpf ogt, %sub3A_1483, %gt3A_1488 : vector<16xf32>
        %select_n3A_1490 = arith.select %gt3A_1489, %add3A_1055, %add3A_1052 : vector<16xi1>, vector<16xi32>
        %add3A_1491 = arith.addi %add3A_1486, %select_n3A_1490 : vector<16xi32>
        %sub3A_1492 = arith.subf %gather3A_1470, %gather3A_1452 : vector<16xf32>
        %abs3A_1493 = math.absf %sub3A_1492 : vector<16xf32>
        %min3A_1494 = arith.minimumf %min3A_1390, %abs3A_1493 : vector<16xf32>
        %add3A_1495 = arith.addi %add3A_1396, %add3A_1396 : vector<16xi32>
        %gt3A_1496 = arith.constant 0.000000e+00 : f32
        %gt3A_1497 = vector.broadcast %gt3A_1496 : f32 to vector<16xf32>
        %gt3A_1498 = arith.cmpf ogt, %sub3A_1492, %gt3A_1497 : vector<16xf32>
        %select_n3A_1499 = arith.select %gt3A_1498, %add3A_1055, %add3A_1052 : vector<16xi1>, vector<16xi32>
        %add3A_1500 = arith.addi %add3A_1495, %select_n3A_1499 : vector<16xi32>
        %sub3A_1501 = arith.subf %gather3A_1472, %gather3A_1453 : vector<16xf32>
        %abs3A_1502 = math.absf %sub3A_1501 : vector<16xf32>
        %min3A_1503 = arith.minimumf %min3A_1399, %abs3A_1502 : vector<16xf32>
        %add3A_1504 = arith.addi %add3A_1405, %add3A_1405 : vector<16xi32>
        %gt3A_1505 = arith.constant 0.000000e+00 : f32
        %gt3A_1506 = vector.broadcast %gt3A_1505 : f32 to vector<16xf32>
        %gt3A_1507 = arith.cmpf ogt, %sub3A_1501, %gt3A_1506 : vector<16xf32>
        %select_n3A_1508 = arith.select %gt3A_1507, %add3A_1055, %add3A_1052 : vector<16xi1>, vector<16xi32>
        %add3A_1509 = arith.addi %add3A_1504, %select_n3A_1508 : vector<16xi32>
        %sub3A_1510 = arith.subf %gather3A_1474, %gather3A_1454 : vector<16xf32>
        %abs3A_1511 = math.absf %sub3A_1510 : vector<16xf32>
        %min3A_1512 = arith.minimumf %min3A_1408, %abs3A_1511 : vector<16xf32>
        %add3A_1513 = arith.addi %add3A_1414, %add3A_1414 : vector<16xi32>
        %gt3A_1514 = arith.constant 0.000000e+00 : f32
        %gt3A_1515 = vector.broadcast %gt3A_1514 : f32 to vector<16xf32>
        %gt3A_1516 = arith.cmpf ogt, %sub3A_1510, %gt3A_1515 : vector<16xf32>
        %select_n3A_1517 = arith.select %gt3A_1516, %add3A_1055, %add3A_1052 : vector<16xi1>, vector<16xi32>
        %add3A_1518 = arith.addi %add3A_1513, %select_n3A_1517 : vector<16xi32>
        %sub3A_1519 = arith.subf %gather3A_1476, %gather3A_1455 : vector<16xf32>
        %abs3A_1520 = math.absf %sub3A_1519 : vector<16xf32>
        %min3A_1521 = arith.minimumf %min3A_1417, %abs3A_1520 : vector<16xf32>
        %add3A_1522 = arith.addi %add3A_1423, %add3A_1423 : vector<16xi32>
        %gt3A_1523 = arith.constant 0.000000e+00 : f32
        %gt3A_1524 = vector.broadcast %gt3A_1523 : f32 to vector<16xf32>
        %gt3A_1525 = arith.cmpf ogt, %sub3A_1519, %gt3A_1524 : vector<16xf32>
        %select_n3A_1526 = arith.select %gt3A_1525, %add3A_1055, %add3A_1052 : vector<16xi1>, vector<16xi32>
        %add3A_1527 = arith.addi %add3A_1522, %select_n3A_1526 : vector<16xi32>
        %sub3A_1528 = arith.subf %gather3A_1478, %gather3A_1456 : vector<16xf32>
        %abs3A_1529 = math.absf %sub3A_1528 : vector<16xf32>
        %min3A_1530 = arith.minimumf %min3A_1426, %abs3A_1529 : vector<16xf32>
        %add3A_1531 = arith.addi %add3A_1432, %add3A_1432 : vector<16xi32>
        %gt3A_1532 = arith.constant 0.000000e+00 : f32
        %gt3A_1533 = vector.broadcast %gt3A_1532 : f32 to vector<16xf32>
        %gt3A_1534 = arith.cmpf ogt, %sub3A_1528, %gt3A_1533 : vector<16xf32>
        %select_n3A_1535 = arith.select %gt3A_1534, %add3A_1055, %add3A_1052 : vector<16xi1>, vector<16xi32>
        %add3A_1536 = arith.addi %add3A_1531, %select_n3A_1535 : vector<16xi32>
        %sub3A_1537 = arith.subf %gather3A_1480, %gather3A_1457 : vector<16xf32>
        %abs3A_1538 = math.absf %sub3A_1537 : vector<16xf32>
        %min3A_1539 = arith.minimumf %min3A_1435, %abs3A_1538 : vector<16xf32>
        %add3A_1540 = arith.addi %add3A_1441, %add3A_1441 : vector<16xi32>
        %gt3A_1541 = arith.constant 0.000000e+00 : f32
        %gt3A_1542 = vector.broadcast %gt3A_1541 : f32 to vector<16xf32>
        %gt3A_1543 = arith.cmpf ogt, %sub3A_1537, %gt3A_1542 : vector<16xf32>
        %select_n3A_1544 = arith.select %gt3A_1543, %add3A_1055, %add3A_1052 : vector<16xi1>, vector<16xi32>
        %add3A_1545 = arith.addi %add3A_1540, %select_n3A_1544 : vector<16xi32>
        %sub3A_1546 = arith.subf %gather3A_1482, %gather3A_1458 : vector<16xf32>
        %abs3A_1547 = math.absf %sub3A_1546 : vector<16xf32>
        %min3A_1548 = arith.minimumf %min3A_1444, %abs3A_1547 : vector<16xf32>
        %add3A_1549 = arith.addi %add3A_1450, %add3A_1450 : vector<16xi32>
        %gt3A_1550 = arith.constant 0.000000e+00 : f32
        %gt3A_1551 = vector.broadcast %gt3A_1550 : f32 to vector<16xf32>
        %gt3A_1552 = arith.cmpf ogt, %sub3A_1546, %gt3A_1551 : vector<16xf32>
        %select_n3A_1553 = arith.select %gt3A_1552, %add3A_1055, %add3A_1052 : vector<16xi1>, vector<16xi32>
        %add3A_1554 = arith.addi %add3A_1549, %select_n3A_1553 : vector<16xi32>
        %gather3A_1555 = tpu.vector_load_idx %arg11[%add3A_1491] : memref<4096xf32, #tpu.memory_space<vmem>>[vector<16xi32>], vector<16xf32>,
        %gather3A_1556 = tpu.vector_load_idx %arg11[%add3A_1500] : memref<4096xf32, #tpu.memory_space<vmem>>[vector<16xi32>], vector<16xf32>,
        %gather3A_1557 = tpu.vector_load_idx %arg11[%add3A_1509] : memref<4096xf32, #tpu.memory_space<vmem>>[vector<16xi32>], vector<16xf32>,
        %gather3A_1558 = tpu.vector_load_idx %arg11[%add3A_1518] : memref<4096xf32, #tpu.memory_space<vmem>>[vector<16xi32>], vector<16xf32>,
        %gather3A_1559 = tpu.vector_load_idx %arg11[%add3A_1527] : memref<4096xf32, #tpu.memory_space<vmem>>[vector<16xi32>], vector<16xf32>,
        %gather3A_1560 = tpu.vector_load_idx %arg11[%add3A_1536] : memref<4096xf32, #tpu.memory_space<vmem>>[vector<16xi32>], vector<16xf32>,
        %gather3A_1561 = tpu.vector_load_idx %arg11[%add3A_1545] : memref<4096xf32, #tpu.memory_space<vmem>>[vector<16xi32>], vector<16xf32>,
        %gather3A_1562 = tpu.vector_load_idx %arg11[%add3A_1554] : memref<4096xf32, #tpu.memory_space<vmem>>[vector<16xi32>], vector<16xf32>,
        %gather3A_1563 = tpu.vector_load_idx %arg12[%add3A_1491] : memref<4096xi32, #tpu.memory_space<vmem>>[vector<16xi32>], vector<16xi32>,
        %gather3A_1564 = tpu.vector_load_idx %arg12[%add3A_1500] : memref<4096xi32, #tpu.memory_space<vmem>>[vector<16xi32>], vector<16xi32>,
        %gather3A_1565 = tpu.vector_load_idx %arg12[%add3A_1509] : memref<4096xi32, #tpu.memory_space<vmem>>[vector<16xi32>], vector<16xi32>,
        %gather3A_1566 = tpu.vector_load_idx %arg12[%add3A_1518] : memref<4096xi32, #tpu.memory_space<vmem>>[vector<16xi32>], vector<16xi32>,
        %gather3A_1567 = tpu.vector_load_idx %arg12[%add3A_1527] : memref<4096xi32, #tpu.memory_space<vmem>>[vector<16xi32>], vector<16xi32>,
        %gather3A_1568 = tpu.vector_load_idx %arg12[%add3A_1536] : memref<4096xi32, #tpu.memory_space<vmem>>[vector<16xi32>], vector<16xi32>,
        %gather3A_1569 = tpu.vector_load_idx %arg12[%add3A_1545] : memref<4096xi32, #tpu.memory_space<vmem>>[vector<16xi32>], vector<16xi32>,
        %gather3A_1570 = tpu.vector_load_idx %arg12[%add3A_1554] : memref<4096xi32, #tpu.memory_space<vmem>>[vector<16xi32>], vector<16xi32>,
        %add3A_1571 = arith.addi %mul3A_11, %gather3A_1563 : vector<16xi32>
        %gather3A_1572 = tpu.vector_load_idx %arg7[%add3A_1571] : memref<32896xf32, #tpu.memory_space<vmem>>[vector<16xi32>], vector<16xf32>,
        %add3A_1573 = arith.addi %mul3A_17, %gather3A_1564 : vector<16xi32>
        %gather3A_1574 = tpu.vector_load_idx %arg7[%add3A_1573] : memref<32896xf32, #tpu.memory_space<vmem>>[vector<16xi32>], vector<16xf32>,
        %add3A_1575 = arith.addi %mul3A_23, %gather3A_1565 : vector<16xi32>
        %gather3A_1576 = tpu.vector_load_idx %arg7[%add3A_1575] : memref<32896xf32, #tpu.memory_space<vmem>>[vector<16xi32>], vector<16xf32>,
        %add3A_1577 = arith.addi %mul3A_29, %gather3A_1566 : vector<16xi32>
        %gather3A_1578 = tpu.vector_load_idx %arg7[%add3A_1577] : memref<32896xf32, #tpu.memory_space<vmem>>[vector<16xi32>], vector<16xf32>,
        %add3A_1579 = arith.addi %mul3A_35, %gather3A_1567 : vector<16xi32>
        %gather3A_1580 = tpu.vector_load_idx %arg7[%add3A_1579] : memref<32896xf32, #tpu.memory_space<vmem>>[vector<16xi32>], vector<16xf32>,
        %add3A_1581 = arith.addi %mul3A_41, %gather3A_1568 : vector<16xi32>
        %gather3A_1582 = tpu.vector_load_idx %arg7[%add3A_1581] : memref<32896xf32, #tpu.memory_space<vmem>>[vector<16xi32>], vector<16xf32>,
        %add3A_1583 = arith.addi %mul3A_47, %gather3A_1569 : vector<16xi32>
        %gather3A_1584 = tpu.vector_load_idx %arg7[%add3A_1583] : memref<32896xf32, #tpu.memory_space<vmem>>[vector<16xi32>], vector<16xf32>,
        %add3A_1585 = arith.addi %mul3A_53, %gather3A_1570 : vector<16xi32>
        %gather3A_1586 = tpu.vector_load_idx %arg7[%add3A_1585] : memref<32896xf32, #tpu.memory_space<vmem>>[vector<16xi32>], vector<16xf32>,
        %sub3A_1587 = arith.subf %gather3A_1572, %gather3A_1555 : vector<16xf32>
        %abs3A_1588 = math.absf %sub3A_1587 : vector<16xf32>
        %min3A_1589 = arith.minimumf %min3A_1485, %abs3A_1588 : vector<16xf32>
        %add3A_1590 = arith.addi %add3A_1491, %add3A_1491 : vector<16xi32>
        %gt3A_1591 = arith.constant 0.000000e+00 : f32
        %gt3A_1592 = vector.broadcast %gt3A_1591 : f32 to vector<16xf32>
        %gt3A_1593 = arith.cmpf ogt, %sub3A_1587, %gt3A_1592 : vector<16xf32>
        %select_n3A_1594 = arith.select %gt3A_1593, %add3A_1055, %add3A_1052 : vector<16xi1>, vector<16xi32>
        %add3A_1595 = arith.addi %add3A_1590, %select_n3A_1594 : vector<16xi32>
        %sub3A_1596 = arith.subf %gather3A_1574, %gather3A_1556 : vector<16xf32>
        %abs3A_1597 = math.absf %sub3A_1596 : vector<16xf32>
        %min3A_1598 = arith.minimumf %min3A_1494, %abs3A_1597 : vector<16xf32>
        %add3A_1599 = arith.addi %add3A_1500, %add3A_1500 : vector<16xi32>
        %gt3A_1600 = arith.constant 0.000000e+00 : f32
        %gt3A_1601 = vector.broadcast %gt3A_1600 : f32 to vector<16xf32>
        %gt3A_1602 = arith.cmpf ogt, %sub3A_1596, %gt3A_1601 : vector<16xf32>
        %select_n3A_1603 = arith.select %gt3A_1602, %add3A_1055, %add3A_1052 : vector<16xi1>, vector<16xi32>
        %add3A_1604 = arith.addi %add3A_1599, %select_n3A_1603 : vector<16xi32>
        %sub3A_1605 = arith.subf %gather3A_1576, %gather3A_1557 : vector<16xf32>
        %abs3A_1606 = math.absf %sub3A_1605 : vector<16xf32>
        %min3A_1607 = arith.minimumf %min3A_1503, %abs3A_1606 : vector<16xf32>
        %add3A_1608 = arith.addi %add3A_1509, %add3A_1509 : vector<16xi32>
        %gt3A_1609 = arith.constant 0.000000e+00 : f32
        %gt3A_1610 = vector.broadcast %gt3A_1609 : f32 to vector<16xf32>
        %gt3A_1611 = arith.cmpf ogt, %sub3A_1605, %gt3A_1610 : vector<16xf32>
        %select_n3A_1612 = arith.select %gt3A_1611, %add3A_1055, %add3A_1052 : vector<16xi1>, vector<16xi32>
        %add3A_1613 = arith.addi %add3A_1608, %select_n3A_1612 : vector<16xi32>
        %sub3A_1614 = arith.subf %gather3A_1578, %gather3A_1558 : vector<16xf32>
        %abs3A_1615 = math.absf %sub3A_1614 : vector<16xf32>
        %min3A_1616 = arith.minimumf %min3A_1512, %abs3A_1615 : vector<16xf32>
        %add3A_1617 = arith.addi %add3A_1518, %add3A_1518 : vector<16xi32>
        %gt3A_1618 = arith.constant 0.000000e+00 : f32
        %gt3A_1619 = vector.broadcast %gt3A_1618 : f32 to vector<16xf32>
        %gt3A_1620 = arith.cmpf ogt, %sub3A_1614, %gt3A_1619 : vector<16xf32>
        %select_n3A_1621 = arith.select %gt3A_1620, %add3A_1055, %add3A_1052 : vector<16xi1>, vector<16xi32>
        %add3A_1622 = arith.addi %add3A_1617, %select_n3A_1621 : vector<16xi32>
        %sub3A_1623 = arith.subf %gather3A_1580, %gather3A_1559 : vector<16xf32>
        %abs3A_1624 = math.absf %sub3A_1623 : vector<16xf32>
        %min3A_1625 = arith.minimumf %min3A_1521, %abs3A_1624 : vector<16xf32>
        %add3A_1626 = arith.addi %add3A_1527, %add3A_1527 : vector<16xi32>
        %gt3A_1627 = arith.constant 0.000000e+00 : f32
        %gt3A_1628 = vector.broadcast %gt3A_1627 : f32 to vector<16xf32>
        %gt3A_1629 = arith.cmpf ogt, %sub3A_1623, %gt3A_1628 : vector<16xf32>
        %select_n3A_1630 = arith.select %gt3A_1629, %add3A_1055, %add3A_1052 : vector<16xi1>, vector<16xi32>
        %add3A_1631 = arith.addi %add3A_1626, %select_n3A_1630 : vector<16xi32>
        %sub3A_1632 = arith.subf %gather3A_1582, %gather3A_1560 : vector<16xf32>
        %abs3A_1633 = math.absf %sub3A_1632 : vector<16xf32>
        %min3A_1634 = arith.minimumf %min3A_1530, %abs3A_1633 : vector<16xf32>
        %add3A_1635 = arith.addi %add3A_1536, %add3A_1536 : vector<16xi32>
        %gt3A_1636 = arith.constant 0.000000e+00 : f32
        %gt3A_1637 = vector.broadcast %gt3A_1636 : f32 to vector<16xf32>
        %gt3A_1638 = arith.cmpf ogt, %sub3A_1632, %gt3A_1637 : vector<16xf32>
        %select_n3A_1639 = arith.select %gt3A_1638, %add3A_1055, %add3A_1052 : vector<16xi1>, vector<16xi32>
        %add3A_1640 = arith.addi %add3A_1635, %select_n3A_1639 : vector<16xi32>
        %sub3A_1641 = arith.subf %gather3A_1584, %gather3A_1561 : vector<16xf32>
        %abs3A_1642 = math.absf %sub3A_1641 : vector<16xf32>
        %min3A_1643 = arith.minimumf %min3A_1539, %abs3A_1642 : vector<16xf32>
        %add3A_1644 = arith.addi %add3A_1545, %add3A_1545 : vector<16xi32>
        %gt3A_1645 = arith.constant 0.000000e+00 : f32
        %gt3A_1646 = vector.broadcast %gt3A_1645 : f32 to vector<16xf32>
        %gt3A_1647 = arith.cmpf ogt, %sub3A_1641, %gt3A_1646 : vector<16xf32>
        %select_n3A_1648 = arith.select %gt3A_1647, %add3A_1055, %add3A_1052 : vector<16xi1>, vector<16xi32>
        %add3A_1649 = arith.addi %add3A_1644, %select_n3A_1648 : vector<16xi32>
        %sub3A_1650 = arith.subf %gather3A_1586, %gather3A_1562 : vector<16xf32>
        %abs3A_1651 = math.absf %sub3A_1650 : vector<16xf32>
        %min3A_1652 = arith.minimumf %min3A_1548, %abs3A_1651 : vector<16xf32>
        %add3A_1653 = arith.addi %add3A_1554, %add3A_1554 : vector<16xi32>
        %gt3A_1654 = arith.constant 0.000000e+00 : f32
        %gt3A_1655 = vector.broadcast %gt3A_1654 : f32 to vector<16xf32>
        %gt3A_1656 = arith.cmpf ogt, %sub3A_1650, %gt3A_1655 : vector<16xf32>
        %select_n3A_1657 = arith.select %gt3A_1656, %add3A_1055, %add3A_1052 : vector<16xi1>, vector<16xi32>
        %add3A_1658 = arith.addi %add3A_1653, %select_n3A_1657 : vector<16xi32>
        %gather3A_1659 = tpu.vector_load_idx %arg11[%add3A_1595] : memref<4096xf32, #tpu.memory_space<vmem>>[vector<16xi32>], vector<16xf32>,
        %gather3A_1660 = tpu.vector_load_idx %arg11[%add3A_1604] : memref<4096xf32, #tpu.memory_space<vmem>>[vector<16xi32>], vector<16xf32>,
        %gather3A_1661 = tpu.vector_load_idx %arg11[%add3A_1613] : memref<4096xf32, #tpu.memory_space<vmem>>[vector<16xi32>], vector<16xf32>,
        %gather3A_1662 = tpu.vector_load_idx %arg11[%add3A_1622] : memref<4096xf32, #tpu.memory_space<vmem>>[vector<16xi32>], vector<16xf32>,
        %gather3A_1663 = tpu.vector_load_idx %arg11[%add3A_1631] : memref<4096xf32, #tpu.memory_space<vmem>>[vector<16xi32>], vector<16xf32>,
        %gather3A_1664 = tpu.vector_load_idx %arg11[%add3A_1640] : memref<4096xf32, #tpu.memory_space<vmem>>[vector<16xi32>], vector<16xf32>,
        %gather3A_1665 = tpu.vector_load_idx %arg11[%add3A_1649] : memref<4096xf32, #tpu.memory_space<vmem>>[vector<16xi32>], vector<16xf32>,
        %gather3A_1666 = tpu.vector_load_idx %arg11[%add3A_1658] : memref<4096xf32, #tpu.memory_space<vmem>>[vector<16xi32>], vector<16xf32>,
        %gather3A_1667 = tpu.vector_load_idx %arg12[%add3A_1595] : memref<4096xi32, #tpu.memory_space<vmem>>[vector<16xi32>], vector<16xi32>,
        %gather3A_1668 = tpu.vector_load_idx %arg12[%add3A_1604] : memref<4096xi32, #tpu.memory_space<vmem>>[vector<16xi32>], vector<16xi32>,
        %gather3A_1669 = tpu.vector_load_idx %arg12[%add3A_1613] : memref<4096xi32, #tpu.memory_space<vmem>>[vector<16xi32>], vector<16xi32>,
        %gather3A_1670 = tpu.vector_load_idx %arg12[%add3A_1622] : memref<4096xi32, #tpu.memory_space<vmem>>[vector<16xi32>], vector<16xi32>,
        %gather3A_1671 = tpu.vector_load_idx %arg12[%add3A_1631] : memref<4096xi32, #tpu.memory_space<vmem>>[vector<16xi32>], vector<16xi32>,
        %gather3A_1672 = tpu.vector_load_idx %arg12[%add3A_1640] : memref<4096xi32, #tpu.memory_space<vmem>>[vector<16xi32>], vector<16xi32>,
        %gather3A_1673 = tpu.vector_load_idx %arg12[%add3A_1649] : memref<4096xi32, #tpu.memory_space<vmem>>[vector<16xi32>], vector<16xi32>,
        %gather3A_1674 = tpu.vector_load_idx %arg12[%add3A_1658] : memref<4096xi32, #tpu.memory_space<vmem>>[vector<16xi32>], vector<16xi32>,
        %add3A_1675 = arith.addi %mul3A_11, %gather3A_1667 : vector<16xi32>
        %gather3A_1676 = tpu.vector_load_idx %arg7[%add3A_1675] : memref<32896xf32, #tpu.memory_space<vmem>>[vector<16xi32>], vector<16xf32>,
        %add3A_1677 = arith.addi %mul3A_17, %gather3A_1668 : vector<16xi32>
        %gather3A_1678 = tpu.vector_load_idx %arg7[%add3A_1677] : memref<32896xf32, #tpu.memory_space<vmem>>[vector<16xi32>], vector<16xf32>,
        %add3A_1679 = arith.addi %mul3A_23, %gather3A_1669 : vector<16xi32>
        %gather3A_1680 = tpu.vector_load_idx %arg7[%add3A_1679] : memref<32896xf32, #tpu.memory_space<vmem>>[vector<16xi32>], vector<16xf32>,
        %add3A_1681 = arith.addi %mul3A_29, %gather3A_1670 : vector<16xi32>
        %gather3A_1682 = tpu.vector_load_idx %arg7[%add3A_1681] : memref<32896xf32, #tpu.memory_space<vmem>>[vector<16xi32>], vector<16xf32>,
        %add3A_1683 = arith.addi %mul3A_35, %gather3A_1671 : vector<16xi32>
        %gather3A_1684 = tpu.vector_load_idx %arg7[%add3A_1683] : memref<32896xf32, #tpu.memory_space<vmem>>[vector<16xi32>], vector<16xf32>,
        %add3A_1685 = arith.addi %mul3A_41, %gather3A_1672 : vector<16xi32>
        %gather3A_1686 = tpu.vector_load_idx %arg7[%add3A_1685] : memref<32896xf32, #tpu.memory_space<vmem>>[vector<16xi32>], vector<16xf32>,
        %add3A_1687 = arith.addi %mul3A_47, %gather3A_1673 : vector<16xi32>
        %gather3A_1688 = tpu.vector_load_idx %arg7[%add3A_1687] : memref<32896xf32, #tpu.memory_space<vmem>>[vector<16xi32>], vector<16xf32>,
        %add3A_1689 = arith.addi %mul3A_53, %gather3A_1674 : vector<16xi32>
        %gather3A_1690 = tpu.vector_load_idx %arg7[%add3A_1689] : memref<32896xf32, #tpu.memory_space<vmem>>[vector<16xi32>], vector<16xf32>,
        %sub3A_1691 = arith.subf %gather3A_1676, %gather3A_1659 : vector<16xf32>
        %abs3A_1692 = math.absf %sub3A_1691 : vector<16xf32>
        %min3A_1693 = arith.minimumf %min3A_1589, %abs3A_1692 : vector<16xf32>
        %add3A_1694 = arith.addi %add3A_1595, %add3A_1595 : vector<16xi32>
        %gt3A_1695 = arith.constant 0.000000e+00 : f32
        %gt3A_1696 = vector.broadcast %gt3A_1695 : f32 to vector<16xf32>
        %gt3A_1697 = arith.cmpf ogt, %sub3A_1691, %gt3A_1696 : vector<16xf32>
        %select_n3A_1698 = arith.select %gt3A_1697, %add3A_1055, %add3A_1052 : vector<16xi1>, vector<16xi32>
        %add3A_1699 = arith.addi %add3A_1694, %select_n3A_1698 : vector<16xi32>
        %sub3A_1700 = arith.subf %gather3A_1678, %gather3A_1660 : vector<16xf32>
        %abs3A_1701 = math.absf %sub3A_1700 : vector<16xf32>
        %min3A_1702 = arith.minimumf %min3A_1598, %abs3A_1701 : vector<16xf32>
        %add3A_1703 = arith.addi %add3A_1604, %add3A_1604 : vector<16xi32>
        %gt3A_1704 = arith.constant 0.000000e+00 : f32
        %gt3A_1705 = vector.broadcast %gt3A_1704 : f32 to vector<16xf32>
        %gt3A_1706 = arith.cmpf ogt, %sub3A_1700, %gt3A_1705 : vector<16xf32>
        %select_n3A_1707 = arith.select %gt3A_1706, %add3A_1055, %add3A_1052 : vector<16xi1>, vector<16xi32>
        %add3A_1708 = arith.addi %add3A_1703, %select_n3A_1707 : vector<16xi32>
        %sub3A_1709 = arith.subf %gather3A_1680, %gather3A_1661 : vector<16xf32>
        %abs3A_1710 = math.absf %sub3A_1709 : vector<16xf32>
        %min3A_1711 = arith.minimumf %min3A_1607, %abs3A_1710 : vector<16xf32>
        %add3A_1712 = arith.addi %add3A_1613, %add3A_1613 : vector<16xi32>
        %gt3A_1713 = arith.constant 0.000000e+00 : f32
        %gt3A_1714 = vector.broadcast %gt3A_1713 : f32 to vector<16xf32>
        %gt3A_1715 = arith.cmpf ogt, %sub3A_1709, %gt3A_1714 : vector<16xf32>
        %select_n3A_1716 = arith.select %gt3A_1715, %add3A_1055, %add3A_1052 : vector<16xi1>, vector<16xi32>
        %add3A_1717 = arith.addi %add3A_1712, %select_n3A_1716 : vector<16xi32>
        %sub3A_1718 = arith.subf %gather3A_1682, %gather3A_1662 : vector<16xf32>
        %abs3A_1719 = math.absf %sub3A_1718 : vector<16xf32>
        %min3A_1720 = arith.minimumf %min3A_1616, %abs3A_1719 : vector<16xf32>
        %add3A_1721 = arith.addi %add3A_1622, %add3A_1622 : vector<16xi32>
        %gt3A_1722 = arith.constant 0.000000e+00 : f32
        %gt3A_1723 = vector.broadcast %gt3A_1722 : f32 to vector<16xf32>
        %gt3A_1724 = arith.cmpf ogt, %sub3A_1718, %gt3A_1723 : vector<16xf32>
        %select_n3A_1725 = arith.select %gt3A_1724, %add3A_1055, %add3A_1052 : vector<16xi1>, vector<16xi32>
        %add3A_1726 = arith.addi %add3A_1721, %select_n3A_1725 : vector<16xi32>
        %sub3A_1727 = arith.subf %gather3A_1684, %gather3A_1663 : vector<16xf32>
        %abs3A_1728 = math.absf %sub3A_1727 : vector<16xf32>
        %min3A_1729 = arith.minimumf %min3A_1625, %abs3A_1728 : vector<16xf32>
        %add3A_1730 = arith.addi %add3A_1631, %add3A_1631 : vector<16xi32>
        %gt3A_1731 = arith.constant 0.000000e+00 : f32
        %gt3A_1732 = vector.broadcast %gt3A_1731 : f32 to vector<16xf32>
        %gt3A_1733 = arith.cmpf ogt, %sub3A_1727, %gt3A_1732 : vector<16xf32>
        %select_n3A_1734 = arith.select %gt3A_1733, %add3A_1055, %add3A_1052 : vector<16xi1>, vector<16xi32>
        %add3A_1735 = arith.addi %add3A_1730, %select_n3A_1734 : vector<16xi32>
        %sub3A_1736 = arith.subf %gather3A_1686, %gather3A_1664 : vector<16xf32>
        %abs3A_1737 = math.absf %sub3A_1736 : vector<16xf32>
        %min3A_1738 = arith.minimumf %min3A_1634, %abs3A_1737 : vector<16xf32>
        %add3A_1739 = arith.addi %add3A_1640, %add3A_1640 : vector<16xi32>
        %gt3A_1740 = arith.constant 0.000000e+00 : f32
        %gt3A_1741 = vector.broadcast %gt3A_1740 : f32 to vector<16xf32>
        %gt3A_1742 = arith.cmpf ogt, %sub3A_1736, %gt3A_1741 : vector<16xf32>
        %select_n3A_1743 = arith.select %gt3A_1742, %add3A_1055, %add3A_1052 : vector<16xi1>, vector<16xi32>
        %add3A_1744 = arith.addi %add3A_1739, %select_n3A_1743 : vector<16xi32>
        %sub3A_1745 = arith.subf %gather3A_1688, %gather3A_1665 : vector<16xf32>
        %abs3A_1746 = math.absf %sub3A_1745 : vector<16xf32>
        %min3A_1747 = arith.minimumf %min3A_1643, %abs3A_1746 : vector<16xf32>
        %add3A_1748 = arith.addi %add3A_1649, %add3A_1649 : vector<16xi32>
        %gt3A_1749 = arith.constant 0.000000e+00 : f32
        %gt3A_1750 = vector.broadcast %gt3A_1749 : f32 to vector<16xf32>
        %gt3A_1751 = arith.cmpf ogt, %sub3A_1745, %gt3A_1750 : vector<16xf32>
        %select_n3A_1752 = arith.select %gt3A_1751, %add3A_1055, %add3A_1052 : vector<16xi1>, vector<16xi32>
        %add3A_1753 = arith.addi %add3A_1748, %select_n3A_1752 : vector<16xi32>
        %sub3A_1754 = arith.subf %gather3A_1690, %gather3A_1666 : vector<16xf32>
        %abs3A_1755 = math.absf %sub3A_1754 : vector<16xf32>
        %min3A_1756 = arith.minimumf %min3A_1652, %abs3A_1755 : vector<16xf32>
        %add3A_1757 = arith.addi %add3A_1658, %add3A_1658 : vector<16xi32>
        %gt3A_1758 = arith.constant 0.000000e+00 : f32
        %gt3A_1759 = vector.broadcast %gt3A_1758 : f32 to vector<16xf32>
        %gt3A_1760 = arith.cmpf ogt, %sub3A_1754, %gt3A_1759 : vector<16xf32>
        %select_n3A_1761 = arith.select %gt3A_1760, %add3A_1055, %add3A_1052 : vector<16xi1>, vector<16xi32>
        %add3A_1762 = arith.addi %add3A_1757, %select_n3A_1761 : vector<16xi32>
        %gather3A_1763 = tpu.vector_load_idx %arg11[%add3A_1699] : memref<4096xf32, #tpu.memory_space<vmem>>[vector<16xi32>], vector<16xf32>,
        %gather3A_1764 = tpu.vector_load_idx %arg11[%add3A_1708] : memref<4096xf32, #tpu.memory_space<vmem>>[vector<16xi32>], vector<16xf32>,
        %gather3A_1765 = tpu.vector_load_idx %arg11[%add3A_1717] : memref<4096xf32, #tpu.memory_space<vmem>>[vector<16xi32>], vector<16xf32>,
        %gather3A_1766 = tpu.vector_load_idx %arg11[%add3A_1726] : memref<4096xf32, #tpu.memory_space<vmem>>[vector<16xi32>], vector<16xf32>,
        %gather3A_1767 = tpu.vector_load_idx %arg11[%add3A_1735] : memref<4096xf32, #tpu.memory_space<vmem>>[vector<16xi32>], vector<16xf32>,
        %gather3A_1768 = tpu.vector_load_idx %arg11[%add3A_1744] : memref<4096xf32, #tpu.memory_space<vmem>>[vector<16xi32>], vector<16xf32>,
        %gather3A_1769 = tpu.vector_load_idx %arg11[%add3A_1753] : memref<4096xf32, #tpu.memory_space<vmem>>[vector<16xi32>], vector<16xf32>,
        %gather3A_1770 = tpu.vector_load_idx %arg11[%add3A_1762] : memref<4096xf32, #tpu.memory_space<vmem>>[vector<16xi32>], vector<16xf32>,
        %gather3A_1771 = tpu.vector_load_idx %arg12[%add3A_1699] : memref<4096xi32, #tpu.memory_space<vmem>>[vector<16xi32>], vector<16xi32>,
        %gather3A_1772 = tpu.vector_load_idx %arg12[%add3A_1708] : memref<4096xi32, #tpu.memory_space<vmem>>[vector<16xi32>], vector<16xi32>,
        %gather3A_1773 = tpu.vector_load_idx %arg12[%add3A_1717] : memref<4096xi32, #tpu.memory_space<vmem>>[vector<16xi32>], vector<16xi32>,
        %gather3A_1774 = tpu.vector_load_idx %arg12[%add3A_1726] : memref<4096xi32, #tpu.memory_space<vmem>>[vector<16xi32>], vector<16xi32>,
        %gather3A_1775 = tpu.vector_load_idx %arg12[%add3A_1735] : memref<4096xi32, #tpu.memory_space<vmem>>[vector<16xi32>], vector<16xi32>,
        %gather3A_1776 = tpu.vector_load_idx %arg12[%add3A_1744] : memref<4096xi32, #tpu.memory_space<vmem>>[vector<16xi32>], vector<16xi32>,
        %gather3A_1777 = tpu.vector_load_idx %arg12[%add3A_1753] : memref<4096xi32, #tpu.memory_space<vmem>>[vector<16xi32>], vector<16xi32>,
        %gather3A_1778 = tpu.vector_load_idx %arg12[%add3A_1762] : memref<4096xi32, #tpu.memory_space<vmem>>[vector<16xi32>], vector<16xi32>,
        %add3A_1779 = arith.addi %mul3A_11, %gather3A_1771 : vector<16xi32>
        %gather3A_1780 = tpu.vector_load_idx %arg7[%add3A_1779] : memref<32896xf32, #tpu.memory_space<vmem>>[vector<16xi32>], vector<16xf32>,
        %add3A_1781 = arith.addi %mul3A_17, %gather3A_1772 : vector<16xi32>
        %gather3A_1782 = tpu.vector_load_idx %arg7[%add3A_1781] : memref<32896xf32, #tpu.memory_space<vmem>>[vector<16xi32>], vector<16xf32>,
        %add3A_1783 = arith.addi %mul3A_23, %gather3A_1773 : vector<16xi32>
        %gather3A_1784 = tpu.vector_load_idx %arg7[%add3A_1783] : memref<32896xf32, #tpu.memory_space<vmem>>[vector<16xi32>], vector<16xf32>,
        %add3A_1785 = arith.addi %mul3A_29, %gather3A_1774 : vector<16xi32>
        %gather3A_1786 = tpu.vector_load_idx %arg7[%add3A_1785] : memref<32896xf32, #tpu.memory_space<vmem>>[vector<16xi32>], vector<16xf32>,
        %add3A_1787 = arith.addi %mul3A_35, %gather3A_1775 : vector<16xi32>
        %gather3A_1788 = tpu.vector_load_idx %arg7[%add3A_1787] : memref<32896xf32, #tpu.memory_space<vmem>>[vector<16xi32>], vector<16xf32>,
        %add3A_1789 = arith.addi %mul3A_41, %gather3A_1776 : vector<16xi32>
        %gather3A_1790 = tpu.vector_load_idx %arg7[%add3A_1789] : memref<32896xf32, #tpu.memory_space<vmem>>[vector<16xi32>], vector<16xf32>,
        %add3A_1791 = arith.addi %mul3A_47, %gather3A_1777 : vector<16xi32>
        %gather3A_1792 = tpu.vector_load_idx %arg7[%add3A_1791] : memref<32896xf32, #tpu.memory_space<vmem>>[vector<16xi32>], vector<16xf32>,
        %add3A_1793 = arith.addi %mul3A_53, %gather3A_1778 : vector<16xi32>
        %gather3A_1794 = tpu.vector_load_idx %arg7[%add3A_1793] : memref<32896xf32, #tpu.memory_space<vmem>>[vector<16xi32>], vector<16xf32>,
        %sub3A_1795 = arith.subf %gather3A_1780, %gather3A_1763 : vector<16xf32>
        %abs3A_1796 = math.absf %sub3A_1795 : vector<16xf32>
        %min3A_1797 = arith.minimumf %min3A_1693, %abs3A_1796 : vector<16xf32>
        %add3A_1798 = arith.addi %add3A_1699, %add3A_1699 : vector<16xi32>
        %gt3A_1799 = arith.constant 0.000000e+00 : f32
        %gt3A_1800 = vector.broadcast %gt3A_1799 : f32 to vector<16xf32>
        %gt3A_1801 = arith.cmpf ogt, %sub3A_1795, %gt3A_1800 : vector<16xf32>
        %select_n3A_1802 = arith.select %gt3A_1801, %add3A_1061, %sub3A_1058 : vector<16xi1>, vector<16xi32>
        %add3A_1803 = arith.addi %add3A_1798, %select_n3A_1802 : vector<16xi32>
        %sub3A_1804 = arith.subf %gather3A_1782, %gather3A_1764 : vector<16xf32>
        %abs3A_1805 = math.absf %sub3A_1804 : vector<16xf32>
        %min3A_1806 = arith.minimumf %min3A_1702, %abs3A_1805 : vector<16xf32>
        %add3A_1807 = arith.addi %add3A_1708, %add3A_1708 : vector<16xi32>
        %gt3A_1808 = arith.constant 0.000000e+00 : f32
        %gt3A_1809 = vector.broadcast %gt3A_1808 : f32 to vector<16xf32>
        %gt3A_1810 = arith.cmpf ogt, %sub3A_1804, %gt3A_1809 : vector<16xf32>
        %select_n3A_1811 = arith.select %gt3A_1810, %add3A_1061, %sub3A_1058 : vector<16xi1>, vector<16xi32>
        %add3A_1812 = arith.addi %add3A_1807, %select_n3A_1811 : vector<16xi32>
        %sub3A_1813 = arith.subf %gather3A_1784, %gather3A_1765 : vector<16xf32>
        %abs3A_1814 = math.absf %sub3A_1813 : vector<16xf32>
        %min3A_1815 = arith.minimumf %min3A_1711, %abs3A_1814 : vector<16xf32>
        %add3A_1816 = arith.addi %add3A_1717, %add3A_1717 : vector<16xi32>
        %gt3A_1817 = arith.constant 0.000000e+00 : f32
        %gt3A_1818 = vector.broadcast %gt3A_1817 : f32 to vector<16xf32>
        %gt3A_1819 = arith.cmpf ogt, %sub3A_1813, %gt3A_1818 : vector<16xf32>
        %select_n3A_1820 = arith.select %gt3A_1819, %add3A_1061, %sub3A_1058 : vector<16xi1>, vector<16xi32>
        %add3A_1821 = arith.addi %add3A_1816, %select_n3A_1820 : vector<16xi32>
        %sub3A_1822 = arith.subf %gather3A_1786, %gather3A_1766 : vector<16xf32>
        %abs3A_1823 = math.absf %sub3A_1822 : vector<16xf32>
        %min3A_1824 = arith.minimumf %min3A_1720, %abs3A_1823 : vector<16xf32>
        %add3A_1825 = arith.addi %add3A_1726, %add3A_1726 : vector<16xi32>
        %gt3A_1826 = arith.constant 0.000000e+00 : f32
        %gt3A_1827 = vector.broadcast %gt3A_1826 : f32 to vector<16xf32>
        %gt3A_1828 = arith.cmpf ogt, %sub3A_1822, %gt3A_1827 : vector<16xf32>
        %select_n3A_1829 = arith.select %gt3A_1828, %add3A_1061, %sub3A_1058 : vector<16xi1>, vector<16xi32>
        %add3A_1830 = arith.addi %add3A_1825, %select_n3A_1829 : vector<16xi32>
        %sub3A_1831 = arith.subf %gather3A_1788, %gather3A_1767 : vector<16xf32>
        %abs3A_1832 = math.absf %sub3A_1831 : vector<16xf32>
        %min3A_1833 = arith.minimumf %min3A_1729, %abs3A_1832 : vector<16xf32>
        %add3A_1834 = arith.addi %add3A_1735, %add3A_1735 : vector<16xi32>
        %gt3A_1835 = arith.constant 0.000000e+00 : f32
        %gt3A_1836 = vector.broadcast %gt3A_1835 : f32 to vector<16xf32>
        %gt3A_1837 = arith.cmpf ogt, %sub3A_1831, %gt3A_1836 : vector<16xf32>
        %select_n3A_1838 = arith.select %gt3A_1837, %add3A_1061, %sub3A_1058 : vector<16xi1>, vector<16xi32>
        %add3A_1839 = arith.addi %add3A_1834, %select_n3A_1838 : vector<16xi32>
        %sub3A_1840 = arith.subf %gather3A_1790, %gather3A_1768 : vector<16xf32>
        %abs3A_1841 = math.absf %sub3A_1840 : vector<16xf32>
        %min3A_1842 = arith.minimumf %min3A_1738, %abs3A_1841 : vector<16xf32>
        %add3A_1843 = arith.addi %add3A_1744, %add3A_1744 : vector<16xi32>
        %gt3A_1844 = arith.constant 0.000000e+00 : f32
        %gt3A_1845 = vector.broadcast %gt3A_1844 : f32 to vector<16xf32>
        %gt3A_1846 = arith.cmpf ogt, %sub3A_1840, %gt3A_1845 : vector<16xf32>
        %select_n3A_1847 = arith.select %gt3A_1846, %add3A_1061, %sub3A_1058 : vector<16xi1>, vector<16xi32>
        %add3A_1848 = arith.addi %add3A_1843, %select_n3A_1847 : vector<16xi32>
        %sub3A_1849 = arith.subf %gather3A_1792, %gather3A_1769 : vector<16xf32>
        %abs3A_1850 = math.absf %sub3A_1849 : vector<16xf32>
        %min3A_1851 = arith.minimumf %min3A_1747, %abs3A_1850 : vector<16xf32>
        %add3A_1852 = arith.addi %add3A_1753, %add3A_1753 : vector<16xi32>
        %gt3A_1853 = arith.constant 0.000000e+00 : f32
        %gt3A_1854 = vector.broadcast %gt3A_1853 : f32 to vector<16xf32>
        %gt3A_1855 = arith.cmpf ogt, %sub3A_1849, %gt3A_1854 : vector<16xf32>
        %select_n3A_1856 = arith.select %gt3A_1855, %add3A_1061, %sub3A_1058 : vector<16xi1>, vector<16xi32>
        %add3A_1857 = arith.addi %add3A_1852, %select_n3A_1856 : vector<16xi32>
        %sub3A_1858 = arith.subf %gather3A_1794, %gather3A_1770 : vector<16xf32>
        %abs3A_1859 = math.absf %sub3A_1858 : vector<16xf32>
        %min3A_1860 = arith.minimumf %min3A_1756, %abs3A_1859 : vector<16xf32>
        %add3A_1861 = arith.addi %add3A_1762, %add3A_1762 : vector<16xi32>
        %gt3A_1862 = arith.constant 0.000000e+00 : f32
        %gt3A_1863 = vector.broadcast %gt3A_1862 : f32 to vector<16xf32>
        %gt3A_1864 = arith.cmpf ogt, %sub3A_1858, %gt3A_1863 : vector<16xf32>
        %select_n3A_1865 = arith.select %gt3A_1864, %add3A_1061, %sub3A_1058 : vector<16xi1>, vector<16xi32>
        %add3A_1866 = arith.addi %add3A_1861, %select_n3A_1865 : vector<16xi32>
        %gather3A_1867 = tpu.vector_load_idx %arg13[%add3A_1803] : memref<4096xf32, #tpu.memory_space<vmem>>[vector<16xi32>], vector<16xf32>,
        %gather3A_1868 = tpu.vector_load_idx %arg13[%add3A_1812] : memref<4096xf32, #tpu.memory_space<vmem>>[vector<16xi32>], vector<16xf32>,
        %gather3A_1869 = tpu.vector_load_idx %arg13[%add3A_1821] : memref<4096xf32, #tpu.memory_space<vmem>>[vector<16xi32>], vector<16xf32>,
        %gather3A_1870 = tpu.vector_load_idx %arg13[%add3A_1830] : memref<4096xf32, #tpu.memory_space<vmem>>[vector<16xi32>], vector<16xf32>,
        %gather3A_1871 = tpu.vector_load_idx %arg13[%add3A_1839] : memref<4096xf32, #tpu.memory_space<vmem>>[vector<16xi32>], vector<16xf32>,
        %gather3A_1872 = tpu.vector_load_idx %arg13[%add3A_1848] : memref<4096xf32, #tpu.memory_space<vmem>>[vector<16xi32>], vector<16xf32>,
        %gather3A_1873 = tpu.vector_load_idx %arg13[%add3A_1857] : memref<4096xf32, #tpu.memory_space<vmem>>[vector<16xi32>], vector<16xf32>,
        %gather3A_1874 = tpu.vector_load_idx %arg13[%add3A_1866] : memref<4096xf32, #tpu.memory_space<vmem>>[vector<16xi32>], vector<16xf32>,
        %add3A_1875 = arith.constant 0 : i32
        %add3A_1876 = vector.broadcast %add3A_1875 : i32 to vector<16xi32>
        %add3A_1877 = arith.addi %add3A_1048, %add3A_1876 : vector<16xi32>
        %mul3A_1878 = arith.mulf %gather3A_1867, %min3A_1797 : vector<16xf32>
        tpu.vector_store_idx %arg14[%add3A_1877], %mul3A_1878 : memref<65536xf32, #tpu.memory_space<vmem>>[vector<16xi32>], vector<16xf32>,
        %add3A_1879 = arith.constant 16 : i32
        %add3A_1880 = vector.broadcast %add3A_1879 : i32 to vector<16xi32>
        %add3A_1881 = arith.addi %add3A_1048, %add3A_1880 : vector<16xi32>
        %mul3A_1882 = arith.mulf %gather3A_1868, %min3A_1806 : vector<16xf32>
        tpu.vector_store_idx %arg14[%add3A_1881], %mul3A_1882 : memref<65536xf32, #tpu.memory_space<vmem>>[vector<16xi32>], vector<16xf32>,
        %add3A_1883 = arith.constant 32 : i32
        %add3A_1884 = vector.broadcast %add3A_1883 : i32 to vector<16xi32>
        %add3A_1885 = arith.addi %add3A_1048, %add3A_1884 : vector<16xi32>
        %mul3A_1886 = arith.mulf %gather3A_1869, %min3A_1815 : vector<16xf32>
        tpu.vector_store_idx %arg14[%add3A_1885], %mul3A_1886 : memref<65536xf32, #tpu.memory_space<vmem>>[vector<16xi32>], vector<16xf32>,
        %add3A_1887 = arith.constant 48 : i32
        %add3A_1888 = vector.broadcast %add3A_1887 : i32 to vector<16xi32>
        %add3A_1889 = arith.addi %add3A_1048, %add3A_1888 : vector<16xi32>
        %mul3A_1890 = arith.mulf %gather3A_1870, %min3A_1824 : vector<16xf32>
        tpu.vector_store_idx %arg14[%add3A_1889], %mul3A_1890 : memref<65536xf32, #tpu.memory_space<vmem>>[vector<16xi32>], vector<16xf32>,
        %add3A_1891 = arith.constant 64 : i32
        %add3A_1892 = vector.broadcast %add3A_1891 : i32 to vector<16xi32>
        %add3A_1893 = arith.addi %add3A_1048, %add3A_1892 : vector<16xi32>
        %mul3A_1894 = arith.mulf %gather3A_1871, %min3A_1833 : vector<16xf32>
        tpu.vector_store_idx %arg14[%add3A_1893], %mul3A_1894 : memref<65536xf32, #tpu.memory_space<vmem>>[vector<16xi32>], vector<16xf32>,
        %add3A_1895 = arith.constant 80 : i32
        %add3A_1896 = vector.broadcast %add3A_1895 : i32 to vector<16xi32>
        %add3A_1897 = arith.addi %add3A_1048, %add3A_1896 : vector<16xi32>
        %mul3A_1898 = arith.mulf %gather3A_1872, %min3A_1842 : vector<16xf32>
        tpu.vector_store_idx %arg14[%add3A_1897], %mul3A_1898 : memref<65536xf32, #tpu.memory_space<vmem>>[vector<16xi32>], vector<16xf32>,
        %add3A_1899 = arith.constant 96 : i32
        %add3A_1900 = vector.broadcast %add3A_1899 : i32 to vector<16xi32>
        %add3A_1901 = arith.addi %add3A_1048, %add3A_1900 : vector<16xi32>
        %mul3A_1902 = arith.mulf %gather3A_1873, %min3A_1851 : vector<16xf32>
        tpu.vector_store_idx %arg14[%add3A_1901], %mul3A_1902 : memref<65536xf32, #tpu.memory_space<vmem>>[vector<16xi32>], vector<16xf32>,
        %add3A_1903 = arith.constant 112 : i32
        %add3A_1904 = vector.broadcast %add3A_1903 : i32 to vector<16xi32>
        %add3A_1905 = arith.addi %add3A_1048, %add3A_1904 : vector<16xi32>
        %mul3A_1906 = arith.mulf %gather3A_1874, %min3A_1860 : vector<16xf32>
        tpu.vector_store_idx %arg14[%add3A_1905], %mul3A_1906 : memref<65536xf32, #tpu.memory_space<vmem>>[vector<16xi32>], vector<16xf32>,
      }
      %scan3A_162 = arith.constant 8 : i32
      %add3A_163 = arith.constant 3 : i32
      %add3A_164 = arith.addi %mul3A_109, %add3A_163 : i32
      %min3A_165 = arith.constant 31 : i32
      %min3A_166 = arith.minsi %add3A_164, %min3A_165 : i32
      %mul3A_167 = arith.constant 4096 : i32
      %mul3A_168 = arith.muli %min3A_166, %mul3A_167 : i32
      %dma_start3A_169 = tpu.memref_slice %arg3[%mul3A_168] : memref<131072xf32, #tpu.memory_space<hbm>> -> memref<4096xf32, #tpu.memory_space<hbm>>
      %dma_start3A_170 = tpu.memref_slice %arg3[%mul3A_168] : memref<131072xf32, #tpu.memory_space<hbm>> -> memref<4096xf32, #tpu.memory_space<hbm>>
      tpu.enqueue_dma source(%dma_start3A_170 : memref<4096xf32, #tpu.memory_space<hbm>>) target(%arg11 : memref<4096xf32, #tpu.memory_space<vmem>>) target_semaphore(%arg16 : memref<!tpu.dma_semaphore, #tpu.memory_space<semaphore_mem>>)
      %dma_start3A_171 = tpu.memref_slice %arg4[%mul3A_168] : memref<131072xi32, #tpu.memory_space<hbm>> -> memref<4096xi32, #tpu.memory_space<hbm>>
      %dma_start3A_172 = tpu.memref_slice %arg4[%mul3A_168] : memref<131072xi32, #tpu.memory_space<hbm>> -> memref<4096xi32, #tpu.memory_space<hbm>>
      tpu.enqueue_dma source(%dma_start3A_172 : memref<4096xi32, #tpu.memory_space<hbm>>) target(%arg12 : memref<4096xi32, #tpu.memory_space<vmem>>) target_semaphore(%arg16 : memref<!tpu.dma_semaphore, #tpu.memory_space<semaphore_mem>>)
      %dma_start3A_173 = tpu.memref_slice %arg5[%mul3A_168] : memref<131072xf32, #tpu.memory_space<hbm>> -> memref<4096xf32, #tpu.memory_space<hbm>>
      %dma_start3A_174 = tpu.memref_slice %arg5[%mul3A_168] : memref<131072xf32, #tpu.memory_space<hbm>> -> memref<4096xf32, #tpu.memory_space<hbm>>
      tpu.enqueue_dma source(%dma_start3A_174 : memref<4096xf32, #tpu.memory_space<hbm>>) target(%arg13 : memref<4096xf32, #tpu.memory_space<vmem>>) target_semaphore(%arg16 : memref<!tpu.dma_semaphore, #tpu.memory_space<semaphore_mem>>)
    }
    %scan3A_81 = arith.constant 16 : i32
    %dma_wait3A = arith.constant 0 : i32
    %dma_wait3A_82 = tpu.memref_slice %arg3[%dma_wait3A] : memref<131072xf32, #tpu.memory_space<hbm>> -> memref<4096xf32, #tpu.memory_space<hbm>>
    %dma_wait3A_83 = arith.constant 0 : i32
    %dma_wait3A_84 = tpu.memref_slice %arg3[%dma_wait3A_83] : memref<131072xf32, #tpu.memory_space<hbm>> -> memref<4096xf32, #tpu.memory_space<hbm>>
    tpu.wait_dma2 semaphore(%arg15 : memref<!tpu.dma_semaphore, #tpu.memory_space<semaphore_mem>>) src(%dma_wait3A_84 : memref<4096xf32, #tpu.memory_space<hbm>>) dst(%arg8 : memref<4096xf32, #tpu.memory_space<vmem>>)
    %dma_wait3A_85 = arith.constant 0 : i32
    %dma_wait3A_86 = tpu.memref_slice %arg4[%dma_wait3A_85] : memref<131072xi32, #tpu.memory_space<hbm>> -> memref<4096xi32, #tpu.memory_space<hbm>>
    %dma_wait3A_87 = arith.constant 0 : i32
    %dma_wait3A_88 = tpu.memref_slice %arg4[%dma_wait3A_87] : memref<131072xi32, #tpu.memory_space<hbm>> -> memref<4096xi32, #tpu.memory_space<hbm>>
    tpu.wait_dma2 semaphore(%arg15 : memref<!tpu.dma_semaphore, #tpu.memory_space<semaphore_mem>>) src(%dma_wait3A_88 : memref<4096xi32, #tpu.memory_space<hbm>>) dst(%arg9 : memref<4096xi32, #tpu.memory_space<vmem>>)
    %dma_wait3A_89 = arith.constant 0 : i32
    %dma_wait3A_90 = tpu.memref_slice %arg5[%dma_wait3A_89] : memref<131072xf32, #tpu.memory_space<hbm>> -> memref<4096xf32, #tpu.memory_space<hbm>>
    %dma_wait3A_91 = arith.constant 0 : i32
    %dma_wait3A_92 = tpu.memref_slice %arg5[%dma_wait3A_91] : memref<131072xf32, #tpu.memory_space<hbm>> -> memref<4096xf32, #tpu.memory_space<hbm>>
    tpu.wait_dma2 semaphore(%arg15 : memref<!tpu.dma_semaphore, #tpu.memory_space<semaphore_mem>>) src(%dma_wait3A_92 : memref<4096xf32, #tpu.memory_space<hbm>>) dst(%arg10 : memref<4096xf32, #tpu.memory_space<vmem>>)
    %dma_wait3A_93 = arith.constant 0 : i32
    %dma_wait3A_94 = tpu.memref_slice %arg3[%dma_wait3A_93] : memref<131072xf32, #tpu.memory_space<hbm>> -> memref<4096xf32, #tpu.memory_space<hbm>>
    %dma_wait3A_95 = arith.constant 0 : i32
    %dma_wait3A_96 = tpu.memref_slice %arg3[%dma_wait3A_95] : memref<131072xf32, #tpu.memory_space<hbm>> -> memref<4096xf32, #tpu.memory_space<hbm>>
    tpu.wait_dma2 semaphore(%arg16 : memref<!tpu.dma_semaphore, #tpu.memory_space<semaphore_mem>>) src(%dma_wait3A_96 : memref<4096xf32, #tpu.memory_space<hbm>>) dst(%arg11 : memref<4096xf32, #tpu.memory_space<vmem>>)
    %dma_wait3A_97 = arith.constant 0 : i32
    %dma_wait3A_98 = tpu.memref_slice %arg4[%dma_wait3A_97] : memref<131072xi32, #tpu.memory_space<hbm>> -> memref<4096xi32, #tpu.memory_space<hbm>>
    %dma_wait3A_99 = arith.constant 0 : i32
    %dma_wait3A_100 = tpu.memref_slice %arg4[%dma_wait3A_99] : memref<131072xi32, #tpu.memory_space<hbm>> -> memref<4096xi32, #tpu.memory_space<hbm>>
    tpu.wait_dma2 semaphore(%arg16 : memref<!tpu.dma_semaphore, #tpu.memory_space<semaphore_mem>>) src(%dma_wait3A_100 : memref<4096xi32, #tpu.memory_space<hbm>>) dst(%arg12 : memref<4096xi32, #tpu.memory_space<vmem>>)
    %dma_wait3A_101 = arith.constant 0 : i32
    %dma_wait3A_102 = tpu.memref_slice %arg5[%dma_wait3A_101] : memref<131072xf32, #tpu.memory_space<hbm>> -> memref<4096xf32, #tpu.memory_space<hbm>>
    %dma_wait3A_103 = arith.constant 0 : i32
    %dma_wait3A_104 = tpu.memref_slice %arg5[%dma_wait3A_103] : memref<131072xf32, #tpu.memory_space<hbm>> -> memref<4096xf32, #tpu.memory_space<hbm>>
    tpu.wait_dma2 semaphore(%arg16 : memref<!tpu.dma_semaphore, #tpu.memory_space<semaphore_mem>>) src(%dma_wait3A_104 : memref<4096xf32, #tpu.memory_space<hbm>>) dst(%arg13 : memref<4096xf32, #tpu.memory_space<vmem>>)
    %mul3A_105 = arith.constant 512 : i32
    %mul3A_106 = arith.muli %mul3A_2, %mul3A_105 : i32
    "tpu.region"() ({
      %run_scoped3A = tpu.sem_alloc : memref<!tpu.dma_semaphore, #tpu.memory_space<semaphore_mem>>
      %dma_start3A_107 = tpu.memref_slice %arg6[%mul3A_106] : memref<2097152xf32, #tpu.memory_space<hbm>> -> memref<65536xf32, #tpu.memory_space<hbm>>
      %dma_start3A_108 = tpu.memref_slice %arg6[%mul3A_106] : memref<2097152xf32, #tpu.memory_space<hbm>> -> memref<65536xf32, #tpu.memory_space<hbm>>
      tpu.enqueue_dma source(%arg14 : memref<65536xf32, #tpu.memory_space<vmem>>) target(%dma_start3A_108 : memref<65536xf32, #tpu.memory_space<hbm>>) target_semaphore(%run_scoped3A : memref<!tpu.dma_semaphore, #tpu.memory_space<semaphore_mem>>)
      %dma_wait3A_109 = tpu.memref_slice %arg6[%mul3A_106] : memref<2097152xf32, #tpu.memory_space<hbm>> -> memref<65536xf32, #tpu.memory_space<hbm>>
      %dma_wait3A_110 = tpu.memref_slice %arg6[%mul3A_106] : memref<2097152xf32, #tpu.memory_space<hbm>> -> memref<65536xf32, #tpu.memory_space<hbm>>
      tpu.wait_dma2 semaphore(%run_scoped3A : memref<!tpu.dma_semaphore, #tpu.memory_space<semaphore_mem>>) src(%arg14 : memref<65536xf32, #tpu.memory_space<vmem>>) dst(%dma_wait3A_110 : memref<65536xf32, #tpu.memory_space<hbm>>)
      tpu.yield
    }) : () -> ()
    return
  }
}

</mosaic_0001>

<sc_bundles>
// kernel: _forest.3.cloned.1.call-start
scs
__scs_entry_jumppad:
0x0: {  	(pc) =	sbr.rel $0x88, $3  }
0x1: {  	(tag) =	ssettag $0x0;
	lr =	simm.s32 $0x1  }
0x2: {  	[smem:$0x3F9D] =	sst lr;
	_ =	strace $0xD0000000  }
0x3: {  	_ = 	snop  }
0x4: {  	_ = 	snop  }
0x5: {  	_ = 	snop  }
0x6: {  	_ = 	snop  }
0x7: {  	_ = 	snop  }
__scs_overlays_trampoline_lowered:
0x8: {  	[smem:$0x3FAC] =	sst s0  }
0x9: {  	[smem:$0x3FAD] =	sst s1  }
0xa: {  	[smem:$0x3FAE] =	sst s2  }
0xb: {  	[smem:$0x3FAF] =	sst s3  }
0xc: {  	[smem:$0x3FB0] =	sst s4  }
0xd: {  	[smem:$0x3FB1] =	sst s5  }
0xe: {  	[smem:$0x3FB2] =	sst s6  }
0xf: {  	[smem:$0x3FB3] =	sst s7  }
0x10: {  	[smem:$0x3FB4] =	sst s8  }
0x11: {  	[smem:$0x3FB5] =	sst s9;
	s0 =	simm.s32 @!p0 $0x0  }
0x12: {  	s1 =	sld [smem:$0x3F9B];
	s0 =	simm.s32 @p0 $0x1  }
0x13: {  	[smem:$0x3FB6] =	sst s0;
	s0 =	simm.s32 @!p1 $0x0  }
0x14: {  	s2 =	sld [smem:$0x3F9A];
	s0 =	simm.s32 @p1 $0x1  }
0x15: {  	[smem:$0x3FB7] =	sst s0;
	s0 =	simm.s32 @!p2 $0x0  }
0x16: {  	s3 =	sld [smem:$0x3FDB];
	s0 =	simm.s32 @p2 $0x1  }
0x17: {  	s4 =	simm.s32 $0x1BF5;
	[smem:$0x3FB9] =	sst s0  }
0x18: {  	s0 =	sld [smem:$0x3F9C];
	_ =	swait.ge [sflag:s4], $0x0  }
0x19: {  	s7 =	sld [smem:$0x3F9D]  }
0x1a: {  	s8 =	sadd.s32 $0xFFFFE003, lr  }
0x1b: {  	s9 =	sadd.s32 $0xFFFFFEF7, lr;
	s5 =	simm.s32 $0xFFFFFFFF;
	p2 =	slt.u32 s8, $0xFFFFF086  }
0x1c: {  	p1 =	slt.u32 s9, $0xF7A;
	s5 =	simm.s32 @!p2 $0x0  }
0x1d: {  	s5 =	simm.s32 @p1 $0x1;
	p0 =	seq.s32 s7, s2  }
0x1e: {  	s7 =	smul.u32 @!p0 $0xF7A, s2;
	p2 =	seq.s32 @!p0 s5, $0x0  }
0x1f: {  	s9 =	smul.u32 $0xF7A, s1;
	s8 =	simm.s32 @!p0 $0x1BF5;
	p2 =	por !p2, p0  }
0x20: {  	[sflag:s8] =	ssyncset.s32 @!p0 $0xFFFFF086;
	s6 =	sadd.s32 @!p0 s3, s7;
	s7 =	simm.s32 @!p0 $0x108  }
0x21: {  	s3 =	sadd.s32 s3, s9;
	s6 =	sadd.s32 @!p0 $0x88, s6;
	s7 =	simm.s32 @p2 $0x1082  }
0x22: {  	[simem:s7], [sflag:s8] =	dma.local @!p0 [hbm:s6], $0xF7A  }
0x23: {  	s9 =	sor.u32 $0xD0000000, s2;
	s6 =	simm.s32 $0x108;
	_ =	swait.ge @!p0 [sflag:s8], $0x0  }
0x24: {  	s3 =	sadd.s32 $0x88, s3;
	s6 =	simm.s32 @!p1 $0x1082;
	[sflag:s4] =	ssyncset.s32 $0xFFFFF086  }
0x25: {  	[simem:s6], [sflag:s4] =	dma.local [hbm:s3], $0xF7A  }
0x26: {  	[smem:$0x3F9D] =	sst s1;
	(tag) =	ssettag s2;
	_ =	strace s9  }
0x27: {  	s1 =	sld [smem:$0x3FAD]  }
0x28: {  	s2 =	sld [smem:$0x3FAE]  }
0x29: {  	s4 =	sld [smem:$0x3FB0]  }
0x2a: {  	p0 =	seq.s32 s5, $0x0;
	s5 =	sld [smem:$0x3FB1]  }
0x2b: {  	s6 =	sld [smem:$0x3FB2]  }
0x2c: {  	s7 =	sld [smem:$0x3FB3]  }
0x2d: {  	s3 =	simm.s32 $0x108;
	s8 =	sld [smem:$0x3FB4]  }
0x2e: {  	s3 =	simm.s32 @!p0 $0x1082;
	s9 =	sld [smem:$0x3FB5]  }
0x2f: {  	lr =	sadd.s32 s0, s3;
	s0 =	sld [smem:$0x3FAC]  }
0x30: {  	s3 =	sld [smem:$0x3FAF]  }
0x31: {  	[smem:$0x3FB8] =	sst s10  }
0x32: {  	s10 =	sld [smem:$0x3FB6];
	_ =	sdelay $0x3  }
0x33: {  	p0 =	seq.s32 s10, $0x1;
	s10 =	sld [smem:$0x3FB8];
	_ =	sdelay $0x3  }
0x34: {  	[smem:$0x3FB8] =	sst s10  }
0x35: {  	s10 =	sld [smem:$0x3FB7];
	_ =	sdelay $0x3  }
0x36: {  	p1 =	seq.s32 s10, $0x1;
	s10 =	sld [smem:$0x3FB8];
	_ =	sdelay $0x3  }
0x37: {  	[smem:$0x3FB8] =	sst s10  }
0x38: {  	s10 =	sld [smem:$0x3FB9]  }
0x39: {  	_ = 	snop;
	(pc) =	sbr.ind lr, $3  }
0x3a: {  	_ = 	snop  }
0x3b: {  	_ = 	snop  }
0x3c: {  	p2 =	seq.s32 s10, $0x1;
	s10 =	sld [smem:$0x3FB8]  }
0x3d: {  	_ =	shalt  }
0x3e: {  	_ =	shalt  }
0x3f: {  	_ =	shalt  }
0x40: {  	_ =	shalt  }
0x41: {  	_ =	shalt  }
0x42: {  	_ =	shalt  }
0x43: {  	_ =	shalt  }
0x44: {  	_ =	shalt  }
0x45: {  	_ =	shalt  }
0x46: {  	_ =	shalt  }
0x47: {  	_ =	shalt  }
0x48: {  	_ =	shalt  }
0x49: {  	_ =	shalt  }
0x4a: {  	_ =	shalt  }
0x4b: {  	_ =	shalt  }
0x4c: {  	_ =	shalt  }
0x4d: {  	_ =	shalt  }
0x4e: {  	_ =	shalt  }
0x4f: {  	_ =	shalt  }
0x50: {  	_ =	shalt  }
0x51: {  	_ =	shalt  }
0x52: {  	_ =	shalt  }
0x53: {  	_ =	shalt  }
0x54: {  	_ =	shalt  }
0x55: {  	_ =	shalt  }
0x56: {  	_ =	shalt  }
0x57: {  	_ =	shalt  }
0x58: {  	_ =	shalt  }
0x59: {  	_ =	shalt  }
0x5a: {  	_ =	shalt  }
0x5b: {  	_ =	shalt  }
0x5c: {  	_ =	shalt  }
0x5d: {  	_ =	shalt  }
0x5e: {  	_ =	shalt  }
0x5f: {  	_ =	shalt  }
0x60: {  	_ =	shalt  }
0x61: {  	_ =	shalt  }
0x62: {  	_ =	shalt  }
0x63: {  	_ =	shalt  }
0x64: {  	_ =	shalt  }
0x65: {  	_ =	shalt  }
0x66: {  	_ =	shalt  }
0x67: {  	_ =	shalt  }
0x68: {  	_ =	shalt  }
0x69: {  	_ =	shalt  }
0x6a: {  	_ =	shalt  }
0x6b: {  	_ =	shalt  }
0x6c: {  	_ =	shalt  }
0x6d: {  	_ =	shalt  }
0x6e: {  	_ =	shalt  }
0x6f: {  	_ =	shalt  }
0x70: {  	_ =	shalt  }
0x71: {  	_ =	shalt  }
0x72: {  	_ =	shalt  }
0x73: {  	_ =	shalt  }
0x74: {  	_ =	shalt  }
0x75: {  	_ =	shalt  }
0x76: {  	_ =	shalt  }
0x77: {  	_ =	shalt  }
0x78: {  	_ =	shalt  }
0x79: {  	_ =	shalt  }
0x7a: {  	_ =	shalt  }
0x7b: {  	_ =	shalt  }
0x7c: {  	_ =	shalt  }
0x7d: {  	_ =	shalt  }
0x7e: {  	_ =	shalt  }
0x7f: {  	_ =	shalt  }
0x80: {  	_ =	shalt  }
0x81: {  	_ =	shalt  }
0x82: {  	_ =	shalt  }
0x83: {  	_ =	shalt  }
0x84: {  	_ =	shalt  }
0x85: {  	_ =	shalt  }
0x86: {  	_ =	shalt  }
0x87: {  	_ =	shalt  }
.Lfunc_end0:
.L_simem_size_0:
called_computation_lowered:
.L_overlay_start_0:
0x88: {  	s2 =	sld [smem:$0x3FD9]  }
0x89: {  	s3 =	sld [smem:$0x3FFE];
	_ =	sdelay $0x1  }
0x8a: {  	s1 =	srdreg.scid  }
0x8b: {  	s0 =	sand.u32 $0x1, s1  }
0x8c: {  	s17 =	sshll.u32 s0, $0xA;
	s2 =	sadd.s32 s3, s2  }
0x8d: {  	s2 =	sadd.s32 s2, s17  }
0x8e: {  	[smem:$0x3FC4] =	sst s2  }
0x8f: {  	_ = 	snop  }
0x90: {  	s2 =	sld [smem:$0x3FD0];
	(tm) =	ssettm $0x1  }
0x91: {  	s18 =	sld [smem:$0x3FFB];
	_ =	sdelay $0x3  }
0x92: {  	_ =	strace s18  }
0x93: {  	s3 =	sld [smem:$0x3FFC];
	_ =	sdelay $0x3  }
0x94: {  	_ =	strace s3  }
0x95: {  	s3 =	sld [smem:$0x3FFD];
	_ =	sdelay $0x3  }
0x96: {  	_ =	strace s3  }
0x97: {  	_ =	strace $0x8FFFFFFF  }
0x98: {  	s19 =	sld [smem:$0x3FDB];
	_ =	sdelay $0x1  }
0x99: {  	s4 =	simm.s32 $_scs_section_size  }
0x9a: {  	s5 =	simm.s32 $_size__tile_overlayer_lowered;
	s6 =	simm.s32 $_tile_overlayer_lowered  }
0x9b: {  	s22 =	simm.s32 $0x1BFF;
	s21 =	sshll.u32 s6, $0x1;
	s3 =	sadd.s32 s4, s19  }
0x9c: {  	s7 =	simm.s32 $0x0;
	s20 =	sshll.u32 s5, $0x1;
	s5 =	sadd.s32 s21, s3  }
0x9d: {  	[timem:s7], [sflag:s22] =	dma.local [hbm:s5], s20  }
0x9e: {  	_ =	swait.ge [sflag:s22], s20  }
0x9f: {  	s4 =	ssub.s32 $0x0, s20;
	[sflag:s22] =	ssyncset.done $0x0  }
0xa0: {  	[sflag:s22] =	ssyncadd.s32 s4;
	_ =	sdelay $0x1  }
0xa1: {  	s23 =	simm.s32 $0x1B8B  }
0xa2: {  	_ =	swait.ge [sflag:s23], $0x1  }
0xa3: {  	[sflag:s23] =	ssyncset.done $0x0  }
0xa4: {  	s25 =	simm.s32 $0x1B8E;
	s24 =	sld [smem:$0x3FFE];
	[sflag:s23] =	ssyncadd.s32 $0xFFFFFFFF  }
0xa5: {  	s26 =	simm.s32 $execute0_lowered;
	[smem:$0x3FD2] =	sst s25  }
0xa6: {  	s5 =	sshll.u32 s26, $0x1;
	_ =	strace $0x80000046;
	[dreg:$0x1] =	wrdreg $0xFFFFFFFF  }
0xa7: {  	s28 =	simm.s32 $_size_execute0_lowered;
	s3 =	sadd.s32 s3, s5;
	[dreg:$0x0] =	wrdreg $0x0  }
0xa8: {  	s5 =	sshll.u32 s28, $0x1;
	[dreg:$0x2] =	wrdreg s3  }
0xa9: {  	[dreg:$0x3] =	wrdreg s5  }
0xaa: {  	[dreg:$0x4] =	wrdreg $0xC0  }
0xab: {  	_ =	task [dreg:s7], $0x5FFFF  }
0xac: {  	[dreg:$0x1] =	wrdreg $0xFFFFFFFF  }
0xad: {  	[dreg:$0x0] =	wrdreg $0x60  }
0xae: {  	[dreg:$0x2] =	wrdreg s2  }
0xaf: {  	[dreg:$0x3] =	wrdreg s24  }
0xb0: {  	[dreg:$0x4] =	wrdreg $0x9  }
0xb1: {  	_ =	task.clear_ibuf [dreg:s7], $0x5FFFF;
	_ =	strace $0x90000046  }
0xb2: {  	s29 =	simm.s32 $0x9;
	_ =	strace $0x80000048  }
0xb3: {  	_ =	swait.ge [sflag:s29], $0x1  }
0xb4: {  	[sflag:s29] =	ssyncadd.s32 $0xFFFFFFFF  }
0xb5: {  	_ =	strace $0x90000048  }
0xb6: {  	_ =	sfence  }
0xb7: {  	s30 =	sld [smem:$0x0];
	_ =	sdelay $0x2  }
0xb8: {  	s31 =	sshll.u32 s1, $0xD;
	s1 =	sshrl.u32 s1, $0x2  }
0xb9: {  	s3 =	sand.u32 $0x4000, s31;
	s1 =	sadd.s32 s1, s30  }
0xba: {  	s0 =	sor.u32 s3, s0;
	s1 =	sshll.u32 s1, $0x11  }
0xbb: {  	s0 =	sor.u32 s1, s0  }
0xbc: {  	s0 =	sadd.s32 $0x8F2B, s0  }
0xbd: {  	[sflag:s0] =	ssyncadd.remote.s32 $0x1  }
0xbe: {  	_ =	sfence.sel $0xFFFF  }
0xbf: {  	[dreg:$0x0] =	wrdreg $0xFFFFFFFF;
	(pc) =	sbr.abs _section_cstart, $3  }
0xc0: {  	[dreg:$0x1] =	wrdreg $0xFFFFFFFF  }
0xc1: {  	_ =	task.clear_ibuf [dreg:s7], $0x2FFFF;
	_ =	strace $0x9FFFFFFF  }
0xc2: {  	(tm) =	ssettm $0x7FFFFFFF  }
0xc3: {  	_ =	shalt  }
tec
execute0_lowered:
.L_overlay_start_1:
0x0: {  	(tag) =	ssettag $0x1  }
0x1: {  	s6 =	rddreg [dreg:$0x0]  }
0x2: {  	s9 =	rddreg [dreg:$0x1]  }
0x3: {  	s0 =	rddreg [dreg:$0x2];
	s2 =	simm.s32 $0x0  }
0x4: {  	s3 =	srdreg.scid;
	s1 =	stileid.u32;
	s13 =	simm.s32 $0x8080  }
0x5: {  	s14 =	simm.s32 $0x9080;
	s15 =	simm.s32 $0xA080;
	s16 =	simm.s32 $0xB080  }
0x6: {  	s17 =	simm.s32 $0xC080;
	s18 =	simm.s32 $0xD080;
	s19 =	simm.s32 $0x1  }
0x7: {  	v0 =	vlaneseq.u32;
	s20 =	simm.s32 $0xE080;
	s21 =	simm.s32 $0x2;
	s22 =	simm.s32 $0x0  }
0x8: {  	vm0 =	vcmask $0x300;
	[smem:$0x7FF] =	sst s2;
	s5 =	sand.u32 $0x1, s3;
	s3 =	sadd.s32 $0x400, s9;
	v10 =	vor.u32 $0xFFFFFF08, v0  }
0x9: {  	v2 =	vimm.s32 $0x0;
	s7 =	sshll.u32 s1, $0x1;
	s4 =	sadd.s32 $0x4400, s9;
	v1 =	vmul.u32 $0x101, v0;
	v34 =	vor.u32 $0x20, v0;
	_ =	strace $0x80000047;
	[tilespmem:$0x1FFA0] =	vst v10  }
0xa: {  	v2 =	vsel vm0, $0x3, v2;
	v36 =	vor.u32 $0x10, v0;
	v33 =	vor.u32 $0x50, v0;
	s7 =	sor.u32 s5, s7;
	s10 =	ssub.s32 $0x2, s5;
	s5 =	sadd.s32 $0x8400, s9;
	[tilespmem:$0x1FFB0] =	vst v34  }
0xb: {  	v37 =	vor.u32 $0x30, v0;
	v38 =	vor.u32 $0x40, v0;
	v25 =	vor.u32 $0x60, v0;
	[tilespmem:$0x1FFC0] =	vst v33;
	s8 =	sshll.u32 s7, $0xD;
	s7 =	smul.u32 $0x1010, s7;
	s31 =	sshrl.u32 s10, $0x1  }
0xc: {  	v26 =	vor.u32 $0x70, v0;
	v39 =	vor.u32 $0xFFFFFF88, v0;
	[tilespmem:$0x1FFD0] =	vst v25;
	v3 =	vadd.s32 $0x1010, v1;
	s11 =	sadd.s32 s8, s9;
	s12 =	ssub.s32 s10, s31;
	s8 =	sadd.s32 $0x4600, s9  }
0xd: {  	[tilespmem:$0x1FFE0] =	vst v26;
	v4 =	vadd.s32 $0x2020, v1;
	v5 =	vadd.s32 $0x3030, v1;
	v6 =	vadd.s32 $0x4040, v1;
	s6 =	sadd.s32 s6, s7;
	s7 =	sadd.s32 $0x600, s9;
	s9 =	sadd.s32 $0x8600, s9  }
0xe: {  	[tilespmem:$0x1FFF0] =	vst v39;
	v7 =	vadd.s32 $0x5050, v1;
	v8 =	vadd.s32 $0x6060, v1;
	v9 =	vadd.s32 $0x7070, v1;
	s10 =	sadd.s32 $0xC400, s11;
	s11 =	smax.u32 s12, $0x1;
	s12 =	simm.s32 $0x3  }
.LBB2_1:
0xf: {  	[tilespmem:s2], [sflag:$0x3] =	stream.linear.gather [hbm4b:s6+s2], $0x8080, $0x38;
	[tilespmem:$0x1E080] =	vst v63  }
0x10: {  	_ =	swait.ge [sflag:s12], $0x8080  }
0x11: {  	[sflag:s12] =	ssyncset.done $0x0  }
0x12: {  	[sflag:s12] =	ssyncadd.s32 $0xFFFF7F80  }
0x13: {  	[tilespmem:s13], [sflag:$0x1] =	stream.linear.gather [hbm4b:s3+s2], $0x1000, $0x38;
	[tilespmem:$0x1E080] =	vst v63  }
0x14: {  	_ = 	snop  }
0x15: {  	[tilespmem:s14], [sflag:$0x1] =	stream.linear.gather [hbm4b:s4+s2], $0x1000, $0x38;
	[tilespmem:$0x1E080] =	vst v63  }
0x16: {  	_ = 	snop  }
0x17: {  	[tilespmem:s15], [sflag:$0x1] =	stream.linear.gather [hbm4b:s5+s2], $0x1000, $0x38;
	[tilespmem:$0x1E080] =	vst v63  }
0x18: {  	_ = 	snop  }
0x19: {  	[tilespmem:s16], [sflag:$0x2] =	stream.linear.gather [hbm4b:s7+s2], $0x1000, $0x38;
	[tilespmem:$0x1E080] =	vst v63  }
0x1a: {  	_ = 	snop  }
0x1b: {  	[tilespmem:s17], [sflag:$0x2] =	stream.linear.gather [hbm4b:s8+s2], $0x1000, $0x38;
	[tilespmem:$0x1E080] =	vst v63  }
0x1c: {  	s23 =	simm.s32 $0x800;
	s24 =	simm.s32 $0x0;
	s25 =	simm.s32 $0x0  }
0x1d: {  	[tilespmem:s18], [sflag:$0x2] =	stream.linear.gather [hbm4b:s9+s2], $0x1000, $0x38;
	[tilespmem:$0x1E080] =	vst v63  }
.LBB2_2:
0x1e: {  	_ =	swait.ge [sflag:s19], $0x1000  }
0x1f: {  	[sflag:s19] =	ssyncset.done $0x0  }
0x20: {  	[sflag:s19] =	ssyncadd.s32 $0xFFFFF000  }
0x21: {  	_ =	swait.ge [sflag:s19], $0x1000  }
0x22: {  	[sflag:s19] =	ssyncset.done $0x0  }
0x23: {  	[sflag:s19] =	ssyncadd.s32 $0xFFFFF000  }
0x24: {  	_ =	swait.ge [sflag:s19], $0x1000  }
0x25: {  	s26 =	simm.s32 $0x0;
	[sflag:s19] =	ssyncset.done $0x0  }
0x26: {  	s28 =	simm.s32 $0xFFFFFF01;
	s29 =	smov.u32 s24;
	[sflag:s19] =	ssyncadd.s32 $0xFFFFF000  }
.LBB2_3:
0x27: {  	v19 =	vmov s26  }
0x28: {  	v19 =	vshrl.u32 v19, $0x3  }
0x29: {  	v19 =	vshll.u32 v19, v2  }
0x2a: {  	v19 =	vbroadcast v19, $0x0;
	_ =	sdelay $0x5  }
0x2b: {  	v20 =	vld.idx.msk [tilespmem:v19+s14+$0x0], $0xffff;
	_ =	sdelay $0x4  }
0x2c: {  	v21 =	vadd.s32 v1, v20;
	_ =	sdelay $0x1  }
0x2d: {  	v22 =	vadd.s32 v3, v20;
	_ =	sdelay $0x1  }
0x2e: {  	v19 =	vld.idx.msk [tilespmem:v19+s13+$0x0], $0xffff;
	v23 =	vadd.s32 v4, v20  }
0x2f: {  	v21 =	vld.idx.msk [tilespmem:v21+s2+$0x0], $0xffff  }
0x30: {  	v24 =	vadd.s32 v5, v20  }
0x31: {  	v25 =	vadd.s32 v6, v20;
	v22 =	vld.idx.msk [tilespmem:v22+s2+$0x0], $0xffff  }
0x32: {  	v26 =	vadd.s32 v7, v20  }
0x33: {  	v23 =	vld.idx.msk [tilespmem:v23+s2+$0x0], $0xffff  }
0x34: {  	s30 =	sadd.s32 $0x1, s26;
	v30 =	vadd.s32 v8, v20;
	v29 =	vsub.f32 v21, v19  }
0x35: {  	v27 =	vmov s30;
	v20 =	vadd.s32 v9, v20;
	v51 =	vld.idx.msk [tilespmem:v24+s2+$0x0], $0xffff  }
0x36: {  	v31 =	vadd.s32 $0x1, v27;
	v52 =	vld.idx.msk [tilespmem:v25+s2+$0x0], $0xffff;
	v28 =	vsub.f32 v22, v19;
	vm0 =	vgt.f32 v29, $0.0e+00  }
0x37: {  	v53 =	vld.idx.msk [tilespmem:v26+s2+$0x0], $0xffff;
	v32 =	vnsel vm0, s30, v31  }
0x38: {  	v25 =	vsub.f32 v23, v19;
	vm9 =	vgt.f32 v28, $0.0e+00  }
0x39: {  	v54 =	vld.idx.msk [tilespmem:v30+s2+$0x0], $0xffff;
	v55 =	vnsel vm9, s30, v31  }
0x3a: {  	v20 =	vld.idx.msk [tilespmem:v20+s2+$0x0], $0xffff;
	v26 =	vsub.f32 v51, v19;
	vm10 =	vgt.f32 v25, $0.0e+00  }
0x3b: {  	v27 =	vsub.f32 v52, v19;
	v33 =	vnsel vm10, s30, v31  }
0x3c: {  	v21 =	vsub.f32 v53, v19;
	vm11 =	vgt.f32 v26, $0.0e+00;
	v34 =	vld.idx.msk [tilespmem:v32+s13+$0x0], $0xffff  }
0x3d: {  	vm12 =	vgt.f32 v27, $0.0e+00;
	v35 =	vnsel vm11, s30, v31;
	v57 =	vld.idx.msk [tilespmem:v32+s14+$0x0], $0xffff  }
0x3e: {  	v17 =	vmovc v37;
	v23 =	vsub.f32 v54, v19;
	vm13 =	vgt.f32 v21, $0.0e+00;
	v37 =	vnsel vm12, s30, v31;
	v58 =	vld.idx.msk [tilespmem:v55+s13+$0x0], $0xffff  }
0x3f: {  	v24 =	vsub.f32 v20, v19;
	v20 =	vnsel vm13, s30, v31;
	v59 =	vld.idx.msk [tilespmem:v55+s14+$0x0], $0xffff  }
0x40: {  	vm14 =	vgt.f32 v23, $0.0e+00;
	v39 =	vld.idx.msk [tilespmem:v33+s13+$0x0], $0xffff  }
0x41: {  	v47 =	vnsel vm14, s30, v31;
	v19 =	vld.idx.msk [tilespmem:v33+s14+$0x0], $0xffff  }
0x42: {  	vm15 =	vgt.f32 v24, $0.0e+00;
	v40 =	vld.idx.msk [tilespmem:v35+s14+$0x0], $0xffff;
	v22 =	vadd.s32 v1, v57  }
0x43: {  	v31 =	vnsel vm15, s30, v31;
	v41 =	vld.idx.msk [tilespmem:v37+s14+$0x0], $0xffff  }
0x44: {  	v16 =	vmov v38;
	v43 =	vld.idx.msk [tilespmem:v20+s14+$0x0], $0xffff;
	v38 =	vadd.s32 v3, v59  }
0x45: {  	v42 =	vld.idx.msk [tilespmem:v35+s13+$0x0], $0xffff  }
0x46: {  	v44 =	vld.idx.msk [tilespmem:v47+s14+$0x0], $0xffff;
	v19 =	vadd.s32 v4, v19  }
0x47: {  	v40 =	vadd.s32 v5, v40;
	v45 =	vld.idx.msk [tilespmem:v22+s2+$0x0], $0xffff  }
0x48: {  	v46 =	vld.idx.msk [tilespmem:v31+s14+$0x0], $0xffff;
	v41 =	vadd.s32 v6, v41  }
0x49: {  	v43 =	vadd.s32 v7, v43;
	v48 =	vld.idx.msk [tilespmem:v38+s2+$0x0], $0xffff  }
0x4a: {  	v60 =	vld.idx.msk [tilespmem:v20+s13+$0x0], $0xffff  }
0x4b: {  	v50 =	vld.idx.msk [tilespmem:v19+s2+$0x0], $0xffff  }
0x4c: {  	s31 =	sadd.s32 $0x100, s28;
	v44 =	vadd.s32 v8, v44;
	v40 =	vld.idx.msk [tilespmem:v40+s2+$0x0], $0xffff;
	v38 =	vsub.f32 v45, v34  }
0x4d: {  	v46 =	vadd.s32 v9, v46;
	v22 =	vmov s31;
	v61 =	vld.idx.msk [tilespmem:v41+s2+$0x0], $0xffff  }
0x4e: {  	v51 =	vld.idx.msk [tilespmem:v43+s2+$0x0], $0xffff;
	v19 =	vadd.s32 $0x1, v22;
	v41 =	vsub.f32 v48, v58;
	vm4 =	vgt.f32 v38, $0.0e+00  }
0x4f: {  	v49 =	vld.idx.msk [tilespmem:v37+s13+$0x0], $0xffff;
	v32 =	vshll.u32 v32, $0x1;
	v62 =	vnsel vm4, s31, v19  }
0x50: {  	v56 =	vld.idx.msk [tilespmem:v47+s13+$0x0], $0xffff;
	v43 =	vsub.f32 v50, v39;
	vm5 =	vgt.f32 v41, $0.0e+00;
	v48 =	vadd.s32 v32, v62  }
0x51: {  	v30 =	vshll.u32 v55, $0x1;
	v54 =	vshll.u32 v33, $0x1;
	v63 =	vld.idx.msk [tilespmem:v44+s2+$0x0], $0xffff;
	v52 =	vnsel vm5, s31, v19  }
0x52: {  	v53 =	vld.idx.msk [tilespmem:v31+s13+$0x0], $0xffff;
	v40 =	vsub.f32 v40, v42;
	vm6 =	vgt.f32 v43, $0.0e+00;
	v39 =	vadd.s32 v30, v52  }
0x53: {  	v20 =	vshll.u32 v20, $0x1;
	v55 =	vld.idx.msk [tilespmem:v46+s2+$0x0], $0xffff;
	v45 =	vsub.f32 v51, v60;
	v57 =	vnsel vm6, s31, v19  }
0x54: {  	v44 =	vsub.f32 v61, v49;
	vm7 =	vgt.f32 v40, $0.0e+00;
	v49 =	vadd.s32 v54, v57  }
0x55: {  	v58 =	vshll.u32 v35, $0x1;
	vm9 =	vgt.f32 v45, $0.0e+00;
	v59 =	vnsel vm7, s31, v19;
	v30 =	vld.idx.msk [tilespmem:v48+s13+$0x0], $0xffff  }
0x56: {  	v42 =	vsub.f32 v63, v56;
	v56 =	vnsel vm9, s31, v19;
	v35 =	vadd.s32 v58, v59;
	v62 =	vld.idx.msk [tilespmem:v48+s14+$0x0], $0xffff  }
0x57: {  	v60 =	vshll.u32 v37, $0x1;
	vm8 =	vgt.f32 v44, $0.0e+00;
	v20 =	vadd.s32 v20, v56;
	v63 =	vld.idx.msk [tilespmem:v39+s13+$0x0], $0xffff  }
0x58: {  	v46 =	vsub.f32 v55, v53;
	vm10 =	vgt.f32 v42, $0.0e+00;
	v61 =	vnsel vm8, s31, v19;
	v57 =	vld.idx.msk [tilespmem:v39+s14+$0x0], $0xffff  }
0x59: {  	v34 =	vadd.s32 v60, v61;
	v58 =	vshll.u32 v47, $0x1;
	v59 =	vnsel vm10, s31, v19;
	v50 =	vld.idx.msk [tilespmem:v49+s13+$0x0], $0xffff  }
0x5a: {  	vm11 =	vgt.f32 v46, $0.0e+00;
	v47 =	vadd.s32 v58, v59;
	v60 =	vld.idx.msk [tilespmem:v49+s14+$0x0], $0xffff  }
0x5b: {  	v31 =	vshll.u32 v31, $0x1;
	v61 =	vnsel vm11, s31, v19;
	v52 =	vld.idx.msk [tilespmem:v35+s14+$0x0], $0xffff;
	v32 =	vadd.s32 v1, v62  }
0x5c: {  	v53 =	vadd.s32 v31, v61;
	v54 =	vld.idx.msk [tilespmem:v20+s14+$0x0], $0xffff  }
0x5d: {  	v31 =	vld.idx.msk [tilespmem:v35+s13+$0x0], $0xffff;
	v33 =	vadd.s32 v3, v57  }
0x5e: {  	v62 =	vld.idx.msk [tilespmem:v34+s14+$0x0], $0xffff  }
0x5f: {  	v55 =	vld.idx.msk [tilespmem:v47+s14+$0x0], $0xffff;
	v37 =	vadd.s32 v4, v60  }
0x60: {  	v52 =	vadd.s32 v5, v52;
	v32 =	vld.idx.msk [tilespmem:v32+s2+$0x0], $0xffff  }
0x61: {  	v56 =	vld.idx.msk [tilespmem:v53+s14+$0x0], $0xffff;
	v54 =	vadd.s32 v7, v54  }
0x62: {  	v33 =	vld.idx.msk [tilespmem:v33+s2+$0x0], $0xffff  }
0x63: {  	v59 =	vld.idx.msk [tilespmem:v20+s13+$0x0], $0xffff;
	v57 =	vadd.s32 v6, v62  }
0x64: {  	v37 =	vld.idx.msk [tilespmem:v37+s2+$0x0], $0xffff  }
0x65: {  	v55 =	vadd.s32 v8, v55;
	v52 =	vld.idx.msk [tilespmem:v52+s2+$0x0], $0xffff;
	v51 =	vsub.f32 v32, v30  }
0x66: {  	v15 =	vmov v36;
	v36 =	vld.idx.msk [tilespmem:v54+s2+$0x0], $0xffff  }
0x67: {  	v58 =	vld.idx.msk [tilespmem:v34+s13+$0x0], $0xffff;
	v56 =	vadd.s32 v9, v56;
	v32 =	vsub.f32 v33, v63;
	vm12 =	vgt.f32 v51, $0.0e+00  }
0x68: {  	v61 =	vshll.u32 v39, $0x1;
	v57 =	vld.idx.msk [tilespmem:v57+s2+$0x0], $0xffff;
	v63 =	vshll.u32 v48, $0x1;
	v48 =	vnsel vm12, s31, v19  }
0x69: {  	v60 =	vld.idx.msk [tilespmem:v47+s13+$0x0], $0xffff;
	v30 =	vsub.f32 v37, v50;
	vm13 =	vgt.f32 v32, $0.0e+00;
	v54 =	vadd.s32 v63, v48  }
0x6a: {  	v35 =	vshll.u32 v35, $0x1;
	v37 =	vld.idx.msk [tilespmem:v55+s2+$0x0], $0xffff;
	v31 =	vsub.f32 v52, v31;
	v62 =	vnsel vm13, s31, v19  }
0x6b: {  	v36 =	vsub.f32 v36, v59;
	vm14 =	vgt.f32 v30, $0.0e+00;
	v48 =	vld.idx.msk [tilespmem:v53+s13+$0x0], $0xffff;
	v50 =	vadd.s32 v61, v62  }
0x6c: {  	vm15 =	vgt.f32 v31, $0.0e+00;
	v63 =	vshll.u32 v49, $0x1;
	v49 =	vld.idx.msk [tilespmem:v56+s2+$0x0], $0xffff;
	v61 =	vnsel vm14, s31, v19  }
0x6d: {  	v62 =	vnsel vm15, s31, v19;
	v33 =	vsub.f32 v57, v58;
	v52 =	vadd.s32 v63, v61  }
0x6e: {  	v20 =	vshll.u32 v20, $0x1;
	vm5 =	vgt.f32 v36, $0.0e+00;
	v35 =	vadd.s32 v35, v62;
	v55 =	vld.idx.msk [tilespmem:v54+s13+$0x0], $0xffff  }
0x6f: {  	v37 =	vsub.f32 v37, v60;
	v60 =	vnsel vm5, s31, v19;
	vm4 =	vgt.f32 v33, $0.0e+00;
	v56 =	vld.idx.msk [tilespmem:v54+s14+$0x0], $0xffff  }
0x70: {  	v34 =	vshll.u32 v34, $0x1;
	v58 =	vadd.s32 v20, v60;
	v63 =	vnsel vm4, s31, v19;
	v57 =	vld.idx.msk [tilespmem:v50+s13+$0x0], $0xffff  }
0x71: {  	vm6 =	vgt.f32 v37, $0.0e+00;
	v34 =	vadd.s32 v34, v63;
	v39 =	vsub.f32 v49, v48;
	v48 =	vld.idx.msk [tilespmem:v50+s14+$0x0], $0xffff  }
0x72: {  	v61 =	vshll.u32 v47, $0x1;
	v62 =	vnsel vm6, s31, v19;
	v49 =	vld.idx.msk [tilespmem:v52+s13+$0x0], $0xffff  }
0x73: {  	v59 =	vadd.s32 v61, v62;
	v20 =	vld.idx.msk [tilespmem:v52+s14+$0x0], $0xffff;
	vm7 =	vgt.f32 v39, $0.0e+00  }
0x74: {  	v47 =	vshll.u32 v53, $0x1;
	v60 =	vld.idx.msk [tilespmem:v35+s14+$0x0], $0xffff;
	v53 =	vnsel vm7, s31, v19;
	v56 =	vadd.s32 v1, v56  }
0x75: {  	v62 =	vld.idx.msk [tilespmem:v58+s14+$0x0], $0xffff;
	v61 =	vadd.s32 v47, v53  }
0x76: {  	v47 =	vld.idx.msk [tilespmem:v34+s14+$0x0], $0xffff;
	v48 =	vadd.s32 v3, v48  }
0x77: {  	v53 =	vld.idx.msk [tilespmem:v35+s13+$0x0], $0xffff  }
0x78: {  	v63 =	vld.idx.msk [tilespmem:v59+s14+$0x0], $0xffff;
	v20 =	vadd.s32 v4, v20  }
0x79: {  	v60 =	vadd.s32 v5, v60;
	v56 =	vld.idx.msk [tilespmem:v56+s2+$0x0], $0xffff  }
0x7a: {  	v62 =	vadd.s32 v7, v62;
	v10 =	vld.idx.msk [tilespmem:v61+s14+$0x0], $0xffff  }
0x7b: {  	v48 =	vld.idx.msk [tilespmem:v48+s2+$0x0], $0xffff;
	v0 =	vadd.s32 v6, v47  }
0x7c: {  	v18 =	vld.idx.msk [tilespmem:v34+s13+$0x0], $0xffff  }
0x7d: {  	v14 =	vmov v2;
	v2 =	vld.idx.msk [tilespmem:v20+s2+$0x0], $0xffff  }
0x7e: {  	v63 =	vadd.s32 v8, v63;
	v60 =	vld.idx.msk [tilespmem:v60+s2+$0x0], $0xffff;
	v47 =	vsub.f32 v56, v55  }
0x7f: {  	v11 =	vlaneseq.u32;
	v29 =	vand.u32 $0x7FFFFFFF, v29;
	v62 =	vld.idx.msk [tilespmem:v62+s2+$0x0], $0xffff  }
0x80: {  	v10 =	vadd.s32 v9, v10;
	v0 =	vld.idx.msk [tilespmem:v0+s2+$0x0], $0xffff;
	v48 =	vsub.f32 v48, v57;
	vm8 =	vgt.f32 v47, $0.0e+00  }
0x81: {  	v28 =	vand.u32 $0x7FFFFFFF, v28;
	v54 =	vshll.u32 v54, $0x1;
	v55 =	vld.idx.msk [tilespmem:v58+s13+$0x0], $0xffff;
	v57 =	vnsel vm8, s31, v19  }
0x82: {  	v56 =	vld.idx.msk [tilespmem:v59+s13+$0x0], $0xffff;
	v49 =	vsub.f32 v2, v49;
	vm9 =	vgt.f32 v48, $0.0e+00;
	v54 =	vadd.s32 v54, v57  }
0x83: {  	v34 =	vshll.u32 v34, $0x1;
	v2 =	vld.idx.msk [tilespmem:v63+s2+$0x0], $0xffff;
	v63 =	vnsel vm9, s31, v19;
	v57 =	vshll.u32 v50, $0x1  }
0x84: {  	vm10 =	vgt.f32 v49, $0.0e+00;
	v50 =	vsub.f32 v60, v53;
	v60 =	vld.idx.msk [tilespmem:v61+s13+$0x0], $0xffff;
	v57 =	vadd.s32 v57, v63  }
0x85: {  	v53 =	vshll.u32 v52, $0x1;
	v10 =	vld.idx.msk [tilespmem:v10+s2+$0x0], $0xffff;
	v63 =	vnsel vm10, s31, v19;
	v52 =	vsub.f32 v0, v18  }
0x86: {  	v18 =	vshll.u32 v35, $0x1;
	vm11 =	vgt.f32 v50, $0.0e+00;
	v0 =	vadd.s32 v53, v63  }
0x87: {  	v53 =	vsub.f32 v62, v55;
	v63 =	vnsel vm11, s31, v19;
	vm12 =	vgt.f32 v52, $0.0e+00;
	v55 =	vld.idx.msk [tilespmem:v54+s13+$0x0], $0xffff  }
0x88: {  	v35 =	vsub.f32 v2, v56;
	v18 =	vadd.s32 v18, v63;
	v62 =	vnsel vm12, s31, v19;
	v2 =	vld.idx.msk [tilespmem:v54+s14+$0x0], $0xffff  }
0x89: {  	v58 =	vshll.u32 v58, $0x1;
	vm13 =	vgt.f32 v53, $0.0e+00;
	v56 =	vadd.s32 v34, v62;
	v62 =	vld.idx.msk [tilespmem:v57+s13+$0x0], $0xffff  }
0x8a: {  	vm14 =	vgt.f32 v35, $0.0e+00;
	v63 =	vnsel vm13, s31, v19;
	v34 =	vsub.f32 v10, v60;
	v10 =	vld.idx.msk [tilespmem:v57+s14+$0x0], $0xffff  }
0x8b: {  	v59 =	vshll.u32 v59, $0x1;
	v60 =	vnsel vm14, s31, v19;
	v58 =	vadd.s32 v58, v63;
	v63 =	vld.idx.msk [tilespmem:v0+s13+$0x0], $0xffff  }
0x8c: {  	v20 =	vor.u32 s29, v11;
	v59 =	vadd.s32 v59, v60;
	vm15 =	vgt.f32 v34, $0.0e+00;
	v60 =	vld.idx.msk [tilespmem:v0+s14+$0x0], $0xffff  }
0x8d: {  	v61 =	vshll.u32 v61, $0x1;
	v11 =	vnsel vm15, s31, v19;
	v12 =	vld.idx.msk [tilespmem:v18+s14+$0x0], $0xffff;
	v2 =	vadd.s32 v1, v2  }
0x8e: {  	v25 =	vand.u32 $0x7FFFFFFF, v25;
	v38 =	vand.u32 $0x7FFFFFFF, v38;
	v11 =	vadd.s32 v61, v11;
	v61 =	vld.idx.msk [tilespmem:v18+s13+$0x0], $0xffff  }
0x8f: {  	v29 =	vmin.f32 v29, v38;
	v38 =	vand.u32 $0x7FFFFFFF, v41;
	v41 =	vld.idx.msk [tilespmem:v56+s14+$0x0], $0xffff;
	v10 =	vadd.s32 v3, v10  }
0x90: {  	v26 =	vand.u32 $0x7FFFFFFF, v26;
	v43 =	vand.u32 $0x7FFFFFFF, v43;
	v13 =	vmin.f32 v28, v38;
	v38 =	vld.idx.msk [tilespmem:v58+s14+$0x0], $0xffff  }
0x91: {  	v27 =	vand.u32 $0x7FFFFFFF, v27;
	v43 =	vmin.f32 v25, v43;
	v25 =	vld.idx.msk [tilespmem:v59+s14+$0x0], $0xffff;
	v28 =	vadd.s32 v4, v60  }
0x92: {  	v40 =	vand.u32 $0x7FFFFFFF, v40;
	v44 =	vand.u32 $0x7FFFFFFF, v44;
	v12 =	vadd.s32 v5, v12;
	v2 =	vld.idx.msk [tilespmem:v2+s2+$0x0], $0xffff  }
0x93: {  	v40 =	vmin.f32 v26, v40;
	v44 =	vmin.f32 v27, v44;
	v26 =	vld.idx.msk [tilespmem:v11+s14+$0x0], $0xffff  }
0x94: {  	v27 =	vand.u32 $0x7FFFFFFF, v45;
	v60 =	vand.u32 $0x7FFFFFFF, v21;
	v41 =	vadd.s32 v6, v41;
	v10 =	vld.idx.msk [tilespmem:v10+s2+$0x0], $0xffff  }
0x95: {  	v24 =	vand.u32 $0x7FFFFFFF, v24;
	v60 =	vmin.f32 v60, v27;
	v27 =	vld.idx.msk [tilespmem:v56+s13+$0x0], $0xffff  }
0x96: {  	v42 =	vand.u32 $0x7FFFFFFF, v42;
	v46 =	vand.u32 $0x7FFFFFFF, v46;
	v38 =	vadd.s32 v7, v38;
	v28 =	vld.idx.msk [tilespmem:v28+s2+$0x0], $0xffff  }
0x97: {  	v45 =	vand.u32 $0x7FFFFFFF, v23;
	v25 =	vadd.s32 v8, v25;
	v12 =	vld.idx.msk [tilespmem:v12+s2+$0x0], $0xffff;
	v23 =	vsub.f32 v2, v55  }
0x98: {  	v2 =	vmin.f32 v45, v42;
	v42 =	vmin.f32 v24, v46;
	v55 =	vand.u32 $0x7FFFFFFF, v51;
	v46 =	vld.idx.msk [tilespmem:v58+s13+$0x0], $0xffff  }
0x99: {  	v41 =	vld.idx.msk [tilespmem:v41+s2+$0x0], $0xffff;
	v51 =	vadd.s32 v9, v26;
	v24 =	vsub.f32 v10, v62;
	vm4 =	vgt.f32 v23, $0.0e+00  }
0x9a: {  	v10 =	vmin.f32 v29, v55;
	v29 =	vld.idx.msk [tilespmem:v59+s13+$0x0], $0xffff;
	v55 =	vshll.u32 v54, $0x1;
	v62 =	vnsel vm4, s31, v19  }
0x9b: {  	v38 =	vld.idx.msk [tilespmem:v38+s2+$0x0], $0xffff;
	v26 =	vsub.f32 v28, v63;
	vm5 =	vgt.f32 v24, $0.0e+00;
	v45 =	vadd.s32 v55, v62  }
0x9c: {  	v0 =	vshll.u32 v0, $0x1;
	v54 =	vld.idx.msk [tilespmem:v25+s2+$0x0], $0xffff;
	v63 =	vshll.u32 v57, $0x1;
	v57 =	vnsel vm5, s31, v19  }
0x9d: {  	v25 =	vsub.f32 v12, v61;
	v12 =	vld.idx.msk [tilespmem:v11+s13+$0x0], $0xffff;
	vm6 =	vgt.f32 v26, $0.0e+00;
	v55 =	vadd.s32 v63, v57  }
0x9e: {  	v18 =	vshll.u32 v18, $0x1;
	v51 =	vld.idx.msk [tilespmem:v51+s2+$0x0], $0xffff;
	v61 =	vnsel vm6, s31, v19;
	v27 =	vsub.f32 v41, v27  }
0x9f: {  	v63 =	vshll.u32 v56, $0x1;
	vm7 =	vgt.f32 v25, $0.0e+00;
	v0 =	vadd.s32 v0, v61  }
0xa0: {  	v28 =	vsub.f32 v38, v46;
	v62 =	vnsel vm7, s31, v19;
	vm8 =	vgt.f32 v27, $0.0e+00;
	v41 =	vld.idx.msk [tilespmem:v45+s13+$0x0], $0xffff  }
0xa1: {  	v29 =	vsub.f32 v54, v29;
	v18 =	vadd.s32 v18, v62;
	v57 =	vnsel vm8, s31, v19;
	v54 =	vld.idx.msk [tilespmem:v45+s14+$0x0], $0xffff  }
0xa2: {  	v61 =	vshll.u32 v58, $0x1;
	vm9 =	vgt.f32 v28, $0.0e+00;
	v46 =	vadd.s32 v63, v57;
	v57 =	vld.idx.msk [tilespmem:v55+s13+$0x0], $0xffff  }
0xa3: {  	vm10 =	vgt.f32 v29, $0.0e+00;
	v62 =	vnsel vm9, s31, v19;
	v38 =	vsub.f32 v51, v12;
	v12 =	vld.idx.msk [tilespmem:v55+s14+$0x0], $0xffff  }
0xa4: {  	v63 =	vshll.u32 v59, $0x1;
	v51 =	vadd.s32 v61, v62;
	v61 =	vnsel vm10, s31, v19;
	v59 =	vld.idx.msk [tilespmem:v0+s13+$0x0], $0xffff  }
0xa5: {  	v32 =	vand.u32 $0x7FFFFFFF, v32;
	v56 =	vadd.s32 v63, v61;
	v58 =	vld.idx.msk [tilespmem:v0+s14+$0x0], $0xffff;
	vm11 =	vgt.f32 v38, $0.0e+00  }
0xa6: {  	v11 =	vshll.u32 v11, $0x1;
	v61 =	vnsel vm11, s31, v19;
	v62 =	vld.idx.msk [tilespmem:v18+s14+$0x0], $0xffff;
	v54 =	vadd.s32 v1, v54  }
0xa7: {  	v13 =	vmin.f32 v13, v32;
	v32 =	vld.idx.msk [tilespmem:v18+s13+$0x0], $0xffff;
	v11 =	vadd.s32 v11, v61  }
0xa8: {  	v30 =	vand.u32 $0x7FFFFFFF, v30;
	v31 =	vand.u32 $0x7FFFFFFF, v31;
	v61 =	vld.idx.msk [tilespmem:v46+s14+$0x0], $0xffff;
	v12 =	vadd.s32 v3, v12  }
0xa9: {  	v36 =	vand.u32 $0x7FFFFFFF, v36;
	v31 =	vmin.f32 v40, v31;
	v33 =	vand.u32 $0x7FFFFFFF, v33;
	v40 =	vld.idx.msk [tilespmem:v51+s14+$0x0], $0xffff  }
0xaa: {  	v30 =	vmin.f32 v43, v30;
	v33 =	vmin.f32 v44, v33;
	v43 =	vld.idx.msk [tilespmem:v56+s14+$0x0], $0xffff;
	v44 =	vadd.s32 v4, v58  }
0xab: {  	v37 =	vand.u32 $0x7FFFFFFF, v37;
	v39 =	vand.u32 $0x7FFFFFFF, v39;
	v36 =	vmin.f32 v60, v36;
	v54 =	vld.idx.msk [tilespmem:v54+s2+$0x0], $0xffff  }
0xac: {  	v2 =	vmin.f32 v2, v37;
	v37 =	vmin.f32 v42, v39;
	v58 =	vadd.s32 v5, v62;
	v39 =	vld.idx.msk [tilespmem:v11+s14+$0x0], $0xffff  }
0xad: {  	v60 =	vand.u32 $0x7FFFFFFF, v49;
	v63 =	vand.u32 $0x7FFFFFFF, v48;
	v48 =	vadd.s32 v6, v61;
	v12 =	vld.idx.msk [tilespmem:v12+s2+$0x0], $0xffff  }
0xae: {  	v42 =	vmin.f32 v30, v60;
	v0 =	vshll.u32 v0, $0x1;
	v13 =	vmin.f32 v13, v63;
	v49 =	vld.idx.msk [tilespmem:v51+s13+$0x0], $0xffff  }
0xaf: {  	v18 =	vshll.u32 v18, $0x1;
	v62 =	vand.u32 $0x7FFFFFFF, v47;
	v40 =	vadd.s32 v7, v40;
	v44 =	vld.idx.msk [tilespmem:v44+s2+$0x0], $0xffff  }
0xb0: {  	v47 =	vld.idx.msk [tilespmem:v46+s13+$0x0], $0xffff;
	v61 =	vand.u32 $0x7FFFFFFF, v50;
	v43 =	vadd.s32 v8, v43;
	v41 =	vsub.f32 v54, v41  }
0xb1: {  	v10 =	vmin.f32 v10, v62;
	v62 =	vand.u32 $0x7FFFFFFF, v52;
	v31 =	vmin.f32 v31, v61;
	v63 =	vld.idx.msk [tilespmem:v58+s2+$0x0], $0xffff  }
0xb2: {  	v48 =	vld.idx.msk [tilespmem:v48+s2+$0x0], $0xffff;
	v39 =	vadd.s32 v9, v39;
	v12 =	vsub.f32 v12, v57;
	vm12 =	vgt.f32 v41, $0.0e+00  }
0xb3: {  	v52 =	vld.idx.msk [tilespmem:v56+s13+$0x0], $0xffff;
	v33 =	vmin.f32 v33, v62;
	v58 =	vshll.u32 v45, $0x1;
	v60 =	vnsel vm12, s31, v19  }
0xb4: {  	v40 =	vld.idx.msk [tilespmem:v40+s2+$0x0], $0xffff;
	v44 =	vsub.f32 v44, v59;
	vm13 =	vgt.f32 v12, $0.0e+00;
	v45 =	vadd.s32 v58, v60  }
0xb5: {  	v61 =	vshll.u32 v55, $0x1;
	v54 =	vand.u32 $0x7FFFFFFF, v53;
	v43 =	vld.idx.msk [tilespmem:v43+s2+$0x0], $0xffff;
	v62 =	vnsel vm13, s31, v19  }
0xb6: {  	v32 =	vsub.f32 v63, v32;
	v63 =	vld.idx.msk [tilespmem:v11+s13+$0x0], $0xffff;
	vm14 =	vgt.f32 v44, $0.0e+00;
	v53 =	vadd.s32 v61, v62  }
0xb7: {  	v36 =	vmin.f32 v36, v54;
	v39 =	vld.idx.msk [tilespmem:v39+s2+$0x0], $0xffff;
	v54 =	vnsel vm14, s31, v19;
	v47 =	vsub.f32 v48, v47  }
0xb8: {  	v46 =	vshll.u32 v46, $0x1;
	vm15 =	vgt.f32 v32, $0.0e+00;
	v0 =	vadd.s32 v0, v54  }
0xb9: {  	v30 =	vsub.f32 v40, v49;
	v55 =	vnsel vm15, s31, v19;
	vm4 =	vgt.f32 v47, $0.0e+00;
	v40 =	vld.idx.msk [tilespmem:v45+s13+$0x0], $0xffff  }
0xba: {  	v43 =	vsub.f32 v43, v52;
	v18 =	vadd.s32 v18, v55;
	v57 =	vnsel vm4, s31, v19;
	v49 =	vld.idx.msk [tilespmem:v45+s14+$0x0], $0xffff  }
0xbb: {  	v58 =	vshll.u32 v51, $0x1;
	vm5 =	vgt.f32 v30, $0.0e+00;
	v46 =	vadd.s32 v46, v57;
	v51 =	vld.idx.msk [tilespmem:v53+s13+$0x0], $0xffff  }
0xbc: {  	v59 =	vnsel vm5, s31, v19;
	vm6 =	vgt.f32 v43, $0.0e+00;
	v39 =	vsub.f32 v39, v63;
	v50 =	vld.idx.msk [tilespmem:v53+s14+$0x0], $0xffff  }
0xbd: {  	v60 =	vshll.u32 v56, $0x1;
	v48 =	vadd.s32 v58, v59;
	v61 =	vnsel vm6, s31, v19;
	v55 =	vld.idx.msk [tilespmem:v0+s13+$0x0], $0xffff  }
0xbe: {  	v35 =	vand.u32 $0x7FFFFFFF, v35;
	v52 =	vadd.s32 v60, v61;
	v54 =	vld.idx.msk [tilespmem:v0+s14+$0x0], $0xffff;
	vm7 =	vgt.f32 v39, $0.0e+00  }
0xbf: {  	v11 =	vshll.u32 v11, $0x1;
	v62 =	vnsel vm7, s31, v19;
	v63 =	vld.idx.msk [tilespmem:v18+s14+$0x0], $0xffff;
	v49 =	vadd.s32 v1, v49  }
0xc0: {  	v34 =	vand.u32 $0x7FFFFFFF, v34;
	v2 =	vmin.f32 v2, v35;
	v35 =	vld.idx.msk [tilespmem:v18+s13+$0x0], $0xffff;
	v11 =	vadd.s32 v11, v62  }
0xc1: {  	v34 =	vmin.f32 v37, v34;
	v37 =	vld.idx.msk [tilespmem:v46+s14+$0x0], $0xffff;
	v50 =	vadd.s32 v3, v50  }
0xc2: {  	v23 =	vand.u32 $0x7FFFFFFF, v23;
	v25 =	vand.u32 $0x7FFFFFFF, v25;
	v27 =	vand.u32 $0x7FFFFFFF, v27;
	v61 =	vld.idx.msk [tilespmem:v48+s14+$0x0], $0xffff  }
0xc3: {  	v29 =	vand.u32 $0x7FFFFFFF, v29;
	v59 =	vand.u32 $0x7FFFFFFF, v24;
	v24 =	vld.idx.msk [tilespmem:v52+s14+$0x0], $0xffff;
	v62 =	vadd.s32 v4, v54  }
0xc4: {  	v28 =	vand.u32 $0x7FFFFFFF, v28;
	v2 =	vmin.f32 v2, v29;
	v10 =	vmin.f32 v10, v23;
	v49 =	vld.idx.msk [tilespmem:v49+s2+$0x0], $0xffff  }
0xc5: {  	v25 =	vmin.f32 v31, v25;
	v27 =	vmin.f32 v33, v27;
	v63 =	vadd.s32 v5, v63;
	v56 =	vld.idx.msk [tilespmem:v11+s14+$0x0], $0xffff  }
0xc6: {  	v28 =	vmin.f32 v36, v28;
	v57 =	vand.u32 $0x7FFFFFFF, v38;
	v37 =	vadd.s32 v6, v37;
	v58 =	vld.idx.msk [tilespmem:v50+s2+$0x0], $0xffff  }
0xc7: {  	v12 =	vand.u32 $0x7FFFFFFF, v12;
	v29 =	vmin.f32 v34, v57;
	v60 =	vand.u32 $0x7FFFFFFF, v26;
	v33 =	vld.idx.msk [tilespmem:v46+s13+$0x0], $0xffff  }
0xc8: {  	v13 =	vmin.f32 v13, v59;
	v23 =	vmin.f32 v42, v60;
	v26 =	vadd.s32 v7, v61;
	v60 =	vld.idx.msk [tilespmem:v62+s2+$0x0], $0xffff  }
0xc9: {  	v59 =	vand.u32 $0x7FFFFFFF, v41;
	v50 =	vld.idx.msk [tilespmem:v52+s13+$0x0], $0xffff;
	v24 =	vadd.s32 v8, v24;
	v40 =	vsub.f32 v49, v40  }
0xca: {  	v0 =	vshll.u32 v0, $0x1;
	v10 =	vmin.f32 v10, v59;
	v12 =	vmin.f32 v13, v12;
	v62 =	vld.idx.msk [tilespmem:v63+s2+$0x0], $0xffff  }
0xcb: {  	v49 =	vld.idx.msk [tilespmem:v37+s2+$0x0], $0xffff;
	v31 =	vadd.s32 v9, v56;
	v37 =	vsub.f32 v58, v51;
	vm8 =	vgt.f32 v40, $0.0e+00  }
0xcc: {  	v18 =	vshll.u32 v18, $0x1;
	v63 =	vld.idx.msk [tilespmem:v48+s13+$0x0], $0xffff;
	v51 =	vshll.u32 v45, $0x1;
	v54 =	vnsel vm8, s31, v19  }
0xcd: {  	v26 =	vld.idx.msk [tilespmem:v26+s2+$0x0], $0xffff;
	v36 =	vsub.f32 v60, v55;
	vm9 =	vgt.f32 v37, $0.0e+00;
	v41 =	vadd.s32 v51, v54  }
0xce: {  	v61 =	vand.u32 $0x7FFFFFFF, v44;
	v24 =	vld.idx.msk [tilespmem:v24+s2+$0x0], $0xffff;
	v55 =	vshll.u32 v53, $0x1;
	v56 =	vnsel vm9, s31, v19  }
0xcf: {  	v57 =	vld.idx.msk [tilespmem:v11+s13+$0x0], $0xffff;
	v35 =	vsub.f32 v62, v35;
	vm10 =	vgt.f32 v36, $0.0e+00;
	v44 =	vadd.s32 v55, v56  }
0xd0: {  	v13 =	vmin.f32 v23, v61;
	v31 =	vld.idx.msk [tilespmem:v31+s2+$0x0], $0xffff;
	v58 =	vnsel vm10, s31, v19;
	v33 =	vsub.f32 v49, v33  }
0xd1: {  	v60 =	vshll.u32 v46, $0x1;
	vm11 =	vgt.f32 v35, $0.0e+00;
	v0 =	vadd.s32 v0, v58  }
0xd2: {  	v23 =	vsub.f32 v26, v63;
	v59 =	vnsel vm11, s31, v19;
	vm12 =	vgt.f32 v33, $0.0e+00;
	v26 =	vld.idx.msk [tilespmem:v41+s13+$0x0], $0xffff  }
0xd3: {  	v24 =	vsub.f32 v24, v50;
	v18 =	vadd.s32 v18, v59;
	v61 =	vnsel vm12, s31, v19;
	v62 =	vld.idx.msk [tilespmem:v41+s14+$0x0], $0xffff  }
0xd4: {  	v63 =	vshll.u32 v48, $0x1;
	vm13 =	vgt.f32 v23, $0.0e+00;
	v34 =	vadd.s32 v60, v61;
	v46 =	vld.idx.msk [tilespmem:v44+s13+$0x0], $0xffff  }
0xd5: {  	v53 =	vnsel vm13, s31, v19;
	vm14 =	vgt.f32 v24, $0.0e+00;
	v31 =	vsub.f32 v31, v57;
	v54 =	vld.idx.msk [tilespmem:v44+s14+$0x0], $0xffff  }
0xd6: {  	v55 =	vshll.u32 v52, $0x1;
	v45 =	vadd.s32 v63, v53;
	v56 =	vnsel vm14, s31, v19;
	v50 =	vld.idx.msk [tilespmem:v0+s13+$0x0], $0xffff  }
0xd7: {  	v21 =	vadd.s32 $0xFFFFFF01, v22;
	v48 =	vadd.s32 v55, v56;
	v57 =	vld.idx.msk [tilespmem:v0+s14+$0x0], $0xffff;
	vm15 =	vgt.f32 v31, $0.0e+00  }
0xd8: {  	v11 =	vshll.u32 v11, $0x1;
	v19 =	vnsel vm15, s31, v19;
	v51 =	vld.idx.msk [tilespmem:v18+s13+$0x0], $0xffff;
	v38 =	vadd.s32 v1, v62  }
0xd9: {  	v22 =	vadd.s32 $0xFFFFFF02, v22;
	v32 =	vand.u32 $0x7FFFFFFF, v32;
	v11 =	vadd.s32 v11, v19;
	v19 =	vld.idx.msk [tilespmem:v18+s14+$0x0], $0xffff  }
0xda: {  	v47 =	vand.u32 $0x7FFFFFFF, v47;
	v25 =	vmin.f32 v25, v32;
	v59 =	vld.idx.msk [tilespmem:v34+s14+$0x0], $0xffff;
	v42 =	vadd.s32 v3, v54  }
0xdb: {  	v27 =	vmin.f32 v27, v47;
	v30 =	vand.u32 $0x7FFFFFFF, v30;
	v36 =	vand.u32 $0x7FFFFFFF, v36;
	v61 =	vld.idx.msk [tilespmem:v45+s14+$0x0], $0xffff  }
0xdc: {  	v28 =	vmin.f32 v28, v30;
	v13 =	vmin.f32 v13, v36;
	v63 =	vld.idx.msk [tilespmem:v48+s14+$0x0], $0xffff;
	v49 =	vadd.s32 v4, v57  }
0xdd: {  	v58 =	vand.u32 $0x7FFFFFFF, v43;
	v35 =	vand.u32 $0x7FFFFFFF, v35;
	v43 =	vshll.u32 v41, $0x1;
	v52 =	vld.idx.msk [tilespmem:v38+s2+$0x0], $0xffff  }
0xde: {  	v2 =	vmin.f32 v2, v58;
	v25 =	vmin.f32 v25, v35;
	v33 =	vand.u32 $0x7FFFFFFF, v33;
	v53 =	vld.idx.msk [tilespmem:v11+s14+$0x0], $0xffff  }
0xdf: {  	v27 =	vmin.f32 v27, v33;
	v23 =	vand.u32 $0x7FFFFFFF, v23;
	v19 =	vadd.s32 v5, v19;
	v54 =	vld.idx.msk [tilespmem:v42+s2+$0x0], $0xffff  }
0xe0: {  	v60 =	vand.u32 $0x7FFFFFFF, v39;
	v23 =	vmin.f32 v28, v23;
	v33 =	vld.idx.msk [tilespmem:v34+s13+$0x0], $0xffff;
	v55 =	vadd.s32 v6, v59  }
0xe1: {  	v24 =	vand.u32 $0x7FFFFFFF, v24;
	v29 =	vmin.f32 v29, v60;
	v32 =	vadd.s32 v7, v61;
	v56 =	vld.idx.msk [tilespmem:v49+s2+$0x0], $0xffff  }
0xe2: {  	v2 =	vmin.f32 v2, v24;
	v0 =	vshll.u32 v0, $0x1;
	v58 =	vld.idx.msk [tilespmem:v45+s13+$0x0], $0xffff;
	v59 =	vadd.s32 v8, v63  }
0xe3: {  	v62 =	vand.u32 $0x7FFFFFFF, v40;
	v18 =	vshll.u32 v18, $0x1;
	v61 =	vld.idx.msk [tilespmem:v48+s13+$0x0], $0xffff;
	v26 =	vsub.f32 v52, v26  }
0xe4: {  	v57 =	vand.u32 $0x7FFFFFFF, v31;
	v19 =	vld.idx.msk [tilespmem:v19+s2+$0x0], $0xffff;
	v60 =	vadd.s32 v9, v53;
	v63 =	vsub.f32 v54, v46  }
0xe5: {  	v10 =	vmin.f32 v10, v62;
	v24 =	vmin.f32 v29, v57;
	v42 =	vld.idx.msk [tilespmem:v55+s2+$0x0], $0xffff;
	v62 =	vand.u32 $0x7FFFFFFF, v26  }
0xe6: {  	v32 =	vld.idx.msk [tilespmem:v32+s2+$0x0], $0xffff;
	vm4 =	vgt.f32 v26, $0.0e+00;
	v28 =	vsub.f32 v56, v50;
	vm5 =	vgt.f32 v63, $0.0e+00  }
0xe7: {  	v50 =	vshll.u32 v44, $0x1;
	v52 =	vld.idx.msk [tilespmem:v59+s2+$0x0], $0xffff;
	v56 =	vshll.u32 v34, $0x1;
	v53 =	vsel vm5, v22, v21  }
0xe8: {  	v49 =	vld.idx.msk [tilespmem:v11+s13+$0x0], $0xffff;
	v10 =	vmin.f32 v10, v62;
	v46 =	vsel vm4, v22, v21;
	v29 =	vadd.s32 v50, v53  }
0xe9: {  	v47 =	vand.u32 $0x7FFFFFFF, v63;
	v36 =	vadd.s32 v43, v46;
	vm6 =	vgt.f32 v28, $0.0e+00;
	v30 =	vld.idx.msk [tilespmem:v60+s2+$0x0], $0xffff  }
0xea: {  	v19 =	vsub.f32 v19, v51;
	v54 =	vsel vm6, v22, v21;
	v33 =	vsub.f32 v42, v33  }
0xeb: {  	v0 =	vadd.s32 v0, v54;
	v31 =	vsub.f32 v32, v58;
	v58 =	vshll.u32 v45, $0x1  }
0xec: {  	vm7 =	vgt.f32 v19, $0.0e+00;
	vm8 =	vgt.f32 v33, $0.0e+00;
	v26 =	vsub.f32 v52, v61  }
0xed: {  	v61 =	vshll.u32 v48, $0x1;
	v55 =	vsel vm7, v22, v21;
	v57 =	vsel vm8, v22, v21;
	v63 =	vld.idx.msk [tilespmem:v29+s15+$0x0], $0xffff  }
0xee: {  	vm9 =	vgt.f32 v31, $0.0e+00;
	v18 =	vadd.s32 v18, v55;
	v30 =	vsub.f32 v30, v49;
	v29 =	vld [tilespmem:$0x1FFA0]  }
0xef: {  	v59 =	vsel vm9, v22, v21;
	v32 =	vadd.s32 v56, v57;
	vm10 =	vgt.f32 v26, $0.0e+00  }
0xf0: {  	v42 =	vld [tilespmem:$0x1FFB0];
	v60 =	vadd.s32 v58, v59;
	v62 =	vsel vm10, v22, v21;
	vm11 =	vgt.f32 v30, $0.0e+00  }
0xf1: {  	v11 =	vshll.u32 v11, $0x1;
	v36 =	vld.idx.msk [tilespmem:v36+s15+$0x0], $0xffff;
	v35 =	vadd.s32 v61, v62;
	v21 =	vsel vm11, v22, v21  }
0xf2: {  	v0 =	vld.idx.msk [tilespmem:v0+s15+$0x0], $0xffff;
	v11 =	vadd.s32 v11, v21  }
0xf3: {  	v18 =	vld.idx.msk [tilespmem:v18+s15+$0x0], $0xffff;
	v20 =	vand.u32 v29, v20  }
0xf4: {  	v37 =	vand.u32 $0x7FFFFFFF, v37;
	v40 =	vor.u32 s29, v15;
	v39 =	vld.idx.msk [tilespmem:v32+s15+$0x0], $0xffff  }
0xf5: {  	v12 =	vmin.f32 v12, v37;
	v41 =	vld.idx.msk [tilespmem:v60+s15+$0x0], $0xffff  }
0xf6: {  	v12 =	vmin.f32 v12, v47;
	v10 =	vmul.f32 v36, v10;
	v43 =	vld.idx.msk [tilespmem:v35+s15+$0x0], $0xffff  }
0xf7: {  	v19 =	vand.u32 $0x7FFFFFFF, v19;
	v12 =	vmul.f32 v63, v12;
	v11 =	vld.idx.msk [tilespmem:v11+s15+$0x0], $0xffff  }
0xf8: {  	v19 =	vmin.f32 v25, v19;
	[tilespmem:v20+s20+$0x0] =	vst.idx.msk $0xffff, v10;
	v10 =	vld [tilespmem:$0x1FFC0]  }
0xf9: {  	v37 =	vand.u32 $0x7FFFFFFF, v33;
	[tilespmem:v40+s20+$0x0] =	vst.idx.msk $0xffff, v12;
	v12 =	vmul.f32 v18, v19;
	v18 =	vld [tilespmem:$0x1FFD0]  }
0xfa: {  	s31 =	sadd.s32 $0x100, s26;
	v44 =	vor.u32 s29, v17;
	v21 =	vmin.f32 v27, v37;
	v27 =	vor.u32 s29, v42;
	v19 =	vld [tilespmem:$0x1FFE0]  }
0xfb: {  	v28 =	vand.u32 $0x7FFFFFFF, v28;
	v46 =	vmov s31;
	v38 =	vand.u32 $0x7FFFFFFF, v31  }
0xfc: {  	v13 =	vmin.f32 v13, v28;
	v45 =	vor.u32 s29, v16;
	v23 =	vmin.f32 v23, v38  }
0xfd: {  	v0 =	vmul.f32 v0, v13;
	v13 =	vshrl.u32 v46, $0x3;
	v10 =	vor.u32 s29, v10  }
0xfe: {  	v26 =	vand.u32 $0x7FFFFFFF, v26;
	v13 =	vshll.u32 v13, v14;
	v18 =	vor.u32 s29, v18  }
0xff: {  	v13 =	vbroadcast v13, $0x0;
	[tilespmem:v27+s20+$0x0] =	vst.idx.msk $0xffff, v0;
	v0 =	vmul.f32 v39, v21;
	v19 =	vor.u32 s29, v19  }
0x100: {  	v2 =	vmin.f32 v2, v26;
	v47 =	vand.u32 $0x7FFFFFFF, v30;
	[tilespmem:v44+s20+$0x0] =	vst.idx.msk $0xffff, v12;
	v12 =	vmul.f32 v41, v23  }
0x101: {  	v20 =	vmin.f32 v24, v47;
	[tilespmem:v45+s20+$0x0] =	vst.idx.msk $0xffff, v0;
	v0 =	vmul.f32 v43, v2  }
0x102: {  	v2 =	vmul.f32 v11, v20;
	[tilespmem:v10+s20+$0x0] =	vst.idx.msk $0xffff, v12  }
0x103: {  	[tilespmem:v18+s20+$0x0] =	vst.idx.msk $0xffff, v0  }
0x104: {  	[tilespmem:v19+s20+$0x0] =	vst.idx.msk $0xffff, v2  }
0x105: {  	v0 =	vld.idx.msk [tilespmem:v13+s14+$0x0], $0xffff;
	_ =	sdelay $0x4  }
0x106: {  	v2 =	vadd.s32 v1, v0;
	_ =	sdelay $0x1  }
0x107: {  	v10 =	vadd.s32 v3, v0;
	_ =	sdelay $0x1  }
0x108: {  	v11 =	vld.idx.msk [tilespmem:v13+s13+$0x0], $0xffff;
	v12 =	vadd.s32 v4, v0  }
0x109: {  	v2 =	vld.idx.msk [tilespmem:v2+s2+$0x0], $0xffff  }
0x10a: {  	v13 =	vadd.s32 v5, v0  }
0x10b: {  	v19 =	vadd.s32 v7, v0;
	v10 =	vld.idx.msk [tilespmem:v10+s2+$0x0], $0xffff  }
0x10c: {  	v18 =	vadd.s32 v6, v0  }
0x10d: {  	v12 =	vld.idx.msk [tilespmem:v12+s2+$0x0], $0xffff  }
0x10e: {  	s31 =	sadd.s32 $0x101, s26;
	v49 =	vadd.s32 v8, v0;
	v24 =	vsub.f32 v2, v11  }
0x10f: {  	v48 =	vmov s31;
	v0 =	vadd.s32 v9, v0;
	v13 =	vld.idx.msk [tilespmem:v13+s2+$0x0], $0xffff  }
0x110: {  	v19 =	vld.idx.msk [tilespmem:v19+s2+$0x0], $0xffff;
	v2 =	vadd.s32 $0x1, v48;
	v25 =	vsub.f32 v10, v11;
	vm12 =	vgt.f32 v24, $0.0e+00  }
0x111: {  	v10 =	vld.idx.msk [tilespmem:v18+s2+$0x0], $0xffff;
	v18 =	vnsel vm12, s31, v2  }
0x112: {  	v26 =	vsub.f32 v12, v11;
	vm13 =	vgt.f32 v25, $0.0e+00  }
0x113: {  	v12 =	vld.idx.msk [tilespmem:v49+s2+$0x0], $0xffff;
	v50 =	vnsel vm13, s31, v2  }
0x114: {  	v0 =	vld.idx.msk [tilespmem:v0+s2+$0x0], $0xffff;
	v27 =	vsub.f32 v13, v11;
	vm14 =	vgt.f32 v26, $0.0e+00  }
0x115: {  	v13 =	vnsel vm14, s31, v2  }
0x116: {  	v21 =	vsub.f32 v19, v11;
	vm15 =	vgt.f32 v27, $0.0e+00;
	v22 =	vsub.f32 v10, v11;
	v10 =	vld.idx.msk [tilespmem:v18+s13+$0x0], $0xffff  }
0x117: {  	v30 =	vnsel vm15, s31, v2;
	v19 =	vld.idx.msk [tilespmem:v18+s14+$0x0], $0xffff  }
0x118: {  	vm5 =	vgt.f32 v21, $0.0e+00;
	v23 =	vsub.f32 v12, v11;
	v12 =	vld.idx.msk [tilespmem:v50+s13+$0x0], $0xffff  }
0x119: {  	v28 =	vsub.f32 v0, v11;
	v0 =	vnsel vm5, s31, v2;
	vm4 =	vgt.f32 v22, $0.0e+00;
	v51 =	vld.idx.msk [tilespmem:v50+s14+$0x0], $0xffff  }
0x11a: {  	vm6 =	vgt.f32 v23, $0.0e+00;
	v31 =	vnsel vm4, s31, v2;
	v11 =	vld.idx.msk [tilespmem:v13+s13+$0x0], $0xffff  }
0x11b: {  	vm7 =	vgt.f32 v28, $0.0e+00;
	v32 =	vnsel vm6, s31, v2;
	v52 =	vld.idx.msk [tilespmem:v13+s14+$0x0], $0xffff  }
0x11c: {  	v53 =	vld.idx.msk [tilespmem:v30+s14+$0x0], $0xffff;
	v2 =	vnsel vm7, s31, v2  }
0x11d: {  	v54 =	vld.idx.msk [tilespmem:v30+s13+$0x0], $0xffff;
	v19 =	vadd.s32 v1, v19  }
0x11e: {  	v56 =	vld.idx.msk [tilespmem:v0+s14+$0x0], $0xffff  }
0x11f: {  	v55 =	vld.idx.msk [tilespmem:v31+s14+$0x0], $0xffff;
	v20 =	vadd.s32 v3, v51  }
0x120: {  	v57 =	vld.idx.msk [tilespmem:v32+s14+$0x0], $0xffff  }
0x121: {  	v33 =	vadd.s32 v4, v52;
	v59 =	vld.idx.msk [tilespmem:v2+s14+$0x0], $0xffff  }
0x122: {  	v34 =	vadd.s32 v5, v53;
	v58 =	vld.idx.msk [tilespmem:v19+s2+$0x0], $0xffff  }
0x123: {  	v61 =	vld.idx.msk [tilespmem:v31+s13+$0x0], $0xffff;
	v37 =	vadd.s32 v7, v56  }
0x124: {  	v60 =	vld.idx.msk [tilespmem:v20+s2+$0x0], $0xffff  }
0x125: {  	v29 =	vshll.u32 v50, $0x1;
	v50 =	vld.idx.msk [tilespmem:v2+s13+$0x0], $0xffff;
	v36 =	vadd.s32 v6, v55  }
0x126: {  	v33 =	vld.idx.msk [tilespmem:v33+s2+$0x0], $0xffff  }
0x127: {  	v34 =	vld.idx.msk [tilespmem:v34+s2+$0x0], $0xffff;
	v62 =	vadd.s32 v8, v57;
	v38 =	vsub.f32 v58, v10  }
0x128: {  	v19 =	vmov s28;
	v63 =	vadd.s32 v9, v59;
	v37 =	vld.idx.msk [tilespmem:v37+s2+$0x0], $0xffff  }
0x129: {  	v20 =	vadd.s32 $0x1, v19;
	v10 =	vld.idx.msk [tilespmem:v0+s13+$0x0], $0xffff;
	v39 =	vsub.f32 v60, v12;
	vm8 =	vgt.f32 v38, $0.0e+00  }
0x12a: {  	v18 =	vshll.u32 v18, $0x1;
	v36 =	vld.idx.msk [tilespmem:v36+s2+$0x0], $0xffff;
	v48 =	vnsel vm8, s28, v20  }
0x12b: {  	v12 =	vld.idx.msk [tilespmem:v32+s13+$0x0], $0xffff;
	v40 =	vsub.f32 v33, v11;
	vm9 =	vgt.f32 v39, $0.0e+00;
	v18 =	vadd.s32 v18, v48  }
0x12c: {  	v13 =	vshll.u32 v13, $0x1;
	v30 =	vshll.u32 v30, $0x1;
	v11 =	vld.idx.msk [tilespmem:v62+s2+$0x0], $0xffff;
	v49 =	vnsel vm9, s28, v20  }
0x12d: {  	v43 =	vsub.f32 v34, v54;
	v51 =	vld.idx.msk [tilespmem:v63+s2+$0x0], $0xffff;
	vm10 =	vgt.f32 v40, $0.0e+00;
	v33 =	vadd.s32 v29, v49  }
0x12e: {  	v54 =	vshll.u32 v31, $0x1;
	v0 =	vshll.u32 v0, $0x1;
	v52 =	vnsel vm10, s28, v20  }
0x12f: {  	vm11 =	vgt.f32 v43, $0.0e+00;
	v13 =	vadd.s32 v13, v52;
	v44 =	vsub.f32 v36, v61  }
0x130: {  	v58 =	vshll.u32 v32, $0x1;
	v53 =	vnsel vm11, s28, v20;
	v41 =	vsub.f32 v37, v10;
	v10 =	vld.idx.msk [tilespmem:v18+s13+$0x0], $0xffff  }
0x131: {  	v35 =	vadd.s32 v30, v53;
	v42 =	vsub.f32 v11, v12;
	vm12 =	vgt.f32 v44, $0.0e+00;
	v11 =	vld.idx.msk [tilespmem:v18+s14+$0x0], $0xffff  }
0x132: {  	v45 =	vsub.f32 v51, v50;
	vm13 =	vgt.f32 v41, $0.0e+00;
	v55 =	vnsel vm12, s28, v20;
	v30 =	vld.idx.msk [tilespmem:v33+s13+$0x0], $0xffff  }
0x133: {  	vm14 =	vgt.f32 v42, $0.0e+00;
	v56 =	vnsel vm13, s28, v20;
	v12 =	vadd.s32 v54, v55;
	v57 =	vld.idx.msk [tilespmem:v33+s14+$0x0], $0xffff  }
0x134: {  	vm15 =	vgt.f32 v45, $0.0e+00;
	v59 =	vnsel vm14, s28, v20;
	v0 =	vadd.s32 v0, v56;
	v34 =	vld.idx.msk [tilespmem:v13+s13+$0x0], $0xffff  }
0x135: {  	v2 =	vshll.u32 v2, $0x1;
	v61 =	vnsel vm15, s28, v20;
	v32 =	vadd.s32 v58, v59;
	v60 =	vld.idx.msk [tilespmem:v13+s14+$0x0], $0xffff  }
0x136: {  	v62 =	vld.idx.msk [tilespmem:v35+s14+$0x0], $0xffff;
	v2 =	vadd.s32 v2, v61  }
0x137: {  	v63 =	vld.idx.msk [tilespmem:v35+s13+$0x0], $0xffff;
	v11 =	vadd.s32 v1, v11  }
0x138: {  	v53 =	vld.idx.msk [tilespmem:v12+s14+$0x0], $0xffff  }
0x139: {  	v29 =	vadd.s32 v3, v57;
	v54 =	vld.idx.msk [tilespmem:v0+s14+$0x0], $0xffff  }
0x13a: {  	v55 =	vld.idx.msk [tilespmem:v32+s14+$0x0], $0xffff  }
0x13b: {  	v31 =	vadd.s32 v4, v60;
	v56 =	vld.idx.msk [tilespmem:v2+s14+$0x0], $0xffff  }
0x13c: {  	v37 =	vadd.s32 v5, v62;
	v11 =	vld.idx.msk [tilespmem:v11+s2+$0x0], $0xffff  }
0x13d: {  	v57 =	vld.idx.msk [tilespmem:v12+s13+$0x0], $0xffff  }
0x13e: {  	v29 =	vld.idx.msk [tilespmem:v29+s2+$0x0], $0xffff;
	v46 =	vadd.s32 v6, v53  }
0x13f: {  	v60 =	vld.idx.msk [tilespmem:v32+s13+$0x0], $0xffff;
	v58 =	vadd.s32 v7, v54  }
0x140: {  	v31 =	vld.idx.msk [tilespmem:v31+s2+$0x0], $0xffff;
	v48 =	vadd.s32 v8, v55  }
0x141: {  	v37 =	vld.idx.msk [tilespmem:v37+s2+$0x0], $0xffff;
	v47 =	vsub.f32 v11, v10  }
0x142: {  	v59 =	vadd.s32 v9, v56;
	v10 =	vld.idx.msk [tilespmem:v0+s13+$0x0], $0xffff  }
0x143: {  	v11 =	vld.idx.msk [tilespmem:v46+s2+$0x0], $0xffff;
	v29 =	vsub.f32 v29, v30;
	vm4 =	vgt.f32 v47, $0.0e+00  }
0x144: {  	v18 =	vshll.u32 v18, $0x1;
	v33 =	vshll.u32 v33, $0x1;
	v51 =	vld.idx.msk [tilespmem:v58+s2+$0x0], $0xffff;
	v61 =	vnsel vm4, s28, v20  }
0x145: {  	v30 =	vsub.f32 v31, v34;
	v48 =	vld.idx.msk [tilespmem:v48+s2+$0x0], $0xffff;
	vm5 =	vgt.f32 v29, $0.0e+00;
	v18 =	vadd.s32 v18, v61  }
0x146: {  	v13 =	vshll.u32 v13, $0x1;
	v31 =	vsub.f32 v37, v63;
	v63 =	vld.idx.msk [tilespmem:v2+s13+$0x0], $0xffff;
	v62 =	vnsel vm5, s28, v20  }
0x147: {  	v12 =	vshll.u32 v12, $0x1;
	v46 =	vld.idx.msk [tilespmem:v59+s2+$0x0], $0xffff;
	vm6 =	vgt.f32 v30, $0.0e+00;
	v52 =	vadd.s32 v33, v62  }
0x148: {  	v32 =	vshll.u32 v32, $0x1;
	v0 =	vshll.u32 v0, $0x1;
	v54 =	vnsel vm6, s28, v20  }
0x149: {  	vm7 =	vgt.f32 v31, $0.0e+00;
	v34 =	vsub.f32 v11, v57;
	v11 =	vadd.s32 v13, v54  }
0x14a: {  	v55 =	vnsel vm7, s28, v20;
	v13 =	vshll.u32 v35, $0x1;
	v33 =	vsub.f32 v51, v10;
	v10 =	vld.idx.msk [tilespmem:v18+s13+$0x0], $0xffff  }
0x14b: {  	v36 =	vsub.f32 v48, v60;
	v13 =	vadd.s32 v13, v55;
	vm8 =	vgt.f32 v34, $0.0e+00;
	v57 =	vld.idx.msk [tilespmem:v18+s14+$0x0], $0xffff  }
0x14c: {  	v37 =	vsub.f32 v46, v63;
	vm9 =	vgt.f32 v33, $0.0e+00;
	v56 =	vnsel vm8, s28, v20;
	v35 =	vld.idx.msk [tilespmem:v52+s13+$0x0], $0xffff  }
0x14d: {  	vm10 =	vgt.f32 v36, $0.0e+00;
	v58 =	vnsel vm9, s28, v20;
	v12 =	vadd.s32 v12, v56;
	v59 =	vld.idx.msk [tilespmem:v52+s14+$0x0], $0xffff  }
0x14e: {  	vm11 =	vgt.f32 v37, $0.0e+00;
	v60 =	vnsel vm10, s28, v20;
	v0 =	vadd.s32 v0, v58;
	v50 =	vld.idx.msk [tilespmem:v11+s13+$0x0], $0xffff  }
0x14f: {  	v2 =	vshll.u32 v2, $0x1;
	v61 =	vnsel vm11, s28, v20;
	v53 =	vadd.s32 v32, v60;
	v32 =	vld.idx.msk [tilespmem:v11+s14+$0x0], $0xffff  }
0x150: {  	v2 =	vadd.s32 v2, v61;
	v62 =	vld.idx.msk [tilespmem:v13+s14+$0x0], $0xffff  }
0x151: {  	v54 =	vld.idx.msk [tilespmem:v13+s13+$0x0], $0xffff;
	v48 =	vadd.s32 v1, v57  }
0x152: {  	v63 =	vld.idx.msk [tilespmem:v12+s14+$0x0], $0xffff  }
0x153: {  	v46 =	vadd.s32 v3, v59;
	v60 =	vld.idx.msk [tilespmem:v0+s14+$0x0], $0xffff  }
0x154: {  	v61 =	vld.idx.msk [tilespmem:v53+s14+$0x0], $0xffff;
	v32 =	vadd.s32 v4, v32  }
0x155: {  	v51 =	vadd.s32 v5, v62;
	v62 =	vld.idx.msk [tilespmem:v2+s14+$0x0], $0xffff  }
0x156: {  	v48 =	vld.idx.msk [tilespmem:v48+s2+$0x0], $0xffff  }
0x157: {  	v58 =	vld.idx.msk [tilespmem:v12+s13+$0x0], $0xffff  }
0x158: {  	v46 =	vld.idx.msk [tilespmem:v46+s2+$0x0], $0xffff;
	v49 =	vadd.s32 v6, v63  }
0x159: {  	v32 =	vld.idx.msk [tilespmem:v32+s2+$0x0], $0xffff  }
0x15a: {  	v55 =	vadd.s32 v7, v60;
	v51 =	vld.idx.msk [tilespmem:v51+s2+$0x0], $0xffff  }
0x15b: {  	v56 =	vadd.s32 v8, v61;
	v57 =	vadd.s32 v9, v62;
	v62 =	vld.idx.msk [tilespmem:v2+s13+$0x0], $0xffff;
	v48 =	vsub.f32 v48, v10  }
0x15c: {  	v10 =	vld.idx.msk [tilespmem:v0+s13+$0x0], $0xffff  }
0x15d: {  	v59 =	vld.idx.msk [tilespmem:v49+s2+$0x0], $0xffff;
	v49 =	vsub.f32 v46, v35;
	vm12 =	vgt.f32 v48, $0.0e+00  }
0x15e: {  	v18 =	vshll.u32 v18, $0x1;
	v35 =	vld.idx.msk [tilespmem:v53+s13+$0x0], $0xffff;
	v63 =	vnsel vm12, s28, v20  }
0x15f: {  	v55 =	vld.idx.msk [tilespmem:v55+s2+$0x0], $0xffff;
	v50 =	vsub.f32 v32, v50;
	vm13 =	vgt.f32 v49, $0.0e+00;
	v18 =	vadd.s32 v18, v63  }
0x160: {  	v11 =	vshll.u32 v11, $0x1;
	v60 =	vshll.u32 v52, $0x1;
	v32 =	vld.idx.msk [tilespmem:v56+s2+$0x0], $0xffff;
	v61 =	vnsel vm13, s28, v20  }
0x161: {  	v51 =	vsub.f32 v51, v54;
	v57 =	vld.idx.msk [tilespmem:v57+s2+$0x0], $0xffff;
	vm14 =	vgt.f32 v50, $0.0e+00;
	v56 =	vadd.s32 v60, v61  }
0x162: {  	v13 =	vshll.u32 v13, $0x1;
	v12 =	vshll.u32 v12, $0x1;
	v63 =	vnsel vm14, s28, v20  }
0x163: {  	vm15 =	vgt.f32 v51, $0.0e+00;
	v52 =	vsub.f32 v59, v58;
	v11 =	vadd.s32 v11, v63  }
0x164: {  	v0 =	vshll.u32 v0, $0x1;
	v59 =	vnsel vm15, s28, v20;
	v46 =	vsub.f32 v55, v10;
	v10 =	vld.idx.msk [tilespmem:v18+s13+$0x0], $0xffff  }
0x165: {  	v13 =	vadd.s32 v13, v59;
	v35 =	vsub.f32 v32, v35;
	vm4 =	vgt.f32 v52, $0.0e+00;
	v58 =	vld.idx.msk [tilespmem:v18+s14+$0x0], $0xffff  }
0x166: {  	vm5 =	vgt.f32 v46, $0.0e+00;
	v32 =	vsub.f32 v57, v62;
	v60 =	vnsel vm4, s28, v20;
	v55 =	vld.idx.msk [tilespmem:v56+s13+$0x0], $0xffff  }
0x167: {  	v61 =	vnsel vm5, s28, v20;
	vm6 =	vgt.f32 v35, $0.0e+00;
	v12 =	vadd.s32 v12, v60;
	v54 =	vld.idx.msk [tilespmem:v56+s14+$0x0], $0xffff  }
0x168: {  	v53 =	vshll.u32 v53, $0x1;
	v0 =	vadd.s32 v0, v61;
	v62 =	vnsel vm6, s28, v20;
	v59 =	vld.idx.msk [tilespmem:v11+s13+$0x0], $0xffff  }
0x169: {  	vm7 =	vgt.f32 v32, $0.0e+00;
	v53 =	vadd.s32 v53, v62;
	v57 =	vld.idx.msk [tilespmem:v11+s14+$0x0], $0xffff  }
0x16a: {  	v2 =	vshll.u32 v2, $0x1;
	v60 =	vnsel vm7, s28, v20;
	v61 =	vld.idx.msk [tilespmem:v13+s13+$0x0], $0xffff;
	v58 =	vadd.s32 v1, v58  }
0x16b: {  	v24 =	vand.u32 $0x7FFFFFFF, v24;
	v25 =	vand.u32 $0x7FFFFFFF, v25;
	v2 =	vadd.s32 v2, v60;
	v60 =	vld.idx.msk [tilespmem:v13+s14+$0x0], $0xffff  }
0x16c: {  	v26 =	vand.u32 $0x7FFFFFFF, v26;
	v27 =	vand.u32 $0x7FFFFFFF, v27;
	v62 =	vld.idx.msk [tilespmem:v12+s14+$0x0], $0xffff;
	v54 =	vadd.s32 v3, v54  }
0x16d: {  	v21 =	vand.u32 $0x7FFFFFFF, v21;
	v38 =	vand.u32 $0x7FFFFFFF, v38;
	v63 =	vand.u32 $0x7FFFFFFF, v39;
	v39 =	vld.idx.msk [tilespmem:v0+s14+$0x0], $0xffff  }
0x16e: {  	v38 =	vmin.f32 v24, v38;
	v63 =	vmin.f32 v25, v63;
	v24 =	vld.idx.msk [tilespmem:v53+s14+$0x0], $0xffff;
	v25 =	vadd.s32 v4, v57  }
0x16f: {  	v28 =	vand.u32 $0x7FFFFFFF, v28;
	v40 =	vand.u32 $0x7FFFFFFF, v40;
	v43 =	vand.u32 $0x7FFFFFFF, v43;
	v57 =	vld.idx.msk [tilespmem:v58+s2+$0x0], $0xffff  }
0x170: {  	v40 =	vmin.f32 v26, v40;
	v43 =	vmin.f32 v27, v43;
	v26 =	vld.idx.msk [tilespmem:v2+s14+$0x0], $0xffff;
	v27 =	vadd.s32 v5, v60  }
0x171: {  	v22 =	vand.u32 $0x7FFFFFFF, v22;
	v44 =	vand.u32 $0x7FFFFFFF, v44;
	v54 =	vld.idx.msk [tilespmem:v54+s2+$0x0], $0xffff;
	v58 =	vadd.s32 v6, v62  }
0x172: {  	v23 =	vand.u32 $0x7FFFFFFF, v23;
	v44 =	vmin.f32 v22, v44;
	v60 =	vld.idx.msk [tilespmem:v12+s13+$0x0], $0xffff;
	v39 =	vadd.s32 v7, v39  }
0x173: {  	v47 =	vand.u32 $0x7FFFFFFF, v47;
	v29 =	vand.u32 $0x7FFFFFFF, v29;
	v62 =	vand.u32 $0x7FFFFFFF, v41;
	v25 =	vld.idx.msk [tilespmem:v25+s2+$0x0], $0xffff  }
0x174: {  	v41 =	vmin.f32 v21, v62;
	v62 =	vand.u32 $0x7FFFFFFF, v42;
	v42 =	vld.idx.msk [tilespmem:v0+s13+$0x0], $0xffff;
	v21 =	vsub.f32 v57, v10  }
0x175: {  	v30 =	vand.u32 $0x7FFFFFFF, v30;
	v24 =	vadd.s32 v8, v24;
	v27 =	vld.idx.msk [tilespmem:v27+s2+$0x0], $0xffff;
	v26 =	vadd.s32 v9, v26  }
0x176: {  	v57 =	vand.u32 $0x7FFFFFFF, v45;
	v45 =	vld.idx.msk [tilespmem:v58+s2+$0x0], $0xffff;
	v22 =	vsub.f32 v54, v55;
	vm8 =	vgt.f32 v21, $0.0e+00  }
0x177: {  	v18 =	vshll.u32 v18, $0x1;
	v10 =	vmin.f32 v23, v62;
	v39 =	vld.idx.msk [tilespmem:v39+s2+$0x0], $0xffff;
	v58 =	vnsel vm8, s28, v20  }
0x178: {  	v55 =	vld.idx.msk [tilespmem:v2+s13+$0x0], $0xffff;
	v23 =	vsub.f32 v25, v59;
	vm9 =	vgt.f32 v22, $0.0e+00;
	v18 =	vadd.s32 v18, v58  }
0x179: {  	v54 =	vmin.f32 v28, v57;
	v28 =	vld.idx.msk [tilespmem:v53+s13+$0x0], $0xffff;
	v25 =	vshll.u32 v56, $0x1;
	v62 =	vnsel vm9, s28, v20  }
0x17a: {  	v57 =	vld.idx.msk [tilespmem:v24+s2+$0x0], $0xffff;
	vm10 =	vgt.f32 v23, $0.0e+00;
	v56 =	vadd.s32 v25, v62;
	v25 =	vsub.f32 v27, v61  }
0x17b: {  	v11 =	vshll.u32 v11, $0x1;
	v13 =	vshll.u32 v13, $0x1;
	v58 =	vld.idx.msk [tilespmem:v26+s2+$0x0], $0xffff;
	v62 =	vnsel vm10, s28, v20  }
0x17c: {  	v24 =	vsub.f32 v45, v60;
	v11 =	vadd.s32 v11, v62;
	vm11 =	vgt.f32 v25, $0.0e+00  }
0x17d: {  	v12 =	vshll.u32 v12, $0x1;
	v26 =	vsub.f32 v39, v42;
	v59 =	vnsel vm11, s28, v20;
	v39 =	vld.idx.msk [tilespmem:v18+s14+$0x0], $0xffff  }
0x17e: {  	v0 =	vshll.u32 v0, $0x1;
	vm12 =	vgt.f32 v24, $0.0e+00;
	v13 =	vadd.s32 v13, v59;
	v42 =	vld.idx.msk [tilespmem:v18+s13+$0x0], $0xffff  }
0x17f: {  	v27 =	vsub.f32 v57, v28;
	vm13 =	vgt.f32 v26, $0.0e+00;
	v60 =	vnsel vm12, s28, v20;
	v45 =	vld.idx.msk [tilespmem:v56+s13+$0x0], $0xffff  }
0x180: {  	v61 =	vnsel vm13, s28, v20;
	v12 =	vadd.s32 v12, v60;
	v28 =	vsub.f32 v58, v55;
	v55 =	vld.idx.msk [tilespmem:v56+s14+$0x0], $0xffff  }
0x181: {  	v31 =	vand.u32 $0x7FFFFFFF, v31;
	vm14 =	vgt.f32 v27, $0.0e+00;
	v0 =	vadd.s32 v0, v61;
	v57 =	vld.idx.msk [tilespmem:v11+s14+$0x0], $0xffff  }
0x182: {  	v38 =	vmin.f32 v38, v47;
	v53 =	vshll.u32 v53, $0x1;
	v62 =	vnsel vm14, s28, v20;
	v59 =	vld.idx.msk [tilespmem:v11+s13+$0x0], $0xffff  }
0x183: {  	v30 =	vmin.f32 v40, v30;
	v53 =	vadd.s32 v53, v62;
	vm15 =	vgt.f32 v28, $0.0e+00;
	v60 =	vld.idx.msk [tilespmem:v13+s14+$0x0], $0xffff  }
0x184: {  	v2 =	vshll.u32 v2, $0x1;
	v58 =	vnsel vm15, s28, v20;
	v47 =	vld.idx.msk [tilespmem:v13+s13+$0x0], $0xffff;
	v39 =	vadd.s32 v1, v39  }
0x185: {  	v31 =	vmin.f32 v43, v31;
	v2 =	vadd.s32 v2, v58;
	v58 =	vld.idx.msk [tilespmem:v12+s14+$0x0], $0xffff;
	v55 =	vadd.s32 v3, v55  }
0x186: {  	v33 =	vand.u32 $0x7FFFFFFF, v33;
	v29 =	vmin.f32 v63, v29;
	v62 =	vand.u32 $0x7FFFFFFF, v49;
	v61 =	vld.idx.msk [tilespmem:v0+s14+$0x0], $0xffff  }
0x187: {  	v33 =	vmin.f32 v41, v33;
	v41 =	vmin.f32 v29, v62;
	v29 =	vld.idx.msk [tilespmem:v0+s13+$0x0], $0xffff;
	v57 =	vadd.s32 v4, v57  }
0x188: {  	v34 =	vand.u32 $0x7FFFFFFF, v34;
	v36 =	vand.u32 $0x7FFFFFFF, v36;
	v40 =	vld.idx.msk [tilespmem:v53+s14+$0x0], $0xffff;
	v43 =	vadd.s32 v5, v60  }
0x189: {  	v34 =	vmin.f32 v44, v34;
	v44 =	vand.u32 $0x7FFFFFFF, v37;
	v10 =	vmin.f32 v10, v36;
	v39 =	vld.idx.msk [tilespmem:v39+s2+$0x0], $0xffff  }
0x18a: {  	v36 =	vmin.f32 v54, v44;
	v54 =	vand.u32 $0x7FFFFFFF, v48;
	v44 =	vld.idx.msk [tilespmem:v55+s2+$0x0], $0xffff;
	v48 =	vadd.s32 v6, v58  }
0x18b: {  	v35 =	vand.u32 $0x7FFFFFFF, v35;
	v37 =	vld.idx.msk [tilespmem:v2+s14+$0x0], $0xffff;
	v63 =	vadd.s32 v7, v61  }
0x18c: {  	v32 =	vand.u32 $0x7FFFFFFF, v32;
	v18 =	vshll.u32 v18, $0x1;
	v11 =	vshll.u32 v11, $0x1;
	v49 =	vld.idx.msk [tilespmem:v57+s2+$0x0], $0xffff  }
0x18d: {  	v13 =	vshll.u32 v13, $0x1;
	v0 =	vshll.u32 v0, $0x1;
	v40 =	vadd.s32 v8, v40;
	v43 =	vld.idx.msk [tilespmem:v43+s2+$0x0], $0xffff  }
0x18e: {  	v58 =	vand.u32 $0x7FFFFFFF, v51;
	v61 =	vand.u32 $0x7FFFFFFF, v52;
	v39 =	vsub.f32 v39, v42;
	v42 =	vld.idx.msk [tilespmem:v12+s13+$0x0], $0xffff  }
0x18f: {  	v57 =	vand.u32 $0x7FFFFFFF, v50;
	v31 =	vmin.f32 v31, v58;
	v48 =	vld.idx.msk [tilespmem:v48+s2+$0x0], $0xffff;
	v44 =	vsub.f32 v44, v45  }
0x190: {  	v30 =	vmin.f32 v30, v57;
	v37 =	vadd.s32 v9, v37;
	v45 =	vld.idx.msk [tilespmem:v63+s2+$0x0], $0xffff;
	vm4 =	vgt.f32 v39, $0.0e+00  }
0x191: {  	v63 =	vld.idx.msk [tilespmem:v53+s13+$0x0], $0xffff;
	v49 =	vsub.f32 v49, v59;
	vm5 =	vgt.f32 v44, $0.0e+00;
	v62 =	vnsel vm4, s28, v20  }
0x192: {  	v57 =	vshll.u32 v56, $0x1;
	v40 =	vld.idx.msk [tilespmem:v40+s2+$0x0], $0xffff;
	v58 =	vnsel vm5, s28, v20;
	v18 =	vadd.s32 v18, v62  }
0x193: {  	vm6 =	vgt.f32 v49, $0.0e+00;
	v43 =	vsub.f32 v43, v47;
	v47 =	vadd.s32 v57, v58  }
0x194: {  	v52 =	vld.idx.msk [tilespmem:v2+s13+$0x0], $0xffff;
	v34 =	vmin.f32 v34, v61;
	v12 =	vshll.u32 v12, $0x1;
	v59 =	vnsel vm6, s28, v20  }
0x195: {  	v37 =	vld.idx.msk [tilespmem:v37+s2+$0x0], $0xffff;
	v58 =	vshll.u32 v53, $0x1;
	v11 =	vadd.s32 v11, v59;
	v42 =	vsub.f32 v48, v42  }
0x196: {  	v29 =	vsub.f32 v45, v29;
	v45 =	vand.u32 $0x7FFFFFFF, v46;
	vm7 =	vgt.f32 v43, $0.0e+00  }
0x197: {  	v40 =	vsub.f32 v40, v63;
	v61 =	vnsel vm7, s28, v20;
	vm8 =	vgt.f32 v42, $0.0e+00;
	v63 =	vld.idx.msk [tilespmem:v18+s14+$0x0], $0xffff  }
0x198: {  	vm9 =	vgt.f32 v29, $0.0e+00;
	v13 =	vadd.s32 v13, v61;
	v62 =	vnsel vm8, s28, v20;
	v57 =	vld.idx.msk [tilespmem:v47+s14+$0x0], $0xffff  }
0x199: {  	v56 =	vnsel vm9, s28, v20;
	vm10 =	vgt.f32 v40, $0.0e+00;
	v12 =	vadd.s32 v12, v62;
	v46 =	vld.idx.msk [tilespmem:v18+s13+$0x0], $0xffff  }
0x19a: {  	v0 =	vadd.s32 v0, v56;
	v59 =	vnsel vm10, s28, v20;
	v37 =	vsub.f32 v37, v52;
	v50 =	vld.idx.msk [tilespmem:v47+s13+$0x0], $0xffff  }
0x19b: {  	v10 =	vmin.f32 v10, v35;
	v33 =	vmin.f32 v33, v45;
	v61 =	vld.idx.msk [tilespmem:v11+s14+$0x0], $0xffff;
	v45 =	vadd.s32 v58, v59  }
0x19c: {  	v21 =	vand.u32 $0x7FFFFFFF, v21;
	v35 =	vld.idx.msk [tilespmem:v11+s13+$0x0], $0xffff;
	vm11 =	vgt.f32 v37, $0.0e+00;
	v48 =	vadd.s32 v1, v63  }
0x19d: {  	v2 =	vshll.u32 v2, $0x1;
	v62 =	vnsel vm11, s28, v20;
	v63 =	vld.idx.msk [tilespmem:v13+s14+$0x0], $0xffff;
	v51 =	vadd.s32 v3, v57  }
0x19e: {  	v22 =	vand.u32 $0x7FFFFFFF, v22;
	v38 =	vmin.f32 v38, v54;
	v2 =	vadd.s32 v2, v62;
	v56 =	vld.idx.msk [tilespmem:v12+s14+$0x0], $0xffff  }
0x19f: {  	v32 =	vmin.f32 v36, v32;
	v23 =	vand.u32 $0x7FFFFFFF, v23;
	v21 =	vmin.f32 v38, v21;
	v57 =	vld.idx.msk [tilespmem:v0+s14+$0x0], $0xffff  }
0x1a0: {  	v25 =	vand.u32 $0x7FFFFFFF, v25;
	v27 =	vand.u32 $0x7FFFFFFF, v27;
	v58 =	vadd.s32 v4, v61;
	v59 =	vld.idx.msk [tilespmem:v45+s14+$0x0], $0xffff  }
0x1a1: {  	v24 =	vand.u32 $0x7FFFFFFF, v24;
	v26 =	vand.u32 $0x7FFFFFFF, v26;
	v10 =	vmin.f32 v10, v27;
	v61 =	vld.idx.msk [tilespmem:v48+s2+$0x0], $0xffff  }
0x1a2: {  	v28 =	vand.u32 $0x7FFFFFFF, v28;
	v22 =	vmin.f32 v41, v22;
	v62 =	vld.idx.msk [tilespmem:v51+s2+$0x0], $0xffff;
	v63 =	vadd.s32 v5, v63  }
0x1a3: {  	v27 =	vmin.f32 v32, v28;
	v60 =	vlaneseq.u32;
	v25 =	vmin.f32 v31, v25;
	v48 =	vld.idx.msk [tilespmem:v2+s14+$0x0], $0xffff  }
0x1a4: {  	v24 =	vmin.f32 v34, v24;
	v55 =	vand.u32 $0x7FFFFFFF, v44;
	v54 =	vld.idx.msk [tilespmem:v13+s13+$0x0], $0xffff;
	v53 =	vadd.s32 v6, v56  }
0x1a5: {  	v23 =	vmin.f32 v30, v23;
	v22 =	vmin.f32 v22, v55;
	v26 =	vmin.f32 v33, v26;
	v38 =	vld.idx.msk [tilespmem:v58+s2+$0x0], $0xffff  }
0x1a6: {  	v29 =	vand.u32 $0x7FFFFFFF, v29;
	v34 =	vld.idx.msk [tilespmem:v12+s13+$0x0], $0xffff;
	v36 =	vadd.s32 v7, v57;
	v30 =	vsub.f32 v61, v46  }
0x1a7: {  	v18 =	vshll.u32 v18, $0x1;
	v57 =	vadd.s32 v8, v59;
	v56 =	vld.idx.msk [tilespmem:v63+s2+$0x0], $0xffff;
	v31 =	vsub.f32 v62, v50  }
0x1a8: {  	v44 =	vld.idx.msk [tilespmem:v0+s13+$0x0], $0xffff;
	v51 =	vand.u32 $0x7FFFFFFF, v39;
	v33 =	vadd.s32 v9, v48;
	vm12 =	vgt.f32 v30, $0.0e+00  }
0x1a9: {  	v39 =	vld.idx.msk [tilespmem:v53+s2+$0x0], $0xffff;
	v61 =	vshll.u32 v47, $0x1;
	vm13 =	vgt.f32 v31, $0.0e+00;
	v58 =	vnsel vm12, s28, v20  }
0x1aa: {  	v59 =	vld.idx.msk [tilespmem:v45+s13+$0x0], $0xffff;
	v35 =	vsub.f32 v38, v35;
	v62 =	vnsel vm13, s28, v20;
	v18 =	vadd.s32 v18, v58  }
0x1ab: {  	v40 =	vand.u32 $0x7FFFFFFF, v40;
	v26 =	vmin.f32 v26, v29;
	v36 =	vld.idx.msk [tilespmem:v36+s2+$0x0], $0xffff;
	v46 =	vadd.s32 v61, v62  }
0x1ac: {  	v11 =	vshll.u32 v11, $0x1;
	v41 =	vld.idx.msk [tilespmem:v57+s2+$0x0], $0xffff;
	vm14 =	vgt.f32 v35, $0.0e+00;
	v28 =	vsub.f32 v56, v54  }
0x1ad: {  	v13 =	vshll.u32 v13, $0x1;
	v12 =	vshll.u32 v12, $0x1;
	v52 =	vnsel vm14, s28, v20;
	v54 =	vld.idx.msk [tilespmem:v2+s13+$0x0], $0xffff  }
0x1ae: {  	v11 =	vadd.s32 v11, v52;
	v55 =	vld.idx.msk [tilespmem:v33+s2+$0x0], $0xffff;
	v33 =	vsub.f32 v39, v34;
	vm15 =	vgt.f32 v28, $0.0e+00  }
0x1af: {  	v0 =	vshll.u32 v0, $0x1;
	v56 =	vand.u32 $0x7FFFFFFF, v42;
	v57 =	vnsel vm15, s28, v20;
	v42 =	vld.idx.msk [tilespmem:v18+s13+$0x0], $0xffff  }
0x1b0: {  	v36 =	vsub.f32 v36, v44;
	vm4 =	vgt.f32 v33, $0.0e+00;
	v13 =	vadd.s32 v13, v57;
	v39 =	vld.idx.msk [tilespmem:v46+s13+$0x0], $0xffff  }
0x1b1: {  	v45 =	vshll.u32 v45, $0x1;
	v38 =	vsub.f32 v41, v59;
	v58 =	vnsel vm4, s28, v20;
	v59 =	vld.idx.msk [tilespmem:v18+s14+$0x0], $0xffff  }
0x1b2: {  	v63 =	vand.u32 $0x7FFFFFFF, v49;
	vm5 =	vgt.f32 v36, $0.0e+00;
	v12 =	vadd.s32 v12, v58;
	v62 =	vld.idx.msk [tilespmem:v46+s14+$0x0], $0xffff  }
0x1b3: {  	v61 =	vnsel vm5, s28, v20;
	vm6 =	vgt.f32 v38, $0.0e+00;
	v44 =	vld.idx.msk [tilespmem:v11+s13+$0x0], $0xffff;
	v32 =	vsub.f32 v55, v54  }
0x1b4: {  	v23 =	vmin.f32 v23, v63;
	v0 =	vadd.s32 v0, v61;
	v63 =	vnsel vm6, s28, v20;
	v52 =	vld.idx.msk [tilespmem:v11+s14+$0x0], $0xffff  }
0x1b5: {  	v53 =	vand.u32 $0x7FFFFFFF, v43;
	v34 =	vadd.s32 v45, v63;
	vm7 =	vgt.f32 v32, $0.0e+00;
	v45 =	vld.idx.msk [tilespmem:v13+s13+$0x0], $0xffff  }
0x1b6: {  	v25 =	vmin.f32 v25, v53;
	v2 =	vshll.u32 v2, $0x1;
	v20 =	vnsel vm7, s28, v20;
	v53 =	vld.idx.msk [tilespmem:v13+s14+$0x0], $0xffff  }
0x1b7: {  	v10 =	vmin.f32 v10, v40;
	v37 =	vand.u32 $0x7FFFFFFF, v37;
	v2 =	vadd.s32 v2, v20;
	v20 =	vld.idx.msk [tilespmem:v12+s13+$0x0], $0xffff  }
0x1b8: {  	v27 =	vmin.f32 v27, v37;
	v21 =	vmin.f32 v21, v51;
	v30 =	vand.u32 $0x7FFFFFFF, v30;
	v54 =	vld.idx.msk [tilespmem:v12+s14+$0x0], $0xffff  }
0x1b9: {  	v21 =	vmin.f32 v21, v30;
	v24 =	vmin.f32 v24, v56;
	v41 =	vadd.s32 v1, v59;
	v56 =	vld.idx.msk [tilespmem:v0+s14+$0x0], $0xffff  }
0x1ba: {  	v28 =	vand.u32 $0x7FFFFFFF, v28;
	v33 =	vand.u32 $0x7FFFFFFF, v33;
	v55 =	vadd.s32 v3, v62;
	v49 =	vld.idx.msk [tilespmem:v0+s13+$0x0], $0xffff  }
0x1bb: {  	v36 =	vand.u32 $0x7FFFFFFF, v36;
	v25 =	vmin.f32 v25, v28;
	v48 =	vadd.s32 v4, v52;
	v58 =	vld.idx.msk [tilespmem:v34+s14+$0x0], $0xffff  }
0x1bc: {  	v28 =	vadd.s32 $0xFFFFFF01, v19;
	v19 =	vadd.s32 $0xFFFFFF02, v19;
	v24 =	vmin.f32 v24, v33;
	v51 =	vld.idx.msk [tilespmem:v34+s13+$0x0], $0xffff  }
0x1bd: {  	v26 =	vmin.f32 v26, v36;
	v50 =	vand.u32 $0x7FFFFFFF, v38;
	v62 =	vadd.s32 v5, v53;
	v63 =	vld.idx.msk [tilespmem:v2+s14+$0x0], $0xffff  }
0x1be: {  	v57 =	vand.u32 $0x7FFFFFFF, v31;
	v10 =	vmin.f32 v10, v50;
	v61 =	vld.idx.msk [tilespmem:v41+s2+$0x0], $0xffff;
	v29 =	vadd.s32 v6, v54  }
0x1bf: {  	v18 =	vshll.u32 v18, $0x1;
	v22 =	vmin.f32 v22, v57;
	v40 =	vld.idx.msk [tilespmem:v55+s2+$0x0], $0xffff;
	v43 =	vadd.s32 v7, v56  }
0x1c0: {  	v57 =	vshll.u32 v46, $0x1;
	v32 =	vand.u32 $0x7FFFFFFF, v32;
	v48 =	vld.idx.msk [tilespmem:v48+s2+$0x0], $0xffff;
	v31 =	vadd.s32 v8, v58  }
0x1c1: {  	v11 =	vshll.u32 v11, $0x1;
	v27 =	vmin.f32 v27, v32;
	v59 =	vand.u32 $0x7FFFFFFF, v35;
	v56 =	vld.idx.msk [tilespmem:v2+s13+$0x0], $0xffff  }
0x1c2: {  	v13 =	vshll.u32 v13, $0x1;
	v12 =	vshll.u32 v12, $0x1;
	v37 =	vld.idx.msk [tilespmem:v62+s2+$0x0], $0xffff;
	v30 =	vadd.s32 v9, v63  }
0x1c3: {  	s31 =	sadd.s32 $0x80, s29;
	v0 =	vshll.u32 v0, $0x1;
	v23 =	vmin.f32 v23, v59;
	v35 =	vsub.f32 v61, v42;
	v29 =	vld.idx.msk [tilespmem:v29+s2+$0x0], $0xffff  }
0x1c4: {  	v41 =	vor.u32 s31, v60;
	v2 =	vshll.u32 v2, $0x1;
	v52 =	vsub.f32 v40, v39;
	v53 =	vld.idx.msk [tilespmem:v43+s2+$0x0], $0xffff  }
0x1c5: {  	v42 =	vshll.u32 v34, $0x1;
	v55 =	vsub.f32 v48, v44;
	v31 =	vld.idx.msk [tilespmem:v31+s2+$0x0], $0xffff;
	vm8 =	vgt.f32 v35, $0.0e+00  }
0x1c6: {  	vm9 =	vgt.f32 v52, $0.0e+00;
	v46 =	vand.u32 $0x7FFFFFFF, v35;
	v32 =	vand.u32 $0x7FFFFFFF, v52  }
0x1c7: {  	v54 =	vsel vm8, v19, v28;
	v58 =	vsel vm9, v19, v28;
	vm10 =	vgt.f32 v55, $0.0e+00;
	v30 =	vld.idx.msk [tilespmem:v30+s2+$0x0], $0xffff  }
0x1c8: {  	v18 =	vadd.s32 v18, v54;
	v39 =	vadd.s32 v57, v58;
	v37 =	vsub.f32 v37, v45  }
0x1c9: {  	v52 =	vld [tilespmem:$0x1FFB0];
	v59 =	vsel vm10, v19, v28;
	v20 =	vsub.f32 v29, v20;
	v33 =	vsub.f32 v53, v49  }
0x1ca: {  	v58 =	vld [tilespmem:$0x1FFE0];
	v11 =	vadd.s32 v11, v59;
	v31 =	vsub.f32 v31, v51;
	vm11 =	vgt.f32 v37, $0.0e+00  }
0x1cb: {  	v45 =	vld [tilespmem:$0x1FFF0];
	vm12 =	vgt.f32 v20, $0.0e+00;
	vm13 =	vgt.f32 v33, $0.0e+00;
	v61 =	vsel vm11, v19, v28  }
0x1cc: {  	v59 =	vld [tilespmem:$0x1FFD0];
	v62 =	vsel vm12, v19, v28;
	v13 =	vadd.s32 v13, v61;
	v30 =	vsub.f32 v30, v56  }
0x1cd: {  	v63 =	vsel vm13, v19, v28;
	vm14 =	vgt.f32 v31, $0.0e+00;
	v12 =	vadd.s32 v12, v62;
	v18 =	vld.idx.msk [tilespmem:v18+s15+$0x0], $0xffff  }
0x1ce: {  	v0 =	vadd.s32 v0, v63;
	v43 =	vsel vm14, v19, v28;
	v44 =	vld.idx.msk [tilespmem:v39+s15+$0x0], $0xffff;
	vm15 =	vgt.f32 v30, $0.0e+00  }
0x1cf: {  	v47 =	vmin.f32 v22, v32;
	v29 =	vadd.s32 v42, v43;
	v11 =	vld.idx.msk [tilespmem:v11+s15+$0x0], $0xffff;
	v19 =	vsel vm15, v19, v28  }
0x1d0: {  	v49 =	vand.u32 $0x7FFFFFFF, v55;
	v48 =	vand.u32 v45, v41;
	v56 =	vld [tilespmem:$0x1FFC0];
	v2 =	vadd.s32 v2, v19  }
0x1d1: {  	v54 =	vor.u32 s31, v16;
	v51 =	vor.u32 s31, v15;
	v23 =	vmin.f32 v23, v49;
	v13 =	vld.idx.msk [tilespmem:v13+s15+$0x0], $0xffff  }
0x1d2: {  	v50 =	vand.u32 $0x7FFFFFFF, v37;
	v53 =	vor.u32 s31, v52;
	v19 =	vmin.f32 v21, v46;
	v12 =	vld.idx.msk [tilespmem:v12+s15+$0x0], $0xffff  }
0x1d3: {  	v20 =	vand.u32 $0x7FFFFFFF, v20;
	v0 =	vld.idx.msk [tilespmem:v0+s15+$0x0], $0xffff;
	v18 =	vmul.f32 v18, v19;
	v19 =	vor.u32 s31, v17  }
0x1d4: {  	v25 =	vmin.f32 v25, v50;
	v20 =	vmin.f32 v24, v20;
	v21 =	vmul.f32 v44, v47;
	v29 =	vld.idx.msk [tilespmem:v29+s15+$0x0], $0xffff  }
0x1d5: {  	v55 =	vand.u32 $0x7FFFFFFF, v33;
	v11 =	vmul.f32 v11, v23;
	v2 =	vld.idx.msk [tilespmem:v2+s15+$0x0], $0xffff;
	[tilespmem:v48+s20+$0x0] =	vst.idx.msk $0xffff, v18;
	v18 =	vor.u32 s31, v56  }
0x1d6: {  	v57 =	vmin.f32 v26, v55;
	v61 =	vor.u32 s31, v59;
	v13 =	vmul.f32 v13, v25;
	[tilespmem:v51+s20+$0x0] =	vst.idx.msk $0xffff, v21  }
0x1d7: {  	p0 =	sne.s32 s26, $0xE00;
	v62 =	vand.u32 $0x7FFFFFFF, v31;
	[tilespmem:v53+s20+$0x0] =	vst.idx.msk $0xffff, v11;
	v11 =	vmul.f32 v12, v20;
	v12 =	vor.u32 s31, v58  }
.Ltmp0:
0x1d8: {  	v10 =	vmin.f32 v10, v62;
	v63 =	vand.u32 $0x7FFFFFFF, v30;
	v0 =	vmul.f32 v0, v57;
	[tilespmem:v19+s20+$0x0] =	vst.idx.msk $0xffff, v13;
	(pc) =	sbr.rel @p0 .LBB2_3-.Ltmp0, $4  }
0x1d9: {  	v10 =	vmul.f32 v29, v10;
	v13 =	vmin.f32 v27, v63;
	[tilespmem:v54+s20+$0x0] =	vst.idx.msk $0xffff, v11  }
0x1da: {  	[tilespmem:v18+s20+$0x0] =	vst.idx.msk $0xffff, v0;
	v0 =	vmul.f32 v2, v13  }
0x1db: {  	[tilespmem:v61+s20+$0x0] =	vst.idx.msk $0xffff, v10  }
0x1dc: {  	s26 =	sadd.s32 $0x200, s26;
	s29 =	sadd.s32 $0x100, s29;
	v38 =	vmovc v16;
	v36 =	vmov v15;
	s28 =	sadd.s32 $0xFFFFFE00, s28;
	v37 =	vmov v17;
	v2 =	vmov v14;
	[tilespmem:v12+s20+$0x0] =	vst.idx.msk $0xffff, v0  }
0x1dd: {  	s26 =	sshll.u32 s25, $0x1  }
0x1de: {  	s28 =	smin.u32 s26, $0x1D  }
0x1df: {  	s28 =	sshll.u32 s28, $0x9  }
0x1e0: {  	s29 =	sadd.s32 $0x400, s28  }
0x1e1: {  	s28 =	simm.s32 $0x0;
	s30 =	sadd.s32 s3, s29  }
0x1e2: {  	[tilespmem:s13], [sflag:$0x1] =	stream.linear.gather [hbm4b:s30+s28], $0x1000, $0x38;
	[tilespmem:$0x1E080] =	vst v63  }
0x1e3: {  	s30 =	sadd.s32 s4, s29  }
0x1e4: {  	[tilespmem:s14], [sflag:$0x1] =	stream.linear.gather [hbm4b:s30+s28], $0x1000, $0x38;
	[tilespmem:$0x1E080] =	vst v63  }
0x1e5: {  	s29 =	sadd.s32 s5, s29  }
0x1e6: {  	[tilespmem:s15], [sflag:$0x1] =	stream.linear.gather [hbm4b:s29+s28], $0x1000, $0x38;
	[tilespmem:$0x1E080] =	vst v63  }
0x1e7: {  	_ =	swait.ge [sflag:s21], $0x1000  }
0x1e8: {  	[sflag:s21] =	ssyncset.done $0x0  }
0x1e9: {  	[sflag:s21] =	ssyncadd.s32 $0xFFFFF000  }
0x1ea: {  	_ =	swait.ge [sflag:s21], $0x1000  }
0x1eb: {  	[sflag:s21] =	ssyncset.done $0x0  }
0x1ec: {  	[sflag:s21] =	ssyncadd.s32 $0xFFFFF000  }
0x1ed: {  	_ =	swait.ge [sflag:s21], $0x1000  }
0x1ee: {  	[sflag:s21] =	ssyncset.done $0x0  }
0x1ef: {  	s30 =	smov.u32 s23;
	s29 =	simm.s32 $0xFFFFFF01;
	[sflag:s21] =	ssyncadd.s32 $0xFFFFF000  }
.LBB2_5:
0x1f0: {  	v0 =	vmov s28  }
0x1f1: {  	v0 =	vshrl.u32 v0, $0x3  }
0x1f2: {  	v0 =	vshll.u32 v0, v2  }
0x1f3: {  	v0 =	vbroadcast v0, $0x0;
	_ =	sdelay $0x5  }
0x1f4: {  	v2 =	vld.idx.msk [tilespmem:v0+s17+$0x0], $0xffff;
	_ =	sdelay $0x4  }
0x1f5: {  	v10 =	vadd.s32 v1, v2;
	_ =	sdelay $0x1  }
0x1f6: {  	v11 =	vadd.s32 v3, v2;
	_ =	sdelay $0x1  }
0x1f7: {  	v0 =	vld.idx.msk [tilespmem:v0+s16+$0x0], $0xffff;
	v12 =	vadd.s32 v4, v2  }
0x1f8: {  	v10 =	vld.idx.msk [tilespmem:v10+s2+$0x0], $0xffff  }
0x1f9: {  	v13 =	vadd.s32 v5, v2  }
0x1fa: {  	v19 =	vadd.s32 v7, v2;
	v11 =	vld.idx.msk [tilespmem:v11+s2+$0x0], $0xffff  }
0x1fb: {  	v18 =	vadd.s32 v6, v2  }
0x1fc: {  	v12 =	vld.idx.msk [tilespmem:v12+s2+$0x0], $0xffff  }
0x1fd: {  	s31 =	sadd.s32 $0x1, s28;
	v21 =	vadd.s32 v8, v2;
	v29 =	vsub.f32 v10, v0  }
0x1fe: {  	v20 =	vmov s31;
	v2 =	vadd.s32 v9, v2;
	v13 =	vld.idx.msk [tilespmem:v13+s2+$0x0], $0xffff  }
0x1ff: {  	v19 =	vld.idx.msk [tilespmem:v19+s2+$0x0], $0xffff;
	v10 =	vadd.s32 $0x1, v20;
	v28 =	vsub.f32 v11, v0;
	vm0 =	vgt.f32 v29, $0.0e+00  }
0x200: {  	v11 =	vld.idx.msk [tilespmem:v18+s2+$0x0], $0xffff;
	v18 =	vnsel vm0, s31, v10  }
0x201: {  	v25 =	vsub.f32 v12, v0;
	vm9 =	vgt.f32 v28, $0.0e+00  }
0x202: {  	v12 =	vld.idx.msk [tilespmem:v21+s2+$0x0], $0xffff;
	v20 =	vnsel vm9, s31, v10  }
0x203: {  	v2 =	vld.idx.msk [tilespmem:v2+s2+$0x0], $0xffff;
	v26 =	vsub.f32 v13, v0;
	vm10 =	vgt.f32 v25, $0.0e+00  }
0x204: {  	v13 =	vnsel vm10, s31, v10  }
0x205: {  	v21 =	vsub.f32 v19, v0;
	vm11 =	vgt.f32 v26, $0.0e+00;
	v27 =	vsub.f32 v11, v0;
	v11 =	vld.idx.msk [tilespmem:v18+s16+$0x0], $0xffff  }
0x206: {  	v30 =	vnsel vm11, s31, v10;
	v19 =	vld.idx.msk [tilespmem:v18+s17+$0x0], $0xffff  }
0x207: {  	vm13 =	vgt.f32 v21, $0.0e+00;
	v23 =	vsub.f32 v12, v0;
	v12 =	vld.idx.msk [tilespmem:v20+s16+$0x0], $0xffff  }
0x208: {  	v24 =	vsub.f32 v2, v0;
	v0 =	vnsel vm13, s31, v10;
	vm12 =	vgt.f32 v27, $0.0e+00;
	v22 =	vld.idx.msk [tilespmem:v20+s17+$0x0], $0xffff  }
0x209: {  	vm14 =	vgt.f32 v23, $0.0e+00;
	v31 =	vnsel vm12, s31, v10;
	v2 =	vld.idx.msk [tilespmem:v13+s16+$0x0], $0xffff  }
0x20a: {  	vm15 =	vgt.f32 v24, $0.0e+00;
	v32 =	vnsel vm14, s31, v10;
	v33 =	vld.idx.msk [tilespmem:v13+s17+$0x0], $0xffff  }
0x20b: {  	v34 =	vld.idx.msk [tilespmem:v30+s17+$0x0], $0xffff;
	v10 =	vnsel vm15, s31, v10  }
0x20c: {  	v35 =	vld.idx.msk [tilespmem:v30+s16+$0x0], $0xffff;
	v19 =	vadd.s32 v1, v19  }
0x20d: {  	v37 =	vld.idx.msk [tilespmem:v0+s17+$0x0], $0xffff  }
0x20e: {  	v36 =	vld.idx.msk [tilespmem:v31+s17+$0x0], $0xffff;
	v22 =	vadd.s32 v3, v22  }
0x20f: {  	v38 =	vld.idx.msk [tilespmem:v32+s17+$0x0], $0xffff  }
0x210: {  	v33 =	vadd.s32 v4, v33;
	v39 =	vld.idx.msk [tilespmem:v10+s17+$0x0], $0xffff  }
0x211: {  	v34 =	vadd.s32 v5, v34;
	v19 =	vld.idx.msk [tilespmem:v19+s2+$0x0], $0xffff  }
0x212: {  	v42 =	vld.idx.msk [tilespmem:v31+s16+$0x0], $0xffff;
	v37 =	vadd.s32 v7, v37  }
0x213: {  	v40 =	vld.idx.msk [tilespmem:v22+s2+$0x0], $0xffff  }
0x214: {  	v48 =	vld.idx.msk [tilespmem:v10+s16+$0x0], $0xffff;
	v36 =	vadd.s32 v6, v36  }
0x215: {  	v33 =	vld.idx.msk [tilespmem:v33+s2+$0x0], $0xffff  }
0x216: {  	s31 =	sadd.s32 $0x100, s29;
	v34 =	vld.idx.msk [tilespmem:v34+s2+$0x0], $0xffff;
	v44 =	vadd.s32 v8, v38;
	v38 =	vsub.f32 v19, v11  }
0x217: {  	v22 =	vmov s31;
	v39 =	vadd.s32 v9, v39;
	v37 =	vld.idx.msk [tilespmem:v37+s2+$0x0], $0xffff  }
0x218: {  	v19 =	vadd.s32 $0x1, v22;
	v11 =	vld.idx.msk [tilespmem:v0+s16+$0x0], $0xffff;
	v41 =	vsub.f32 v40, v12;
	vm4 =	vgt.f32 v38, $0.0e+00  }
0x219: {  	v18 =	vshll.u32 v18, $0x1;
	v20 =	vshll.u32 v20, $0x1;
	v36 =	vld.idx.msk [tilespmem:v36+s2+$0x0], $0xffff;
	v46 =	vnsel vm4, s31, v19  }
0x21a: {  	v12 =	vld.idx.msk [tilespmem:v32+s16+$0x0], $0xffff;
	v43 =	vsub.f32 v33, v2;
	vm5 =	vgt.f32 v41, $0.0e+00;
	v18 =	vadd.s32 v18, v46  }
0x21b: {  	v13 =	vshll.u32 v13, $0x1;
	v30 =	vshll.u32 v30, $0x1;
	v2 =	vld.idx.msk [tilespmem:v44+s2+$0x0], $0xffff;
	v47 =	vnsel vm5, s31, v19  }
0x21c: {  	v40 =	vsub.f32 v34, v35;
	v49 =	vld.idx.msk [tilespmem:v39+s2+$0x0], $0xffff;
	vm6 =	vgt.f32 v43, $0.0e+00;
	v20 =	vadd.s32 v20, v47  }
0x21d: {  	v52 =	vshll.u32 v31, $0x1;
	v57 =	vshll.u32 v32, $0x1;
	v50 =	vnsel vm6, s31, v19  }
0x21e: {  	vm7 =	vgt.f32 v40, $0.0e+00;
	v13 =	vadd.s32 v13, v50;
	v44 =	vsub.f32 v36, v42  }
0x21f: {  	v0 =	vshll.u32 v0, $0x1;
	v51 =	vnsel vm7, s31, v19;
	v45 =	vsub.f32 v37, v11;
	v11 =	vld.idx.msk [tilespmem:v18+s16+$0x0], $0xffff  }
0x220: {  	v35 =	vadd.s32 v30, v51;
	v42 =	vsub.f32 v2, v12;
	vm8 =	vgt.f32 v44, $0.0e+00;
	v2 =	vld.idx.msk [tilespmem:v18+s17+$0x0], $0xffff  }
0x221: {  	v46 =	vsub.f32 v49, v48;
	vm9 =	vgt.f32 v45, $0.0e+00;
	v53 =	vnsel vm8, s31, v19;
	v30 =	vld.idx.msk [tilespmem:v20+s16+$0x0], $0xffff  }
0x222: {  	vm10 =	vgt.f32 v42, $0.0e+00;
	v54 =	vnsel vm9, s31, v19;
	v12 =	vadd.s32 v52, v53;
	v55 =	vld.idx.msk [tilespmem:v20+s17+$0x0], $0xffff  }
0x223: {  	vm11 =	vgt.f32 v46, $0.0e+00;
	v58 =	vnsel vm10, s31, v19;
	v0 =	vadd.s32 v0, v54;
	v34 =	vld.idx.msk [tilespmem:v13+s16+$0x0], $0xffff  }
0x224: {  	v10 =	vshll.u32 v10, $0x1;
	v61 =	vnsel vm11, s31, v19;
	v47 =	vadd.s32 v57, v58;
	v59 =	vld.idx.msk [tilespmem:v13+s17+$0x0], $0xffff  }
0x225: {  	v62 =	vld.idx.msk [tilespmem:v35+s17+$0x0], $0xffff;
	v10 =	vadd.s32 v10, v61  }
0x226: {  	v63 =	vld.idx.msk [tilespmem:v35+s16+$0x0], $0xffff;
	v2 =	vadd.s32 v1, v2  }
0x227: {  	v56 =	vld.idx.msk [tilespmem:v12+s17+$0x0], $0xffff  }
0x228: {  	v33 =	vadd.s32 v3, v55;
	v57 =	vld.idx.msk [tilespmem:v0+s17+$0x0], $0xffff  }
0x229: {  	v48 =	vld.idx.msk [tilespmem:v47+s17+$0x0], $0xffff  }
0x22a: {  	v31 =	vadd.s32 v4, v59;
	v49 =	vld.idx.msk [tilespmem:v10+s17+$0x0], $0xffff  }
0x22b: {  	v2 =	vld.idx.msk [tilespmem:v2+s2+$0x0], $0xffff  }
0x22c: {  	v36 =	vadd.s32 v5, v62;
	v50 =	vld.idx.msk [tilespmem:v12+s16+$0x0], $0xffff  }
0x22d: {  	v33 =	vld.idx.msk [tilespmem:v33+s2+$0x0], $0xffff;
	v32 =	vadd.s32 v6, v56  }
0x22e: {  	v52 =	vld.idx.msk [tilespmem:v47+s16+$0x0], $0xffff  }
0x22f: {  	v31 =	vld.idx.msk [tilespmem:v31+s2+$0x0], $0xffff;
	v39 =	vadd.s32 v7, v57  }
0x230: {  	v62 =	vld.idx.msk [tilespmem:v10+s16+$0x0], $0xffff;
	v48 =	vadd.s32 v8, v48;
	v51 =	vsub.f32 v2, v11  }
0x231: {  	v36 =	vld.idx.msk [tilespmem:v36+s2+$0x0], $0xffff;
	v49 =	vadd.s32 v9, v49  }
0x232: {  	v11 =	vld.idx.msk [tilespmem:v32+s2+$0x0], $0xffff;
	v32 =	vsub.f32 v33, v30;
	vm12 =	vgt.f32 v51, $0.0e+00  }
0x233: {  	v18 =	vshll.u32 v18, $0x1;
	v20 =	vshll.u32 v20, $0x1;
	v2 =	vld.idx.msk [tilespmem:v0+s16+$0x0], $0xffff;
	v58 =	vnsel vm12, s31, v19  }
0x234: {  	v39 =	vld.idx.msk [tilespmem:v39+s2+$0x0], $0xffff;
	v30 =	vsub.f32 v31, v34;
	vm13 =	vgt.f32 v32, $0.0e+00;
	v18 =	vadd.s32 v18, v58  }
0x235: {  	v13 =	vshll.u32 v13, $0x1;
	v12 =	vshll.u32 v12, $0x1;
	v59 =	vld.idx.msk [tilespmem:v48+s2+$0x0], $0xffff;
	v61 =	vnsel vm13, s31, v19  }
0x236: {  	v31 =	vsub.f32 v36, v63;
	v63 =	vld.idx.msk [tilespmem:v49+s2+$0x0], $0xffff;
	vm14 =	vgt.f32 v30, $0.0e+00;
	v53 =	vadd.s32 v20, v61  }
0x237: {  	v47 =	vshll.u32 v47, $0x1;
	v0 =	vshll.u32 v0, $0x1;
	v54 =	vnsel vm14, s31, v19  }
0x238: {  	vm15 =	vgt.f32 v31, $0.0e+00;
	v33 =	vsub.f32 v11, v50;
	v11 =	vadd.s32 v13, v54  }
0x239: {  	v55 =	vnsel vm15, s31, v19;
	v13 =	vshll.u32 v35, $0x1;
	v36 =	vsub.f32 v39, v2;
	v2 =	vld.idx.msk [tilespmem:v18+s16+$0x0], $0xffff  }
0x23a: {  	v37 =	vsub.f32 v59, v52;
	v13 =	vadd.s32 v13, v55;
	vm4 =	vgt.f32 v33, $0.0e+00;
	v34 =	vld.idx.msk [tilespmem:v18+s17+$0x0], $0xffff  }
0x23b: {  	v39 =	vsub.f32 v63, v62;
	vm5 =	vgt.f32 v36, $0.0e+00;
	v56 =	vnsel vm4, s31, v19;
	v35 =	vld.idx.msk [tilespmem:v53+s16+$0x0], $0xffff  }
0x23c: {  	vm6 =	vgt.f32 v37, $0.0e+00;
	v57 =	vnsel vm5, s31, v19;
	v12 =	vadd.s32 v12, v56;
	v58 =	vld.idx.msk [tilespmem:v53+s17+$0x0], $0xffff  }
0x23d: {  	vm7 =	vgt.f32 v39, $0.0e+00;
	v62 =	vnsel vm6, s31, v19;
	v0 =	vadd.s32 v0, v57;
	v49 =	vld.idx.msk [tilespmem:v11+s16+$0x0], $0xffff  }
0x23e: {  	v10 =	vshll.u32 v10, $0x1;
	v59 =	vnsel vm7, s31, v19;
	v54 =	vadd.s32 v47, v62;
	v63 =	vld.idx.msk [tilespmem:v11+s17+$0x0], $0xffff  }
0x23f: {  	v10 =	vadd.s32 v10, v59;
	v61 =	vld.idx.msk [tilespmem:v13+s17+$0x0], $0xffff  }
0x240: {  	v52 =	vld.idx.msk [tilespmem:v13+s16+$0x0], $0xffff;
	v34 =	vadd.s32 v1, v34  }
0x241: {  	v62 =	vld.idx.msk [tilespmem:v12+s17+$0x0], $0xffff  }
0x242: {  	v20 =	vadd.s32 v3, v58;
	v55 =	vld.idx.msk [tilespmem:v0+s17+$0x0], $0xffff  }
0x243: {  	v56 =	vld.idx.msk [tilespmem:v54+s17+$0x0], $0xffff;
	v47 =	vadd.s32 v4, v63  }
0x244: {  	v57 =	vld.idx.msk [tilespmem:v10+s17+$0x0], $0xffff;
	v50 =	vadd.s32 v5, v61  }
0x245: {  	v34 =	vld.idx.msk [tilespmem:v34+s2+$0x0], $0xffff  }
0x246: {  	v58 =	vld.idx.msk [tilespmem:v12+s16+$0x0], $0xffff;
	v48 =	vadd.s32 v6, v62  }
0x247: {  	v20 =	vld.idx.msk [tilespmem:v20+s2+$0x0], $0xffff  }
0x248: {  	v55 =	vadd.s32 v7, v55;
	v59 =	vld.idx.msk [tilespmem:v47+s2+$0x0], $0xffff  }
0x249: {  	v56 =	vadd.s32 v8, v56;
	v50 =	vld.idx.msk [tilespmem:v50+s2+$0x0], $0xffff  }
0x24a: {  	v47 =	vsub.f32 v34, v2;
	v2 =	vld.idx.msk [tilespmem:v0+s16+$0x0], $0xffff  }
0x24b: {  	v57 =	vadd.s32 v9, v57;
	v34 =	vld.idx.msk [tilespmem:v48+s2+$0x0], $0xffff  }
0x24c: {  	v29 =	vand.u32 $0x7FFFFFFF, v29;
	v48 =	vsub.f32 v20, v35;
	v35 =	vld.idx.msk [tilespmem:v54+s16+$0x0], $0xffff;
	vm8 =	vgt.f32 v47, $0.0e+00  }
0x24d: {  	v18 =	vshll.u32 v18, $0x1;
	v20 =	vor.u32 s30, v60;
	v55 =	vld.idx.msk [tilespmem:v55+s2+$0x0], $0xffff;
	v60 =	vnsel vm8, s31, v19  }
0x24e: {  	v56 =	vld.idx.msk [tilespmem:v56+s2+$0x0], $0xffff;
	v49 =	vsub.f32 v59, v49;
	vm9 =	vgt.f32 v48, $0.0e+00;
	v18 =	vadd.s32 v18, v60  }
0x24f: {  	v53 =	vshll.u32 v53, $0x1;
	v11 =	vshll.u32 v11, $0x1;
	v59 =	vnsel vm9, s31, v19  }
0x250: {  	v57 =	vld.idx.msk [tilespmem:v57+s2+$0x0], $0xffff;
	v50 =	vsub.f32 v50, v52;
	vm10 =	vgt.f32 v49, $0.0e+00;
	v59 =	vadd.s32 v53, v59  }
0x251: {  	v13 =	vshll.u32 v13, $0x1;
	v12 =	vshll.u32 v12, $0x1;
	v60 =	vld.idx.msk [tilespmem:v10+s16+$0x0], $0xffff;
	v63 =	vnsel vm10, s31, v19  }
0x252: {  	vm11 =	vgt.f32 v50, $0.0e+00;
	v52 =	vsub.f32 v34, v58;
	v11 =	vadd.s32 v11, v63  }
0x253: {  	v58 =	vnsel vm11, s31, v19;
	v53 =	vsub.f32 v55, v2;
	v35 =	vsub.f32 v56, v35;
	v2 =	vld.idx.msk [tilespmem:v18+s16+$0x0], $0xffff  }
0x254: {  	v0 =	vshll.u32 v0, $0x1;
	v13 =	vadd.s32 v13, v58;
	vm12 =	vgt.f32 v52, $0.0e+00;
	v55 =	vld.idx.msk [tilespmem:v18+s17+$0x0], $0xffff  }
0x255: {  	vm13 =	vgt.f32 v53, $0.0e+00;
	vm14 =	vgt.f32 v35, $0.0e+00;
	v61 =	vnsel vm12, s31, v19;
	v56 =	vld.idx.msk [tilespmem:v59+s16+$0x0], $0xffff  }
0x256: {  	v62 =	vnsel vm13, s31, v19;
	v12 =	vadd.s32 v12, v61;
	v34 =	vsub.f32 v57, v60;
	v57 =	vld.idx.msk [tilespmem:v59+s17+$0x0], $0xffff  }
0x257: {  	v54 =	vshll.u32 v54, $0x1;
	v58 =	vnsel vm14, s31, v19;
	v0 =	vadd.s32 v0, v62;
	v60 =	vld.idx.msk [tilespmem:v11+s16+$0x0], $0xffff  }
0x258: {  	v28 =	vand.u32 $0x7FFFFFFF, v28;
	v54 =	vadd.s32 v54, v58;
	v58 =	vld.idx.msk [tilespmem:v11+s17+$0x0], $0xffff;
	vm15 =	vgt.f32 v34, $0.0e+00  }
0x259: {  	v10 =	vshll.u32 v10, $0x1;
	v62 =	vld.idx.msk [tilespmem:v13+s17+$0x0], $0xffff;
	v61 =	vnsel vm15, s31, v19;
	v55 =	vadd.s32 v1, v55  }
0x25a: {  	v25 =	vand.u32 $0x7FFFFFFF, v25;
	v26 =	vand.u32 $0x7FFFFFFF, v26;
	v10 =	vadd.s32 v10, v61;
	v61 =	vld.idx.msk [tilespmem:v13+s16+$0x0], $0xffff  }
0x25b: {  	v38 =	vand.u32 $0x7FFFFFFF, v38;
	v63 =	vand.u32 $0x7FFFFFFF, v41;
	v41 =	vld.idx.msk [tilespmem:v12+s17+$0x0], $0xffff;
	v57 =	vadd.s32 v3, v57  }
0x25c: {  	v27 =	vand.u32 $0x7FFFFFFF, v27;
	v43 =	vand.u32 $0x7FFFFFFF, v43;
	v29 =	vmin.f32 v29, v38;
	v38 =	vld.idx.msk [tilespmem:v0+s17+$0x0], $0xffff  }
0x25d: {  	v43 =	vmin.f32 v25, v43;
	v63 =	vmin.f32 v28, v63;
	v25 =	vld.idx.msk [tilespmem:v54+s17+$0x0], $0xffff;
	v28 =	vadd.s32 v4, v58  }
0x25e: {  	v40 =	vand.u32 $0x7FFFFFFF, v40;
	v44 =	vand.u32 $0x7FFFFFFF, v44;
	v58 =	vadd.s32 v5, v62;
	v55 =	vld.idx.msk [tilespmem:v55+s2+$0x0], $0xffff  }
0x25f: {  	v40 =	vmin.f32 v26, v40;
	v44 =	vmin.f32 v27, v44;
	v26 =	vld.idx.msk [tilespmem:v10+s17+$0x0], $0xffff  }
0x260: {  	v27 =	vand.u32 $0x7FFFFFFF, v45;
	v62 =	vand.u32 $0x7FFFFFFF, v21;
	v45 =	vld.idx.msk [tilespmem:v57+s2+$0x0], $0xffff;
	v41 =	vadd.s32 v6, v41  }
0x261: {  	v62 =	vmin.f32 v62, v27;
	v27 =	vld.idx.msk [tilespmem:v12+s16+$0x0], $0xffff;
	v38 =	vadd.s32 v7, v38  }
0x262: {  	v24 =	vand.u32 $0x7FFFFFFF, v24;
	v42 =	vand.u32 $0x7FFFFFFF, v42;
	v25 =	vadd.s32 v8, v25;
	v28 =	vld.idx.msk [tilespmem:v28+s2+$0x0], $0xffff  }
0x263: {  	v46 =	vand.u32 $0x7FFFFFFF, v46;
	v57 =	vand.u32 $0x7FFFFFFF, v23;
	v58 =	vld.idx.msk [tilespmem:v58+s2+$0x0], $0xffff;
	v23 =	vsub.f32 v55, v2  }
0x264: {  	v2 =	vmin.f32 v57, v42;
	v42 =	vmin.f32 v24, v46;
	v57 =	vand.u32 $0x7FFFFFFF, v51;
	v51 =	vld.idx.msk [tilespmem:v0+s16+$0x0], $0xffff  }
0x265: {  	v41 =	vld.idx.msk [tilespmem:v41+s2+$0x0], $0xffff;
	v55 =	vadd.s32 v9, v26;
	v24 =	vsub.f32 v45, v56;
	vm4 =	vgt.f32 v23, $0.0e+00  }
0x266: {  	v18 =	vshll.u32 v18, $0x1;
	v38 =	vld.idx.msk [tilespmem:v38+s2+$0x0], $0xffff;
	v45 =	vmin.f32 v29, v57;
	v57 =	vnsel vm4, s31, v19  }
0x267: {  	v46 =	vld.idx.msk [tilespmem:v25+s2+$0x0], $0xffff;
	v26 =	vsub.f32 v28, v60;
	vm5 =	vgt.f32 v24, $0.0e+00;
	v18 =	vadd.s32 v18, v57  }
0x268: {  	v29 =	vld.idx.msk [tilespmem:v54+s16+$0x0], $0xffff;
	v28 =	vshll.u32 v59, $0x1;
	v60 =	vnsel vm5, s31, v19  }
0x269: {  	v25 =	vsub.f32 v58, v61;
	vm6 =	vgt.f32 v26, $0.0e+00;
	v57 =	vld.idx.msk [tilespmem:v10+s16+$0x0], $0xffff;
	v56 =	vadd.s32 v28, v60  }
0x26a: {  	v11 =	vshll.u32 v11, $0x1;
	v13 =	vshll.u32 v13, $0x1;
	v61 =	vnsel vm6, s31, v19;
	v55 =	vld.idx.msk [tilespmem:v55+s2+$0x0], $0xffff  }
0x26b: {  	vm7 =	vgt.f32 v25, $0.0e+00;
	v11 =	vadd.s32 v11, v61;
	v28 =	vsub.f32 v38, v51  }
0x26c: {  	v12 =	vshll.u32 v12, $0x1;
	v27 =	vsub.f32 v41, v27;
	v58 =	vnsel vm7, s31, v19;
	v41 =	vld.idx.msk [tilespmem:v18+s16+$0x0], $0xffff  }
0x26d: {  	v13 =	vadd.s32 v13, v58;
	v29 =	vsub.f32 v46, v29;
	vm9 =	vgt.f32 v28, $0.0e+00;
	v46 =	vld.idx.msk [tilespmem:v18+s17+$0x0], $0xffff  }
0x26e: {  	v0 =	vshll.u32 v0, $0x1;
	vm8 =	vgt.f32 v27, $0.0e+00;
	v60 =	vnsel vm9, s31, v19;
	v51 =	vld.idx.msk [tilespmem:v56+s16+$0x0], $0xffff  }
0x26f: {  	v59 =	vnsel vm8, s31, v19;
	v0 =	vadd.s32 v0, v60;
	v38 =	vsub.f32 v55, v57;
	v55 =	vld.idx.msk [tilespmem:v56+s17+$0x0], $0xffff  }
0x270: {  	vm10 =	vgt.f32 v29, $0.0e+00;
	v12 =	vadd.s32 v12, v59;
	v58 =	vld.idx.msk [tilespmem:v11+s16+$0x0], $0xffff  }
0x271: {  	v54 =	vshll.u32 v54, $0x1;
	v61 =	vnsel vm10, s31, v19;
	v57 =	vld.idx.msk [tilespmem:v11+s17+$0x0], $0xffff;
	vm11 =	vgt.f32 v38, $0.0e+00  }
0x272: {  	v10 =	vshll.u32 v10, $0x1;
	v54 =	vadd.s32 v54, v61;
	v60 =	vld.idx.msk [tilespmem:v13+s17+$0x0], $0xffff;
	v59 =	vnsel vm11, s31, v19  }
0x273: {  	v31 =	vand.u32 $0x7FFFFFFF, v31;
	v46 =	vadd.s32 v1, v46;
	v10 =	vadd.s32 v10, v59;
	v59 =	vld.idx.msk [tilespmem:v13+s16+$0x0], $0xffff  }
0x274: {  	v30 =	vand.u32 $0x7FFFFFFF, v30;
	v31 =	vmin.f32 v40, v31;
	v33 =	vand.u32 $0x7FFFFFFF, v33;
	v40 =	vld.idx.msk [tilespmem:v0+s17+$0x0], $0xffff  }
0x275: {  	v36 =	vand.u32 $0x7FFFFFFF, v36;
	v33 =	vmin.f32 v44, v33;
	v61 =	vld.idx.msk [tilespmem:v12+s17+$0x0], $0xffff;
	v55 =	vadd.s32 v3, v55  }
0x276: {  	v36 =	vmin.f32 v62, v36;
	v62 =	vand.u32 $0x7FFFFFFF, v47;
	v47 =	vld.idx.msk [tilespmem:v12+s16+$0x0], $0xffff;
	v44 =	vadd.s32 v4, v57  }
0x277: {  	v30 =	vmin.f32 v43, v30;
	v43 =	vld.idx.msk [tilespmem:v54+s17+$0x0], $0xffff;
	v57 =	vadd.s32 v5, v60  }
0x278: {  	v32 =	vand.u32 $0x7FFFFFFF, v32;
	v37 =	vand.u32 $0x7FFFFFFF, v37;
	v39 =	vand.u32 $0x7FFFFFFF, v39;
	v46 =	vld.idx.msk [tilespmem:v46+s2+$0x0], $0xffff  }
0x279: {  	v2 =	vmin.f32 v2, v37;
	v37 =	vmin.f32 v42, v39;
	v39 =	vld.idx.msk [tilespmem:v10+s17+$0x0], $0xffff;
	v40 =	vadd.s32 v7, v40  }
0x27a: {  	v32 =	vmin.f32 v63, v32;
	v63 =	vand.u32 $0x7FFFFFFF, v48;
	v48 =	vld.idx.msk [tilespmem:v55+s2+$0x0], $0xffff;
	v55 =	vadd.s32 v6, v61  }
0x27b: {  	v53 =	vand.u32 $0x7FFFFFFF, v53;
	v32 =	vmin.f32 v32, v63;
	v44 =	vld.idx.msk [tilespmem:v44+s2+$0x0], $0xffff  }
0x27c: {  	v42 =	vmin.f32 v45, v62;
	v62 =	vand.u32 $0x7FFFFFFF, v52;
	v43 =	vadd.s32 v8, v43;
	v63 =	vld.idx.msk [tilespmem:v57+s2+$0x0], $0xffff  }
0x27d: {  	v36 =	vmin.f32 v36, v53;
	v33 =	vmin.f32 v33, v62;
	v41 =	vsub.f32 v46, v41;
	v46 =	vld.idx.msk [tilespmem:v0+s16+$0x0], $0xffff  }
0x27e: {  	v18 =	vshll.u32 v18, $0x1;
	v60 =	vand.u32 $0x7FFFFFFF, v49;
	v61 =	vand.u32 $0x7FFFFFFF, v50;
	v40 =	vld.idx.msk [tilespmem:v40+s2+$0x0], $0xffff  }
0x27f: {  	v39 =	vadd.s32 v9, v39;
	v57 =	vld.idx.msk [tilespmem:v55+s2+$0x0], $0xffff;
	v48 =	vsub.f32 v48, v51;
	vm12 =	vgt.f32 v41, $0.0e+00  }
0x280: {  	v45 =	vmin.f32 v30, v60;
	v31 =	vmin.f32 v31, v61;
	v51 =	vld.idx.msk [tilespmem:v54+s16+$0x0], $0xffff;
	v60 =	vnsel vm12, s31, v19  }
0x281: {  	v44 =	vsub.f32 v44, v58;
	v43 =	vld.idx.msk [tilespmem:v43+s2+$0x0], $0xffff;
	vm13 =	vgt.f32 v48, $0.0e+00;
	v18 =	vadd.s32 v18, v60  }
0x282: {  	v61 =	vshll.u32 v56, $0x1;
	v50 =	vsub.f32 v63, v59;
	v62 =	vnsel vm13, s31, v19  }
0x283: {  	v11 =	vshll.u32 v11, $0x1;
	v63 =	vld.idx.msk [tilespmem:v10+s16+$0x0], $0xffff;
	vm14 =	vgt.f32 v44, $0.0e+00;
	v52 =	vadd.s32 v61, v62  }
0x284: {  	v13 =	vshll.u32 v13, $0x1;
	v56 =	vnsel vm14, s31, v19;
	vm15 =	vgt.f32 v50, $0.0e+00;
	v39 =	vld.idx.msk [tilespmem:v39+s2+$0x0], $0xffff  }
0x285: {  	v11 =	vadd.s32 v11, v56;
	v30 =	vsub.f32 v40, v46;
	v47 =	vsub.f32 v57, v47  }
0x286: {  	v12 =	vshll.u32 v12, $0x1;
	v57 =	vnsel vm15, s31, v19;
	v43 =	vsub.f32 v43, v51;
	v40 =	vld.idx.msk [tilespmem:v18+s16+$0x0], $0xffff  }
0x287: {  	v13 =	vadd.s32 v13, v57;
	vm5 =	vgt.f32 v30, $0.0e+00;
	vm4 =	vgt.f32 v47, $0.0e+00;
	v49 =	vld.idx.msk [tilespmem:v18+s17+$0x0], $0xffff  }
0x288: {  	v0 =	vshll.u32 v0, $0x1;
	v59 =	vnsel vm5, s31, v19;
	v58 =	vnsel vm4, s31, v19;
	v46 =	vld.idx.msk [tilespmem:v52+s16+$0x0], $0xffff  }
0x289: {  	vm6 =	vgt.f32 v43, $0.0e+00;
	v12 =	vadd.s32 v12, v58;
	v39 =	vsub.f32 v39, v63;
	v53 =	vld.idx.msk [tilespmem:v52+s17+$0x0], $0xffff  }
0x28a: {  	v60 =	vshll.u32 v54, $0x1;
	v0 =	vadd.s32 v0, v59;
	v61 =	vnsel vm6, s31, v19;
	v55 =	vld.idx.msk [tilespmem:v11+s16+$0x0], $0xffff  }
0x28b: {  	v35 =	vand.u32 $0x7FFFFFFF, v35;
	v51 =	vadd.s32 v60, v61;
	v54 =	vld.idx.msk [tilespmem:v11+s17+$0x0], $0xffff;
	vm7 =	vgt.f32 v39, $0.0e+00  }
0x28c: {  	v10 =	vshll.u32 v10, $0x1;
	v63 =	vld.idx.msk [tilespmem:v13+s17+$0x0], $0xffff;
	v62 =	vnsel vm7, s31, v19;
	v49 =	vadd.s32 v1, v49  }
0x28d: {  	v2 =	vmin.f32 v2, v35;
	v35 =	vld.idx.msk [tilespmem:v13+s16+$0x0], $0xffff;
	v10 =	vadd.s32 v10, v62  }
0x28e: {  	v34 =	vand.u32 $0x7FFFFFFF, v34;
	v21 =	vadd.s32 $0xFFFFFF01, v22;
	v60 =	vld.idx.msk [tilespmem:v12+s17+$0x0], $0xffff;
	v53 =	vadd.s32 v3, v53  }
0x28f: {  	v22 =	vadd.s32 $0xFFFFFF02, v22;
	v34 =	vmin.f32 v37, v34;
	v24 =	vand.u32 $0x7FFFFFFF, v24;
	v61 =	vld.idx.msk [tilespmem:v0+s17+$0x0], $0xffff  }
0x290: {  	v23 =	vand.u32 $0x7FFFFFFF, v23;
	v24 =	vmin.f32 v32, v24;
	v32 =	vld.idx.msk [tilespmem:v51+s17+$0x0], $0xffff;
	v62 =	vadd.s32 v4, v54  }
0x291: {  	v23 =	vmin.f32 v42, v23;
	v26 =	vand.u32 $0x7FFFFFFF, v26;
	v25 =	vand.u32 $0x7FFFFFFF, v25;
	v49 =	vld.idx.msk [tilespmem:v49+s2+$0x0], $0xffff  }
0x292: {  	v27 =	vand.u32 $0x7FFFFFFF, v27;
	v25 =	vmin.f32 v31, v25;
	v63 =	vadd.s32 v5, v63;
	v31 =	vld.idx.msk [tilespmem:v10+s17+$0x0], $0xffff  }
0x293: {  	v28 =	vand.u32 $0x7FFFFFFF, v28;
	v27 =	vmin.f32 v33, v27;
	v57 =	vld.idx.msk [tilespmem:v53+s2+$0x0], $0xffff;
	v37 =	vadd.s32 v6, v60  }
0x294: {  	v29 =	vand.u32 $0x7FFFFFFF, v29;
	v28 =	vmin.f32 v36, v28;
	v33 =	vld.idx.msk [tilespmem:v12+s16+$0x0], $0xffff;
	v42 =	vadd.s32 v7, v61  }
0x295: {  	v2 =	vmin.f32 v2, v29;
	v26 =	vmin.f32 v45, v26;
	v44 =	vand.u32 $0x7FFFFFFF, v44;
	v60 =	vld.idx.msk [tilespmem:v62+s2+$0x0], $0xffff  }
0x296: {  	v56 =	vand.u32 $0x7FFFFFFF, v38;
	v32 =	vadd.s32 v8, v32;
	v62 =	vld.idx.msk [tilespmem:v0+s16+$0x0], $0xffff;
	v40 =	vsub.f32 v49, v40  }
0x297: {  	v38 =	vand.u32 $0x7FFFFFFF, v50;
	v29 =	vmin.f32 v34, v56;
	v59 =	vand.u32 $0x7FFFFFFF, v48;
	v61 =	vld.idx.msk [tilespmem:v63+s2+$0x0], $0xffff  }
0x298: {  	v31 =	vadd.s32 v9, v31;
	v63 =	vld.idx.msk [tilespmem:v37+s2+$0x0], $0xffff;
	v37 =	vsub.f32 v57, v46;
	vm8 =	vgt.f32 v40, $0.0e+00  }
0x299: {  	v18 =	vshll.u32 v18, $0x1;
	v58 =	vand.u32 $0x7FFFFFFF, v41;
	v42 =	vld.idx.msk [tilespmem:v42+s2+$0x0], $0xffff;
	v54 =	vnsel vm8, s31, v19  }
0x29a: {  	v53 =	vld.idx.msk [tilespmem:v51+s16+$0x0], $0xffff;
	v41 =	vsub.f32 v60, v55;
	vm9 =	vgt.f32 v37, $0.0e+00;
	v18 =	vadd.s32 v18, v54  }
0x29b: {  	v24 =	vmin.f32 v24, v59;
	v32 =	vld.idx.msk [tilespmem:v32+s2+$0x0], $0xffff;
	v55 =	vshll.u32 v52, $0x1;
	v56 =	vnsel vm9, s31, v19  }
0x29c: {  	v57 =	vld.idx.msk [tilespmem:v10+s16+$0x0], $0xffff;
	v35 =	vsub.f32 v61, v35;
	vm10 =	vgt.f32 v41, $0.0e+00;
	v46 =	vadd.s32 v55, v56  }
0x29d: {  	v11 =	vshll.u32 v11, $0x1;
	v23 =	vmin.f32 v23, v58;
	v58 =	vnsel vm10, s31, v19;
	v31 =	vld.idx.msk [tilespmem:v31+s2+$0x0], $0xffff  }
0x29e: {  	vm11 =	vgt.f32 v35, $0.0e+00;
	v11 =	vadd.s32 v11, v58;
	v34 =	vsub.f32 v42, v62  }
0x29f: {  	v13 =	vshll.u32 v13, $0x1;
	v12 =	vshll.u32 v12, $0x1;
	v59 =	vnsel vm11, s31, v19;
	v36 =	vld.idx.msk [tilespmem:v18+s16+$0x0], $0xffff  }
0x2a0: {  	v33 =	vsub.f32 v63, v33;
	v13 =	vadd.s32 v13, v59;
	vm13 =	vgt.f32 v34, $0.0e+00;
	v61 =	vld.idx.msk [tilespmem:v18+s17+$0x0], $0xffff  }
0x2a1: {  	v0 =	vshll.u32 v0, $0x1;
	v32 =	vsub.f32 v32, v53;
	v62 =	vnsel vm13, s31, v19;
	v42 =	vld.idx.msk [tilespmem:v46+s16+$0x0], $0xffff  }
0x2a2: {  	vm12 =	vgt.f32 v33, $0.0e+00;
	v0 =	vadd.s32 v0, v62;
	v31 =	vsub.f32 v31, v57;
	v63 =	vld.idx.msk [tilespmem:v46+s17+$0x0], $0xffff  }
0x2a3: {  	v54 =	vshll.u32 v51, $0x1;
	vm14 =	vgt.f32 v32, $0.0e+00;
	v60 =	vnsel vm12, s31, v19;
	v50 =	vld.idx.msk [tilespmem:v11+s16+$0x0], $0xffff  }
0x2a4: {  	v55 =	vnsel vm14, s31, v19;
	v12 =	vadd.s32 v12, v60;
	v56 =	vld.idx.msk [tilespmem:v11+s17+$0x0], $0xffff;
	vm15 =	vgt.f32 v31, $0.0e+00  }
0x2a5: {  	v10 =	vshll.u32 v10, $0x1;
	v48 =	vadd.s32 v54, v55;
	v51 =	vld.idx.msk [tilespmem:v13+s16+$0x0], $0xffff;
	v19 =	vnsel vm15, s31, v19  }
0x2a6: {  	v26 =	vmin.f32 v26, v44;
	v44 =	vadd.s32 v1, v61;
	v10 =	vadd.s32 v10, v19;
	v19 =	vld.idx.msk [tilespmem:v13+s17+$0x0], $0xffff  }
0x2a7: {  	v25 =	vmin.f32 v25, v38;
	v30 =	vand.u32 $0x7FFFFFFF, v30;
	v59 =	vand.u32 $0x7FFFFFFF, v39;
	v60 =	vld.idx.msk [tilespmem:v0+s17+$0x0], $0xffff  }
0x2a8: {  	v47 =	vand.u32 $0x7FFFFFFF, v47;
	v29 =	vmin.f32 v29, v59;
	v59 =	vld.idx.msk [tilespmem:v0+s16+$0x0], $0xffff;
	v45 =	vadd.s32 v3, v63  }
0x2a9: {  	v28 =	vmin.f32 v28, v30;
	v27 =	vmin.f32 v27, v47;
	v58 =	vld.idx.msk [tilespmem:v12+s17+$0x0], $0xffff;
	v63 =	vadd.s32 v4, v56  }
0x2aa: {  	v37 =	vand.u32 $0x7FFFFFFF, v37;
	v52 =	vand.u32 $0x7FFFFFFF, v41;
	v35 =	vand.u32 $0x7FFFFFFF, v35;
	v62 =	vld.idx.msk [tilespmem:v48+s17+$0x0], $0xffff  }
0x2ab: {  	v26 =	vmin.f32 v26, v52;
	v25 =	vmin.f32 v25, v35;
	v52 =	vshll.u32 v46, $0x1;
	v49 =	vld.idx.msk [tilespmem:v44+s2+$0x0], $0xffff  }
0x2ac: {  	v33 =	vand.u32 $0x7FFFFFFF, v33;
	v32 =	vand.u32 $0x7FFFFFFF, v32;
	v53 =	vld.idx.msk [tilespmem:v10+s17+$0x0], $0xffff;
	v19 =	vadd.s32 v5, v19  }
0x2ad: {  	v27 =	vmin.f32 v27, v33;
	v57 =	vand.u32 $0x7FFFFFFF, v43;
	v38 =	vadd.s32 v7, v60;
	v54 =	vld.idx.msk [tilespmem:v45+s2+$0x0], $0xffff  }
0x2ae: {  	v18 =	vshll.u32 v18, $0x1;
	v2 =	vmin.f32 v2, v57;
	v57 =	vadd.s32 v6, v58;
	v58 =	vld.idx.msk [tilespmem:v63+s2+$0x0], $0xffff  }
0x2af: {  	v55 =	vand.u32 $0x7FFFFFFF, v34;
	v11 =	vshll.u32 v11, $0x1;
	v56 =	vld.idx.msk [tilespmem:v12+s16+$0x0], $0xffff;
	v60 =	vadd.s32 v8, v62  }
0x2b0: {  	v28 =	vmin.f32 v28, v55;
	v2 =	vmin.f32 v2, v32;
	v61 =	vand.u32 $0x7FFFFFFF, v40;
	v62 =	vld.idx.msk [tilespmem:v48+s16+$0x0], $0xffff  }
0x2b1: {  	v31 =	vand.u32 $0x7FFFFFFF, v31;
	v23 =	vmin.f32 v23, v61;
	v19 =	vld.idx.msk [tilespmem:v19+s2+$0x0], $0xffff;
	v61 =	vadd.s32 v9, v53  }
0x2b2: {  	v29 =	vmin.f32 v29, v31;
	v13 =	vshll.u32 v13, $0x1;
	v30 =	vsub.f32 v49, v36;
	v38 =	vld.idx.msk [tilespmem:v38+s2+$0x0], $0xffff  }
0x2b3: {  	v0 =	vshll.u32 v0, $0x1;
	v44 =	vsub.f32 v54, v42;
	v45 =	vld.idx.msk [tilespmem:v57+s2+$0x0], $0xffff;
	v33 =	vsub.f32 v58, v50  }
0x2b4: {  	v12 =	vshll.u32 v12, $0x1;
	v53 =	vld.idx.msk [tilespmem:v60+s2+$0x0], $0xffff;
	v63 =	vand.u32 $0x7FFFFFFF, v30;
	vm4 =	vgt.f32 v30, $0.0e+00  }
0x2b5: {  	v50 =	vld.idx.msk [tilespmem:v10+s16+$0x0], $0xffff;
	v47 =	vsel vm4, v22, v21;
	vm5 =	vgt.f32 v44, $0.0e+00;
	vm6 =	vgt.f32 v33, $0.0e+00  }
0x2b6: {  	v18 =	vadd.s32 v18, v47;
	v54 =	vsel vm5, v22, v21;
	v55 =	vsel vm6, v22, v21;
	v36 =	vld.idx.msk [tilespmem:v61+s2+$0x0], $0xffff  }
0x2b7: {  	v19 =	vsub.f32 v19, v51;
	v31 =	vadd.s32 v52, v54;
	v11 =	vadd.s32 v11, v55  }
0x2b8: {  	v32 =	vsub.f32 v38, v59;
	v59 =	vshll.u32 v48, $0x1;
	v34 =	vsub.f32 v45, v56  }
0x2b9: {  	v30 =	vsub.f32 v53, v62;
	v62 =	vand.u32 $0x7FFFFFFF, v33;
	vm7 =	vgt.f32 v19, $0.0e+00  }
0x2ba: {  	vm9 =	vgt.f32 v32, $0.0e+00;
	v56 =	vsel vm7, v22, v21;
	vm8 =	vgt.f32 v34, $0.0e+00  }
0x2bb: {  	v33 =	vld [tilespmem:$0x1FFF0];
	v58 =	vsel vm9, v22, v21;
	v13 =	vadd.s32 v13, v56;
	v36 =	vsub.f32 v36, v50  }
0x2bc: {  	v40 =	vld [tilespmem:$0x1FFB0];
	vm10 =	vgt.f32 v30, $0.0e+00;
	v57 =	vsel vm8, v22, v21;
	v0 =	vadd.s32 v0, v58  }
0x2bd: {  	v60 =	vsel vm10, v22, v21;
	v18 =	vld.idx.msk [tilespmem:v18+s18+$0x0], $0xffff;
	v12 =	vadd.s32 v12, v57;
	vm11 =	vgt.f32 v36, $0.0e+00  }
0x2be: {  	v10 =	vshll.u32 v10, $0x1;
	v35 =	vadd.s32 v59, v60;
	v61 =	vld.idx.msk [tilespmem:v31+s18+$0x0], $0xffff;
	v21 =	vsel vm11, v22, v21  }
0x2bf: {  	v24 =	vmin.f32 v24, v37;
	v11 =	vld.idx.msk [tilespmem:v11+s18+$0x0], $0xffff;
	v10 =	vadd.s32 v10, v21  }
0x2c0: {  	v39 =	vor.u32 s30, v15;
	v23 =	vmin.f32 v23, v63;
	v20 =	vand.u32 v33, v20;
	v13 =	vld.idx.msk [tilespmem:v13+s18+$0x0], $0xffff  }
0x2c1: {  	v49 =	vand.u32 $0x7FFFFFFF, v44;
	v19 =	vand.u32 $0x7FFFFFFF, v19;
	v37 =	vand.u32 $0x7FFFFFFF, v34;
	v0 =	vld.idx.msk [tilespmem:v0+s18+$0x0], $0xffff  }
0x2c2: {  	v19 =	vmin.f32 v25, v19;
	v25 =	vmin.f32 v27, v37;
	v27 =	vor.u32 s30, v40;
	v12 =	vld.idx.msk [tilespmem:v12+s18+$0x0], $0xffff  }
0x2c3: {  	v24 =	vmin.f32 v24, v49;
	v18 =	vmul.f32 v18, v23;
	v42 =	vld.idx.msk [tilespmem:v35+s18+$0x0], $0xffff  }
0x2c4: {  	v63 =	vmin.f32 v26, v62;
	v22 =	vmul.f32 v61, v24;
	v10 =	vld.idx.msk [tilespmem:v10+s18+$0x0], $0xffff  }
0x2c5: {  	v11 =	vmul.f32 v11, v63;
	[tilespmem:v20+s20+$0x0] =	vst.idx.msk $0xffff, v18;
	v18 =	vld [tilespmem:$0x1FFC0]  }
0x2c6: {  	v13 =	vmul.f32 v13, v19;
	v19 =	vld [tilespmem:$0x1FFD0];
	[tilespmem:v39+s20+$0x0] =	vst.idx.msk $0xffff, v22  }
0x2c7: {  	[tilespmem:v27+s20+$0x0] =	vst.idx.msk $0xffff, v11;
	v11 =	vmul.f32 v12, v25;
	v12 =	vld [tilespmem:$0x1FFE0]  }
0x2c8: {  	v43 =	vor.u32 s30, v17;
	s31 =	sadd.s32 $0x100, s28  }
0x2c9: {  	v44 =	vor.u32 s30, v16;
	v45 =	vmov s31  }
0x2ca: {  	v38 =	vand.u32 $0x7FFFFFFF, v32;
	v46 =	vshrl.u32 v45, $0x3;
	v18 =	vor.u32 s30, v18  }
0x2cb: {  	v26 =	vmin.f32 v28, v38;
	v20 =	vshll.u32 v46, v14;
	v19 =	vor.u32 s30, v19  }
0x2cc: {  	v41 =	vand.u32 $0x7FFFFFFF, v30;
	v20 =	vbroadcast v20, $0x0;
	v12 =	vor.u32 s30, v12  }
0x2cd: {  	v2 =	vmin.f32 v2, v41;
	v47 =	vand.u32 $0x7FFFFFFF, v36;
	v0 =	vmul.f32 v0, v26;
	[tilespmem:v43+s20+$0x0] =	vst.idx.msk $0xffff, v13  }
0x2ce: {  	v2 =	vmul.f32 v42, v2;
	v13 =	vmin.f32 v29, v47;
	[tilespmem:v44+s20+$0x0] =	vst.idx.msk $0xffff, v11  }
0x2cf: {  	[tilespmem:v18+s20+$0x0] =	vst.idx.msk $0xffff, v0;
	v0 =	vmul.f32 v10, v13  }
0x2d0: {  	[tilespmem:v19+s20+$0x0] =	vst.idx.msk $0xffff, v2  }
0x2d1: {  	[tilespmem:v12+s20+$0x0] =	vst.idx.msk $0xffff, v0  }
0x2d2: {  	v0 =	vld.idx.msk [tilespmem:v20+s17+$0x0], $0xffff;
	_ =	sdelay $0x4  }
0x2d3: {  	v2 =	vadd.s32 v1, v0;
	_ =	sdelay $0x1  }
0x2d4: {  	v10 =	vadd.s32 v3, v0;
	_ =	sdelay $0x1  }
0x2d5: {  	v11 =	vld.idx.msk [tilespmem:v20+s16+$0x0], $0xffff;
	v12 =	vadd.s32 v4, v0  }
0x2d6: {  	v2 =	vld.idx.msk [tilespmem:v2+s2+$0x0], $0xffff  }
0x2d7: {  	v13 =	vadd.s32 v5, v0  }
0x2d8: {  	v19 =	vadd.s32 v7, v0;
	v10 =	vld.idx.msk [tilespmem:v10+s2+$0x0], $0xffff  }
0x2d9: {  	v18 =	vadd.s32 v6, v0  }
0x2da: {  	v12 =	vld.idx.msk [tilespmem:v12+s2+$0x0], $0xffff  }
0x2db: {  	s31 =	sadd.s32 $0x101, s28;
	v49 =	vadd.s32 v8, v0;
	v24 =	vsub.f32 v2, v11  }
0x2dc: {  	v48 =	vmov s31;
	v0 =	vadd.s32 v9, v0;
	v13 =	vld.idx.msk [tilespmem:v13+s2+$0x0], $0xffff  }
0x2dd: {  	v19 =	vld.idx.msk [tilespmem:v19+s2+$0x0], $0xffff;
	v2 =	vadd.s32 $0x1, v48;
	v25 =	vsub.f32 v10, v11;
	vm12 =	vgt.f32 v24, $0.0e+00  }
0x2de: {  	v10 =	vld.idx.msk [tilespmem:v18+s2+$0x0], $0xffff;
	v18 =	vnsel vm12, s31, v2  }
0x2df: {  	v26 =	vsub.f32 v12, v11;
	vm13 =	vgt.f32 v25, $0.0e+00  }
0x2e0: {  	v12 =	vld.idx.msk [tilespmem:v49+s2+$0x0], $0xffff;
	v50 =	vnsel vm13, s31, v2  }
0x2e1: {  	v0 =	vld.idx.msk [tilespmem:v0+s2+$0x0], $0xffff;
	v27 =	vsub.f32 v13, v11;
	vm14 =	vgt.f32 v26, $0.0e+00  }
0x2e2: {  	v13 =	vnsel vm14, s31, v2  }
0x2e3: {  	v21 =	vsub.f32 v19, v11;
	vm15 =	vgt.f32 v27, $0.0e+00;
	v22 =	vsub.f32 v10, v11;
	v10 =	vld.idx.msk [tilespmem:v18+s16+$0x0], $0xffff  }
0x2e4: {  	v30 =	vnsel vm15, s31, v2;
	v19 =	vld.idx.msk [tilespmem:v18+s17+$0x0], $0xffff  }
0x2e5: {  	vm5 =	vgt.f32 v21, $0.0e+00;
	v23 =	vsub.f32 v12, v11;
	v12 =	vld.idx.msk [tilespmem:v50+s16+$0x0], $0xffff  }
0x2e6: {  	v28 =	vsub.f32 v0, v11;
	v0 =	vnsel vm5, s31, v2;
	vm4 =	vgt.f32 v22, $0.0e+00;
	v51 =	vld.idx.msk [tilespmem:v50+s17+$0x0], $0xffff  }
0x2e7: {  	vm6 =	vgt.f32 v23, $0.0e+00;
	v31 =	vnsel vm4, s31, v2;
	v11 =	vld.idx.msk [tilespmem:v13+s16+$0x0], $0xffff  }
0x2e8: {  	vm7 =	vgt.f32 v28, $0.0e+00;
	v32 =	vnsel vm6, s31, v2;
	v52 =	vld.idx.msk [tilespmem:v13+s17+$0x0], $0xffff  }
0x2e9: {  	v53 =	vld.idx.msk [tilespmem:v30+s17+$0x0], $0xffff;
	v2 =	vnsel vm7, s31, v2  }
0x2ea: {  	v54 =	vld.idx.msk [tilespmem:v30+s16+$0x0], $0xffff;
	v19 =	vadd.s32 v1, v19  }
0x2eb: {  	v56 =	vld.idx.msk [tilespmem:v0+s17+$0x0], $0xffff  }
0x2ec: {  	v55 =	vld.idx.msk [tilespmem:v31+s17+$0x0], $0xffff;
	v20 =	vadd.s32 v3, v51  }
0x2ed: {  	v57 =	vld.idx.msk [tilespmem:v32+s17+$0x0], $0xffff  }
0x2ee: {  	v33 =	vadd.s32 v4, v52;
	v59 =	vld.idx.msk [tilespmem:v2+s17+$0x0], $0xffff  }
0x2ef: {  	v34 =	vadd.s32 v5, v53;
	v58 =	vld.idx.msk [tilespmem:v19+s2+$0x0], $0xffff  }
0x2f0: {  	v61 =	vld.idx.msk [tilespmem:v31+s16+$0x0], $0xffff;
	v37 =	vadd.s32 v7, v56  }
0x2f1: {  	v60 =	vld.idx.msk [tilespmem:v20+s2+$0x0], $0xffff  }
0x2f2: {  	v29 =	vshll.u32 v50, $0x1;
	v50 =	vld.idx.msk [tilespmem:v2+s16+$0x0], $0xffff;
	v36 =	vadd.s32 v6, v55  }
0x2f3: {  	v33 =	vld.idx.msk [tilespmem:v33+s2+$0x0], $0xffff  }
0x2f4: {  	v34 =	vld.idx.msk [tilespmem:v34+s2+$0x0], $0xffff;
	v62 =	vadd.s32 v8, v57;
	v38 =	vsub.f32 v58, v10  }
0x2f5: {  	v19 =	vmov s29;
	v63 =	vadd.s32 v9, v59;
	v37 =	vld.idx.msk [tilespmem:v37+s2+$0x0], $0xffff  }
0x2f6: {  	v20 =	vadd.s32 $0x1, v19;
	v10 =	vld.idx.msk [tilespmem:v0+s16+$0x0], $0xffff;
	v39 =	vsub.f32 v60, v12;
	vm8 =	vgt.f32 v38, $0.0e+00  }
0x2f7: {  	v18 =	vshll.u32 v18, $0x1;
	v36 =	vld.idx.msk [tilespmem:v36+s2+$0x0], $0xffff;
	v48 =	vnsel vm8, s29, v20  }
0x2f8: {  	v12 =	vld.idx.msk [tilespmem:v32+s16+$0x0], $0xffff;
	v40 =	vsub.f32 v33, v11;
	vm9 =	vgt.f32 v39, $0.0e+00;
	v18 =	vadd.s32 v18, v48  }
0x2f9: {  	v13 =	vshll.u32 v13, $0x1;
	v30 =	vshll.u32 v30, $0x1;
	v11 =	vld.idx.msk [tilespmem:v62+s2+$0x0], $0xffff;
	v49 =	vnsel vm9, s29, v20  }
0x2fa: {  	v43 =	vsub.f32 v34, v54;
	v51 =	vld.idx.msk [tilespmem:v63+s2+$0x0], $0xffff;
	vm10 =	vgt.f32 v40, $0.0e+00;
	v33 =	vadd.s32 v29, v49  }
0x2fb: {  	v54 =	vshll.u32 v31, $0x1;
	v0 =	vshll.u32 v0, $0x1;
	v52 =	vnsel vm10, s29, v20  }
0x2fc: {  	vm11 =	vgt.f32 v43, $0.0e+00;
	v13 =	vadd.s32 v13, v52;
	v44 =	vsub.f32 v36, v61  }
0x2fd: {  	v58 =	vshll.u32 v32, $0x1;
	v53 =	vnsel vm11, s29, v20;
	v41 =	vsub.f32 v37, v10;
	v10 =	vld.idx.msk [tilespmem:v18+s16+$0x0], $0xffff  }
0x2fe: {  	v35 =	vadd.s32 v30, v53;
	v42 =	vsub.f32 v11, v12;
	vm12 =	vgt.f32 v44, $0.0e+00;
	v11 =	vld.idx.msk [tilespmem:v18+s17+$0x0], $0xffff  }
0x2ff: {  	v45 =	vsub.f32 v51, v50;
	vm13 =	vgt.f32 v41, $0.0e+00;
	v55 =	vnsel vm12, s29, v20;
	v30 =	vld.idx.msk [tilespmem:v33+s16+$0x0], $0xffff  }
0x300: {  	vm14 =	vgt.f32 v42, $0.0e+00;
	v56 =	vnsel vm13, s29, v20;
	v12 =	vadd.s32 v54, v55;
	v57 =	vld.idx.msk [tilespmem:v33+s17+$0x0], $0xffff  }
0x301: {  	vm15 =	vgt.f32 v45, $0.0e+00;
	v59 =	vnsel vm14, s29, v20;
	v0 =	vadd.s32 v0, v56;
	v34 =	vld.idx.msk [tilespmem:v13+s16+$0x0], $0xffff  }
0x302: {  	v2 =	vshll.u32 v2, $0x1;
	v61 =	vnsel vm15, s29, v20;
	v32 =	vadd.s32 v58, v59;
	v60 =	vld.idx.msk [tilespmem:v13+s17+$0x0], $0xffff  }
0x303: {  	v62 =	vld.idx.msk [tilespmem:v35+s17+$0x0], $0xffff;
	v2 =	vadd.s32 v2, v61  }
0x304: {  	v63 =	vld.idx.msk [tilespmem:v35+s16+$0x0], $0xffff;
	v11 =	vadd.s32 v1, v11  }
0x305: {  	v53 =	vld.idx.msk [tilespmem:v12+s17+$0x0], $0xffff  }
0x306: {  	v29 =	vadd.s32 v3, v57;
	v54 =	vld.idx.msk [tilespmem:v0+s17+$0x0], $0xffff  }
0x307: {  	v55 =	vld.idx.msk [tilespmem:v32+s17+$0x0], $0xffff  }
0x308: {  	v31 =	vadd.s32 v4, v60;
	v56 =	vld.idx.msk [tilespmem:v2+s17+$0x0], $0xffff  }
0x309: {  	v37 =	vadd.s32 v5, v62;
	v11 =	vld.idx.msk [tilespmem:v11+s2+$0x0], $0xffff  }
0x30a: {  	v57 =	vld.idx.msk [tilespmem:v12+s16+$0x0], $0xffff  }
0x30b: {  	v29 =	vld.idx.msk [tilespmem:v29+s2+$0x0], $0xffff;
	v46 =	vadd.s32 v6, v53  }
0x30c: {  	v60 =	vld.idx.msk [tilespmem:v32+s16+$0x0], $0xffff;
	v58 =	vadd.s32 v7, v54  }
0x30d: {  	v31 =	vld.idx.msk [tilespmem:v31+s2+$0x0], $0xffff;
	v48 =	vadd.s32 v8, v55  }
0x30e: {  	v37 =	vld.idx.msk [tilespmem:v37+s2+$0x0], $0xffff;
	v47 =	vsub.f32 v11, v10  }
0x30f: {  	v59 =	vadd.s32 v9, v56;
	v10 =	vld.idx.msk [tilespmem:v0+s16+$0x0], $0xffff  }
0x310: {  	v11 =	vld.idx.msk [tilespmem:v46+s2+$0x0], $0xffff;
	v29 =	vsub.f32 v29, v30;
	vm4 =	vgt.f32 v47, $0.0e+00  }
0x311: {  	v18 =	vshll.u32 v18, $0x1;
	v33 =	vshll.u32 v33, $0x1;
	v51 =	vld.idx.msk [tilespmem:v58+s2+$0x0], $0xffff;
	v61 =	vnsel vm4, s29, v20  }
0x312: {  	v30 =	vsub.f32 v31, v34;
	v48 =	vld.idx.msk [tilespmem:v48+s2+$0x0], $0xffff;
	vm5 =	vgt.f32 v29, $0.0e+00;
	v18 =	vadd.s32 v18, v61  }
0x313: {  	v13 =	vshll.u32 v13, $0x1;
	v31 =	vsub.f32 v37, v63;
	v63 =	vld.idx.msk [tilespmem:v2+s16+$0x0], $0xffff;
	v62 =	vnsel vm5, s29, v20  }
0x314: {  	v12 =	vshll.u32 v12, $0x1;
	v46 =	vld.idx.msk [tilespmem:v59+s2+$0x0], $0xffff;
	vm6 =	vgt.f32 v30, $0.0e+00;
	v52 =	vadd.s32 v33, v62  }
0x315: {  	v32 =	vshll.u32 v32, $0x1;
	v0 =	vshll.u32 v0, $0x1;
	v54 =	vnsel vm6, s29, v20  }
0x316: {  	vm7 =	vgt.f32 v31, $0.0e+00;
	v34 =	vsub.f32 v11, v57;
	v11 =	vadd.s32 v13, v54  }
0x317: {  	v55 =	vnsel vm7, s29, v20;
	v13 =	vshll.u32 v35, $0x1;
	v33 =	vsub.f32 v51, v10;
	v10 =	vld.idx.msk [tilespmem:v18+s16+$0x0], $0xffff  }
0x318: {  	v36 =	vsub.f32 v48, v60;
	v13 =	vadd.s32 v13, v55;
	vm8 =	vgt.f32 v34, $0.0e+00;
	v57 =	vld.idx.msk [tilespmem:v18+s17+$0x0], $0xffff  }
0x319: {  	v37 =	vsub.f32 v46, v63;
	vm9 =	vgt.f32 v33, $0.0e+00;
	v56 =	vnsel vm8, s29, v20;
	v35 =	vld.idx.msk [tilespmem:v52+s16+$0x0], $0xffff  }
0x31a: {  	vm10 =	vgt.f32 v36, $0.0e+00;
	v58 =	vnsel vm9, s29, v20;
	v12 =	vadd.s32 v12, v56;
	v59 =	vld.idx.msk [tilespmem:v52+s17+$0x0], $0xffff  }
0x31b: {  	vm11 =	vgt.f32 v37, $0.0e+00;
	v60 =	vnsel vm10, s29, v20;
	v0 =	vadd.s32 v0, v58;
	v50 =	vld.idx.msk [tilespmem:v11+s16+$0x0], $0xffff  }
0x31c: {  	v2 =	vshll.u32 v2, $0x1;
	v61 =	vnsel vm11, s29, v20;
	v53 =	vadd.s32 v32, v60;
	v32 =	vld.idx.msk [tilespmem:v11+s17+$0x0], $0xffff  }
0x31d: {  	v2 =	vadd.s32 v2, v61;
	v62 =	vld.idx.msk [tilespmem:v13+s17+$0x0], $0xffff  }
0x31e: {  	v54 =	vld.idx.msk [tilespmem:v13+s16+$0x0], $0xffff;
	v48 =	vadd.s32 v1, v57  }
0x31f: {  	v63 =	vld.idx.msk [tilespmem:v12+s17+$0x0], $0xffff  }
0x320: {  	v46 =	vadd.s32 v3, v59;
	v60 =	vld.idx.msk [tilespmem:v0+s17+$0x0], $0xffff  }
0x321: {  	v61 =	vld.idx.msk [tilespmem:v53+s17+$0x0], $0xffff;
	v32 =	vadd.s32 v4, v32  }
0x322: {  	v51 =	vadd.s32 v5, v62;
	v62 =	vld.idx.msk [tilespmem:v2+s17+$0x0], $0xffff  }
0x323: {  	v48 =	vld.idx.msk [tilespmem:v48+s2+$0x0], $0xffff  }
0x324: {  	v58 =	vld.idx.msk [tilespmem:v12+s16+$0x0], $0xffff  }
0x325: {  	v46 =	vld.idx.msk [tilespmem:v46+s2+$0x0], $0xffff;
	v49 =	vadd.s32 v6, v63  }
0x326: {  	v32 =	vld.idx.msk [tilespmem:v32+s2+$0x0], $0xffff  }
0x327: {  	v55 =	vadd.s32 v7, v60;
	v51 =	vld.idx.msk [tilespmem:v51+s2+$0x0], $0xffff  }
0x328: {  	v56 =	vadd.s32 v8, v61;
	v57 =	vadd.s32 v9, v62;
	v62 =	vld.idx.msk [tilespmem:v2+s16+$0x0], $0xffff;
	v48 =	vsub.f32 v48, v10  }
0x329: {  	v10 =	vld.idx.msk [tilespmem:v0+s16+$0x0], $0xffff  }
0x32a: {  	v59 =	vld.idx.msk [tilespmem:v49+s2+$0x0], $0xffff;
	v49 =	vsub.f32 v46, v35;
	vm12 =	vgt.f32 v48, $0.0e+00  }
0x32b: {  	v18 =	vshll.u32 v18, $0x1;
	v35 =	vld.idx.msk [tilespmem:v53+s16+$0x0], $0xffff;
	v63 =	vnsel vm12, s29, v20  }
0x32c: {  	v55 =	vld.idx.msk [tilespmem:v55+s2+$0x0], $0xffff;
	v50 =	vsub.f32 v32, v50;
	vm13 =	vgt.f32 v49, $0.0e+00;
	v18 =	vadd.s32 v18, v63  }
0x32d: {  	v11 =	vshll.u32 v11, $0x1;
	v60 =	vshll.u32 v52, $0x1;
	v32 =	vld.idx.msk [tilespmem:v56+s2+$0x0], $0xffff;
	v61 =	vnsel vm13, s29, v20  }
0x32e: {  	v51 =	vsub.f32 v51, v54;
	v57 =	vld.idx.msk [tilespmem:v57+s2+$0x0], $0xffff;
	vm14 =	vgt.f32 v50, $0.0e+00;
	v56 =	vadd.s32 v60, v61  }
0x32f: {  	v13 =	vshll.u32 v13, $0x1;
	v12 =	vshll.u32 v12, $0x1;
	v63 =	vnsel vm14, s29, v20  }
0x330: {  	vm15 =	vgt.f32 v51, $0.0e+00;
	v52 =	vsub.f32 v59, v58;
	v11 =	vadd.s32 v11, v63  }
0x331: {  	v0 =	vshll.u32 v0, $0x1;
	v59 =	vnsel vm15, s29, v20;
	v46 =	vsub.f32 v55, v10;
	v10 =	vld.idx.msk [tilespmem:v18+s16+$0x0], $0xffff  }
0x332: {  	v13 =	vadd.s32 v13, v59;
	v35 =	vsub.f32 v32, v35;
	vm4 =	vgt.f32 v52, $0.0e+00;
	v58 =	vld.idx.msk [tilespmem:v18+s17+$0x0], $0xffff  }
0x333: {  	vm5 =	vgt.f32 v46, $0.0e+00;
	v32 =	vsub.f32 v57, v62;
	v60 =	vnsel vm4, s29, v20;
	v55 =	vld.idx.msk [tilespmem:v56+s16+$0x0], $0xffff  }
0x334: {  	v61 =	vnsel vm5, s29, v20;
	vm6 =	vgt.f32 v35, $0.0e+00;
	v12 =	vadd.s32 v12, v60;
	v54 =	vld.idx.msk [tilespmem:v56+s17+$0x0], $0xffff  }
0x335: {  	v53 =	vshll.u32 v53, $0x1;
	v0 =	vadd.s32 v0, v61;
	v62 =	vnsel vm6, s29, v20;
	v59 =	vld.idx.msk [tilespmem:v11+s16+$0x0], $0xffff  }
0x336: {  	vm7 =	vgt.f32 v32, $0.0e+00;
	v53 =	vadd.s32 v53, v62;
	v57 =	vld.idx.msk [tilespmem:v11+s17+$0x0], $0xffff  }
0x337: {  	v2 =	vshll.u32 v2, $0x1;
	v60 =	vnsel vm7, s29, v20;
	v61 =	vld.idx.msk [tilespmem:v13+s16+$0x0], $0xffff;
	v58 =	vadd.s32 v1, v58  }
0x338: {  	v24 =	vand.u32 $0x7FFFFFFF, v24;
	v25 =	vand.u32 $0x7FFFFFFF, v25;
	v2 =	vadd.s32 v2, v60;
	v60 =	vld.idx.msk [tilespmem:v13+s17+$0x0], $0xffff  }
0x339: {  	v26 =	vand.u32 $0x7FFFFFFF, v26;
	v27 =	vand.u32 $0x7FFFFFFF, v27;
	v62 =	vld.idx.msk [tilespmem:v12+s17+$0x0], $0xffff;
	v54 =	vadd.s32 v3, v54  }
0x33a: {  	v21 =	vand.u32 $0x7FFFFFFF, v21;
	v38 =	vand.u32 $0x7FFFFFFF, v38;
	v63 =	vand.u32 $0x7FFFFFFF, v39;
	v39 =	vld.idx.msk [tilespmem:v0+s17+$0x0], $0xffff  }
0x33b: {  	v38 =	vmin.f32 v24, v38;
	v63 =	vmin.f32 v25, v63;
	v24 =	vld.idx.msk [tilespmem:v53+s17+$0x0], $0xffff;
	v25 =	vadd.s32 v4, v57  }
0x33c: {  	v28 =	vand.u32 $0x7FFFFFFF, v28;
	v40 =	vand.u32 $0x7FFFFFFF, v40;
	v43 =	vand.u32 $0x7FFFFFFF, v43;
	v57 =	vld.idx.msk [tilespmem:v58+s2+$0x0], $0xffff  }
0x33d: {  	v40 =	vmin.f32 v26, v40;
	v43 =	vmin.f32 v27, v43;
	v26 =	vld.idx.msk [tilespmem:v2+s17+$0x0], $0xffff;
	v27 =	vadd.s32 v5, v60  }
0x33e: {  	v22 =	vand.u32 $0x7FFFFFFF, v22;
	v44 =	vand.u32 $0x7FFFFFFF, v44;
	v54 =	vld.idx.msk [tilespmem:v54+s2+$0x0], $0xffff;
	v58 =	vadd.s32 v6, v62  }
0x33f: {  	v23 =	vand.u32 $0x7FFFFFFF, v23;
	v44 =	vmin.f32 v22, v44;
	v60 =	vld.idx.msk [tilespmem:v12+s16+$0x0], $0xffff;
	v39 =	vadd.s32 v7, v39  }
0x340: {  	v47 =	vand.u32 $0x7FFFFFFF, v47;
	v29 =	vand.u32 $0x7FFFFFFF, v29;
	v62 =	vand.u32 $0x7FFFFFFF, v41;
	v25 =	vld.idx.msk [tilespmem:v25+s2+$0x0], $0xffff  }
0x341: {  	v41 =	vmin.f32 v21, v62;
	v62 =	vand.u32 $0x7FFFFFFF, v42;
	v42 =	vld.idx.msk [tilespmem:v0+s16+$0x0], $0xffff;
	v21 =	vsub.f32 v57, v10  }
0x342: {  	v30 =	vand.u32 $0x7FFFFFFF, v30;
	v24 =	vadd.s32 v8, v24;
	v27 =	vld.idx.msk [tilespmem:v27+s2+$0x0], $0xffff;
	v26 =	vadd.s32 v9, v26  }
0x343: {  	v57 =	vand.u32 $0x7FFFFFFF, v45;
	v45 =	vld.idx.msk [tilespmem:v58+s2+$0x0], $0xffff;
	v22 =	vsub.f32 v54, v55;
	vm8 =	vgt.f32 v21, $0.0e+00  }
0x344: {  	v18 =	vshll.u32 v18, $0x1;
	v10 =	vmin.f32 v23, v62;
	v39 =	vld.idx.msk [tilespmem:v39+s2+$0x0], $0xffff;
	v58 =	vnsel vm8, s29, v20  }
0x345: {  	v55 =	vld.idx.msk [tilespmem:v2+s16+$0x0], $0xffff;
	v23 =	vsub.f32 v25, v59;
	vm9 =	vgt.f32 v22, $0.0e+00;
	v18 =	vadd.s32 v18, v58  }
0x346: {  	v54 =	vmin.f32 v28, v57;
	v28 =	vld.idx.msk [tilespmem:v53+s16+$0x0], $0xffff;
	v25 =	vshll.u32 v56, $0x1;
	v62 =	vnsel vm9, s29, v20  }
0x347: {  	v57 =	vld.idx.msk [tilespmem:v24+s2+$0x0], $0xffff;
	vm10 =	vgt.f32 v23, $0.0e+00;
	v56 =	vadd.s32 v25, v62;
	v25 =	vsub.f32 v27, v61  }
0x348: {  	v11 =	vshll.u32 v11, $0x1;
	v13 =	vshll.u32 v13, $0x1;
	v58 =	vld.idx.msk [tilespmem:v26+s2+$0x0], $0xffff;
	v62 =	vnsel vm10, s29, v20  }
0x349: {  	v24 =	vsub.f32 v45, v60;
	v11 =	vadd.s32 v11, v62;
	vm11 =	vgt.f32 v25, $0.0e+00  }
0x34a: {  	v12 =	vshll.u32 v12, $0x1;
	v26 =	vsub.f32 v39, v42;
	v59 =	vnsel vm11, s29, v20;
	v39 =	vld.idx.msk [tilespmem:v18+s17+$0x0], $0xffff  }
0x34b: {  	v0 =	vshll.u32 v0, $0x1;
	vm12 =	vgt.f32 v24, $0.0e+00;
	v13 =	vadd.s32 v13, v59;
	v42 =	vld.idx.msk [tilespmem:v18+s16+$0x0], $0xffff  }
0x34c: {  	v27 =	vsub.f32 v57, v28;
	vm13 =	vgt.f32 v26, $0.0e+00;
	v60 =	vnsel vm12, s29, v20;
	v45 =	vld.idx.msk [tilespmem:v56+s16+$0x0], $0xffff  }
0x34d: {  	v61 =	vnsel vm13, s29, v20;
	v12 =	vadd.s32 v12, v60;
	v28 =	vsub.f32 v58, v55;
	v55 =	vld.idx.msk [tilespmem:v56+s17+$0x0], $0xffff  }
0x34e: {  	v31 =	vand.u32 $0x7FFFFFFF, v31;
	vm14 =	vgt.f32 v27, $0.0e+00;
	v0 =	vadd.s32 v0, v61;
	v57 =	vld.idx.msk [tilespmem:v11+s17+$0x0], $0xffff  }
0x34f: {  	v38 =	vmin.f32 v38, v47;
	v53 =	vshll.u32 v53, $0x1;
	v62 =	vnsel vm14, s29, v20;
	v59 =	vld.idx.msk [tilespmem:v11+s16+$0x0], $0xffff  }
0x350: {  	v30 =	vmin.f32 v40, v30;
	v53 =	vadd.s32 v53, v62;
	vm15 =	vgt.f32 v28, $0.0e+00;
	v60 =	vld.idx.msk [tilespmem:v13+s17+$0x0], $0xffff  }
0x351: {  	v2 =	vshll.u32 v2, $0x1;
	v58 =	vnsel vm15, s29, v20;
	v47 =	vld.idx.msk [tilespmem:v13+s16+$0x0], $0xffff;
	v39 =	vadd.s32 v1, v39  }
0x352: {  	v31 =	vmin.f32 v43, v31;
	v2 =	vadd.s32 v2, v58;
	v58 =	vld.idx.msk [tilespmem:v12+s17+$0x0], $0xffff;
	v55 =	vadd.s32 v3, v55  }
0x353: {  	v33 =	vand.u32 $0x7FFFFFFF, v33;
	v29 =	vmin.f32 v63, v29;
	v62 =	vand.u32 $0x7FFFFFFF, v49;
	v61 =	vld.idx.msk [tilespmem:v0+s17+$0x0], $0xffff  }
0x354: {  	v33 =	vmin.f32 v41, v33;
	v41 =	vmin.f32 v29, v62;
	v29 =	vld.idx.msk [tilespmem:v0+s16+$0x0], $0xffff;
	v57 =	vadd.s32 v4, v57  }
0x355: {  	v34 =	vand.u32 $0x7FFFFFFF, v34;
	v36 =	vand.u32 $0x7FFFFFFF, v36;
	v40 =	vld.idx.msk [tilespmem:v53+s17+$0x0], $0xffff;
	v43 =	vadd.s32 v5, v60  }
0x356: {  	v34 =	vmin.f32 v44, v34;
	v44 =	vand.u32 $0x7FFFFFFF, v37;
	v10 =	vmin.f32 v10, v36;
	v39 =	vld.idx.msk [tilespmem:v39+s2+$0x0], $0xffff  }
0x357: {  	v36 =	vmin.f32 v54, v44;
	v54 =	vand.u32 $0x7FFFFFFF, v48;
	v44 =	vld.idx.msk [tilespmem:v55+s2+$0x0], $0xffff;
	v48 =	vadd.s32 v6, v58  }
0x358: {  	v35 =	vand.u32 $0x7FFFFFFF, v35;
	v37 =	vld.idx.msk [tilespmem:v2+s17+$0x0], $0xffff;
	v63 =	vadd.s32 v7, v61  }
0x359: {  	v32 =	vand.u32 $0x7FFFFFFF, v32;
	v18 =	vshll.u32 v18, $0x1;
	v11 =	vshll.u32 v11, $0x1;
	v49 =	vld.idx.msk [tilespmem:v57+s2+$0x0], $0xffff  }
0x35a: {  	v13 =	vshll.u32 v13, $0x1;
	v0 =	vshll.u32 v0, $0x1;
	v40 =	vadd.s32 v8, v40;
	v43 =	vld.idx.msk [tilespmem:v43+s2+$0x0], $0xffff  }
0x35b: {  	v58 =	vand.u32 $0x7FFFFFFF, v51;
	v61 =	vand.u32 $0x7FFFFFFF, v52;
	v39 =	vsub.f32 v39, v42;
	v42 =	vld.idx.msk [tilespmem:v12+s16+$0x0], $0xffff  }
0x35c: {  	v57 =	vand.u32 $0x7FFFFFFF, v50;
	v31 =	vmin.f32 v31, v58;
	v48 =	vld.idx.msk [tilespmem:v48+s2+$0x0], $0xffff;
	v44 =	vsub.f32 v44, v45  }
0x35d: {  	v30 =	vmin.f32 v30, v57;
	v37 =	vadd.s32 v9, v37;
	v45 =	vld.idx.msk [tilespmem:v63+s2+$0x0], $0xffff;
	vm4 =	vgt.f32 v39, $0.0e+00  }
0x35e: {  	v63 =	vld.idx.msk [tilespmem:v53+s16+$0x0], $0xffff;
	v49 =	vsub.f32 v49, v59;
	vm5 =	vgt.f32 v44, $0.0e+00;
	v62 =	vnsel vm4, s29, v20  }
0x35f: {  	v57 =	vshll.u32 v56, $0x1;
	v40 =	vld.idx.msk [tilespmem:v40+s2+$0x0], $0xffff;
	v58 =	vnsel vm5, s29, v20;
	v18 =	vadd.s32 v18, v62  }
0x360: {  	vm6 =	vgt.f32 v49, $0.0e+00;
	v43 =	vsub.f32 v43, v47;
	v47 =	vadd.s32 v57, v58  }
0x361: {  	v52 =	vld.idx.msk [tilespmem:v2+s16+$0x0], $0xffff;
	v34 =	vmin.f32 v34, v61;
	v12 =	vshll.u32 v12, $0x1;
	v59 =	vnsel vm6, s29, v20  }
0x362: {  	v37 =	vld.idx.msk [tilespmem:v37+s2+$0x0], $0xffff;
	v58 =	vshll.u32 v53, $0x1;
	v11 =	vadd.s32 v11, v59;
	v42 =	vsub.f32 v48, v42  }
0x363: {  	v29 =	vsub.f32 v45, v29;
	v45 =	vand.u32 $0x7FFFFFFF, v46;
	vm7 =	vgt.f32 v43, $0.0e+00  }
0x364: {  	v40 =	vsub.f32 v40, v63;
	v61 =	vnsel vm7, s29, v20;
	vm8 =	vgt.f32 v42, $0.0e+00;
	v63 =	vld.idx.msk [tilespmem:v18+s17+$0x0], $0xffff  }
0x365: {  	vm9 =	vgt.f32 v29, $0.0e+00;
	v13 =	vadd.s32 v13, v61;
	v62 =	vnsel vm8, s29, v20;
	v57 =	vld.idx.msk [tilespmem:v47+s17+$0x0], $0xffff  }
0x366: {  	v56 =	vnsel vm9, s29, v20;
	vm10 =	vgt.f32 v40, $0.0e+00;
	v12 =	vadd.s32 v12, v62;
	v46 =	vld.idx.msk [tilespmem:v18+s16+$0x0], $0xffff  }
0x367: {  	v0 =	vadd.s32 v0, v56;
	v59 =	vnsel vm10, s29, v20;
	v37 =	vsub.f32 v37, v52;
	v50 =	vld.idx.msk [tilespmem:v47+s16+$0x0], $0xffff  }
0x368: {  	v10 =	vmin.f32 v10, v35;
	v33 =	vmin.f32 v33, v45;
	v61 =	vld.idx.msk [tilespmem:v11+s17+$0x0], $0xffff;
	v45 =	vadd.s32 v58, v59  }
0x369: {  	v21 =	vand.u32 $0x7FFFFFFF, v21;
	v35 =	vld.idx.msk [tilespmem:v11+s16+$0x0], $0xffff;
	vm11 =	vgt.f32 v37, $0.0e+00;
	v48 =	vadd.s32 v1, v63  }
0x36a: {  	v2 =	vshll.u32 v2, $0x1;
	v62 =	vnsel vm11, s29, v20;
	v63 =	vld.idx.msk [tilespmem:v13+s17+$0x0], $0xffff;
	v51 =	vadd.s32 v3, v57  }
0x36b: {  	v22 =	vand.u32 $0x7FFFFFFF, v22;
	v38 =	vmin.f32 v38, v54;
	v2 =	vadd.s32 v2, v62;
	v56 =	vld.idx.msk [tilespmem:v12+s17+$0x0], $0xffff  }
0x36c: {  	v32 =	vmin.f32 v36, v32;
	v23 =	vand.u32 $0x7FFFFFFF, v23;
	v21 =	vmin.f32 v38, v21;
	v57 =	vld.idx.msk [tilespmem:v0+s17+$0x0], $0xffff  }
0x36d: {  	v25 =	vand.u32 $0x7FFFFFFF, v25;
	v27 =	vand.u32 $0x7FFFFFFF, v27;
	v58 =	vadd.s32 v4, v61;
	v59 =	vld.idx.msk [tilespmem:v45+s17+$0x0], $0xffff  }
0x36e: {  	v24 =	vand.u32 $0x7FFFFFFF, v24;
	v26 =	vand.u32 $0x7FFFFFFF, v26;
	v10 =	vmin.f32 v10, v27;
	v61 =	vld.idx.msk [tilespmem:v48+s2+$0x0], $0xffff  }
0x36f: {  	v28 =	vand.u32 $0x7FFFFFFF, v28;
	v22 =	vmin.f32 v41, v22;
	v62 =	vld.idx.msk [tilespmem:v51+s2+$0x0], $0xffff;
	v63 =	vadd.s32 v5, v63  }
0x370: {  	v27 =	vmin.f32 v32, v28;
	v60 =	vlaneseq.u32;
	v25 =	vmin.f32 v31, v25;
	v48 =	vld.idx.msk [tilespmem:v2+s17+$0x0], $0xffff  }
0x371: {  	v24 =	vmin.f32 v34, v24;
	v55 =	vand.u32 $0x7FFFFFFF, v44;
	v54 =	vld.idx.msk [tilespmem:v13+s16+$0x0], $0xffff;
	v53 =	vadd.s32 v6, v56  }
0x372: {  	v23 =	vmin.f32 v30, v23;
	v22 =	vmin.f32 v22, v55;
	v26 =	vmin.f32 v33, v26;
	v38 =	vld.idx.msk [tilespmem:v58+s2+$0x0], $0xffff  }
0x373: {  	v29 =	vand.u32 $0x7FFFFFFF, v29;
	v34 =	vld.idx.msk [tilespmem:v12+s16+$0x0], $0xffff;
	v36 =	vadd.s32 v7, v57;
	v30 =	vsub.f32 v61, v46  }
0x374: {  	v18 =	vshll.u32 v18, $0x1;
	v57 =	vadd.s32 v8, v59;
	v56 =	vld.idx.msk [tilespmem:v63+s2+$0x0], $0xffff;
	v31 =	vsub.f32 v62, v50  }
0x375: {  	v44 =	vld.idx.msk [tilespmem:v0+s16+$0x0], $0xffff;
	v51 =	vand.u32 $0x7FFFFFFF, v39;
	v33 =	vadd.s32 v9, v48;
	vm12 =	vgt.f32 v30, $0.0e+00  }
0x376: {  	v39 =	vld.idx.msk [tilespmem:v53+s2+$0x0], $0xffff;
	v61 =	vshll.u32 v47, $0x1;
	vm13 =	vgt.f32 v31, $0.0e+00;
	v58 =	vnsel vm12, s29, v20  }
0x377: {  	v59 =	vld.idx.msk [tilespmem:v45+s16+$0x0], $0xffff;
	v35 =	vsub.f32 v38, v35;
	v62 =	vnsel vm13, s29, v20;
	v18 =	vadd.s32 v18, v58  }
0x378: {  	v40 =	vand.u32 $0x7FFFFFFF, v40;
	v26 =	vmin.f32 v26, v29;
	v36 =	vld.idx.msk [tilespmem:v36+s2+$0x0], $0xffff;
	v46 =	vadd.s32 v61, v62  }
0x379: {  	v11 =	vshll.u32 v11, $0x1;
	v41 =	vld.idx.msk [tilespmem:v57+s2+$0x0], $0xffff;
	vm14 =	vgt.f32 v35, $0.0e+00;
	v28 =	vsub.f32 v56, v54  }
0x37a: {  	v13 =	vshll.u32 v13, $0x1;
	v12 =	vshll.u32 v12, $0x1;
	v52 =	vnsel vm14, s29, v20;
	v54 =	vld.idx.msk [tilespmem:v2+s16+$0x0], $0xffff  }
0x37b: {  	v11 =	vadd.s32 v11, v52;
	v55 =	vld.idx.msk [tilespmem:v33+s2+$0x0], $0xffff;
	v33 =	vsub.f32 v39, v34;
	vm15 =	vgt.f32 v28, $0.0e+00  }
0x37c: {  	v0 =	vshll.u32 v0, $0x1;
	v56 =	vand.u32 $0x7FFFFFFF, v42;
	v57 =	vnsel vm15, s29, v20;
	v42 =	vld.idx.msk [tilespmem:v18+s16+$0x0], $0xffff  }
0x37d: {  	v36 =	vsub.f32 v36, v44;
	vm4 =	vgt.f32 v33, $0.0e+00;
	v13 =	vadd.s32 v13, v57;
	v39 =	vld.idx.msk [tilespmem:v46+s16+$0x0], $0xffff  }
0x37e: {  	v45 =	vshll.u32 v45, $0x1;
	v38 =	vsub.f32 v41, v59;
	v58 =	vnsel vm4, s29, v20;
	v59 =	vld.idx.msk [tilespmem:v18+s17+$0x0], $0xffff  }
0x37f: {  	v63 =	vand.u32 $0x7FFFFFFF, v49;
	vm5 =	vgt.f32 v36, $0.0e+00;
	v12 =	vadd.s32 v12, v58;
	v62 =	vld.idx.msk [tilespmem:v46+s17+$0x0], $0xffff  }
0x380: {  	v61 =	vnsel vm5, s29, v20;
	vm6 =	vgt.f32 v38, $0.0e+00;
	v44 =	vld.idx.msk [tilespmem:v11+s16+$0x0], $0xffff;
	v32 =	vsub.f32 v55, v54  }
0x381: {  	v23 =	vmin.f32 v23, v63;
	v0 =	vadd.s32 v0, v61;
	v63 =	vnsel vm6, s29, v20;
	v52 =	vld.idx.msk [tilespmem:v11+s17+$0x0], $0xffff  }
0x382: {  	v53 =	vand.u32 $0x7FFFFFFF, v43;
	v34 =	vadd.s32 v45, v63;
	vm7 =	vgt.f32 v32, $0.0e+00;
	v45 =	vld.idx.msk [tilespmem:v13+s16+$0x0], $0xffff  }
0x383: {  	v25 =	vmin.f32 v25, v53;
	v2 =	vshll.u32 v2, $0x1;
	v20 =	vnsel vm7, s29, v20;
	v53 =	vld.idx.msk [tilespmem:v13+s17+$0x0], $0xffff  }
0x384: {  	v10 =	vmin.f32 v10, v40;
	v37 =	vand.u32 $0x7FFFFFFF, v37;
	v2 =	vadd.s32 v2, v20;
	v20 =	vld.idx.msk [tilespmem:v12+s16+$0x0], $0xffff  }
0x385: {  	v27 =	vmin.f32 v27, v37;
	v21 =	vmin.f32 v21, v51;
	v30 =	vand.u32 $0x7FFFFFFF, v30;
	v54 =	vld.idx.msk [tilespmem:v12+s17+$0x0], $0xffff  }
0x386: {  	v21 =	vmin.f32 v21, v30;
	v24 =	vmin.f32 v24, v56;
	v41 =	vadd.s32 v1, v59;
	v56 =	vld.idx.msk [tilespmem:v0+s17+$0x0], $0xffff  }
0x387: {  	v28 =	vand.u32 $0x7FFFFFFF, v28;
	v33 =	vand.u32 $0x7FFFFFFF, v33;
	v55 =	vadd.s32 v3, v62;
	v49 =	vld.idx.msk [tilespmem:v0+s16+$0x0], $0xffff  }
0x388: {  	v36 =	vand.u32 $0x7FFFFFFF, v36;
	v25 =	vmin.f32 v25, v28;
	v48 =	vadd.s32 v4, v52;
	v58 =	vld.idx.msk [tilespmem:v34+s17+$0x0], $0xffff  }
0x389: {  	v28 =	vadd.s32 $0xFFFFFF01, v19;
	v19 =	vadd.s32 $0xFFFFFF02, v19;
	v24 =	vmin.f32 v24, v33;
	v51 =	vld.idx.msk [tilespmem:v34+s16+$0x0], $0xffff  }
0x38a: {  	v26 =	vmin.f32 v26, v36;
	v50 =	vand.u32 $0x7FFFFFFF, v38;
	v62 =	vadd.s32 v5, v53;
	v63 =	vld.idx.msk [tilespmem:v2+s17+$0x0], $0xffff  }
0x38b: {  	v57 =	vand.u32 $0x7FFFFFFF, v31;
	v10 =	vmin.f32 v10, v50;
	v61 =	vld.idx.msk [tilespmem:v41+s2+$0x0], $0xffff;
	v29 =	vadd.s32 v6, v54  }
0x38c: {  	v18 =	vshll.u32 v18, $0x1;
	v22 =	vmin.f32 v22, v57;
	v40 =	vld.idx.msk [tilespmem:v55+s2+$0x0], $0xffff;
	v43 =	vadd.s32 v7, v56  }
0x38d: {  	v57 =	vshll.u32 v46, $0x1;
	v32 =	vand.u32 $0x7FFFFFFF, v32;
	v48 =	vld.idx.msk [tilespmem:v48+s2+$0x0], $0xffff;
	v31 =	vadd.s32 v8, v58  }
0x38e: {  	v11 =	vshll.u32 v11, $0x1;
	v27 =	vmin.f32 v27, v32;
	v59 =	vand.u32 $0x7FFFFFFF, v35;
	v56 =	vld.idx.msk [tilespmem:v2+s16+$0x0], $0xffff  }
0x38f: {  	v13 =	vshll.u32 v13, $0x1;
	v12 =	vshll.u32 v12, $0x1;
	v37 =	vld.idx.msk [tilespmem:v62+s2+$0x0], $0xffff;
	v30 =	vadd.s32 v9, v63  }
0x390: {  	s31 =	sadd.s32 $0x80, s30;
	v0 =	vshll.u32 v0, $0x1;
	v23 =	vmin.f32 v23, v59;
	v35 =	vsub.f32 v61, v42;
	v29 =	vld.idx.msk [tilespmem:v29+s2+$0x0], $0xffff  }
0x391: {  	v41 =	vor.u32 s31, v60;
	v2 =	vshll.u32 v2, $0x1;
	v52 =	vsub.f32 v40, v39;
	v53 =	vld.idx.msk [tilespmem:v43+s2+$0x0], $0xffff  }
0x392: {  	v42 =	vshll.u32 v34, $0x1;
	v55 =	vsub.f32 v48, v44;
	v31 =	vld.idx.msk [tilespmem:v31+s2+$0x0], $0xffff;
	vm8 =	vgt.f32 v35, $0.0e+00  }
0x393: {  	vm9 =	vgt.f32 v52, $0.0e+00;
	v46 =	vand.u32 $0x7FFFFFFF, v35;
	v32 =	vand.u32 $0x7FFFFFFF, v52  }
0x394: {  	v54 =	vsel vm8, v19, v28;
	v58 =	vsel vm9, v19, v28;
	vm10 =	vgt.f32 v55, $0.0e+00;
	v30 =	vld.idx.msk [tilespmem:v30+s2+$0x0], $0xffff  }
0x395: {  	v18 =	vadd.s32 v18, v54;
	v39 =	vadd.s32 v57, v58;
	v37 =	vsub.f32 v37, v45  }
0x396: {  	v52 =	vld [tilespmem:$0x1FFB0];
	v59 =	vsel vm10, v19, v28;
	v20 =	vsub.f32 v29, v20;
	v33 =	vsub.f32 v53, v49  }
0x397: {  	v58 =	vld [tilespmem:$0x1FFE0];
	v11 =	vadd.s32 v11, v59;
	v31 =	vsub.f32 v31, v51;
	vm11 =	vgt.f32 v37, $0.0e+00  }
0x398: {  	v45 =	vld [tilespmem:$0x1FFF0];
	vm12 =	vgt.f32 v20, $0.0e+00;
	vm13 =	vgt.f32 v33, $0.0e+00;
	v61 =	vsel vm11, v19, v28  }
0x399: {  	v59 =	vld [tilespmem:$0x1FFD0];
	v62 =	vsel vm12, v19, v28;
	v13 =	vadd.s32 v13, v61;
	v30 =	vsub.f32 v30, v56  }
0x39a: {  	v63 =	vsel vm13, v19, v28;
	vm14 =	vgt.f32 v31, $0.0e+00;
	v12 =	vadd.s32 v12, v62;
	v18 =	vld.idx.msk [tilespmem:v18+s18+$0x0], $0xffff  }
0x39b: {  	v0 =	vadd.s32 v0, v63;
	v43 =	vsel vm14, v19, v28;
	v44 =	vld.idx.msk [tilespmem:v39+s18+$0x0], $0xffff;
	vm15 =	vgt.f32 v30, $0.0e+00  }
0x39c: {  	v47 =	vmin.f32 v22, v32;
	v29 =	vadd.s32 v42, v43;
	v11 =	vld.idx.msk [tilespmem:v11+s18+$0x0], $0xffff;
	v19 =	vsel vm15, v19, v28  }
0x39d: {  	v49 =	vand.u32 $0x7FFFFFFF, v55;
	v48 =	vand.u32 v45, v41;
	v56 =	vld [tilespmem:$0x1FFC0];
	v2 =	vadd.s32 v2, v19  }
0x39e: {  	v54 =	vor.u32 s31, v16;
	v51 =	vor.u32 s31, v15;
	v23 =	vmin.f32 v23, v49;
	v13 =	vld.idx.msk [tilespmem:v13+s18+$0x0], $0xffff  }
0x39f: {  	v50 =	vand.u32 $0x7FFFFFFF, v37;
	v53 =	vor.u32 s31, v52;
	v19 =	vmin.f32 v21, v46;
	v12 =	vld.idx.msk [tilespmem:v12+s18+$0x0], $0xffff  }
0x3a0: {  	v20 =	vand.u32 $0x7FFFFFFF, v20;
	v0 =	vld.idx.msk [tilespmem:v0+s18+$0x0], $0xffff;
	v18 =	vmul.f32 v18, v19;
	v19 =	vor.u32 s31, v17  }
0x3a1: {  	v25 =	vmin.f32 v25, v50;
	v20 =	vmin.f32 v24, v20;
	v21 =	vmul.f32 v44, v47;
	v29 =	vld.idx.msk [tilespmem:v29+s18+$0x0], $0xffff  }
0x3a2: {  	v55 =	vand.u32 $0x7FFFFFFF, v33;
	v11 =	vmul.f32 v11, v23;
	v2 =	vld.idx.msk [tilespmem:v2+s18+$0x0], $0xffff;
	[tilespmem:v48+s20+$0x0] =	vst.idx.msk $0xffff, v18;
	v18 =	vor.u32 s31, v56  }
0x3a3: {  	v57 =	vmin.f32 v26, v55;
	v61 =	vor.u32 s31, v59;
	v13 =	vmul.f32 v13, v25;
	[tilespmem:v51+s20+$0x0] =	vst.idx.msk $0xffff, v21  }
0x3a4: {  	p0 =	sne.s32 s28, $0xE00;
	v62 =	vand.u32 $0x7FFFFFFF, v31;
	[tilespmem:v53+s20+$0x0] =	vst.idx.msk $0xffff, v11;
	v11 =	vmul.f32 v12, v20;
	v12 =	vor.u32 s31, v58  }
.Ltmp1:
0x3a5: {  	v10 =	vmin.f32 v10, v62;
	v63 =	vand.u32 $0x7FFFFFFF, v30;
	v0 =	vmul.f32 v0, v57;
	[tilespmem:v19+s20+$0x0] =	vst.idx.msk $0xffff, v13;
	(pc) =	sbr.rel @p0 .LBB2_5-.Ltmp1, $4  }
0x3a6: {  	v10 =	vmul.f32 v29, v10;
	v13 =	vmin.f32 v27, v63;
	[tilespmem:v54+s20+$0x0] =	vst.idx.msk $0xffff, v11  }
0x3a7: {  	[tilespmem:v18+s20+$0x0] =	vst.idx.msk $0xffff, v0;
	v0 =	vmul.f32 v2, v13  }
0x3a8: {  	[tilespmem:v61+s20+$0x0] =	vst.idx.msk $0xffff, v10  }
0x3a9: {  	s28 =	sadd.s32 $0x200, s28;
	s30 =	sadd.s32 $0x100, s30;
	s29 =	sadd.s32 $0xFFFFFE00, s29;
	v2 =	vmov v14;
	[tilespmem:v12+s20+$0x0] =	vst.idx.msk $0xffff, v0  }
0x3aa: {  	s26 =	smin.u32 s26, $0x1C  }
0x3ab: {  	s26 =	sshll.u32 s26, $0x9  }
0x3ac: {  	s25 =	sadd.s32 $0x1, s25;
	s26 =	sadd.s32 $0x600, s26  }
0x3ad: {  	p0 =	sne.s32 s25, $0x10;
	s28 =	sadd.s32 s3, s26  }
0x3ae: {  	[tilespmem:s16], [sflag:$0x2] =	stream.linear.gather [hbm4b:s28+s2], $0x1000, $0x38;
	[tilespmem:$0x1E080] =	vst v63  }
.Ltmp2:
0x3af: {  	_ = 	snop;
	(pc) =	sbr.rel @p0 .LBB2_2-.Ltmp2, $4  }
0x3b0: {  	s31 =	sadd.s32 s4, s26  }
0x3b1: {  	[tilespmem:s17], [sflag:$0x2] =	stream.linear.gather [hbm4b:s31+s2], $0x1000, $0x38;
	[tilespmem:$0x1E080] =	vst v63  }
0x3b2: {  	s24 =	sadd.s32 $0x1000, s24;
	s23 =	sadd.s32 $0x1000, s23;
	s26 =	sadd.s32 s5, s26  }
0x3b3: {  	v38 =	vmov v16;
	v36 =	vmov v15;
	v37 =	vmov v17;
	[tilespmem:s18], [sflag:$0x2] =	stream.linear.gather [hbm4b:s26+s2], $0x1000, $0x38;
	[tilespmem:$0x1E080] =	vst v63  }
0x3b4: {  	_ =	swait.ge [sflag:s19], $0x1000  }
0x3b5: {  	[sflag:s19] =	ssyncset.done $0x0  }
0x3b6: {  	[sflag:s19] =	ssyncadd.s32 $0xFFFFF000  }
0x3b7: {  	_ =	swait.ge [sflag:s19], $0x1000  }
0x3b8: {  	[sflag:s19] =	ssyncset.done $0x0  }
0x3b9: {  	[sflag:s19] =	ssyncadd.s32 $0xFFFFF000  }
0x3ba: {  	_ =	swait.ge [sflag:s19], $0x1000  }
0x3bb: {  	[sflag:s19] =	ssyncset.done $0x0  }
0x3bc: {  	[sflag:s19] =	ssyncadd.s32 $0xFFFFF000  }
0x3bd: {  	_ =	swait.ge [sflag:s21], $0x1000  }
0x3be: {  	[sflag:s21] =	ssyncset.done $0x0  }
0x3bf: {  	[sflag:s21] =	ssyncadd.s32 $0xFFFFF000  }
0x3c0: {  	_ =	swait.ge [sflag:s21], $0x1000  }
0x3c1: {  	[sflag:s21] =	ssyncset.done $0x0  }
0x3c2: {  	[sflag:s21] =	ssyncadd.s32 $0xFFFFF000  }
0x3c3: {  	s22 =	sadd.s32 $0x1, s22;
	_ =	swait.ge [sflag:s21], $0x1000  }
0x3c4: {  	p0 =	sne.s32 s22, s11;
	[sflag:s21] =	ssyncset.done $0x0  }
.Ltmp3:
0x3c5: {  	[sflag:s21] =	ssyncadd.s32 $0xFFFFF000;
	(pc) =	sbr.rel @p0 .LBB2_1-.Ltmp3, $4  }
0x3c6: {  	[hbm4b:s10+s2] =	stream.linear.scatter [tilespmem:s20], [sflag:$0x3], $0x10000, $0x38;
	[tilespmem:$0x1E080] =	vst v63  }
0x3c7: {  	_ =	swait.ge [sflag:s12], $0x10000  }
0x3c8: {  	[sflag:s12] =	ssyncset.done $0x0  }
0x3c9: {  	[sflag:s12] =	ssyncadd.s32 $0xFFFF0000  }
0x3ca: {  	_ =	sfence.sel $0x180000  }
0x3cb: {  	[bflag:$0x0] =	sbarrier.arrive $0xFFFF  }
0x3cc: {  	p0 =	sne.s32 s1, $0x0;
	_ =	strace $0x90000047  }
0x3cd: {  	s0 =	sadd.s32 @!p0 $0x100000, s0;
	[bflag:$0x2] =	sbarrier.arrive $0xFFFF  }
0x3ce: {  	[sflag:s0] =	ssyncadd.tile.s32 @!p0 $0x1;
	_ =	shalt  }
.Lfunc_end2:
_tile_overlayer_lowered:
.L_overlay_start_2:
0x3cf: {  	(tag) =	ssettag $0x2  }
0x3d0: {  	s0 =	rddreg [dreg:$0x0];
	s2 =	stileid.u32  }
0x3d1: {  	s1 =	rddreg [dreg:$0x1];
	p0 =	sne.s32 s2, $0x0  }
0x3d2: {  	s3 =	rddreg [dreg:$0x2];
	[bflag:$0x3] =	sbarrier.arrive $0xFFFF;
	s2 =	simm.s32 @!p0 $0x1C03  }
0x3d3: {  	[timem:s3], [sflag:s2] =	dma.local @!p0 [hbm:s0], s1  }
0x3d4: {  	s0 =	simm.s32 @!p0 $0x3  }
0x3d5: {  	_ =	swait.ge @!p0 [sflag:s0], s1  }
0x3d6: {  	s1 =	ssub.s32 @!p0 $0x0, s1;
	[sflag:s0] =	ssyncset.done @!p0 $0x0  }
0x3d7: {  	[sflag:s0] =	ssyncadd.s32 @!p0 s1  }
0x3d8: {  	[bflag:$0x3] =	sbarrier.arrive $0xFFFF  }
0x3d9: {  	_ =	shalt  }

</sc_bundles>
